<compile_context>
chip_gen: v7x
topology: tpu7x:2x2x1
jax: 0.10.2.dev20260603
libtpu: 0.0.44.dev20260713+nightly
codegen_flags: <defaults>
</compile_context>

<pallas_src>
import functools

import jax
import jax.numpy as jnp
from jax import lax
from jax.experimental import pallas as pl
from jax.experimental.pallas import tpu as pltpu
from jax.experimental.pallas import tpu_sc as plsc

N = 10000
E = 320000
D = 128
H = 64
G = 64
OUT = 2

C = 125
NW = 32
CHW = E // (NW * C)
NP = 10240
RPS = NP // 16
DEGW = 16
NSLOT = 8

_mesh = plsc.VectorSubcoreMesh(core_axis_name="c", subcore_axis_name="s")
_sc_params = pltpu.CompilerParams(use_tc_tiling_on_sc=False)



@functools.partial(
    pl.kernel,
    out_type=jax.ShapeDtypeStruct((2, NP, DEGW), jnp.float32),
    mesh=_mesh,
    scratch_types=[
        pltpu.VMEM((CHW, C), jnp.int32),
        pltpu.VMEM((C, DEGW), jnp.float32),
        pltpu.VMEM_SHARED((NP, DEGW), jnp.float32),
        [pltpu.SemaphoreType.DMA] * 4,
    ],
    compiler_params=_sc_params,
)
def _sc_degree(dst_hbm, ones_hbm, zeros_hbm, out_hbm, dst_v, ones_v, acc, sems):
    cid = lax.axis_index("c")
    sid = lax.axis_index("s")
    wid = sid * 2 + cid
    pltpu.sync_copy(zeros_hbm.at[pl.ds(sid * RPS, RPS)],
                    acc.at[pl.ds(sid * RPS, RPS)])
    pltpu.sync_copy(dst_hbm.at[wid], dst_v)
    pltpu.sync_copy(ones_hbm, ones_v)
    plsc.subcore_barrier()

    def _scat(j, b):
        pltpu.async_copy(ones_v, acc.at[dst_v.at[j]], sems[b], add=True)

    def _drain(j, b):
        pltpu.make_async_copy(ones_v, acc.at[dst_v.at[j]], sems[b]).wait()

    for b in range(4):
        _scat(b, b)

    def body(g, carry):
        for b in range(4):
            j = 4 + g * 4 + b
            _drain(j, b)
            _scat(j, b)
        return carry

    lax.fori_loop(0, (CHW - 4) // 4, body, 0)
    for b in range(4):
        _drain(0, b)
    plsc.subcore_barrier()
    pltpu.sync_copy(acc.at[pl.ds(sid * RPS, RPS)],
                    out_hbm.at[cid, pl.ds(sid * RPS, RPS)])


def _make_sc_scatter(dtype):
  @functools.partial(
      pl.kernel,
      out_type=jax.ShapeDtypeStruct((4, NP, H), dtype),
      mesh=_mesh,
      scratch_types=[
          pltpu.VMEM((CHW, C), jnp.int32),
          pltpu.VMEM((CHW, C), jnp.int32),
          pltpu.VMEM((NSLOT, C, H), dtype),
          pltpu.VMEM_SHARED((NP, H), dtype),
          pltpu.VMEM_SHARED((NP, H), dtype),
          [pltpu.SemaphoreType.DMA] * NSLOT,
          [pltpu.SemaphoreType.DMA] * NSLOT,
      ],
      compiler_params=_sc_params,
  )
  def _sc_scatter(h_hbm, src_hbm, dst_hbm, zeros_hbm, out_hbm,
                  src_v, dst_v, rows_v, acc_e, acc_o, gsems, ssems):
    cid = lax.axis_index("c")
    sid = lax.axis_index("s")
    wid = sid * 2 + cid
    pltpu.sync_copy(zeros_hbm.at[pl.ds(sid * RPS, RPS)],
                    acc_e.at[pl.ds(sid * RPS, RPS)])
    pltpu.sync_copy(zeros_hbm.at[pl.ds(sid * RPS, RPS)],
                    acc_o.at[pl.ds(sid * RPS, RPS)])
    pltpu.sync_copy(src_hbm.at[wid], src_v)
    pltpu.sync_copy(dst_hbm.at[wid], dst_v)
    plsc.subcore_barrier()

    def _acc(j):
        return acc_e if j % 2 == 0 else acc_o

    def _gather(j, b):
        pltpu.async_copy(h_hbm.at[src_v.at[j]], rows_v.at[b], gsems[b])

    def _gwait(j, b):
        pltpu.make_async_copy(h_hbm.at[src_v.at[j]], rows_v.at[b],
                              gsems[b]).wait()

    def _scat(j, b, par):
        pltpu.async_copy(rows_v.at[b], _acc(par).at[dst_v.at[j]], ssems[b],
                         add=True)

    def _swait(j, b, par):
        pltpu.make_async_copy(rows_v.at[b], _acc(par).at[dst_v.at[j]],
                              ssems[b]).wait()

    for b in range(4):
        _gather(b, b)
    for j in range(4):
        _gwait(j, j)
        _scat(j, j, j)
        _gather(j + 4, j + 4)

    def body(g, carry):
        for boff in range(8):
            j = 4 + g * 8 + boff
            b = (4 + boff) % NSLOT
            b4 = boff % NSLOT
            _gwait(j, b)
            _scat(j, b, boff)
            _swait(j - 4, b4, boff)
            _gather(j + 4, b4)
        return carry

    lax.fori_loop(0, (CHW - 8) // 8, body, 0)
    for j in range(CHW - 4, CHW):
        b = j % NSLOT
        _gwait(j, b)
        _scat(j, b, j)
    for b in range(NSLOT):
        _swait(0, b, b)
    plsc.subcore_barrier()
    pltpu.sync_copy(acc_e.at[pl.ds(sid * RPS, RPS)],
                    out_hbm.at[cid * 2, pl.ds(sid * RPS, RPS)])
    pltpu.sync_copy(acc_o.at[pl.ds(sid * RPS, RPS)],
                    out_hbm.at[cid * 2 + 1, pl.ds(sid * RPS, RPS)])

  return _sc_scatter


_sc_scatter_bf16 = _make_sc_scatter(jnp.bfloat16)


@functools.partial(
    pl.kernel,
    out_type=jax.ShapeDtypeStruct((2, NP, H), jnp.float32),
    mesh=_mesh,
    scratch_types=[
        pltpu.VMEM((CHW, C), jnp.int32),
        pltpu.VMEM((CHW, C), jnp.int32),
        pltpu.VMEM((NSLOT, C, H), jnp.float32),
        pltpu.VMEM_SHARED((NP, H), jnp.float32),
        [pltpu.SemaphoreType.DMA] * NSLOT,
        [pltpu.SemaphoreType.DMA] * NSLOT,
    ],
    compiler_params=_sc_params,
)
def _sc_scatter_f32(h_hbm, src_hbm, dst_hbm, zeros_hbm, out_hbm,
                    src_v, dst_v, rows_v, acc, gsems, ssems):
    cid = lax.axis_index("c")
    sid = lax.axis_index("s")
    wid = sid * 2 + cid
    pltpu.sync_copy(zeros_hbm.at[pl.ds(sid * RPS, RPS)],
                    acc.at[pl.ds(sid * RPS, RPS)])
    pltpu.sync_copy(src_hbm.at[wid], src_v)
    pltpu.sync_copy(dst_hbm.at[wid], dst_v)
    plsc.subcore_barrier()

    def _gather(j, b):
        pltpu.async_copy(h_hbm.at[src_v.at[j]], rows_v.at[b], gsems[b])

    def _gwait(j, b):
        pltpu.make_async_copy(h_hbm.at[src_v.at[j]], rows_v.at[b],
                              gsems[b]).wait()

    def _scat(j, b):
        pltpu.async_copy(rows_v.at[b], acc.at[dst_v.at[j]], ssems[b],
                         add=True)

    def _swait(j, b):
        pltpu.make_async_copy(rows_v.at[b], acc.at[dst_v.at[j]],
                              ssems[b]).wait()

    for b in range(4):
        _gather(b, b)
    for j in range(4):
        _gwait(j, j)
        _scat(j, j)
        _gather(j + 4, j + 4)

    def body(g, carry):
        for boff in range(8):
            j = 4 + g * 8 + boff
            b = (4 + boff) % NSLOT
            b4 = boff % NSLOT
            _gwait(j, b)
            _scat(j, b)
            _swait(j - 4, b4)
            _gather(j + 4, b4)
        return carry

    lax.fori_loop(0, (CHW - 8) // 8, body, 0)
    for j in range(CHW - 4, CHW):
        b = j % NSLOT
        _gwait(j, b)
        _scat(j, b)
    for b in range(NSLOT):
        _swait(0, b)
    plsc.subcore_barrier()
    pltpu.sync_copy(acc.at[pl.ds(sid * RPS, RPS)],
                    out_hbm.at[cid, pl.ds(sid * RPS, RPS)])



RB = 1000
_NB = N // RB


def _tc_a_body(x_ref, w1_ref, degp_ref, h_ref, dinv_ref):
    deg = degp_ref[0] + degp_ref[1] + 1.0
    dinv = lax.rsqrt(deg)
    dinv_ref[...] = dinv
    h = jnp.dot(x_ref[...], w1_ref[...], preferred_element_type=jnp.float32)
    h_ref[...] = (h * dinv[:, :1]).astype(jnp.bfloat16)


def _tc_b_body(raw_ref, h1_ref, dinv_ref, b1_ref, w2_ref, h2_ref):
    dinv = dinv_ref[:, :1]
    raw = ((raw_ref[0].astype(jnp.float32) + raw_ref[1].astype(jnp.float32))
           + (raw_ref[2].astype(jnp.float32) + raw_ref[3].astype(jnp.float32)))
    z1 = jnp.maximum((raw + h1_ref[...].astype(jnp.float32)) * dinv
                     + b1_ref[...], 0.0)
    h2 = jnp.dot(z1, w2_ref[...], preferred_element_type=jnp.float32)
    h2_ref[...] = (h2 * dinv).astype(jnp.bfloat16)


def _tc_c_body(raw_ref, h2_ref, dinv_ref, b2_ref, batch_ref,
               wf1_ref, bf1_ref, wf2_ref, bf2_ref, out_ref, accs_ref):
    i = pl.program_id(0)
    dinv = dinv_ref[:, :1]
    raw = ((raw_ref[0].astype(jnp.float32) + raw_ref[1].astype(jnp.float32))
           + (raw_ref[2].astype(jnp.float32) + raw_ref[3].astype(jnp.float32)))
    z2 = jnp.maximum((raw + h2_ref[...].astype(jnp.float32)) * dinv
                     + b2_ref[...], 0.0)
    gids = lax.broadcasted_iota(jnp.int32, (RB, G), 1)
    oh = (gids == batch_ref[...]).astype(jnp.float32)
    z2a = jnp.concatenate([z2, jnp.ones((RB, 1), jnp.float32)], 1)
    part = lax.dot_general(oh, z2a, (((0,), (0,)), ((), ())),
                           preferred_element_type=jnp.float32)

    @pl.when(i == 0)
    def _():
        accs_ref[...] = jnp.zeros((G, H + 1), jnp.float32)

    accs_ref[...] += part

    @pl.when(i == _NB - 1)
    def _():
        acc = accs_ref[...]
        pooled = acc[:, :H] / jnp.maximum(acc[:, H:H + 1], 1.0)
        hfc = jnp.maximum(
            jnp.dot(pooled, wf1_ref[...], preferred_element_type=jnp.float32)
            + bf1_ref[...], 0.0)
        out_ref[...] = (jnp.dot(hfc, wf2_ref[...],
                                preferred_element_type=jnp.float32)
                        + bf2_ref[...])


_tc_a = pl.pallas_call(
    _tc_a_body,
    grid=(_NB,),
    in_specs=[
        pl.BlockSpec((RB, D), lambda i: (i, 0)),
        pl.BlockSpec((D, H), lambda i: (0, 0)),
        pl.BlockSpec((2, RB, DEGW), lambda i: (0, i, 0)),
    ],
    out_specs=(pl.BlockSpec((RB, H), lambda i: (i, 0)),
               pl.BlockSpec((RB, DEGW), lambda i: (i, 0))),
    out_shape=(jax.ShapeDtypeStruct((N, H), jnp.bfloat16),
               jax.ShapeDtypeStruct((N, DEGW), jnp.float32)),
)

_tc_b = pl.pallas_call(
    _tc_b_body,
    grid=(_NB,),
    in_specs=[
        pl.BlockSpec((4, RB, H), lambda i: (0, i, 0)),
        pl.BlockSpec((RB, H), lambda i: (i, 0)),
        pl.BlockSpec((RB, DEGW), lambda i: (i, 0)),
        pl.BlockSpec((1, H), lambda i: (0, 0)),
        pl.BlockSpec((H, H), lambda i: (0, 0)),
    ],
    out_specs=pl.BlockSpec((RB, H), lambda i: (i, 0)),
    out_shape=jax.ShapeDtypeStruct((N, H), jnp.bfloat16),
)

_tc_c = pl.pallas_call(
    _tc_c_body,
    grid=(_NB,),
    in_specs=[
        pl.BlockSpec((4, RB, H), lambda i: (0, i, 0)),
        pl.BlockSpec((RB, H), lambda i: (i, 0)),
        pl.BlockSpec((RB, DEGW), lambda i: (i, 0)),
        pl.BlockSpec((1, H), lambda i: (0, 0)),
        pl.BlockSpec((RB, 1), lambda i: (i, 0)),
        pl.BlockSpec((H, H // 2), lambda i: (0, 0)),
        pl.BlockSpec((1, H // 2), lambda i: (0, 0)),
        pl.BlockSpec((H // 2, OUT), lambda i: (0, 0)),
        pl.BlockSpec((1, OUT), lambda i: (0, 0)),
    ],
    out_specs=pl.BlockSpec((G, OUT), lambda i: (0, 0)),
    out_shape=jax.ShapeDtypeStruct((G, OUT), jnp.float32),
    scratch_shapes=[pltpu.VMEM((G, H + 1), jnp.float32)],
)



def kernel(x, edge_index, batch, W1, b1, W2, b2, Wf1, bf1, Wf2, bf2):
    src = edge_index[0].reshape(NW, CHW, C)
    dst = edge_index[1].reshape(NW, CHW, C)
    zeros_b = jnp.zeros((NP, H), jnp.bfloat16)
    zeros_f = jnp.zeros((NP, H), jnp.float32)
    zeros_d = jnp.zeros((NP, DEGW), jnp.float32)
    ones_d = jnp.ones((C, DEGW), jnp.float32)

    degp = _sc_degree(dst, ones_d, zeros_d)
    h1s, dinv = _tc_a(x, W1, degp)
    raw1 = _sc_scatter_bf16(h1s, src, dst, zeros_b)
    h2s = _tc_b(raw1, h1s, dinv, b1.reshape(1, H), W2)
    raw2 = _sc_scatter_bf16(h2s, src, dst, zeros_b)
    out = _tc_c(raw2, h2s, dinv, b2.reshape(1, H), batch.reshape(N, 1),
                Wf1, bf1.reshape(1, H // 2), Wf2, bf2.reshape(1, OUT))
    return out

# --- scband reference (transcript-rebuilt; emitter-appended) ---
"""Pipeline reference for scband-simple-gnn-43190191128704 (READ-ONLY COPY).

The authoritative reference and input builder live on the scoring server;
editing this copy changes nothing except your own understanding.
"""

import jax, jax.numpy as jnp
import numpy as np

N = 10000
E = 320000
D = 128
H = 64
G = 64
OUT = 2


def gcn_conv(x, edge_index, W, b, num_nodes):
    # GCNConv with self-loops and symmetric normalization (PyG semantics)
    src = edge_index[0]
    dst = edge_index[1]
    loop = jnp.arange(num_nodes, dtype=src.dtype)
    src = jnp.concatenate([src, loop])
    dst = jnp.concatenate([dst, loop])
    deg = jnp.zeros((num_nodes,), dtype=x.dtype).at[dst].add(1.0)
    dinv = jnp.where(deg > 0, deg ** -0.5, 0.0)
    norm = dinv[src] * dinv[dst]
    h = x @ W
    msg = h[src] * norm[:, None]
    out = jnp.zeros((num_nodes, W.shape[1]), dtype=x.dtype).at[dst].add(msg)
    return out + b


def setup_inputs(seed: int = 0) -> dict:
    key = jax.random.key(seed)
    ks = jax.random.split(key, 12)
    x = jax.random.normal(ks[0], (N, D), dtype=jnp.float32)
    edge_index = jax.random.randint(ks[1], (2, E), 0, N, dtype=jnp.int32)
    batch = jnp.sort(jax.random.randint(ks[2], (N,), 0, G, dtype=jnp.int32))
    W1 = jax.random.normal(ks[3], (D, H), dtype=jnp.float32) * (1.0 / np.sqrt(D))
    b1 = jnp.zeros((H,), dtype=jnp.float32)
    W2 = jax.random.normal(ks[4], (H, H), dtype=jnp.float32) * (1.0 / np.sqrt(H))
    b2 = jnp.zeros((H,), dtype=jnp.float32)
    Wf1 = jax.random.normal(ks[5], (H, H // 2), dtype=jnp.float32) * (1.0 / np.sqrt(H))
    bf1 = jnp.zeros((H // 2,), dtype=jnp.float32)
    Wf2 = jax.random.normal(ks[6], (H // 2, OUT), dtype=jnp.float32) * (1.0 / np.sqrt(H // 2))
    bf2 = jnp.zeros((OUT,), dtype=jnp.float32)
    return {"x": x, "edge_index": edge_index, "batch": batch,
            "W1": W1, "b1": b1, "W2": W2, "b2": b2,
            "Wf1": Wf1, "bf1": bf1, "Wf2": Wf2, "bf2": bf2}


def reference(x, edge_index, batch, W1, b1, W2, b2, Wf1, bf1, Wf2, bf2):
    num_nodes = x.shape[0]
    h = jax.nn.relu(gcn_conv(x, edge_index, W1, b1, num_nodes))
    h = jax.nn.relu(gcn_conv(h, edge_index, W2, b2, num_nodes))
    # global_mean_pool over batch vector
    sums = jax.ops.segment_sum(h, batch, num_segments=G)
    cnts = jax.ops.segment_sum(jnp.ones((num_nodes,), dtype=h.dtype), batch, num_segments=G)
    pooled = sums / jnp.clip(cnts, 1.0)[:, None]
    # dropout is identity in eval mode
    h2 = jax.nn.relu(pooled @ Wf1 + bf1)
    out = h2 @ Wf2 + bf2
    return out

if __name__ == "__main__":
    import jax
    _d = setup_inputs()
    print(jax.jit(kernel)(*tuple(_d.values())))

</pallas_src>

<mosaic_0001>
#map = affine_map<(d0, d1) -> (0, 0, 0)>
#map1 = affine_map<(d0, d1) -> (0, 0)>
module attributes {stable_mosaic.version = 14 : i64} {
  func.func @_sc_degree(%arg0: i32, %arg1: i32, %arg2: memref<32x80x125xi32, #tpu.memory_space<hbm>>, %arg3: memref<125x16xf32, #tpu.memory_space<hbm>>, %arg4: memref<10240x16xf32, #tpu.memory_space<hbm>>, %arg5: memref<2x10240x16xf32, #tpu.memory_space<hbm>>, %arg6: memref<80x125xi32, #tpu.memory_space<vmem>>, %arg7: memref<125x16xf32, #tpu.memory_space<vmem>>, %arg8: memref<10240x16xf32, #tpu.memory_space<vmem_shared>>, %arg9: memref<!tpu.dma_semaphore, #tpu.memory_space<semaphore_mem>>, %arg10: memref<!tpu.dma_semaphore, #tpu.memory_space<semaphore_mem>>, %arg11: memref<!tpu.dma_semaphore, #tpu.memory_space<semaphore_mem>>, %arg12: memref<!tpu.dma_semaphore, #tpu.memory_space<semaphore_mem>>) attributes {dimension_semantics = [#tpu.dimension_semantics<core_parallel>, #tpu.dimension_semantics<subcore_parallel>], iteration_bounds = array<i64: 2, 16>, scalar_prefetch = 0 : i64, scratch_operands = 7 : i64, tpu.core_type = #tpu.core_type<sc_vector_subcore>, window_params = [{transform_indices = #map}, {transform_indices = #map1}, {transform_indices = #map1}, {transform_indices = #map}]} {
    %mul3A = arith.constant 2 : i32
    %mul3A_0 = arith.muli %arg1, %mul3A : i32
    %add3A = arith.addi %mul3A_0, %arg0 : i32
    %mul3A_1 = arith.constant 640 : i32
    %mul3A_2 = arith.muli %arg1, %mul3A_1 : i32
    %mul3A_3 = arith.constant 640 : i32
    %mul3A_4 = arith.muli %arg1, %mul3A_3 : i32
    "tpu.region"() ({
      %run_scoped3A = tpu.sem_alloc : memref<!tpu.dma_semaphore, #tpu.memory_space<semaphore_mem>>
      %dma_start3A_69 = arith.constant 0 : i32
      %dma_start3A_70 = tpu.memref_slice %arg8[%mul3A_4, %dma_start3A_69] : memref<10240x16xf32, #tpu.memory_space<vmem_shared>> -> memref<640x16xf32, #tpu.memory_space<vmem_shared>>
      %dma_start3A_71 = arith.constant 0 : i32
      %dma_start3A_72 = tpu.memref_slice %arg4[%mul3A_2, %dma_start3A_71] : memref<10240x16xf32, #tpu.memory_space<hbm>> -> memref<640x16xf32, #tpu.memory_space<hbm>>
      tpu.enqueue_dma source(%dma_start3A_72 : memref<640x16xf32, #tpu.memory_space<hbm>>) target(%dma_start3A_70 : memref<640x16xf32, #tpu.memory_space<vmem_shared>>) target_semaphore(%run_scoped3A : memref<!tpu.dma_semaphore, #tpu.memory_space<semaphore_mem>>)
      %dma_wait3A_73 = arith.constant 0 : i32
      %dma_wait3A_74 = tpu.memref_slice %arg8[%mul3A_4, %dma_wait3A_73] : memref<10240x16xf32, #tpu.memory_space<vmem_shared>> -> memref<640x16xf32, #tpu.memory_space<vmem_shared>>
      %dma_wait3A_75 = arith.constant 0 : i32
      %dma_wait3A_76 = tpu.memref_slice %arg4[%mul3A_2, %dma_wait3A_75] : memref<10240x16xf32, #tpu.memory_space<hbm>> -> memref<640x16xf32, #tpu.memory_space<hbm>>
      tpu.wait_dma2 semaphore(%run_scoped3A : memref<!tpu.dma_semaphore, #tpu.memory_space<semaphore_mem>>) src(%dma_wait3A_76 : memref<640x16xf32, #tpu.memory_space<hbm>>) dst(%dma_wait3A_74 : memref<640x16xf32, #tpu.memory_space<vmem_shared>>)
      tpu.yield
    }) : () -> ()
    "tpu.region"() ({
      %run_scoped3A = tpu.sem_alloc : memref<!tpu.dma_semaphore, #tpu.memory_space<semaphore_mem>>
      %dma_start3A_69 = arith.constant 0 : i32
      %dma_start3A_70 = arith.constant 0 : i32
      %dma_start3A_71 = tpu.memref_slice %arg2[%add3A, %dma_start3A_69, %dma_start3A_70] : memref<32x80x125xi32, #tpu.memory_space<hbm>> -> memref<1x80x125xi32, #tpu.memory_space<hbm>>
      %dma_start3A_72 = tpu.memref_squeeze %dma_start3A_71 : memref<1x80x125xi32, #tpu.memory_space<hbm>> -> memref<80x125xi32, #tpu.memory_space<hbm>>
      %dma_start3A_73 = arith.constant 0 : i32
      %dma_start3A_74 = arith.constant 0 : i32
      %dma_start3A_75 = tpu.memref_slice %arg2[%add3A, %dma_start3A_73, %dma_start3A_74] : memref<32x80x125xi32, #tpu.memory_space<hbm>> -> memref<1x80x125xi32, #tpu.memory_space<hbm>>
      %dma_start3A_76 = tpu.memref_squeeze %dma_start3A_75 : memref<1x80x125xi32, #tpu.memory_space<hbm>> -> memref<80x125xi32, #tpu.memory_space<hbm>>
      tpu.enqueue_dma source(%dma_start3A_76 : memref<80x125xi32, #tpu.memory_space<hbm>>) target(%arg6 : memref<80x125xi32, #tpu.memory_space<vmem>>) target_semaphore(%run_scoped3A : memref<!tpu.dma_semaphore, #tpu.memory_space<semaphore_mem>>)
      %dma_wait3A_77 = arith.constant 0 : i32
      %dma_wait3A_78 = arith.constant 0 : i32
      %dma_wait3A_79 = tpu.memref_slice %arg2[%add3A, %dma_wait3A_77, %dma_wait3A_78] : memref<32x80x125xi32, #tpu.memory_space<hbm>> -> memref<1x80x125xi32, #tpu.memory_space<hbm>>
      %dma_wait3A_80 = tpu.memref_squeeze %dma_wait3A_79 : memref<1x80x125xi32, #tpu.memory_space<hbm>> -> memref<80x125xi32, #tpu.memory_space<hbm>>
      %dma_wait3A_81 = arith.constant 0 : i32
      %dma_wait3A_82 = arith.constant 0 : i32
      %dma_wait3A_83 = tpu.memref_slice %arg2[%add3A, %dma_wait3A_81, %dma_wait3A_82] : memref<32x80x125xi32, #tpu.memory_space<hbm>> -> memref<1x80x125xi32, #tpu.memory_space<hbm>>
      %dma_wait3A_84 = tpu.memref_squeeze %dma_wait3A_83 : memref<1x80x125xi32, #tpu.memory_space<hbm>> -> memref<80x125xi32, #tpu.memory_space<hbm>>
      tpu.wait_dma2 semaphore(%run_scoped3A : memref<!tpu.dma_semaphore, #tpu.memory_space<semaphore_mem>>) src(%dma_wait3A_84 : memref<80x125xi32, #tpu.memory_space<hbm>>) dst(%arg6 : memref<80x125xi32, #tpu.memory_space<vmem>>)
      tpu.yield
    }) : () -> ()
    "tpu.region"() ({
      %run_scoped3A = tpu.sem_alloc : memref<!tpu.dma_semaphore, #tpu.memory_space<semaphore_mem>>
      tpu.enqueue_dma source(%arg3 : memref<125x16xf32, #tpu.memory_space<hbm>>) target(%arg7 : memref<125x16xf32, #tpu.memory_space<vmem>>) target_semaphore(%run_scoped3A : memref<!tpu.dma_semaphore, #tpu.memory_space<semaphore_mem>>)
      tpu.wait_dma2 semaphore(%run_scoped3A : memref<!tpu.dma_semaphore, #tpu.memory_space<semaphore_mem>>) src(%arg3 : memref<125x16xf32, #tpu.memory_space<hbm>>) dst(%arg7 : memref<125x16xf32, #tpu.memory_space<vmem>>)
      tpu.yield
    }) : () -> ()
    %barrier3A = arith.constant 0 : index
    tpu.barrier barrier_id(%barrier3A)
    %dma_start3A = arith.constant 0 : i32
    %dma_start3A_5 = arith.constant 0 : i32
    %dma_start3A_6 = tpu.memref_slice %arg6[%dma_start3A, %dma_start3A_5] : memref<80x125xi32, #tpu.memory_space<vmem>> -> memref<1x125xi32, #tpu.memory_space<vmem>>
    %dma_start3A_7 = tpu.memref_squeeze %dma_start3A_6 : memref<1x125xi32, #tpu.memory_space<vmem>> -> memref<125xi32, #tpu.memory_space<vmem>>
    %dma_start3A_8 = arith.constant 0 : i32
    %dma_start3A_9 = arith.constant 0 : i32
    %dma_start3A_10 = tpu.memref_slice %arg8[%dma_start3A_8, %dma_start3A_9] : memref<10240x16xf32, #tpu.memory_space<vmem_shared>> -> memref<10240x16xf32, #tpu.memory_space<vmem_shared>>
    tpu.enqueue_indirect_dma source(%arg7 : memref<125x16xf32, #tpu.memory_space<vmem>>) target(%dma_start3A_10 : memref<10240x16xf32, #tpu.memory_space<vmem_shared>>) offsets(%dma_start3A_7 : memref<125xi32, #tpu.memory_space<vmem>>) semaphore(%arg9 : memref<!tpu.dma_semaphore, #tpu.memory_space<semaphore_mem>>) {add = true}
    %dma_start3A_11 = arith.constant 1 : i32
    %dma_start3A_12 = arith.constant 0 : i32
    %dma_start3A_13 = tpu.memref_slice %arg6[%dma_start3A_11, %dma_start3A_12] : memref<80x125xi32, #tpu.memory_space<vmem>> -> memref<1x125xi32, #tpu.memory_space<vmem>>
    %dma_start3A_14 = tpu.memref_squeeze %dma_start3A_13 : memref<1x125xi32, #tpu.memory_space<vmem>> -> memref<125xi32, #tpu.memory_space<vmem>>
    %dma_start3A_15 = arith.constant 0 : i32
    %dma_start3A_16 = arith.constant 0 : i32
    %dma_start3A_17 = tpu.memref_slice %arg8[%dma_start3A_15, %dma_start3A_16] : memref<10240x16xf32, #tpu.memory_space<vmem_shared>> -> memref<10240x16xf32, #tpu.memory_space<vmem_shared>>
    tpu.enqueue_indirect_dma source(%arg7 : memref<125x16xf32, #tpu.memory_space<vmem>>) target(%dma_start3A_17 : memref<10240x16xf32, #tpu.memory_space<vmem_shared>>) offsets(%dma_start3A_14 : memref<125xi32, #tpu.memory_space<vmem>>) semaphore(%arg10 : memref<!tpu.dma_semaphore, #tpu.memory_space<semaphore_mem>>) {add = true}
    %dma_start3A_18 = arith.constant 2 : i32
    %dma_start3A_19 = arith.constant 0 : i32
    %dma_start3A_20 = tpu.memref_slice %arg6[%dma_start3A_18, %dma_start3A_19] : memref<80x125xi32, #tpu.memory_space<vmem>> -> memref<1x125xi32, #tpu.memory_space<vmem>>
    %dma_start3A_21 = tpu.memref_squeeze %dma_start3A_20 : memref<1x125xi32, #tpu.memory_space<vmem>> -> memref<125xi32, #tpu.memory_space<vmem>>
    %dma_start3A_22 = arith.constant 0 : i32
    %dma_start3A_23 = arith.constant 0 : i32
    %dma_start3A_24 = tpu.memref_slice %arg8[%dma_start3A_22, %dma_start3A_23] : memref<10240x16xf32, #tpu.memory_space<vmem_shared>> -> memref<10240x16xf32, #tpu.memory_space<vmem_shared>>
    tpu.enqueue_indirect_dma source(%arg7 : memref<125x16xf32, #tpu.memory_space<vmem>>) target(%dma_start3A_24 : memref<10240x16xf32, #tpu.memory_space<vmem_shared>>) offsets(%dma_start3A_21 : memref<125xi32, #tpu.memory_space<vmem>>) semaphore(%arg11 : memref<!tpu.dma_semaphore, #tpu.memory_space<semaphore_mem>>) {add = true}
    %dma_start3A_25 = arith.constant 3 : i32
    %dma_start3A_26 = arith.constant 0 : i32
    %dma_start3A_27 = tpu.memref_slice %arg6[%dma_start3A_25, %dma_start3A_26] : memref<80x125xi32, #tpu.memory_space<vmem>> -> memref<1x125xi32, #tpu.memory_space<vmem>>
    %dma_start3A_28 = tpu.memref_squeeze %dma_start3A_27 : memref<1x125xi32, #tpu.memory_space<vmem>> -> memref<125xi32, #tpu.memory_space<vmem>>
    %dma_start3A_29 = arith.constant 0 : i32
    %dma_start3A_30 = arith.constant 0 : i32
    %dma_start3A_31 = tpu.memref_slice %arg8[%dma_start3A_29, %dma_start3A_30] : memref<10240x16xf32, #tpu.memory_space<vmem_shared>> -> memref<10240x16xf32, #tpu.memory_space<vmem_shared>>
    tpu.enqueue_indirect_dma source(%arg7 : memref<125x16xf32, #tpu.memory_space<vmem>>) target(%dma_start3A_31 : memref<10240x16xf32, #tpu.memory_space<vmem_shared>>) offsets(%dma_start3A_28 : memref<125xi32, #tpu.memory_space<vmem>>) semaphore(%arg12 : memref<!tpu.dma_semaphore, #tpu.memory_space<semaphore_mem>>) {add = true}
    %scan3A = arith.constant 0 : i32
    %scan3A_32 = arith.constant 0 : i32
    %scan3A_33 = arith.constant 19 : i32
    %scan3A_34 = arith.addi %scan3A_32, %scan3A_33 : i32
    %scan3A_35 = arith.constant 1 : i32
    scf.for %scan3A_69 = %scan3A_32 to %scan3A_34 step %scan3A_35  : i32 {
      %mul3A_70 = arith.constant 4 : i32
      %mul3A_71 = arith.muli %scan3A_69, %mul3A_70 : i32
      %add3A_72 = arith.constant 4 : i32
      %add3A_73 = arith.addi %add3A_72, %mul3A_71 : i32
      %add3A_74 = arith.constant 0 : i32
      %add3A_75 = arith.addi %add3A_73, %add3A_74 : i32
      %dma_wait3A_76 = arith.constant 0 : i32
      %dma_wait3A_77 = tpu.memref_slice %arg6[%add3A_75, %dma_wait3A_76] : memref<80x125xi32, #tpu.memory_space<vmem>> -> memref<1x125xi32, #tpu.memory_space<vmem>>
      %dma_wait3A_78 = tpu.memref_squeeze %dma_wait3A_77 : memref<1x125xi32, #tpu.memory_space<vmem>> -> memref<125xi32, #tpu.memory_space<vmem>>
      %dma_wait3A_79 = arith.constant 0 : i32
      %dma_wait3A_80 = arith.constant 0 : i32
      %dma_wait3A_81 = tpu.memref_slice %arg8[%dma_wait3A_79, %dma_wait3A_80] : memref<10240x16xf32, #tpu.memory_space<vmem_shared>> -> memref<10240x16xf32, #tpu.memory_space<vmem_shared>>
      tpu.wait_indirect_dma semaphore(%arg9 : memref<!tpu.dma_semaphore, #tpu.memory_space<semaphore_mem>>) src(%arg7 : memref<125x16xf32, #tpu.memory_space<vmem>>) dst(%dma_wait3A_81 : memref<10240x16xf32, #tpu.memory_space<vmem_shared>>)
      %dma_start3A_82 = arith.constant 0 : i32
      %dma_start3A_83 = tpu.memref_slice %arg6[%add3A_75, %dma_start3A_82] : memref<80x125xi32, #tpu.memory_space<vmem>> -> memref<1x125xi32, #tpu.memory_space<vmem>>
      %dma_start3A_84 = tpu.memref_squeeze %dma_start3A_83 : memref<1x125xi32, #tpu.memory_space<vmem>> -> memref<125xi32, #tpu.memory_space<vmem>>
      %dma_start3A_85 = arith.constant 0 : i32
      %dma_start3A_86 = arith.constant 0 : i32
      %dma_start3A_87 = tpu.memref_slice %arg8[%dma_start3A_85, %dma_start3A_86] : memref<10240x16xf32, #tpu.memory_space<vmem_shared>> -> memref<10240x16xf32, #tpu.memory_space<vmem_shared>>
      tpu.enqueue_indirect_dma source(%arg7 : memref<125x16xf32, #tpu.memory_space<vmem>>) target(%dma_start3A_87 : memref<10240x16xf32, #tpu.memory_space<vmem_shared>>) offsets(%dma_start3A_84 : memref<125xi32, #tpu.memory_space<vmem>>) semaphore(%arg9 : memref<!tpu.dma_semaphore, #tpu.memory_space<semaphore_mem>>) {add = true}
      %mul3A_88 = arith.constant 4 : i32
      %mul3A_89 = arith.muli %scan3A_69, %mul3A_88 : i32
      %add3A_90 = arith.constant 4 : i32
      %add3A_91 = arith.addi %add3A_90, %mul3A_89 : i32
      %add3A_92 = arith.constant 1 : i32
      %add3A_93 = arith.addi %add3A_91, %add3A_92 : i32
      %dma_wait3A_94 = arith.constant 0 : i32
      %dma_wait3A_95 = tpu.memref_slice %arg6[%add3A_93, %dma_wait3A_94] : memref<80x125xi32, #tpu.memory_space<vmem>> -> memref<1x125xi32, #tpu.memory_space<vmem>>
      %dma_wait3A_96 = tpu.memref_squeeze %dma_wait3A_95 : memref<1x125xi32, #tpu.memory_space<vmem>> -> memref<125xi32, #tpu.memory_space<vmem>>
      %dma_wait3A_97 = arith.constant 0 : i32
      %dma_wait3A_98 = arith.constant 0 : i32
      %dma_wait3A_99 = tpu.memref_slice %arg8[%dma_wait3A_97, %dma_wait3A_98] : memref<10240x16xf32, #tpu.memory_space<vmem_shared>> -> memref<10240x16xf32, #tpu.memory_space<vmem_shared>>
      tpu.wait_indirect_dma semaphore(%arg10 : memref<!tpu.dma_semaphore, #tpu.memory_space<semaphore_mem>>) src(%arg7 : memref<125x16xf32, #tpu.memory_space<vmem>>) dst(%dma_wait3A_99 : memref<10240x16xf32, #tpu.memory_space<vmem_shared>>)
      %dma_start3A_100 = arith.constant 0 : i32
      %dma_start3A_101 = tpu.memref_slice %arg6[%add3A_93, %dma_start3A_100] : memref<80x125xi32, #tpu.memory_space<vmem>> -> memref<1x125xi32, #tpu.memory_space<vmem>>
      %dma_start3A_102 = tpu.memref_squeeze %dma_start3A_101 : memref<1x125xi32, #tpu.memory_space<vmem>> -> memref<125xi32, #tpu.memory_space<vmem>>
      %dma_start3A_103 = arith.constant 0 : i32
      %dma_start3A_104 = arith.constant 0 : i32
      %dma_start3A_105 = tpu.memref_slice %arg8[%dma_start3A_103, %dma_start3A_104] : memref<10240x16xf32, #tpu.memory_space<vmem_shared>> -> memref<10240x16xf32, #tpu.memory_space<vmem_shared>>
      tpu.enqueue_indirect_dma source(%arg7 : memref<125x16xf32, #tpu.memory_space<vmem>>) target(%dma_start3A_105 : memref<10240x16xf32, #tpu.memory_space<vmem_shared>>) offsets(%dma_start3A_102 : memref<125xi32, #tpu.memory_space<vmem>>) semaphore(%arg10 : memref<!tpu.dma_semaphore, #tpu.memory_space<semaphore_mem>>) {add = true}
      %mul3A_106 = arith.constant 4 : i32
      %mul3A_107 = arith.muli %scan3A_69, %mul3A_106 : i32
      %add3A_108 = arith.constant 4 : i32
      %add3A_109 = arith.addi %add3A_108, %mul3A_107 : i32
      %add3A_110 = arith.constant 2 : i32
      %add3A_111 = arith.addi %add3A_109, %add3A_110 : i32
      %dma_wait3A_112 = arith.constant 0 : i32
      %dma_wait3A_113 = tpu.memref_slice %arg6[%add3A_111, %dma_wait3A_112] : memref<80x125xi32, #tpu.memory_space<vmem>> -> memref<1x125xi32, #tpu.memory_space<vmem>>
      %dma_wait3A_114 = tpu.memref_squeeze %dma_wait3A_113 : memref<1x125xi32, #tpu.memory_space<vmem>> -> memref<125xi32, #tpu.memory_space<vmem>>
      %dma_wait3A_115 = arith.constant 0 : i32
      %dma_wait3A_116 = arith.constant 0 : i32
      %dma_wait3A_117 = tpu.memref_slice %arg8[%dma_wait3A_115, %dma_wait3A_116] : memref<10240x16xf32, #tpu.memory_space<vmem_shared>> -> memref<10240x16xf32, #tpu.memory_space<vmem_shared>>
      tpu.wait_indirect_dma semaphore(%arg11 : memref<!tpu.dma_semaphore, #tpu.memory_space<semaphore_mem>>) src(%arg7 : memref<125x16xf32, #tpu.memory_space<vmem>>) dst(%dma_wait3A_117 : memref<10240x16xf32, #tpu.memory_space<vmem_shared>>)
      %dma_start3A_118 = arith.constant 0 : i32
      %dma_start3A_119 = tpu.memref_slice %arg6[%add3A_111, %dma_start3A_118] : memref<80x125xi32, #tpu.memory_space<vmem>> -> memref<1x125xi32, #tpu.memory_space<vmem>>
      %dma_start3A_120 = tpu.memref_squeeze %dma_start3A_119 : memref<1x125xi32, #tpu.memory_space<vmem>> -> memref<125xi32, #tpu.memory_space<vmem>>
      %dma_start3A_121 = arith.constant 0 : i32
      %dma_start3A_122 = arith.constant 0 : i32
      %dma_start3A_123 = tpu.memref_slice %arg8[%dma_start3A_121, %dma_start3A_122] : memref<10240x16xf32, #tpu.memory_space<vmem_shared>> -> memref<10240x16xf32, #tpu.memory_space<vmem_shared>>
      tpu.enqueue_indirect_dma source(%arg7 : memref<125x16xf32, #tpu.memory_space<vmem>>) target(%dma_start3A_123 : memref<10240x16xf32, #tpu.memory_space<vmem_shared>>) offsets(%dma_start3A_120 : memref<125xi32, #tpu.memory_space<vmem>>) semaphore(%arg11 : memref<!tpu.dma_semaphore, #tpu.memory_space<semaphore_mem>>) {add = true}
      %mul3A_124 = arith.constant 4 : i32
      %mul3A_125 = arith.muli %scan3A_69, %mul3A_124 : i32
      %add3A_126 = arith.constant 4 : i32
      %add3A_127 = arith.addi %add3A_126, %mul3A_125 : i32
      %add3A_128 = arith.constant 3 : i32
      %add3A_129 = arith.addi %add3A_127, %add3A_128 : i32
      %dma_wait3A_130 = arith.constant 0 : i32
      %dma_wait3A_131 = tpu.memref_slice %arg6[%add3A_129, %dma_wait3A_130] : memref<80x125xi32, #tpu.memory_space<vmem>> -> memref<1x125xi32, #tpu.memory_space<vmem>>
      %dma_wait3A_132 = tpu.memref_squeeze %dma_wait3A_131 : memref<1x125xi32, #tpu.memory_space<vmem>> -> memref<125xi32, #tpu.memory_space<vmem>>
      %dma_wait3A_133 = arith.constant 0 : i32
      %dma_wait3A_134 = arith.constant 0 : i32
      %dma_wait3A_135 = tpu.memref_slice %arg8[%dma_wait3A_133, %dma_wait3A_134] : memref<10240x16xf32, #tpu.memory_space<vmem_shared>> -> memref<10240x16xf32, #tpu.memory_space<vmem_shared>>
      tpu.wait_indirect_dma semaphore(%arg12 : memref<!tpu.dma_semaphore, #tpu.memory_space<semaphore_mem>>) src(%arg7 : memref<125x16xf32, #tpu.memory_space<vmem>>) dst(%dma_wait3A_135 : memref<10240x16xf32, #tpu.memory_space<vmem_shared>>)
      %dma_start3A_136 = arith.constant 0 : i32
      %dma_start3A_137 = tpu.memref_slice %arg6[%add3A_129, %dma_start3A_136] : memref<80x125xi32, #tpu.memory_space<vmem>> -> memref<1x125xi32, #tpu.memory_space<vmem>>
      %dma_start3A_138 = tpu.memref_squeeze %dma_start3A_137 : memref<1x125xi32, #tpu.memory_space<vmem>> -> memref<125xi32, #tpu.memory_space<vmem>>
      %dma_start3A_139 = arith.constant 0 : i32
      %dma_start3A_140 = arith.constant 0 : i32
      %dma_start3A_141 = tpu.memref_slice %arg8[%dma_start3A_139, %dma_start3A_140] : memref<10240x16xf32, #tpu.memory_space<vmem_shared>> -> memref<10240x16xf32, #tpu.memory_space<vmem_shared>>
      tpu.enqueue_indirect_dma source(%arg7 : memref<125x16xf32, #tpu.memory_space<vmem>>) target(%dma_start3A_141 : memref<10240x16xf32, #tpu.memory_space<vmem_shared>>) offsets(%dma_start3A_138 : memref<125xi32, #tpu.memory_space<vmem>>) semaphore(%arg12 : memref<!tpu.dma_semaphore, #tpu.memory_space<semaphore_mem>>) {add = true}
    }
    %scan3A_36 = arith.constant 19 : i32
    %dma_wait3A = arith.constant 0 : i32
    %dma_wait3A_37 = arith.constant 0 : i32
    %dma_wait3A_38 = tpu.memref_slice %arg6[%dma_wait3A, %dma_wait3A_37] : memref<80x125xi32, #tpu.memory_space<vmem>> -> memref<1x125xi32, #tpu.memory_space<vmem>>
    %dma_wait3A_39 = tpu.memref_squeeze %dma_wait3A_38 : memref<1x125xi32, #tpu.memory_space<vmem>> -> memref<125xi32, #tpu.memory_space<vmem>>
    %dma_wait3A_40 = arith.constant 0 : i32
    %dma_wait3A_41 = arith.constant 0 : i32
    %dma_wait3A_42 = tpu.memref_slice %arg8[%dma_wait3A_40, %dma_wait3A_41] : memref<10240x16xf32, #tpu.memory_space<vmem_shared>> -> memref<10240x16xf32, #tpu.memory_space<vmem_shared>>
    tpu.wait_indirect_dma semaphore(%arg9 : memref<!tpu.dma_semaphore, #tpu.memory_space<semaphore_mem>>) src(%arg7 : memref<125x16xf32, #tpu.memory_space<vmem>>) dst(%dma_wait3A_42 : memref<10240x16xf32, #tpu.memory_space<vmem_shared>>)
    %dma_wait3A_43 = arith.constant 0 : i32
    %dma_wait3A_44 = arith.constant 0 : i32
    %dma_wait3A_45 = tpu.memref_slice %arg6[%dma_wait3A_43, %dma_wait3A_44] : memref<80x125xi32, #tpu.memory_space<vmem>> -> memref<1x125xi32, #tpu.memory_space<vmem>>
    %dma_wait3A_46 = tpu.memref_squeeze %dma_wait3A_45 : memref<1x125xi32, #tpu.memory_space<vmem>> -> memref<125xi32, #tpu.memory_space<vmem>>
    %dma_wait3A_47 = arith.constant 0 : i32
    %dma_wait3A_48 = arith.constant 0 : i32
    %dma_wait3A_49 = tpu.memref_slice %arg8[%dma_wait3A_47, %dma_wait3A_48] : memref<10240x16xf32, #tpu.memory_space<vmem_shared>> -> memref<10240x16xf32, #tpu.memory_space<vmem_shared>>
    tpu.wait_indirect_dma semaphore(%arg10 : memref<!tpu.dma_semaphore, #tpu.memory_space<semaphore_mem>>) src(%arg7 : memref<125x16xf32, #tpu.memory_space<vmem>>) dst(%dma_wait3A_49 : memref<10240x16xf32, #tpu.memory_space<vmem_shared>>)
    %dma_wait3A_50 = arith.constant 0 : i32
    %dma_wait3A_51 = arith.constant 0 : i32
    %dma_wait3A_52 = tpu.memref_slice %arg6[%dma_wait3A_50, %dma_wait3A_51] : memref<80x125xi32, #tpu.memory_space<vmem>> -> memref<1x125xi32, #tpu.memory_space<vmem>>
    %dma_wait3A_53 = tpu.memref_squeeze %dma_wait3A_52 : memref<1x125xi32, #tpu.memory_space<vmem>> -> memref<125xi32, #tpu.memory_space<vmem>>
    %dma_wait3A_54 = arith.constant 0 : i32
    %dma_wait3A_55 = arith.constant 0 : i32
    %dma_wait3A_56 = tpu.memref_slice %arg8[%dma_wait3A_54, %dma_wait3A_55] : memref<10240x16xf32, #tpu.memory_space<vmem_shared>> -> memref<10240x16xf32, #tpu.memory_space<vmem_shared>>
    tpu.wait_indirect_dma semaphore(%arg11 : memref<!tpu.dma_semaphore, #tpu.memory_space<semaphore_mem>>) src(%arg7 : memref<125x16xf32, #tpu.memory_space<vmem>>) dst(%dma_wait3A_56 : memref<10240x16xf32, #tpu.memory_space<vmem_shared>>)
    %dma_wait3A_57 = arith.constant 0 : i32
    %dma_wait3A_58 = arith.constant 0 : i32
    %dma_wait3A_59 = tpu.memref_slice %arg6[%dma_wait3A_57, %dma_wait3A_58] : memref<80x125xi32, #tpu.memory_space<vmem>> -> memref<1x125xi32, #tpu.memory_space<vmem>>
    %dma_wait3A_60 = tpu.memref_squeeze %dma_wait3A_59 : memref<1x125xi32, #tpu.memory_space<vmem>> -> memref<125xi32, #tpu.memory_space<vmem>>
    %dma_wait3A_61 = arith.constant 0 : i32
    %dma_wait3A_62 = arith.constant 0 : i32
    %dma_wait3A_63 = tpu.memref_slice %arg8[%dma_wait3A_61, %dma_wait3A_62] : memref<10240x16xf32, #tpu.memory_space<vmem_shared>> -> memref<10240x16xf32, #tpu.memory_space<vmem_shared>>
    tpu.wait_indirect_dma semaphore(%arg12 : memref<!tpu.dma_semaphore, #tpu.memory_space<semaphore_mem>>) src(%arg7 : memref<125x16xf32, #tpu.memory_space<vmem>>) dst(%dma_wait3A_63 : memref<10240x16xf32, #tpu.memory_space<vmem_shared>>)
    %barrier3A_64 = arith.constant 0 : index
    tpu.barrier barrier_id(%barrier3A_64)
    %mul3A_65 = arith.constant 640 : i32
    %mul3A_66 = arith.muli %arg1, %mul3A_65 : i32
    %mul3A_67 = arith.constant 640 : i32
    %mul3A_68 = arith.muli %arg1, %mul3A_67 : i32
    "tpu.region"() ({
      %run_scoped3A = tpu.sem_alloc : memref<!tpu.dma_semaphore, #tpu.memory_space<semaphore_mem>>
      %dma_start3A_69 = arith.constant 0 : i32
      %dma_start3A_70 = tpu.memref_slice %arg5[%arg0, %mul3A_68, %dma_start3A_69] : memref<2x10240x16xf32, #tpu.memory_space<hbm>> -> memref<1x640x16xf32, #tpu.memory_space<hbm>>
      %dma_start3A_71 = tpu.memref_squeeze %dma_start3A_70 : memref<1x640x16xf32, #tpu.memory_space<hbm>> -> memref<640x16xf32, #tpu.memory_space<hbm>>
      %dma_start3A_72 = arith.constant 0 : i32
      %dma_start3A_73 = tpu.memref_slice %arg8[%mul3A_66, %dma_start3A_72] : memref<10240x16xf32, #tpu.memory_space<vmem_shared>> -> memref<640x16xf32, #tpu.memory_space<vmem_shared>>
      tpu.enqueue_dma source(%dma_start3A_73 : memref<640x16xf32, #tpu.memory_space<vmem_shared>>) target(%dma_start3A_71 : memref<640x16xf32, #tpu.memory_space<hbm>>) target_semaphore(%run_scoped3A : memref<!tpu.dma_semaphore, #tpu.memory_space<semaphore_mem>>)
      %dma_wait3A_74 = arith.constant 0 : i32
      %dma_wait3A_75 = tpu.memref_slice %arg5[%arg0, %mul3A_68, %dma_wait3A_74] : memref<2x10240x16xf32, #tpu.memory_space<hbm>> -> memref<1x640x16xf32, #tpu.memory_space<hbm>>
      %dma_wait3A_76 = tpu.memref_squeeze %dma_wait3A_75 : memref<1x640x16xf32, #tpu.memory_space<hbm>> -> memref<640x16xf32, #tpu.memory_space<hbm>>
      %dma_wait3A_77 = arith.constant 0 : i32
      %dma_wait3A_78 = tpu.memref_slice %arg8[%mul3A_66, %dma_wait3A_77] : memref<10240x16xf32, #tpu.memory_space<vmem_shared>> -> memref<640x16xf32, #tpu.memory_space<vmem_shared>>
      tpu.wait_dma2 semaphore(%run_scoped3A : memref<!tpu.dma_semaphore, #tpu.memory_space<semaphore_mem>>) src(%dma_wait3A_78 : memref<640x16xf32, #tpu.memory_space<vmem_shared>>) dst(%dma_wait3A_76 : memref<640x16xf32, #tpu.memory_space<hbm>>)
      tpu.yield
    }) : () -> ()
    return
  }
}

#map = affine_map<(d0, d1) -> (0, 0)>
#map1 = affine_map<(d0, d1) -> (0, 0, 0)>
module attributes {stable_mosaic.version = 14 : i64} {
  func.func @_sc_scatter(%arg0: i32, %arg1: i32, %arg2: memref<10000x64xbf16, #tpu.memory_space<hbm>>, %arg3: memref<32x80x125xi32, #tpu.memory_space<hbm>>, %arg4: memref<32x80x125xi32, #tpu.memory_space<hbm>>, %arg5: memref<10240x64xbf16, #tpu.memory_space<hbm>>, %arg6: memref<4x10240x64xbf16, #tpu.memory_space<hbm>>, %arg7: memref<80x125xi32, #tpu.memory_space<vmem>>, %arg8: memref<80x125xi32, #tpu.memory_space<vmem>>, %arg9: memref<8x125x64xbf16, #tpu.memory_space<vmem>>, %arg10: memref<10240x64xbf16, #tpu.memory_space<vmem_shared>>, %arg11: memref<10240x64xbf16, #tpu.memory_space<vmem_shared>>, %arg12: memref<!tpu.dma_semaphore, #tpu.memory_space<semaphore_mem>>, %arg13: memref<!tpu.dma_semaphore, #tpu.memory_space<semaphore_mem>>, %arg14: memref<!tpu.dma_semaphore, #tpu.memory_space<semaphore_mem>>, %arg15: memref<!tpu.dma_semaphore, #tpu.memory_space<semaphore_mem>>, %arg16: memref<!tpu.dma_semaphore, #tpu.memory_space<semaphore_mem>>, %arg17: memref<!tpu.dma_semaphore, #tpu.memory_space<semaphore_mem>>, %arg18: memref<!tpu.dma_semaphore, #tpu.memory_space<semaphore_mem>>, %arg19: memref<!tpu.dma_semaphore, #tpu.memory_space<semaphore_mem>>, %arg20: memref<!tpu.dma_semaphore, #tpu.memory_space<semaphore_mem>>, %arg21: memref<!tpu.dma_semaphore, #tpu.memory_space<semaphore_mem>>, %arg22: memref<!tpu.dma_semaphore, #tpu.memory_space<semaphore_mem>>, %arg23: memref<!tpu.dma_semaphore, #tpu.memory_space<semaphore_mem>>, %arg24: memref<!tpu.dma_semaphore, #tpu.memory_space<semaphore_mem>>, %arg25: memref<!tpu.dma_semaphore, #tpu.memory_space<semaphore_mem>>, %arg26: memref<!tpu.dma_semaphore, #tpu.memory_space<semaphore_mem>>, %arg27: memref<!tpu.dma_semaphore, #tpu.memory_space<semaphore_mem>>) attributes {dimension_semantics = [#tpu.dimension_semantics<core_parallel>, #tpu.dimension_semantics<subcore_parallel>], iteration_bounds = array<i64: 2, 16>, scalar_prefetch = 0 : i64, scratch_operands = 21 : i64, tpu.core_type = #tpu.core_type<sc_vector_subcore>, window_params = [{transform_indices = #map}, {transform_indices = #map1}, {transform_indices = #map1}, {transform_indices = #map}, {transform_indices = #map1}]} {
    %mul3A = arith.constant 2 : i32
    %mul3A_0 = arith.muli %arg1, %mul3A : i32
    %add3A = arith.addi %mul3A_0, %arg0 : i32
    %mul3A_1 = arith.constant 640 : i32
    %mul3A_2 = arith.muli %arg1, %mul3A_1 : i32
    %mul3A_3 = arith.constant 640 : i32
    %mul3A_4 = arith.muli %arg1, %mul3A_3 : i32
    "tpu.region"() ({
      %run_scoped3A = tpu.sem_alloc : memref<!tpu.dma_semaphore, #tpu.memory_space<semaphore_mem>>
      %dma_start3A_411 = arith.constant 0 : i32
      %dma_start3A_412 = tpu.memref_slice %arg10[%mul3A_4, %dma_start3A_411] : memref<10240x64xbf16, #tpu.memory_space<vmem_shared>> -> memref<640x64xbf16, #tpu.memory_space<vmem_shared>>
      %dma_start3A_413 = arith.constant 0 : i32
      %dma_start3A_414 = tpu.memref_slice %arg5[%mul3A_2, %dma_start3A_413] : memref<10240x64xbf16, #tpu.memory_space<hbm>> -> memref<640x64xbf16, #tpu.memory_space<hbm>>
      tpu.enqueue_dma source(%dma_start3A_414 : memref<640x64xbf16, #tpu.memory_space<hbm>>) target(%dma_start3A_412 : memref<640x64xbf16, #tpu.memory_space<vmem_shared>>) target_semaphore(%run_scoped3A : memref<!tpu.dma_semaphore, #tpu.memory_space<semaphore_mem>>)
      %dma_wait3A_415 = arith.constant 0 : i32
      %dma_wait3A_416 = tpu.memref_slice %arg10[%mul3A_4, %dma_wait3A_415] : memref<10240x64xbf16, #tpu.memory_space<vmem_shared>> -> memref<640x64xbf16, #tpu.memory_space<vmem_shared>>
      %dma_wait3A_417 = arith.constant 0 : i32
      %dma_wait3A_418 = tpu.memref_slice %arg5[%mul3A_2, %dma_wait3A_417] : memref<10240x64xbf16, #tpu.memory_space<hbm>> -> memref<640x64xbf16, #tpu.memory_space<hbm>>
      tpu.wait_dma2 semaphore(%run_scoped3A : memref<!tpu.dma_semaphore, #tpu.memory_space<semaphore_mem>>) src(%dma_wait3A_418 : memref<640x64xbf16, #tpu.memory_space<hbm>>) dst(%dma_wait3A_416 : memref<640x64xbf16, #tpu.memory_space<vmem_shared>>)
      tpu.yield
    }) : () -> ()
    %mul3A_5 = arith.constant 640 : i32
    %mul3A_6 = arith.muli %arg1, %mul3A_5 : i32
    %mul3A_7 = arith.constant 640 : i32
    %mul3A_8 = arith.muli %arg1, %mul3A_7 : i32
    "tpu.region"() ({
      %run_scoped3A = tpu.sem_alloc : memref<!tpu.dma_semaphore, #tpu.memory_space<semaphore_mem>>
      %dma_start3A_411 = arith.constant 0 : i32
      %dma_start3A_412 = tpu.memref_slice %arg11[%mul3A_8, %dma_start3A_411] : memref<10240x64xbf16, #tpu.memory_space<vmem_shared>> -> memref<640x64xbf16, #tpu.memory_space<vmem_shared>>
      %dma_start3A_413 = arith.constant 0 : i32
      %dma_start3A_414 = tpu.memref_slice %arg5[%mul3A_6, %dma_start3A_413] : memref<10240x64xbf16, #tpu.memory_space<hbm>> -> memref<640x64xbf16, #tpu.memory_space<hbm>>
      tpu.enqueue_dma source(%dma_start3A_414 : memref<640x64xbf16, #tpu.memory_space<hbm>>) target(%dma_start3A_412 : memref<640x64xbf16, #tpu.memory_space<vmem_shared>>) target_semaphore(%run_scoped3A : memref<!tpu.dma_semaphore, #tpu.memory_space<semaphore_mem>>)
      %dma_wait3A_415 = arith.constant 0 : i32
      %dma_wait3A_416 = tpu.memref_slice %arg11[%mul3A_8, %dma_wait3A_415] : memref<10240x64xbf16, #tpu.memory_space<vmem_shared>> -> memref<640x64xbf16, #tpu.memory_space<vmem_shared>>
      %dma_wait3A_417 = arith.constant 0 : i32
      %dma_wait3A_418 = tpu.memref_slice %arg5[%mul3A_6, %dma_wait3A_417] : memref<10240x64xbf16, #tpu.memory_space<hbm>> -> memref<640x64xbf16, #tpu.memory_space<hbm>>
      tpu.wait_dma2 semaphore(%run_scoped3A : memref<!tpu.dma_semaphore, #tpu.memory_space<semaphore_mem>>) src(%dma_wait3A_418 : memref<640x64xbf16, #tpu.memory_space<hbm>>) dst(%dma_wait3A_416 : memref<640x64xbf16, #tpu.memory_space<vmem_shared>>)
      tpu.yield
    }) : () -> ()
    "tpu.region"() ({
      %run_scoped3A = tpu.sem_alloc : memref<!tpu.dma_semaphore, #tpu.memory_space<semaphore_mem>>
      %dma_start3A_411 = arith.constant 0 : i32
      %dma_start3A_412 = arith.constant 0 : i32
      %dma_start3A_413 = tpu.memref_slice %arg3[%add3A, %dma_start3A_411, %dma_start3A_412] : memref<32x80x125xi32, #tpu.memory_space<hbm>> -> memref<1x80x125xi32, #tpu.memory_space<hbm>>
      %dma_start3A_414 = tpu.memref_squeeze %dma_start3A_413 : memref<1x80x125xi32, #tpu.memory_space<hbm>> -> memref<80x125xi32, #tpu.memory_space<hbm>>
      %dma_start3A_415 = arith.constant 0 : i32
      %dma_start3A_416 = arith.constant 0 : i32
      %dma_start3A_417 = tpu.memref_slice %arg3[%add3A, %dma_start3A_415, %dma_start3A_416] : memref<32x80x125xi32, #tpu.memory_space<hbm>> -> memref<1x80x125xi32, #tpu.memory_space<hbm>>
      %dma_start3A_418 = tpu.memref_squeeze %dma_start3A_417 : memref<1x80x125xi32, #tpu.memory_space<hbm>> -> memref<80x125xi32, #tpu.memory_space<hbm>>
      tpu.enqueue_dma source(%dma_start3A_418 : memref<80x125xi32, #tpu.memory_space<hbm>>) target(%arg7 : memref<80x125xi32, #tpu.memory_space<vmem>>) target_semaphore(%run_scoped3A : memref<!tpu.dma_semaphore, #tpu.memory_space<semaphore_mem>>)
      %dma_wait3A_419 = arith.constant 0 : i32
      %dma_wait3A_420 = arith.constant 0 : i32
      %dma_wait3A_421 = tpu.memref_slice %arg3[%add3A, %dma_wait3A_419, %dma_wait3A_420] : memref<32x80x125xi32, #tpu.memory_space<hbm>> -> memref<1x80x125xi32, #tpu.memory_space<hbm>>
      %dma_wait3A_422 = tpu.memref_squeeze %dma_wait3A_421 : memref<1x80x125xi32, #tpu.memory_space<hbm>> -> memref<80x125xi32, #tpu.memory_space<hbm>>
      %dma_wait3A_423 = arith.constant 0 : i32
      %dma_wait3A_424 = arith.constant 0 : i32
      %dma_wait3A_425 = tpu.memref_slice %arg3[%add3A, %dma_wait3A_423, %dma_wait3A_424] : memref<32x80x125xi32, #tpu.memory_space<hbm>> -> memref<1x80x125xi32, #tpu.memory_space<hbm>>
      %dma_wait3A_426 = tpu.memref_squeeze %dma_wait3A_425 : memref<1x80x125xi32, #tpu.memory_space<hbm>> -> memref<80x125xi32, #tpu.memory_space<hbm>>
      tpu.wait_dma2 semaphore(%run_scoped3A : memref<!tpu.dma_semaphore, #tpu.memory_space<semaphore_mem>>) src(%dma_wait3A_426 : memref<80x125xi32, #tpu.memory_space<hbm>>) dst(%arg7 : memref<80x125xi32, #tpu.memory_space<vmem>>)
      tpu.yield
    }) : () -> ()
    "tpu.region"() ({
      %run_scoped3A = tpu.sem_alloc : memref<!tpu.dma_semaphore, #tpu.memory_space<semaphore_mem>>
      %dma_start3A_411 = arith.constant 0 : i32
      %dma_start3A_412 = arith.constant 0 : i32
      %dma_start3A_413 = tpu.memref_slice %arg4[%add3A, %dma_start3A_411, %dma_start3A_412] : memref<32x80x125xi32, #tpu.memory_space<hbm>> -> memref<1x80x125xi32, #tpu.memory_space<hbm>>
      %dma_start3A_414 = tpu.memref_squeeze %dma_start3A_413 : memref<1x80x125xi32, #tpu.memory_space<hbm>> -> memref<80x125xi32, #tpu.memory_space<hbm>>
      %dma_start3A_415 = arith.constant 0 : i32
      %dma_start3A_416 = arith.constant 0 : i32
      %dma_start3A_417 = tpu.memref_slice %arg4[%add3A, %dma_start3A_415, %dma_start3A_416] : memref<32x80x125xi32, #tpu.memory_space<hbm>> -> memref<1x80x125xi32, #tpu.memory_space<hbm>>
      %dma_start3A_418 = tpu.memref_squeeze %dma_start3A_417 : memref<1x80x125xi32, #tpu.memory_space<hbm>> -> memref<80x125xi32, #tpu.memory_space<hbm>>
      tpu.enqueue_dma source(%dma_start3A_418 : memref<80x125xi32, #tpu.memory_space<hbm>>) target(%arg8 : memref<80x125xi32, #tpu.memory_space<vmem>>) target_semaphore(%run_scoped3A : memref<!tpu.dma_semaphore, #tpu.memory_space<semaphore_mem>>)
      %dma_wait3A_419 = arith.constant 0 : i32
      %dma_wait3A_420 = arith.constant 0 : i32
      %dma_wait3A_421 = tpu.memref_slice %arg4[%add3A, %dma_wait3A_419, %dma_wait3A_420] : memref<32x80x125xi32, #tpu.memory_space<hbm>> -> memref<1x80x125xi32, #tpu.memory_space<hbm>>
      %dma_wait3A_422 = tpu.memref_squeeze %dma_wait3A_421 : memref<1x80x125xi32, #tpu.memory_space<hbm>> -> memref<80x125xi32, #tpu.memory_space<hbm>>
      %dma_wait3A_423 = arith.constant 0 : i32
      %dma_wait3A_424 = arith.constant 0 : i32
      %dma_wait3A_425 = tpu.memref_slice %arg4[%add3A, %dma_wait3A_423, %dma_wait3A_424] : memref<32x80x125xi32, #tpu.memory_space<hbm>> -> memref<1x80x125xi32, #tpu.memory_space<hbm>>
      %dma_wait3A_426 = tpu.memref_squeeze %dma_wait3A_425 : memref<1x80x125xi32, #tpu.memory_space<hbm>> -> memref<80x125xi32, #tpu.memory_space<hbm>>
      tpu.wait_dma2 semaphore(%run_scoped3A : memref<!tpu.dma_semaphore, #tpu.memory_space<semaphore_mem>>) src(%dma_wait3A_426 : memref<80x125xi32, #tpu.memory_space<hbm>>) dst(%arg8 : memref<80x125xi32, #tpu.memory_space<vmem>>)
      tpu.yield
    }) : () -> ()
    %barrier3A = arith.constant 0 : index
    tpu.barrier barrier_id(%barrier3A)
    %dma_start3A = arith.constant 0 : i32
    %dma_start3A_9 = arith.constant 0 : i32
    %dma_start3A_10 = arith.constant 0 : i32
    %dma_start3A_11 = arith.constant 0 : i32
    %dma_start3A_12 = tpu.memref_slice %arg9[%dma_start3A_9, %dma_start3A_10, %dma_start3A_11] : memref<8x125x64xbf16, #tpu.memory_space<vmem>> -> memref<1x125x64xbf16, #tpu.memory_space<vmem>>
    %dma_start3A_13 = tpu.memref_squeeze %dma_start3A_12 : memref<1x125x64xbf16, #tpu.memory_space<vmem>> -> memref<125x64xbf16, #tpu.memory_space<vmem>>
    %dma_start3A_14 = arith.constant 0 : i32
    %dma_start3A_15 = tpu.memref_slice %arg7[%dma_start3A, %dma_start3A_14] : memref<80x125xi32, #tpu.memory_space<vmem>> -> memref<1x125xi32, #tpu.memory_space<vmem>>
    %dma_start3A_16 = tpu.memref_squeeze %dma_start3A_15 : memref<1x125xi32, #tpu.memory_space<vmem>> -> memref<125xi32, #tpu.memory_space<vmem>>
    %dma_start3A_17 = arith.constant 0 : i32
    %dma_start3A_18 = arith.constant 0 : i32
    %dma_start3A_19 = tpu.memref_slice %arg2[%dma_start3A_17, %dma_start3A_18] : memref<10000x64xbf16, #tpu.memory_space<hbm>> -> memref<10000x64xbf16, #tpu.memory_space<hbm>>
    tpu.enqueue_indirect_dma source(%dma_start3A_19 : memref<10000x64xbf16, #tpu.memory_space<hbm>>) target(%dma_start3A_13 : memref<125x64xbf16, #tpu.memory_space<vmem>>) offsets(%dma_start3A_16 : memref<125xi32, #tpu.memory_space<vmem>>) semaphore(%arg12 : memref<!tpu.dma_semaphore, #tpu.memory_space<semaphore_mem>>)
    %dma_start3A_20 = arith.constant 1 : i32
    %dma_start3A_21 = arith.constant 1 : i32
    %dma_start3A_22 = arith.constant 0 : i32
    %dma_start3A_23 = arith.constant 0 : i32
    %dma_start3A_24 = tpu.memref_slice %arg9[%dma_start3A_21, %dma_start3A_22, %dma_start3A_23] : memref<8x125x64xbf16, #tpu.memory_space<vmem>> -> memref<1x125x64xbf16, #tpu.memory_space<vmem>>
    %dma_start3A_25 = tpu.memref_squeeze %dma_start3A_24 : memref<1x125x64xbf16, #tpu.memory_space<vmem>> -> memref<125x64xbf16, #tpu.memory_space<vmem>>
    %dma_start3A_26 = arith.constant 0 : i32
    %dma_start3A_27 = tpu.memref_slice %arg7[%dma_start3A_20, %dma_start3A_26] : memref<80x125xi32, #tpu.memory_space<vmem>> -> memref<1x125xi32, #tpu.memory_space<vmem>>
    %dma_start3A_28 = tpu.memref_squeeze %dma_start3A_27 : memref<1x125xi32, #tpu.memory_space<vmem>> -> memref<125xi32, #tpu.memory_space<vmem>>
    %dma_start3A_29 = arith.constant 0 : i32
    %dma_start3A_30 = arith.constant 0 : i32
    %dma_start3A_31 = tpu.memref_slice %arg2[%dma_start3A_29, %dma_start3A_30] : memref<10000x64xbf16, #tpu.memory_space<hbm>> -> memref<10000x64xbf16, #tpu.memory_space<hbm>>
    tpu.enqueue_indirect_dma source(%dma_start3A_31 : memref<10000x64xbf16, #tpu.memory_space<hbm>>) target(%dma_start3A_25 : memref<125x64xbf16, #tpu.memory_space<vmem>>) offsets(%dma_start3A_28 : memref<125xi32, #tpu.memory_space<vmem>>) semaphore(%arg13 : memref<!tpu.dma_semaphore, #tpu.memory_space<semaphore_mem>>)
    %dma_start3A_32 = arith.constant 2 : i32
    %dma_start3A_33 = arith.constant 2 : i32
    %dma_start3A_34 = arith.constant 0 : i32
    %dma_start3A_35 = arith.constant 0 : i32
    %dma_start3A_36 = tpu.memref_slice %arg9[%dma_start3A_33, %dma_start3A_34, %dma_start3A_35] : memref<8x125x64xbf16, #tpu.memory_space<vmem>> -> memref<1x125x64xbf16, #tpu.memory_space<vmem>>
    %dma_start3A_37 = tpu.memref_squeeze %dma_start3A_36 : memref<1x125x64xbf16, #tpu.memory_space<vmem>> -> memref<125x64xbf16, #tpu.memory_space<vmem>>
    %dma_start3A_38 = arith.constant 0 : i32
    %dma_start3A_39 = tpu.memref_slice %arg7[%dma_start3A_32, %dma_start3A_38] : memref<80x125xi32, #tpu.memory_space<vmem>> -> memref<1x125xi32, #tpu.memory_space<vmem>>
    %dma_start3A_40 = tpu.memref_squeeze %dma_start3A_39 : memref<1x125xi32, #tpu.memory_space<vmem>> -> memref<125xi32, #tpu.memory_space<vmem>>
    %dma_start3A_41 = arith.constant 0 : i32
    %dma_start3A_42 = arith.constant 0 : i32
    %dma_start3A_43 = tpu.memref_slice %arg2[%dma_start3A_41, %dma_start3A_42] : memref<10000x64xbf16, #tpu.memory_space<hbm>> -> memref<10000x64xbf16, #tpu.memory_space<hbm>>
    tpu.enqueue_indirect_dma source(%dma_start3A_43 : memref<10000x64xbf16, #tpu.memory_space<hbm>>) target(%dma_start3A_37 : memref<125x64xbf16, #tpu.memory_space<vmem>>) offsets(%dma_start3A_40 : memref<125xi32, #tpu.memory_space<vmem>>) semaphore(%arg14 : memref<!tpu.dma_semaphore, #tpu.memory_space<semaphore_mem>>)
    %dma_start3A_44 = arith.constant 3 : i32
    %dma_start3A_45 = arith.constant 3 : i32
    %dma_start3A_46 = arith.constant 0 : i32
    %dma_start3A_47 = arith.constant 0 : i32
    %dma_start3A_48 = tpu.memref_slice %arg9[%dma_start3A_45, %dma_start3A_46, %dma_start3A_47] : memref<8x125x64xbf16, #tpu.memory_space<vmem>> -> memref<1x125x64xbf16, #tpu.memory_space<vmem>>
    %dma_start3A_49 = tpu.memref_squeeze %dma_start3A_48 : memref<1x125x64xbf16, #tpu.memory_space<vmem>> -> memref<125x64xbf16, #tpu.memory_space<vmem>>
    %dma_start3A_50 = arith.constant 0 : i32
    %dma_start3A_51 = tpu.memref_slice %arg7[%dma_start3A_44, %dma_start3A_50] : memref<80x125xi32, #tpu.memory_space<vmem>> -> memref<1x125xi32, #tpu.memory_space<vmem>>
    %dma_start3A_52 = tpu.memref_squeeze %dma_start3A_51 : memref<1x125xi32, #tpu.memory_space<vmem>> -> memref<125xi32, #tpu.memory_space<vmem>>
    %dma_start3A_53 = arith.constant 0 : i32
    %dma_start3A_54 = arith.constant 0 : i32
    %dma_start3A_55 = tpu.memref_slice %arg2[%dma_start3A_53, %dma_start3A_54] : memref<10000x64xbf16, #tpu.memory_space<hbm>> -> memref<10000x64xbf16, #tpu.memory_space<hbm>>
    tpu.enqueue_indirect_dma source(%dma_start3A_55 : memref<10000x64xbf16, #tpu.memory_space<hbm>>) target(%dma_start3A_49 : memref<125x64xbf16, #tpu.memory_space<vmem>>) offsets(%dma_start3A_52 : memref<125xi32, #tpu.memory_space<vmem>>) semaphore(%arg15 : memref<!tpu.dma_semaphore, #tpu.memory_space<semaphore_mem>>)
    %dma_wait3A = arith.constant 0 : i32
    %dma_wait3A_56 = arith.constant 0 : i32
    %dma_wait3A_57 = arith.constant 0 : i32
    %dma_wait3A_58 = arith.constant 0 : i32
    %dma_wait3A_59 = tpu.memref_slice %arg9[%dma_wait3A_56, %dma_wait3A_57, %dma_wait3A_58] : memref<8x125x64xbf16, #tpu.memory_space<vmem>> -> memref<1x125x64xbf16, #tpu.memory_space<vmem>>
    %dma_wait3A_60 = tpu.memref_squeeze %dma_wait3A_59 : memref<1x125x64xbf16, #tpu.memory_space<vmem>> -> memref<125x64xbf16, #tpu.memory_space<vmem>>
    %dma_wait3A_61 = arith.constant 0 : i32
    %dma_wait3A_62 = tpu.memref_slice %arg7[%dma_wait3A, %dma_wait3A_61] : memref<80x125xi32, #tpu.memory_space<vmem>> -> memref<1x125xi32, #tpu.memory_space<vmem>>
    %dma_wait3A_63 = tpu.memref_squeeze %dma_wait3A_62 : memref<1x125xi32, #tpu.memory_space<vmem>> -> memref<125xi32, #tpu.memory_space<vmem>>
    %dma_wait3A_64 = arith.constant 0 : i32
    %dma_wait3A_65 = arith.constant 0 : i32
    %dma_wait3A_66 = tpu.memref_slice %arg2[%dma_wait3A_64, %dma_wait3A_65] : memref<10000x64xbf16, #tpu.memory_space<hbm>> -> memref<10000x64xbf16, #tpu.memory_space<hbm>>
    tpu.wait_indirect_dma semaphore(%arg12 : memref<!tpu.dma_semaphore, #tpu.memory_space<semaphore_mem>>) src(%dma_wait3A_66 : memref<10000x64xbf16, #tpu.memory_space<hbm>>) dst(%dma_wait3A_60 : memref<125x64xbf16, #tpu.memory_space<vmem>>)
    %dma_start3A_67 = arith.constant 0 : i32
    %dma_start3A_68 = arith.constant 0 : i32
    %dma_start3A_69 = arith.constant 0 : i32
    %dma_start3A_70 = arith.constant 0 : i32
    %dma_start3A_71 = tpu.memref_slice %arg9[%dma_start3A_67, %dma_start3A_69, %dma_start3A_70] : memref<8x125x64xbf16, #tpu.memory_space<vmem>> -> memref<1x125x64xbf16, #tpu.memory_space<vmem>>
    %dma_start3A_72 = tpu.memref_squeeze %dma_start3A_71 : memref<1x125x64xbf16, #tpu.memory_space<vmem>> -> memref<125x64xbf16, #tpu.memory_space<vmem>>
    %dma_start3A_73 = arith.constant 0 : i32
    %dma_start3A_74 = tpu.memref_slice %arg8[%dma_start3A_68, %dma_start3A_73] : memref<80x125xi32, #tpu.memory_space<vmem>> -> memref<1x125xi32, #tpu.memory_space<vmem>>
    %dma_start3A_75 = tpu.memref_squeeze %dma_start3A_74 : memref<1x125xi32, #tpu.memory_space<vmem>> -> memref<125xi32, #tpu.memory_space<vmem>>
    %dma_start3A_76 = arith.constant 0 : i32
    %dma_start3A_77 = arith.constant 0 : i32
    %dma_start3A_78 = tpu.memref_slice %arg10[%dma_start3A_76, %dma_start3A_77] : memref<10240x64xbf16, #tpu.memory_space<vmem_shared>> -> memref<10240x64xbf16, #tpu.memory_space<vmem_shared>>
    tpu.enqueue_indirect_dma source(%dma_start3A_72 : memref<125x64xbf16, #tpu.memory_space<vmem>>) target(%dma_start3A_78 : memref<10240x64xbf16, #tpu.memory_space<vmem_shared>>) offsets(%dma_start3A_75 : memref<125xi32, #tpu.memory_space<vmem>>) semaphore(%arg20 : memref<!tpu.dma_semaphore, #tpu.memory_space<semaphore_mem>>) {add = true}
    %dma_start3A_79 = arith.constant 4 : i32
    %dma_start3A_80 = arith.constant 4 : i32
    %dma_start3A_81 = arith.constant 0 : i32
    %dma_start3A_82 = arith.constant 0 : i32
    %dma_start3A_83 = tpu.memref_slice %arg9[%dma_start3A_80, %dma_start3A_81, %dma_start3A_82] : memref<8x125x64xbf16, #tpu.memory_space<vmem>> -> memref<1x125x64xbf16, #tpu.memory_space<vmem>>
    %dma_start3A_84 = tpu.memref_squeeze %dma_start3A_83 : memref<1x125x64xbf16, #tpu.memory_space<vmem>> -> memref<125x64xbf16, #tpu.memory_space<vmem>>
    %dma_start3A_85 = arith.constant 0 : i32
    %dma_start3A_86 = tpu.memref_slice %arg7[%dma_start3A_79, %dma_start3A_85] : memref<80x125xi32, #tpu.memory_space<vmem>> -> memref<1x125xi32, #tpu.memory_space<vmem>>
    %dma_start3A_87 = tpu.memref_squeeze %dma_start3A_86 : memref<1x125xi32, #tpu.memory_space<vmem>> -> memref<125xi32, #tpu.memory_space<vmem>>
    %dma_start3A_88 = arith.constant 0 : i32
    %dma_start3A_89 = arith.constant 0 : i32
    %dma_start3A_90 = tpu.memref_slice %arg2[%dma_start3A_88, %dma_start3A_89] : memref<10000x64xbf16, #tpu.memory_space<hbm>> -> memref<10000x64xbf16, #tpu.memory_space<hbm>>
    tpu.enqueue_indirect_dma source(%dma_start3A_90 : memref<10000x64xbf16, #tpu.memory_space<hbm>>) target(%dma_start3A_84 : memref<125x64xbf16, #tpu.memory_space<vmem>>) offsets(%dma_start3A_87 : memref<125xi32, #tpu.memory_space<vmem>>) semaphore(%arg16 : memref<!tpu.dma_semaphore, #tpu.memory_space<semaphore_mem>>)
    %dma_wait3A_91 = arith.constant 1 : i32
    %dma_wait3A_92 = arith.constant 1 : i32
    %dma_wait3A_93 = arith.constant 0 : i32
    %dma_wait3A_94 = arith.constant 0 : i32
    %dma_wait3A_95 = tpu.memref_slice %arg9[%dma_wait3A_92, %dma_wait3A_93, %dma_wait3A_94] : memref<8x125x64xbf16, #tpu.memory_space<vmem>> -> memref<1x125x64xbf16, #tpu.memory_space<vmem>>
    %dma_wait3A_96 = tpu.memref_squeeze %dma_wait3A_95 : memref<1x125x64xbf16, #tpu.memory_space<vmem>> -> memref<125x64xbf16, #tpu.memory_space<vmem>>
    %dma_wait3A_97 = arith.constant 0 : i32
    %dma_wait3A_98 = tpu.memref_slice %arg7[%dma_wait3A_91, %dma_wait3A_97] : memref<80x125xi32, #tpu.memory_space<vmem>> -> memref<1x125xi32, #tpu.memory_space<vmem>>
    %dma_wait3A_99 = tpu.memref_squeeze %dma_wait3A_98 : memref<1x125xi32, #tpu.memory_space<vmem>> -> memref<125xi32, #tpu.memory_space<vmem>>
    %dma_wait3A_100 = arith.constant 0 : i32
    %dma_wait3A_101 = arith.constant 0 : i32
    %dma_wait3A_102 = tpu.memref_slice %arg2[%dma_wait3A_100, %dma_wait3A_101] : memref<10000x64xbf16, #tpu.memory_space<hbm>> -> memref<10000x64xbf16, #tpu.memory_space<hbm>>
    tpu.wait_indirect_dma semaphore(%arg13 : memref<!tpu.dma_semaphore, #tpu.memory_space<semaphore_mem>>) src(%dma_wait3A_102 : memref<10000x64xbf16, #tpu.memory_space<hbm>>) dst(%dma_wait3A_96 : memref<125x64xbf16, #tpu.memory_space<vmem>>)
    %dma_start3A_103 = arith.constant 1 : i32
    %dma_start3A_104 = arith.constant 1 : i32
    %dma_start3A_105 = arith.constant 0 : i32
    %dma_start3A_106 = arith.constant 0 : i32
    %dma_start3A_107 = tpu.memref_slice %arg9[%dma_start3A_103, %dma_start3A_105, %dma_start3A_106] : memref<8x125x64xbf16, #tpu.memory_space<vmem>> -> memref<1x125x64xbf16, #tpu.memory_space<vmem>>
    %dma_start3A_108 = tpu.memref_squeeze %dma_start3A_107 : memref<1x125x64xbf16, #tpu.memory_space<vmem>> -> memref<125x64xbf16, #tpu.memory_space<vmem>>
    %dma_start3A_109 = arith.constant 0 : i32
    %dma_start3A_110 = tpu.memref_slice %arg8[%dma_start3A_104, %dma_start3A_109] : memref<80x125xi32, #tpu.memory_space<vmem>> -> memref<1x125xi32, #tpu.memory_space<vmem>>
    %dma_start3A_111 = tpu.memref_squeeze %dma_start3A_110 : memref<1x125xi32, #tpu.memory_space<vmem>> -> memref<125xi32, #tpu.memory_space<vmem>>
    %dma_start3A_112 = arith.constant 0 : i32
    %dma_start3A_113 = arith.constant 0 : i32
    %dma_start3A_114 = tpu.memref_slice %arg11[%dma_start3A_112, %dma_start3A_113] : memref<10240x64xbf16, #tpu.memory_space<vmem_shared>> -> memref<10240x64xbf16, #tpu.memory_space<vmem_shared>>
    tpu.enqueue_indirect_dma source(%dma_start3A_108 : memref<125x64xbf16, #tpu.memory_space<vmem>>) target(%dma_start3A_114 : memref<10240x64xbf16, #tpu.memory_space<vmem_shared>>) offsets(%dma_start3A_111 : memref<125xi32, #tpu.memory_space<vmem>>) semaphore(%arg21 : memref<!tpu.dma_semaphore, #tpu.memory_space<semaphore_mem>>) {add = true}
    %dma_start3A_115 = arith.constant 5 : i32
    %dma_start3A_116 = arith.constant 5 : i32
    %dma_start3A_117 = arith.constant 0 : i32
    %dma_start3A_118 = arith.constant 0 : i32
    %dma_start3A_119 = tpu.memref_slice %arg9[%dma_start3A_116, %dma_start3A_117, %dma_start3A_118] : memref<8x125x64xbf16, #tpu.memory_space<vmem>> -> memref<1x125x64xbf16, #tpu.memory_space<vmem>>
    %dma_start3A_120 = tpu.memref_squeeze %dma_start3A_119 : memref<1x125x64xbf16, #tpu.memory_space<vmem>> -> memref<125x64xbf16, #tpu.memory_space<vmem>>
    %dma_start3A_121 = arith.constant 0 : i32
    %dma_start3A_122 = tpu.memref_slice %arg7[%dma_start3A_115, %dma_start3A_121] : memref<80x125xi32, #tpu.memory_space<vmem>> -> memref<1x125xi32, #tpu.memory_space<vmem>>
    %dma_start3A_123 = tpu.memref_squeeze %dma_start3A_122 : memref<1x125xi32, #tpu.memory_space<vmem>> -> memref<125xi32, #tpu.memory_space<vmem>>
    %dma_start3A_124 = arith.constant 0 : i32
    %dma_start3A_125 = arith.constant 0 : i32
    %dma_start3A_126 = tpu.memref_slice %arg2[%dma_start3A_124, %dma_start3A_125] : memref<10000x64xbf16, #tpu.memory_space<hbm>> -> memref<10000x64xbf16, #tpu.memory_space<hbm>>
    tpu.enqueue_indirect_dma source(%dma_start3A_126 : memref<10000x64xbf16, #tpu.memory_space<hbm>>) target(%dma_start3A_120 : memref<125x64xbf16, #tpu.memory_space<vmem>>) offsets(%dma_start3A_123 : memref<125xi32, #tpu.memory_space<vmem>>) semaphore(%arg17 : memref<!tpu.dma_semaphore, #tpu.memory_space<semaphore_mem>>)
    %dma_wait3A_127 = arith.constant 2 : i32
    %dma_wait3A_128 = arith.constant 2 : i32
    %dma_wait3A_129 = arith.constant 0 : i32
    %dma_wait3A_130 = arith.constant 0 : i32
    %dma_wait3A_131 = tpu.memref_slice %arg9[%dma_wait3A_128, %dma_wait3A_129, %dma_wait3A_130] : memref<8x125x64xbf16, #tpu.memory_space<vmem>> -> memref<1x125x64xbf16, #tpu.memory_space<vmem>>
    %dma_wait3A_132 = tpu.memref_squeeze %dma_wait3A_131 : memref<1x125x64xbf16, #tpu.memory_space<vmem>> -> memref<125x64xbf16, #tpu.memory_space<vmem>>
    %dma_wait3A_133 = arith.constant 0 : i32
    %dma_wait3A_134 = tpu.memref_slice %arg7[%dma_wait3A_127, %dma_wait3A_133] : memref<80x125xi32, #tpu.memory_space<vmem>> -> memref<1x125xi32, #tpu.memory_space<vmem>>
    %dma_wait3A_135 = tpu.memref_squeeze %dma_wait3A_134 : memref<1x125xi32, #tpu.memory_space<vmem>> -> memref<125xi32, #tpu.memory_space<vmem>>
    %dma_wait3A_136 = arith.constant 0 : i32
    %dma_wait3A_137 = arith.constant 0 : i32
    %dma_wait3A_138 = tpu.memref_slice %arg2[%dma_wait3A_136, %dma_wait3A_137] : memref<10000x64xbf16, #tpu.memory_space<hbm>> -> memref<10000x64xbf16, #tpu.memory_space<hbm>>
    tpu.wait_indirect_dma semaphore(%arg14 : memref<!tpu.dma_semaphore, #tpu.memory_space<semaphore_mem>>) src(%dma_wait3A_138 : memref<10000x64xbf16, #tpu.memory_space<hbm>>) dst(%dma_wait3A_132 : memref<125x64xbf16, #tpu.memory_space<vmem>>)
    %dma_start3A_139 = arith.constant 2 : i32
    %dma_start3A_140 = arith.constant 2 : i32
    %dma_start3A_141 = arith.constant 0 : i32
    %dma_start3A_142 = arith.constant 0 : i32
    %dma_start3A_143 = tpu.memref_slice %arg9[%dma_start3A_139, %dma_start3A_141, %dma_start3A_142] : memref<8x125x64xbf16, #tpu.memory_space<vmem>> -> memref<1x125x64xbf16, #tpu.memory_space<vmem>>
    %dma_start3A_144 = tpu.memref_squeeze %dma_start3A_143 : memref<1x125x64xbf16, #tpu.memory_space<vmem>> -> memref<125x64xbf16, #tpu.memory_space<vmem>>
    %dma_start3A_145 = arith.constant 0 : i32
    %dma_start3A_146 = tpu.memref_slice %arg8[%dma_start3A_140, %dma_start3A_145] : memref<80x125xi32, #tpu.memory_space<vmem>> -> memref<1x125xi32, #tpu.memory_space<vmem>>
    %dma_start3A_147 = tpu.memref_squeeze %dma_start3A_146 : memref<1x125xi32, #tpu.memory_space<vmem>> -> memref<125xi32, #tpu.memory_space<vmem>>
    %dma_start3A_148 = arith.constant 0 : i32
    %dma_start3A_149 = arith.constant 0 : i32
    %dma_start3A_150 = tpu.memref_slice %arg10[%dma_start3A_148, %dma_start3A_149] : memref<10240x64xbf16, #tpu.memory_space<vmem_shared>> -> memref<10240x64xbf16, #tpu.memory_space<vmem_shared>>
    tpu.enqueue_indirect_dma source(%dma_start3A_144 : memref<125x64xbf16, #tpu.memory_space<vmem>>) target(%dma_start3A_150 : memref<10240x64xbf16, #tpu.memory_space<vmem_shared>>) offsets(%dma_start3A_147 : memref<125xi32, #tpu.memory_space<vmem>>) semaphore(%arg22 : memref<!tpu.dma_semaphore, #tpu.memory_space<semaphore_mem>>) {add = true}
    %dma_start3A_151 = arith.constant 6 : i32
    %dma_start3A_152 = arith.constant 6 : i32
    %dma_start3A_153 = arith.constant 0 : i32
    %dma_start3A_154 = arith.constant 0 : i32
    %dma_start3A_155 = tpu.memref_slice %arg9[%dma_start3A_152, %dma_start3A_153, %dma_start3A_154] : memref<8x125x64xbf16, #tpu.memory_space<vmem>> -> memref<1x125x64xbf16, #tpu.memory_space<vmem>>
    %dma_start3A_156 = tpu.memref_squeeze %dma_start3A_155 : memref<1x125x64xbf16, #tpu.memory_space<vmem>> -> memref<125x64xbf16, #tpu.memory_space<vmem>>
    %dma_start3A_157 = arith.constant 0 : i32
    %dma_start3A_158 = tpu.memref_slice %arg7[%dma_start3A_151, %dma_start3A_157] : memref<80x125xi32, #tpu.memory_space<vmem>> -> memref<1x125xi32, #tpu.memory_space<vmem>>
    %dma_start3A_159 = tpu.memref_squeeze %dma_start3A_158 : memref<1x125xi32, #tpu.memory_space<vmem>> -> memref<125xi32, #tpu.memory_space<vmem>>
    %dma_start3A_160 = arith.constant 0 : i32
    %dma_start3A_161 = arith.constant 0 : i32
    %dma_start3A_162 = tpu.memref_slice %arg2[%dma_start3A_160, %dma_start3A_161] : memref<10000x64xbf16, #tpu.memory_space<hbm>> -> memref<10000x64xbf16, #tpu.memory_space<hbm>>
    tpu.enqueue_indirect_dma source(%dma_start3A_162 : memref<10000x64xbf16, #tpu.memory_space<hbm>>) target(%dma_start3A_156 : memref<125x64xbf16, #tpu.memory_space<vmem>>) offsets(%dma_start3A_159 : memref<125xi32, #tpu.memory_space<vmem>>) semaphore(%arg18 : memref<!tpu.dma_semaphore, #tpu.memory_space<semaphore_mem>>)
    %dma_wait3A_163 = arith.constant 3 : i32
    %dma_wait3A_164 = arith.constant 3 : i32
    %dma_wait3A_165 = arith.constant 0 : i32
    %dma_wait3A_166 = arith.constant 0 : i32
    %dma_wait3A_167 = tpu.memref_slice %arg9[%dma_wait3A_164, %dma_wait3A_165, %dma_wait3A_166] : memref<8x125x64xbf16, #tpu.memory_space<vmem>> -> memref<1x125x64xbf16, #tpu.memory_space<vmem>>
    %dma_wait3A_168 = tpu.memref_squeeze %dma_wait3A_167 : memref<1x125x64xbf16, #tpu.memory_space<vmem>> -> memref<125x64xbf16, #tpu.memory_space<vmem>>
    %dma_wait3A_169 = arith.constant 0 : i32
    %dma_wait3A_170 = tpu.memref_slice %arg7[%dma_wait3A_163, %dma_wait3A_169] : memref<80x125xi32, #tpu.memory_space<vmem>> -> memref<1x125xi32, #tpu.memory_space<vmem>>
    %dma_wait3A_171 = tpu.memref_squeeze %dma_wait3A_170 : memref<1x125xi32, #tpu.memory_space<vmem>> -> memref<125xi32, #tpu.memory_space<vmem>>
    %dma_wait3A_172 = arith.constant 0 : i32
    %dma_wait3A_173 = arith.constant 0 : i32
    %dma_wait3A_174 = tpu.memref_slice %arg2[%dma_wait3A_172, %dma_wait3A_173] : memref<10000x64xbf16, #tpu.memory_space<hbm>> -> memref<10000x64xbf16, #tpu.memory_space<hbm>>
    tpu.wait_indirect_dma semaphore(%arg15 : memref<!tpu.dma_semaphore, #tpu.memory_space<semaphore_mem>>) src(%dma_wait3A_174 : memref<10000x64xbf16, #tpu.memory_space<hbm>>) dst(%dma_wait3A_168 : memref<125x64xbf16, #tpu.memory_space<vmem>>)
    %dma_start3A_175 = arith.constant 3 : i32
    %dma_start3A_176 = arith.constant 3 : i32
    %dma_start3A_177 = arith.constant 0 : i32
    %dma_start3A_178 = arith.constant 0 : i32
    %dma_start3A_179 = tpu.memref_slice %arg9[%dma_start3A_175, %dma_start3A_177, %dma_start3A_178] : memref<8x125x64xbf16, #tpu.memory_space<vmem>> -> memref<1x125x64xbf16, #tpu.memory_space<vmem>>
    %dma_start3A_180 = tpu.memref_squeeze %dma_start3A_179 : memref<1x125x64xbf16, #tpu.memory_space<vmem>> -> memref<125x64xbf16, #tpu.memory_space<vmem>>
    %dma_start3A_181 = arith.constant 0 : i32
    %dma_start3A_182 = tpu.memref_slice %arg8[%dma_start3A_176, %dma_start3A_181] : memref<80x125xi32, #tpu.memory_space<vmem>> -> memref<1x125xi32, #tpu.memory_space<vmem>>
    %dma_start3A_183 = tpu.memref_squeeze %dma_start3A_182 : memref<1x125xi32, #tpu.memory_space<vmem>> -> memref<125xi32, #tpu.memory_space<vmem>>
    %dma_start3A_184 = arith.constant 0 : i32
    %dma_start3A_185 = arith.constant 0 : i32
    %dma_start3A_186 = tpu.memref_slice %arg11[%dma_start3A_184, %dma_start3A_185] : memref<10240x64xbf16, #tpu.memory_space<vmem_shared>> -> memref<10240x64xbf16, #tpu.memory_space<vmem_shared>>
    tpu.enqueue_indirect_dma source(%dma_start3A_180 : memref<125x64xbf16, #tpu.memory_space<vmem>>) target(%dma_start3A_186 : memref<10240x64xbf16, #tpu.memory_space<vmem_shared>>) offsets(%dma_start3A_183 : memref<125xi32, #tpu.memory_space<vmem>>) semaphore(%arg23 : memref<!tpu.dma_semaphore, #tpu.memory_space<semaphore_mem>>) {add = true}
    %dma_start3A_187 = arith.constant 7 : i32
    %dma_start3A_188 = arith.constant 7 : i32
    %dma_start3A_189 = arith.constant 0 : i32
    %dma_start3A_190 = arith.constant 0 : i32
    %dma_start3A_191 = tpu.memref_slice %arg9[%dma_start3A_188, %dma_start3A_189, %dma_start3A_190] : memref<8x125x64xbf16, #tpu.memory_space<vmem>> -> memref<1x125x64xbf16, #tpu.memory_space<vmem>>
    %dma_start3A_192 = tpu.memref_squeeze %dma_start3A_191 : memref<1x125x64xbf16, #tpu.memory_space<vmem>> -> memref<125x64xbf16, #tpu.memory_space<vmem>>
    %dma_start3A_193 = arith.constant 0 : i32
    %dma_start3A_194 = tpu.memref_slice %arg7[%dma_start3A_187, %dma_start3A_193] : memref<80x125xi32, #tpu.memory_space<vmem>> -> memref<1x125xi32, #tpu.memory_space<vmem>>
    %dma_start3A_195 = tpu.memref_squeeze %dma_start3A_194 : memref<1x125xi32, #tpu.memory_space<vmem>> -> memref<125xi32, #tpu.memory_space<vmem>>
    %dma_start3A_196 = arith.constant 0 : i32
    %dma_start3A_197 = arith.constant 0 : i32
    %dma_start3A_198 = tpu.memref_slice %arg2[%dma_start3A_196, %dma_start3A_197] : memref<10000x64xbf16, #tpu.memory_space<hbm>> -> memref<10000x64xbf16, #tpu.memory_space<hbm>>
    tpu.enqueue_indirect_dma source(%dma_start3A_198 : memref<10000x64xbf16, #tpu.memory_space<hbm>>) target(%dma_start3A_192 : memref<125x64xbf16, #tpu.memory_space<vmem>>) offsets(%dma_start3A_195 : memref<125xi32, #tpu.memory_space<vmem>>) semaphore(%arg19 : memref<!tpu.dma_semaphore, #tpu.memory_space<semaphore_mem>>)
    %scan3A = arith.constant 0 : i32
    %scan3A_199 = arith.constant 0 : i32
    %scan3A_200 = arith.constant 9 : i32
    %scan3A_201 = arith.addi %scan3A_199, %scan3A_200 : i32
    %scan3A_202 = arith.constant 1 : i32
    scf.for %scan3A_411 = %scan3A_199 to %scan3A_201 step %scan3A_202  : i32 {
      %mul3A_412 = arith.constant 8 : i32
      %mul3A_413 = arith.muli %scan3A_411, %mul3A_412 : i32
      %add3A_414 = arith.constant 4 : i32
      %add3A_415 = arith.addi %add3A_414, %mul3A_413 : i32
      %add3A_416 = arith.constant 0 : i32
      %add3A_417 = arith.addi %add3A_415, %add3A_416 : i32
      %dma_wait3A_418 = arith.constant 4 : i32
      %dma_wait3A_419 = arith.constant 0 : i32
      %dma_wait3A_420 = arith.constant 0 : i32
      %dma_wait3A_421 = tpu.memref_slice %arg9[%dma_wait3A_418, %dma_wait3A_419, %dma_wait3A_420] : memref<8x125x64xbf16, #tpu.memory_space<vmem>> -> memref<1x125x64xbf16, #tpu.memory_space<vmem>>
      %dma_wait3A_422 = tpu.memref_squeeze %dma_wait3A_421 : memref<1x125x64xbf16, #tpu.memory_space<vmem>> -> memref<125x64xbf16, #tpu.memory_space<vmem>>
      %dma_wait3A_423 = arith.constant 0 : i32
      %dma_wait3A_424 = tpu.memref_slice %arg7[%add3A_417, %dma_wait3A_423] : memref<80x125xi32, #tpu.memory_space<vmem>> -> memref<1x125xi32, #tpu.memory_space<vmem>>
      %dma_wait3A_425 = tpu.memref_squeeze %dma_wait3A_424 : memref<1x125xi32, #tpu.memory_space<vmem>> -> memref<125xi32, #tpu.memory_space<vmem>>
      %dma_wait3A_426 = arith.constant 0 : i32
      %dma_wait3A_427 = arith.constant 0 : i32
      %dma_wait3A_428 = tpu.memref_slice %arg2[%dma_wait3A_426, %dma_wait3A_427] : memref<10000x64xbf16, #tpu.memory_space<hbm>> -> memref<10000x64xbf16, #tpu.memory_space<hbm>>
      tpu.wait_indirect_dma semaphore(%arg16 : memref<!tpu.dma_semaphore, #tpu.memory_space<semaphore_mem>>) src(%dma_wait3A_428 : memref<10000x64xbf16, #tpu.memory_space<hbm>>) dst(%dma_wait3A_422 : memref<125x64xbf16, #tpu.memory_space<vmem>>)
      %dma_start3A_429 = arith.constant 4 : i32
      %dma_start3A_430 = arith.constant 0 : i32
      %dma_start3A_431 = arith.constant 0 : i32
      %dma_start3A_432 = tpu.memref_slice %arg9[%dma_start3A_429, %dma_start3A_430, %dma_start3A_431] : memref<8x125x64xbf16, #tpu.memory_space<vmem>> -> memref<1x125x64xbf16, #tpu.memory_space<vmem>>
      %dma_start3A_433 = tpu.memref_squeeze %dma_start3A_432 : memref<1x125x64xbf16, #tpu.memory_space<vmem>> -> memref<125x64xbf16, #tpu.memory_space<vmem>>
      %dma_start3A_434 = arith.constant 0 : i32
      %dma_start3A_435 = tpu.memref_slice %arg8[%add3A_417, %dma_start3A_434] : memref<80x125xi32, #tpu.memory_space<vmem>> -> memref<1x125xi32, #tpu.memory_space<vmem>>
      %dma_start3A_436 = tpu.memref_squeeze %dma_start3A_435 : memref<1x125xi32, #tpu.memory_space<vmem>> -> memref<125xi32, #tpu.memory_space<vmem>>
      %dma_start3A_437 = arith.constant 0 : i32
      %dma_start3A_438 = arith.constant 0 : i32
      %dma_start3A_439 = tpu.memref_slice %arg10[%dma_start3A_437, %dma_start3A_438] : memref<10240x64xbf16, #tpu.memory_space<vmem_shared>> -> memref<10240x64xbf16, #tpu.memory_space<vmem_shared>>
      tpu.enqueue_indirect_dma source(%dma_start3A_433 : memref<125x64xbf16, #tpu.memory_space<vmem>>) target(%dma_start3A_439 : memref<10240x64xbf16, #tpu.memory_space<vmem_shared>>) offsets(%dma_start3A_436 : memref<125xi32, #tpu.memory_space<vmem>>) semaphore(%arg24 : memref<!tpu.dma_semaphore, #tpu.memory_space<semaphore_mem>>) {add = true}
      %sub3A = arith.constant 4 : i32
      %sub3A_440 = arith.subi %add3A_417, %sub3A : i32
      %dma_wait3A_441 = arith.constant 0 : i32
      %dma_wait3A_442 = arith.constant 0 : i32
      %dma_wait3A_443 = arith.constant 0 : i32
      %dma_wait3A_444 = tpu.memref_slice %arg9[%dma_wait3A_441, %dma_wait3A_442, %dma_wait3A_443] : memref<8x125x64xbf16, #tpu.memory_space<vmem>> -> memref<1x125x64xbf16, #tpu.memory_space<vmem>>
      %dma_wait3A_445 = tpu.memref_squeeze %dma_wait3A_444 : memref<1x125x64xbf16, #tpu.memory_space<vmem>> -> memref<125x64xbf16, #tpu.memory_space<vmem>>
      %dma_wait3A_446 = arith.constant 0 : i32
      %dma_wait3A_447 = tpu.memref_slice %arg8[%sub3A_440, %dma_wait3A_446] : memref<80x125xi32, #tpu.memory_space<vmem>> -> memref<1x125xi32, #tpu.memory_space<vmem>>
      %dma_wait3A_448 = tpu.memref_squeeze %dma_wait3A_447 : memref<1x125xi32, #tpu.memory_space<vmem>> -> memref<125xi32, #tpu.memory_space<vmem>>
      %dma_wait3A_449 = arith.constant 0 : i32
      %dma_wait3A_450 = arith.constant 0 : i32
      %dma_wait3A_451 = tpu.memref_slice %arg10[%dma_wait3A_449, %dma_wait3A_450] : memref<10240x64xbf16, #tpu.memory_space<vmem_shared>> -> memref<10240x64xbf16, #tpu.memory_space<vmem_shared>>
      tpu.wait_indirect_dma semaphore(%arg20 : memref<!tpu.dma_semaphore, #tpu.memory_space<semaphore_mem>>) src(%dma_wait3A_445 : memref<125x64xbf16, #tpu.memory_space<vmem>>) dst(%dma_wait3A_451 : memref<10240x64xbf16, #tpu.memory_space<vmem_shared>>)
      %add3A_452 = arith.constant 4 : i32
      %add3A_453 = arith.addi %add3A_417, %add3A_452 : i32
      %dma_start3A_454 = arith.constant 0 : i32
      %dma_start3A_455 = arith.constant 0 : i32
      %dma_start3A_456 = arith.constant 0 : i32
      %dma_start3A_457 = tpu.memref_slice %arg9[%dma_start3A_454, %dma_start3A_455, %dma_start3A_456] : memref<8x125x64xbf16, #tpu.memory_space<vmem>> -> memref<1x125x64xbf16, #tpu.memory_space<vmem>>
      %dma_start3A_458 = tpu.memref_squeeze %dma_start3A_457 : memref<1x125x64xbf16, #tpu.memory_space<vmem>> -> memref<125x64xbf16, #tpu.memory_space<vmem>>
      %dma_start3A_459 = arith.constant 0 : i32
      %dma_start3A_460 = tpu.memref_slice %arg7[%add3A_453, %dma_start3A_459] : memref<80x125xi32, #tpu.memory_space<vmem>> -> memref<1x125xi32, #tpu.memory_space<vmem>>
      %dma_start3A_461 = tpu.memref_squeeze %dma_start3A_460 : memref<1x125xi32, #tpu.memory_space<vmem>> -> memref<125xi32, #tpu.memory_space<vmem>>
      %dma_start3A_462 = arith.constant 0 : i32
      %dma_start3A_463 = arith.constant 0 : i32
      %dma_start3A_464 = tpu.memref_slice %arg2[%dma_start3A_462, %dma_start3A_463] : memref<10000x64xbf16, #tpu.memory_space<hbm>> -> memref<10000x64xbf16, #tpu.memory_space<hbm>>
      tpu.enqueue_indirect_dma source(%dma_start3A_464 : memref<10000x64xbf16, #tpu.memory_space<hbm>>) target(%dma_start3A_458 : memref<125x64xbf16, #tpu.memory_space<vmem>>) offsets(%dma_start3A_461 : memref<125xi32, #tpu.memory_space<vmem>>) semaphore(%arg12 : memref<!tpu.dma_semaphore, #tpu.memory_space<semaphore_mem>>)
      %mul3A_465 = arith.constant 8 : i32
      %mul3A_466 = arith.muli %scan3A_411, %mul3A_465 : i32
      %add3A_467 = arith.constant 4 : i32
      %add3A_468 = arith.addi %add3A_467, %mul3A_466 : i32
      %add3A_469 = arith.constant 1 : i32
      %add3A_470 = arith.addi %add3A_468, %add3A_469 : i32
      %dma_wait3A_471 = arith.constant 5 : i32
      %dma_wait3A_472 = arith.constant 0 : i32
      %dma_wait3A_473 = arith.constant 0 : i32
      %dma_wait3A_474 = tpu.memref_slice %arg9[%dma_wait3A_471, %dma_wait3A_472, %dma_wait3A_473] : memref<8x125x64xbf16, #tpu.memory_space<vmem>> -> memref<1x125x64xbf16, #tpu.memory_space<vmem>>
      %dma_wait3A_475 = tpu.memref_squeeze %dma_wait3A_474 : memref<1x125x64xbf16, #tpu.memory_space<vmem>> -> memref<125x64xbf16, #tpu.memory_space<vmem>>
      %dma_wait3A_476 = arith.constant 0 : i32
      %dma_wait3A_477 = tpu.memref_slice %arg7[%add3A_470, %dma_wait3A_476] : memref<80x125xi32, #tpu.memory_space<vmem>> -> memref<1x125xi32, #tpu.memory_space<vmem>>
      %dma_wait3A_478 = tpu.memref_squeeze %dma_wait3A_477 : memref<1x125xi32, #tpu.memory_space<vmem>> -> memref<125xi32, #tpu.memory_space<vmem>>
      %dma_wait3A_479 = arith.constant 0 : i32
      %dma_wait3A_480 = arith.constant 0 : i32
      %dma_wait3A_481 = tpu.memref_slice %arg2[%dma_wait3A_479, %dma_wait3A_480] : memref<10000x64xbf16, #tpu.memory_space<hbm>> -> memref<10000x64xbf16, #tpu.memory_space<hbm>>
      tpu.wait_indirect_dma semaphore(%arg17 : memref<!tpu.dma_semaphore, #tpu.memory_space<semaphore_mem>>) src(%dma_wait3A_481 : memref<10000x64xbf16, #tpu.memory_space<hbm>>) dst(%dma_wait3A_475 : memref<125x64xbf16, #tpu.memory_space<vmem>>)
      %dma_start3A_482 = arith.constant 5 : i32
      %dma_start3A_483 = arith.constant 0 : i32
      %dma_start3A_484 = arith.constant 0 : i32
      %dma_start3A_485 = tpu.memref_slice %arg9[%dma_start3A_482, %dma_start3A_483, %dma_start3A_484] : memref<8x125x64xbf16, #tpu.memory_space<vmem>> -> memref<1x125x64xbf16, #tpu.memory_space<vmem>>
      %dma_start3A_486 = tpu.memref_squeeze %dma_start3A_485 : memref<1x125x64xbf16, #tpu.memory_space<vmem>> -> memref<125x64xbf16, #tpu.memory_space<vmem>>
      %dma_start3A_487 = arith.constant 0 : i32
      %dma_start3A_488 = tpu.memref_slice %arg8[%add3A_470, %dma_start3A_487] : memref<80x125xi32, #tpu.memory_space<vmem>> -> memref<1x125xi32, #tpu.memory_space<vmem>>
      %dma_start3A_489 = tpu.memref_squeeze %dma_start3A_488 : memref<1x125xi32, #tpu.memory_space<vmem>> -> memref<125xi32, #tpu.memory_space<vmem>>
      %dma_start3A_490 = arith.constant 0 : i32
      %dma_start3A_491 = arith.constant 0 : i32
      %dma_start3A_492 = tpu.memref_slice %arg11[%dma_start3A_490, %dma_start3A_491] : memref<10240x64xbf16, #tpu.memory_space<vmem_shared>> -> memref<10240x64xbf16, #tpu.memory_space<vmem_shared>>
      tpu.enqueue_indirect_dma source(%dma_start3A_486 : memref<125x64xbf16, #tpu.memory_space<vmem>>) target(%dma_start3A_492 : memref<10240x64xbf16, #tpu.memory_space<vmem_shared>>) offsets(%dma_start3A_489 : memref<125xi32, #tpu.memory_space<vmem>>) semaphore(%arg25 : memref<!tpu.dma_semaphore, #tpu.memory_space<semaphore_mem>>) {add = true}
      %sub3A_493 = arith.constant 4 : i32
      %sub3A_494 = arith.subi %add3A_470, %sub3A_493 : i32
      %dma_wait3A_495 = arith.constant 1 : i32
      %dma_wait3A_496 = arith.constant 0 : i32
      %dma_wait3A_497 = arith.constant 0 : i32
      %dma_wait3A_498 = tpu.memref_slice %arg9[%dma_wait3A_495, %dma_wait3A_496, %dma_wait3A_497] : memref<8x125x64xbf16, #tpu.memory_space<vmem>> -> memref<1x125x64xbf16, #tpu.memory_space<vmem>>
      %dma_wait3A_499 = tpu.memref_squeeze %dma_wait3A_498 : memref<1x125x64xbf16, #tpu.memory_space<vmem>> -> memref<125x64xbf16, #tpu.memory_space<vmem>>
      %dma_wait3A_500 = arith.constant 0 : i32
      %dma_wait3A_501 = tpu.memref_slice %arg8[%sub3A_494, %dma_wait3A_500] : memref<80x125xi32, #tpu.memory_space<vmem>> -> memref<1x125xi32, #tpu.memory_space<vmem>>
      %dma_wait3A_502 = tpu.memref_squeeze %dma_wait3A_501 : memref<1x125xi32, #tpu.memory_space<vmem>> -> memref<125xi32, #tpu.memory_space<vmem>>
      %dma_wait3A_503 = arith.constant 0 : i32
      %dma_wait3A_504 = arith.constant 0 : i32
      %dma_wait3A_505 = tpu.memref_slice %arg11[%dma_wait3A_503, %dma_wait3A_504] : memref<10240x64xbf16, #tpu.memory_space<vmem_shared>> -> memref<10240x64xbf16, #tpu.memory_space<vmem_shared>>
      tpu.wait_indirect_dma semaphore(%arg21 : memref<!tpu.dma_semaphore, #tpu.memory_space<semaphore_mem>>) src(%dma_wait3A_499 : memref<125x64xbf16, #tpu.memory_space<vmem>>) dst(%dma_wait3A_505 : memref<10240x64xbf16, #tpu.memory_space<vmem_shared>>)
      %add3A_506 = arith.constant 4 : i32
      %add3A_507 = arith.addi %add3A_470, %add3A_506 : i32
      %dma_start3A_508 = arith.constant 1 : i32
      %dma_start3A_509 = arith.constant 0 : i32
      %dma_start3A_510 = arith.constant 0 : i32
      %dma_start3A_511 = tpu.memref_slice %arg9[%dma_start3A_508, %dma_start3A_509, %dma_start3A_510] : memref<8x125x64xbf16, #tpu.memory_space<vmem>> -> memref<1x125x64xbf16, #tpu.memory_space<vmem>>
      %dma_start3A_512 = tpu.memref_squeeze %dma_start3A_511 : memref<1x125x64xbf16, #tpu.memory_space<vmem>> -> memref<125x64xbf16, #tpu.memory_space<vmem>>
      %dma_start3A_513 = arith.constant 0 : i32
      %dma_start3A_514 = tpu.memref_slice %arg7[%add3A_507, %dma_start3A_513] : memref<80x125xi32, #tpu.memory_space<vmem>> -> memref<1x125xi32, #tpu.memory_space<vmem>>
      %dma_start3A_515 = tpu.memref_squeeze %dma_start3A_514 : memref<1x125xi32, #tpu.memory_space<vmem>> -> memref<125xi32, #tpu.memory_space<vmem>>
      %dma_start3A_516 = arith.constant 0 : i32
      %dma_start3A_517 = arith.constant 0 : i32
      %dma_start3A_518 = tpu.memref_slice %arg2[%dma_start3A_516, %dma_start3A_517] : memref<10000x64xbf16, #tpu.memory_space<hbm>> -> memref<10000x64xbf16, #tpu.memory_space<hbm>>
      tpu.enqueue_indirect_dma source(%dma_start3A_518 : memref<10000x64xbf16, #tpu.memory_space<hbm>>) target(%dma_start3A_512 : memref<125x64xbf16, #tpu.memory_space<vmem>>) offsets(%dma_start3A_515 : memref<125xi32, #tpu.memory_space<vmem>>) semaphore(%arg13 : memref<!tpu.dma_semaphore, #tpu.memory_space<semaphore_mem>>)
      %mul3A_519 = arith.constant 8 : i32
      %mul3A_520 = arith.muli %scan3A_411, %mul3A_519 : i32
      %add3A_521 = arith.constant 4 : i32
      %add3A_522 = arith.addi %add3A_521, %mul3A_520 : i32
      %add3A_523 = arith.constant 2 : i32
      %add3A_524 = arith.addi %add3A_522, %add3A_523 : i32
      %dma_wait3A_525 = arith.constant 6 : i32
      %dma_wait3A_526 = arith.constant 0 : i32
      %dma_wait3A_527 = arith.constant 0 : i32
      %dma_wait3A_528 = tpu.memref_slice %arg9[%dma_wait3A_525, %dma_wait3A_526, %dma_wait3A_527] : memref<8x125x64xbf16, #tpu.memory_space<vmem>> -> memref<1x125x64xbf16, #tpu.memory_space<vmem>>
      %dma_wait3A_529 = tpu.memref_squeeze %dma_wait3A_528 : memref<1x125x64xbf16, #tpu.memory_space<vmem>> -> memref<125x64xbf16, #tpu.memory_space<vmem>>
      %dma_wait3A_530 = arith.constant 0 : i32
      %dma_wait3A_531 = tpu.memref_slice %arg7[%add3A_524, %dma_wait3A_530] : memref<80x125xi32, #tpu.memory_space<vmem>> -> memref<1x125xi32, #tpu.memory_space<vmem>>
      %dma_wait3A_532 = tpu.memref_squeeze %dma_wait3A_531 : memref<1x125xi32, #tpu.memory_space<vmem>> -> memref<125xi32, #tpu.memory_space<vmem>>
      %dma_wait3A_533 = arith.constant 0 : i32
      %dma_wait3A_534 = arith.constant 0 : i32
      %dma_wait3A_535 = tpu.memref_slice %arg2[%dma_wait3A_533, %dma_wait3A_534] : memref<10000x64xbf16, #tpu.memory_space<hbm>> -> memref<10000x64xbf16, #tpu.memory_space<hbm>>
      tpu.wait_indirect_dma semaphore(%arg18 : memref<!tpu.dma_semaphore, #tpu.memory_space<semaphore_mem>>) src(%dma_wait3A_535 : memref<10000x64xbf16, #tpu.memory_space<hbm>>) dst(%dma_wait3A_529 : memref<125x64xbf16, #tpu.memory_space<vmem>>)
      %dma_start3A_536 = arith.constant 6 : i32
      %dma_start3A_537 = arith.constant 0 : i32
      %dma_start3A_538 = arith.constant 0 : i32
      %dma_start3A_539 = tpu.memref_slice %arg9[%dma_start3A_536, %dma_start3A_537, %dma_start3A_538] : memref<8x125x64xbf16, #tpu.memory_space<vmem>> -> memref<1x125x64xbf16, #tpu.memory_space<vmem>>
      %dma_start3A_540 = tpu.memref_squeeze %dma_start3A_539 : memref<1x125x64xbf16, #tpu.memory_space<vmem>> -> memref<125x64xbf16, #tpu.memory_space<vmem>>
      %dma_start3A_541 = arith.constant 0 : i32
      %dma_start3A_542 = tpu.memref_slice %arg8[%add3A_524, %dma_start3A_541] : memref<80x125xi32, #tpu.memory_space<vmem>> -> memref<1x125xi32, #tpu.memory_space<vmem>>
      %dma_start3A_543 = tpu.memref_squeeze %dma_start3A_542 : memref<1x125xi32, #tpu.memory_space<vmem>> -> memref<125xi32, #tpu.memory_space<vmem>>
      %dma_start3A_544 = arith.constant 0 : i32
      %dma_start3A_545 = arith.constant 0 : i32
      %dma_start3A_546 = tpu.memref_slice %arg10[%dma_start3A_544, %dma_start3A_545] : memref<10240x64xbf16, #tpu.memory_space<vmem_shared>> -> memref<10240x64xbf16, #tpu.memory_space<vmem_shared>>
      tpu.enqueue_indirect_dma source(%dma_start3A_540 : memref<125x64xbf16, #tpu.memory_space<vmem>>) target(%dma_start3A_546 : memref<10240x64xbf16, #tpu.memory_space<vmem_shared>>) offsets(%dma_start3A_543 : memref<125xi32, #tpu.memory_space<vmem>>) semaphore(%arg26 : memref<!tpu.dma_semaphore, #tpu.memory_space<semaphore_mem>>) {add = true}
      %sub3A_547 = arith.constant 4 : i32
      %sub3A_548 = arith.subi %add3A_524, %sub3A_547 : i32
      %dma_wait3A_549 = arith.constant 2 : i32
      %dma_wait3A_550 = arith.constant 0 : i32
      %dma_wait3A_551 = arith.constant 0 : i32
      %dma_wait3A_552 = tpu.memref_slice %arg9[%dma_wait3A_549, %dma_wait3A_550, %dma_wait3A_551] : memref<8x125x64xbf16, #tpu.memory_space<vmem>> -> memref<1x125x64xbf16, #tpu.memory_space<vmem>>
      %dma_wait3A_553 = tpu.memref_squeeze %dma_wait3A_552 : memref<1x125x64xbf16, #tpu.memory_space<vmem>> -> memref<125x64xbf16, #tpu.memory_space<vmem>>
      %dma_wait3A_554 = arith.constant 0 : i32
      %dma_wait3A_555 = tpu.memref_slice %arg8[%sub3A_548, %dma_wait3A_554] : memref<80x125xi32, #tpu.memory_space<vmem>> -> memref<1x125xi32, #tpu.memory_space<vmem>>
      %dma_wait3A_556 = tpu.memref_squeeze %dma_wait3A_555 : memref<1x125xi32, #tpu.memory_space<vmem>> -> memref<125xi32, #tpu.memory_space<vmem>>
      %dma_wait3A_557 = arith.constant 0 : i32
      %dma_wait3A_558 = arith.constant 0 : i32
      %dma_wait3A_559 = tpu.memref_slice %arg10[%dma_wait3A_557, %dma_wait3A_558] : memref<10240x64xbf16, #tpu.memory_space<vmem_shared>> -> memref<10240x64xbf16, #tpu.memory_space<vmem_shared>>
      tpu.wait_indirect_dma semaphore(%arg22 : memref<!tpu.dma_semaphore, #tpu.memory_space<semaphore_mem>>) src(%dma_wait3A_553 : memref<125x64xbf16, #tpu.memory_space<vmem>>) dst(%dma_wait3A_559 : memref<10240x64xbf16, #tpu.memory_space<vmem_shared>>)
      %add3A_560 = arith.constant 4 : i32
      %add3A_561 = arith.addi %add3A_524, %add3A_560 : i32
      %dma_start3A_562 = arith.constant 2 : i32
      %dma_start3A_563 = arith.constant 0 : i32
      %dma_start3A_564 = arith.constant 0 : i32
      %dma_start3A_565 = tpu.memref_slice %arg9[%dma_start3A_562, %dma_start3A_563, %dma_start3A_564] : memref<8x125x64xbf16, #tpu.memory_space<vmem>> -> memref<1x125x64xbf16, #tpu.memory_space<vmem>>
      %dma_start3A_566 = tpu.memref_squeeze %dma_start3A_565 : memref<1x125x64xbf16, #tpu.memory_space<vmem>> -> memref<125x64xbf16, #tpu.memory_space<vmem>>
      %dma_start3A_567 = arith.constant 0 : i32
      %dma_start3A_568 = tpu.memref_slice %arg7[%add3A_561, %dma_start3A_567] : memref<80x125xi32, #tpu.memory_space<vmem>> -> memref<1x125xi32, #tpu.memory_space<vmem>>
      %dma_start3A_569 = tpu.memref_squeeze %dma_start3A_568 : memref<1x125xi32, #tpu.memory_space<vmem>> -> memref<125xi32, #tpu.memory_space<vmem>>
      %dma_start3A_570 = arith.constant 0 : i32
      %dma_start3A_571 = arith.constant 0 : i32
      %dma_start3A_572 = tpu.memref_slice %arg2[%dma_start3A_570, %dma_start3A_571] : memref<10000x64xbf16, #tpu.memory_space<hbm>> -> memref<10000x64xbf16, #tpu.memory_space<hbm>>
      tpu.enqueue_indirect_dma source(%dma_start3A_572 : memref<10000x64xbf16, #tpu.memory_space<hbm>>) target(%dma_start3A_566 : memref<125x64xbf16, #tpu.memory_space<vmem>>) offsets(%dma_start3A_569 : memref<125xi32, #tpu.memory_space<vmem>>) semaphore(%arg14 : memref<!tpu.dma_semaphore, #tpu.memory_space<semaphore_mem>>)
      %mul3A_573 = arith.constant 8 : i32
      %mul3A_574 = arith.muli %scan3A_411, %mul3A_573 : i32
      %add3A_575 = arith.constant 4 : i32
      %add3A_576 = arith.addi %add3A_575, %mul3A_574 : i32
      %add3A_577 = arith.constant 3 : i32
      %add3A_578 = arith.addi %add3A_576, %add3A_577 : i32
      %dma_wait3A_579 = arith.constant 7 : i32
      %dma_wait3A_580 = arith.constant 0 : i32
      %dma_wait3A_581 = arith.constant 0 : i32
      %dma_wait3A_582 = tpu.memref_slice %arg9[%dma_wait3A_579, %dma_wait3A_580, %dma_wait3A_581] : memref<8x125x64xbf16, #tpu.memory_space<vmem>> -> memref<1x125x64xbf16, #tpu.memory_space<vmem>>
      %dma_wait3A_583 = tpu.memref_squeeze %dma_wait3A_582 : memref<1x125x64xbf16, #tpu.memory_space<vmem>> -> memref<125x64xbf16, #tpu.memory_space<vmem>>
      %dma_wait3A_584 = arith.constant 0 : i32
      %dma_wait3A_585 = tpu.memref_slice %arg7[%add3A_578, %dma_wait3A_584] : memref<80x125xi32, #tpu.memory_space<vmem>> -> memref<1x125xi32, #tpu.memory_space<vmem>>
      %dma_wait3A_586 = tpu.memref_squeeze %dma_wait3A_585 : memref<1x125xi32, #tpu.memory_space<vmem>> -> memref<125xi32, #tpu.memory_space<vmem>>
      %dma_wait3A_587 = arith.constant 0 : i32
      %dma_wait3A_588 = arith.constant 0 : i32
      %dma_wait3A_589 = tpu.memref_slice %arg2[%dma_wait3A_587, %dma_wait3A_588] : memref<10000x64xbf16, #tpu.memory_space<hbm>> -> memref<10000x64xbf16, #tpu.memory_space<hbm>>
      tpu.wait_indirect_dma semaphore(%arg19 : memref<!tpu.dma_semaphore, #tpu.memory_space<semaphore_mem>>) src(%dma_wait3A_589 : memref<10000x64xbf16, #tpu.memory_space<hbm>>) dst(%dma_wait3A_583 : memref<125x64xbf16, #tpu.memory_space<vmem>>)
      %dma_start3A_590 = arith.constant 7 : i32
      %dma_start3A_591 = arith.constant 0 : i32
      %dma_start3A_592 = arith.constant 0 : i32
      %dma_start3A_593 = tpu.memref_slice %arg9[%dma_start3A_590, %dma_start3A_591, %dma_start3A_592] : memref<8x125x64xbf16, #tpu.memory_space<vmem>> -> memref<1x125x64xbf16, #tpu.memory_space<vmem>>
      %dma_start3A_594 = tpu.memref_squeeze %dma_start3A_593 : memref<1x125x64xbf16, #tpu.memory_space<vmem>> -> memref<125x64xbf16, #tpu.memory_space<vmem>>
      %dma_start3A_595 = arith.constant 0 : i32
      %dma_start3A_596 = tpu.memref_slice %arg8[%add3A_578, %dma_start3A_595] : memref<80x125xi32, #tpu.memory_space<vmem>> -> memref<1x125xi32, #tpu.memory_space<vmem>>
      %dma_start3A_597 = tpu.memref_squeeze %dma_start3A_596 : memref<1x125xi32, #tpu.memory_space<vmem>> -> memref<125xi32, #tpu.memory_space<vmem>>
      %dma_start3A_598 = arith.constant 0 : i32
      %dma_start3A_599 = arith.constant 0 : i32
      %dma_start3A_600 = tpu.memref_slice %arg11[%dma_start3A_598, %dma_start3A_599] : memref<10240x64xbf16, #tpu.memory_space<vmem_shared>> -> memref<10240x64xbf16, #tpu.memory_space<vmem_shared>>
      tpu.enqueue_indirect_dma source(%dma_start3A_594 : memref<125x64xbf16, #tpu.memory_space<vmem>>) target(%dma_start3A_600 : memref<10240x64xbf16, #tpu.memory_space<vmem_shared>>) offsets(%dma_start3A_597 : memref<125xi32, #tpu.memory_space<vmem>>) semaphore(%arg27 : memref<!tpu.dma_semaphore, #tpu.memory_space<semaphore_mem>>) {add = true}
      %sub3A_601 = arith.constant 4 : i32
      %sub3A_602 = arith.subi %add3A_578, %sub3A_601 : i32
      %dma_wait3A_603 = arith.constant 3 : i32
      %dma_wait3A_604 = arith.constant 0 : i32
      %dma_wait3A_605 = arith.constant 0 : i32
      %dma_wait3A_606 = tpu.memref_slice %arg9[%dma_wait3A_603, %dma_wait3A_604, %dma_wait3A_605] : memref<8x125x64xbf16, #tpu.memory_space<vmem>> -> memref<1x125x64xbf16, #tpu.memory_space<vmem>>
      %dma_wait3A_607 = tpu.memref_squeeze %dma_wait3A_606 : memref<1x125x64xbf16, #tpu.memory_space<vmem>> -> memref<125x64xbf16, #tpu.memory_space<vmem>>
      %dma_wait3A_608 = arith.constant 0 : i32
      %dma_wait3A_609 = tpu.memref_slice %arg8[%sub3A_602, %dma_wait3A_608] : memref<80x125xi32, #tpu.memory_space<vmem>> -> memref<1x125xi32, #tpu.memory_space<vmem>>
      %dma_wait3A_610 = tpu.memref_squeeze %dma_wait3A_609 : memref<1x125xi32, #tpu.memory_space<vmem>> -> memref<125xi32, #tpu.memory_space<vmem>>
      %dma_wait3A_611 = arith.constant 0 : i32
      %dma_wait3A_612 = arith.constant 0 : i32
      %dma_wait3A_613 = tpu.memref_slice %arg11[%dma_wait3A_611, %dma_wait3A_612] : memref<10240x64xbf16, #tpu.memory_space<vmem_shared>> -> memref<10240x64xbf16, #tpu.memory_space<vmem_shared>>
      tpu.wait_indirect_dma semaphore(%arg23 : memref<!tpu.dma_semaphore, #tpu.memory_space<semaphore_mem>>) src(%dma_wait3A_607 : memref<125x64xbf16, #tpu.memory_space<vmem>>) dst(%dma_wait3A_613 : memref<10240x64xbf16, #tpu.memory_space<vmem_shared>>)
      %add3A_614 = arith.constant 4 : i32
      %add3A_615 = arith.addi %add3A_578, %add3A_614 : i32
      %dma_start3A_616 = arith.constant 3 : i32
      %dma_start3A_617 = arith.constant 0 : i32
      %dma_start3A_618 = arith.constant 0 : i32
      %dma_start3A_619 = tpu.memref_slice %arg9[%dma_start3A_616, %dma_start3A_617, %dma_start3A_618] : memref<8x125x64xbf16, #tpu.memory_space<vmem>> -> memref<1x125x64xbf16, #tpu.memory_space<vmem>>
      %dma_start3A_620 = tpu.memref_squeeze %dma_start3A_619 : memref<1x125x64xbf16, #tpu.memory_space<vmem>> -> memref<125x64xbf16, #tpu.memory_space<vmem>>
      %dma_start3A_621 = arith.constant 0 : i32
      %dma_start3A_622 = tpu.memref_slice %arg7[%add3A_615, %dma_start3A_621] : memref<80x125xi32, #tpu.memory_space<vmem>> -> memref<1x125xi32, #tpu.memory_space<vmem>>
      %dma_start3A_623 = tpu.memref_squeeze %dma_start3A_622 : memref<1x125xi32, #tpu.memory_space<vmem>> -> memref<125xi32, #tpu.memory_space<vmem>>
      %dma_start3A_624 = arith.constant 0 : i32
      %dma_start3A_625 = arith.constant 0 : i32
      %dma_start3A_626 = tpu.memref_slice %arg2[%dma_start3A_624, %dma_start3A_625] : memref<10000x64xbf16, #tpu.memory_space<hbm>> -> memref<10000x64xbf16, #tpu.memory_space<hbm>>
      tpu.enqueue_indirect_dma source(%dma_start3A_626 : memref<10000x64xbf16, #tpu.memory_space<hbm>>) target(%dma_start3A_620 : memref<125x64xbf16, #tpu.memory_space<vmem>>) offsets(%dma_start3A_623 : memref<125xi32, #tpu.memory_space<vmem>>) semaphore(%arg15 : memref<!tpu.dma_semaphore, #tpu.memory_space<semaphore_mem>>)
      %mul3A_627 = arith.constant 8 : i32
      %mul3A_628 = arith.muli %scan3A_411, %mul3A_627 : i32
      %add3A_629 = arith.constant 4 : i32
      %add3A_630 = arith.addi %add3A_629, %mul3A_628 : i32
      %add3A_631 = arith.constant 4 : i32
      %add3A_632 = arith.addi %add3A_630, %add3A_631 : i32
      %dma_wait3A_633 = arith.constant 0 : i32
      %dma_wait3A_634 = arith.constant 0 : i32
      %dma_wait3A_635 = arith.constant 0 : i32
      %dma_wait3A_636 = tpu.memref_slice %arg9[%dma_wait3A_633, %dma_wait3A_634, %dma_wait3A_635] : memref<8x125x64xbf16, #tpu.memory_space<vmem>> -> memref<1x125x64xbf16, #tpu.memory_space<vmem>>
      %dma_wait3A_637 = tpu.memref_squeeze %dma_wait3A_636 : memref<1x125x64xbf16, #tpu.memory_space<vmem>> -> memref<125x64xbf16, #tpu.memory_space<vmem>>
      %dma_wait3A_638 = arith.constant 0 : i32
      %dma_wait3A_639 = tpu.memref_slice %arg7[%add3A_632, %dma_wait3A_638] : memref<80x125xi32, #tpu.memory_space<vmem>> -> memref<1x125xi32, #tpu.memory_space<vmem>>
      %dma_wait3A_640 = tpu.memref_squeeze %dma_wait3A_639 : memref<1x125xi32, #tpu.memory_space<vmem>> -> memref<125xi32, #tpu.memory_space<vmem>>
      %dma_wait3A_641 = arith.constant 0 : i32
      %dma_wait3A_642 = arith.constant 0 : i32
      %dma_wait3A_643 = tpu.memref_slice %arg2[%dma_wait3A_641, %dma_wait3A_642] : memref<10000x64xbf16, #tpu.memory_space<hbm>> -> memref<10000x64xbf16, #tpu.memory_space<hbm>>
      tpu.wait_indirect_dma semaphore(%arg12 : memref<!tpu.dma_semaphore, #tpu.memory_space<semaphore_mem>>) src(%dma_wait3A_643 : memref<10000x64xbf16, #tpu.memory_space<hbm>>) dst(%dma_wait3A_637 : memref<125x64xbf16, #tpu.memory_space<vmem>>)
      %dma_start3A_644 = arith.constant 0 : i32
      %dma_start3A_645 = arith.constant 0 : i32
      %dma_start3A_646 = arith.constant 0 : i32
      %dma_start3A_647 = tpu.memref_slice %arg9[%dma_start3A_644, %dma_start3A_645, %dma_start3A_646] : memref<8x125x64xbf16, #tpu.memory_space<vmem>> -> memref<1x125x64xbf16, #tpu.memory_space<vmem>>
      %dma_start3A_648 = tpu.memref_squeeze %dma_start3A_647 : memref<1x125x64xbf16, #tpu.memory_space<vmem>> -> memref<125x64xbf16, #tpu.memory_space<vmem>>
      %dma_start3A_649 = arith.constant 0 : i32
      %dma_start3A_650 = tpu.memref_slice %arg8[%add3A_632, %dma_start3A_649] : memref<80x125xi32, #tpu.memory_space<vmem>> -> memref<1x125xi32, #tpu.memory_space<vmem>>
      %dma_start3A_651 = tpu.memref_squeeze %dma_start3A_650 : memref<1x125xi32, #tpu.memory_space<vmem>> -> memref<125xi32, #tpu.memory_space<vmem>>
      %dma_start3A_652 = arith.constant 0 : i32
      %dma_start3A_653 = arith.constant 0 : i32
      %dma_start3A_654 = tpu.memref_slice %arg10[%dma_start3A_652, %dma_start3A_653] : memref<10240x64xbf16, #tpu.memory_space<vmem_shared>> -> memref<10240x64xbf16, #tpu.memory_space<vmem_shared>>
      tpu.enqueue_indirect_dma source(%dma_start3A_648 : memref<125x64xbf16, #tpu.memory_space<vmem>>) target(%dma_start3A_654 : memref<10240x64xbf16, #tpu.memory_space<vmem_shared>>) offsets(%dma_start3A_651 : memref<125xi32, #tpu.memory_space<vmem>>) semaphore(%arg20 : memref<!tpu.dma_semaphore, #tpu.memory_space<semaphore_mem>>) {add = true}
      %sub3A_655 = arith.constant 4 : i32
      %sub3A_656 = arith.subi %add3A_632, %sub3A_655 : i32
      %dma_wait3A_657 = arith.constant 4 : i32
      %dma_wait3A_658 = arith.constant 0 : i32
      %dma_wait3A_659 = arith.constant 0 : i32
      %dma_wait3A_660 = tpu.memref_slice %arg9[%dma_wait3A_657, %dma_wait3A_658, %dma_wait3A_659] : memref<8x125x64xbf16, #tpu.memory_space<vmem>> -> memref<1x125x64xbf16, #tpu.memory_space<vmem>>
      %dma_wait3A_661 = tpu.memref_squeeze %dma_wait3A_660 : memref<1x125x64xbf16, #tpu.memory_space<vmem>> -> memref<125x64xbf16, #tpu.memory_space<vmem>>
      %dma_wait3A_662 = arith.constant 0 : i32
      %dma_wait3A_663 = tpu.memref_slice %arg8[%sub3A_656, %dma_wait3A_662] : memref<80x125xi32, #tpu.memory_space<vmem>> -> memref<1x125xi32, #tpu.memory_space<vmem>>
      %dma_wait3A_664 = tpu.memref_squeeze %dma_wait3A_663 : memref<1x125xi32, #tpu.memory_space<vmem>> -> memref<125xi32, #tpu.memory_space<vmem>>
      %dma_wait3A_665 = arith.constant 0 : i32
      %dma_wait3A_666 = arith.constant 0 : i32
      %dma_wait3A_667 = tpu.memref_slice %arg10[%dma_wait3A_665, %dma_wait3A_666] : memref<10240x64xbf16, #tpu.memory_space<vmem_shared>> -> memref<10240x64xbf16, #tpu.memory_space<vmem_shared>>
      tpu.wait_indirect_dma semaphore(%arg24 : memref<!tpu.dma_semaphore, #tpu.memory_space<semaphore_mem>>) src(%dma_wait3A_661 : memref<125x64xbf16, #tpu.memory_space<vmem>>) dst(%dma_wait3A_667 : memref<10240x64xbf16, #tpu.memory_space<vmem_shared>>)
      %add3A_668 = arith.constant 4 : i32
      %add3A_669 = arith.addi %add3A_632, %add3A_668 : i32
      %dma_start3A_670 = arith.constant 4 : i32
      %dma_start3A_671 = arith.constant 0 : i32
      %dma_start3A_672 = arith.constant 0 : i32
      %dma_start3A_673 = tpu.memref_slice %arg9[%dma_start3A_670, %dma_start3A_671, %dma_start3A_672] : memref<8x125x64xbf16, #tpu.memory_space<vmem>> -> memref<1x125x64xbf16, #tpu.memory_space<vmem>>
      %dma_start3A_674 = tpu.memref_squeeze %dma_start3A_673 : memref<1x125x64xbf16, #tpu.memory_space<vmem>> -> memref<125x64xbf16, #tpu.memory_space<vmem>>
      %dma_start3A_675 = arith.constant 0 : i32
      %dma_start3A_676 = tpu.memref_slice %arg7[%add3A_669, %dma_start3A_675] : memref<80x125xi32, #tpu.memory_space<vmem>> -> memref<1x125xi32, #tpu.memory_space<vmem>>
      %dma_start3A_677 = tpu.memref_squeeze %dma_start3A_676 : memref<1x125xi32, #tpu.memory_space<vmem>> -> memref<125xi32, #tpu.memory_space<vmem>>
      %dma_start3A_678 = arith.constant 0 : i32
      %dma_start3A_679 = arith.constant 0 : i32
      %dma_start3A_680 = tpu.memref_slice %arg2[%dma_start3A_678, %dma_start3A_679] : memref<10000x64xbf16, #tpu.memory_space<hbm>> -> memref<10000x64xbf16, #tpu.memory_space<hbm>>
      tpu.enqueue_indirect_dma source(%dma_start3A_680 : memref<10000x64xbf16, #tpu.memory_space<hbm>>) target(%dma_start3A_674 : memref<125x64xbf16, #tpu.memory_space<vmem>>) offsets(%dma_start3A_677 : memref<125xi32, #tpu.memory_space<vmem>>) semaphore(%arg16 : memref<!tpu.dma_semaphore, #tpu.memory_space<semaphore_mem>>)
      %mul3A_681 = arith.constant 8 : i32
      %mul3A_682 = arith.muli %scan3A_411, %mul3A_681 : i32
      %add3A_683 = arith.constant 4 : i32
      %add3A_684 = arith.addi %add3A_683, %mul3A_682 : i32
      %add3A_685 = arith.constant 5 : i32
      %add3A_686 = arith.addi %add3A_684, %add3A_685 : i32
      %dma_wait3A_687 = arith.constant 1 : i32
      %dma_wait3A_688 = arith.constant 0 : i32
      %dma_wait3A_689 = arith.constant 0 : i32
      %dma_wait3A_690 = tpu.memref_slice %arg9[%dma_wait3A_687, %dma_wait3A_688, %dma_wait3A_689] : memref<8x125x64xbf16, #tpu.memory_space<vmem>> -> memref<1x125x64xbf16, #tpu.memory_space<vmem>>
      %dma_wait3A_691 = tpu.memref_squeeze %dma_wait3A_690 : memref<1x125x64xbf16, #tpu.memory_space<vmem>> -> memref<125x64xbf16, #tpu.memory_space<vmem>>
      %dma_wait3A_692 = arith.constant 0 : i32
      %dma_wait3A_693 = tpu.memref_slice %arg7[%add3A_686, %dma_wait3A_692] : memref<80x125xi32, #tpu.memory_space<vmem>> -> memref<1x125xi32, #tpu.memory_space<vmem>>
      %dma_wait3A_694 = tpu.memref_squeeze %dma_wait3A_693 : memref<1x125xi32, #tpu.memory_space<vmem>> -> memref<125xi32, #tpu.memory_space<vmem>>
      %dma_wait3A_695 = arith.constant 0 : i32
      %dma_wait3A_696 = arith.constant 0 : i32
      %dma_wait3A_697 = tpu.memref_slice %arg2[%dma_wait3A_695, %dma_wait3A_696] : memref<10000x64xbf16, #tpu.memory_space<hbm>> -> memref<10000x64xbf16, #tpu.memory_space<hbm>>
      tpu.wait_indirect_dma semaphore(%arg13 : memref<!tpu.dma_semaphore, #tpu.memory_space<semaphore_mem>>) src(%dma_wait3A_697 : memref<10000x64xbf16, #tpu.memory_space<hbm>>) dst(%dma_wait3A_691 : memref<125x64xbf16, #tpu.memory_space<vmem>>)
      %dma_start3A_698 = arith.constant 1 : i32
      %dma_start3A_699 = arith.constant 0 : i32
      %dma_start3A_700 = arith.constant 0 : i32
      %dma_start3A_701 = tpu.memref_slice %arg9[%dma_start3A_698, %dma_start3A_699, %dma_start3A_700] : memref<8x125x64xbf16, #tpu.memory_space<vmem>> -> memref<1x125x64xbf16, #tpu.memory_space<vmem>>
      %dma_start3A_702 = tpu.memref_squeeze %dma_start3A_701 : memref<1x125x64xbf16, #tpu.memory_space<vmem>> -> memref<125x64xbf16, #tpu.memory_space<vmem>>
      %dma_start3A_703 = arith.constant 0 : i32
      %dma_start3A_704 = tpu.memref_slice %arg8[%add3A_686, %dma_start3A_703] : memref<80x125xi32, #tpu.memory_space<vmem>> -> memref<1x125xi32, #tpu.memory_space<vmem>>
      %dma_start3A_705 = tpu.memref_squeeze %dma_start3A_704 : memref<1x125xi32, #tpu.memory_space<vmem>> -> memref<125xi32, #tpu.memory_space<vmem>>
      %dma_start3A_706 = arith.constant 0 : i32
      %dma_start3A_707 = arith.constant 0 : i32
      %dma_start3A_708 = tpu.memref_slice %arg11[%dma_start3A_706, %dma_start3A_707] : memref<10240x64xbf16, #tpu.memory_space<vmem_shared>> -> memref<10240x64xbf16, #tpu.memory_space<vmem_shared>>
      tpu.enqueue_indirect_dma source(%dma_start3A_702 : memref<125x64xbf16, #tpu.memory_space<vmem>>) target(%dma_start3A_708 : memref<10240x64xbf16, #tpu.memory_space<vmem_shared>>) offsets(%dma_start3A_705 : memref<125xi32, #tpu.memory_space<vmem>>) semaphore(%arg21 : memref<!tpu.dma_semaphore, #tpu.memory_space<semaphore_mem>>) {add = true}
      %sub3A_709 = arith.constant 4 : i32
      %sub3A_710 = arith.subi %add3A_686, %sub3A_709 : i32
      %dma_wait3A_711 = arith.constant 5 : i32
      %dma_wait3A_712 = arith.constant 0 : i32
      %dma_wait3A_713 = arith.constant 0 : i32
      %dma_wait3A_714 = tpu.memref_slice %arg9[%dma_wait3A_711, %dma_wait3A_712, %dma_wait3A_713] : memref<8x125x64xbf16, #tpu.memory_space<vmem>> -> memref<1x125x64xbf16, #tpu.memory_space<vmem>>
      %dma_wait3A_715 = tpu.memref_squeeze %dma_wait3A_714 : memref<1x125x64xbf16, #tpu.memory_space<vmem>> -> memref<125x64xbf16, #tpu.memory_space<vmem>>
      %dma_wait3A_716 = arith.constant 0 : i32
      %dma_wait3A_717 = tpu.memref_slice %arg8[%sub3A_710, %dma_wait3A_716] : memref<80x125xi32, #tpu.memory_space<vmem>> -> memref<1x125xi32, #tpu.memory_space<vmem>>
      %dma_wait3A_718 = tpu.memref_squeeze %dma_wait3A_717 : memref<1x125xi32, #tpu.memory_space<vmem>> -> memref<125xi32, #tpu.memory_space<vmem>>
      %dma_wait3A_719 = arith.constant 0 : i32
      %dma_wait3A_720 = arith.constant 0 : i32
      %dma_wait3A_721 = tpu.memref_slice %arg11[%dma_wait3A_719, %dma_wait3A_720] : memref<10240x64xbf16, #tpu.memory_space<vmem_shared>> -> memref<10240x64xbf16, #tpu.memory_space<vmem_shared>>
      tpu.wait_indirect_dma semaphore(%arg25 : memref<!tpu.dma_semaphore, #tpu.memory_space<semaphore_mem>>) src(%dma_wait3A_715 : memref<125x64xbf16, #tpu.memory_space<vmem>>) dst(%dma_wait3A_721 : memref<10240x64xbf16, #tpu.memory_space<vmem_shared>>)
      %add3A_722 = arith.constant 4 : i32
      %add3A_723 = arith.addi %add3A_686, %add3A_722 : i32
      %dma_start3A_724 = arith.constant 5 : i32
      %dma_start3A_725 = arith.constant 0 : i32
      %dma_start3A_726 = arith.constant 0 : i32
      %dma_start3A_727 = tpu.memref_slice %arg9[%dma_start3A_724, %dma_start3A_725, %dma_start3A_726] : memref<8x125x64xbf16, #tpu.memory_space<vmem>> -> memref<1x125x64xbf16, #tpu.memory_space<vmem>>
      %dma_start3A_728 = tpu.memref_squeeze %dma_start3A_727 : memref<1x125x64xbf16, #tpu.memory_space<vmem>> -> memref<125x64xbf16, #tpu.memory_space<vmem>>
      %dma_start3A_729 = arith.constant 0 : i32
      %dma_start3A_730 = tpu.memref_slice %arg7[%add3A_723, %dma_start3A_729] : memref<80x125xi32, #tpu.memory_space<vmem>> -> memref<1x125xi32, #tpu.memory_space<vmem>>
      %dma_start3A_731 = tpu.memref_squeeze %dma_start3A_730 : memref<1x125xi32, #tpu.memory_space<vmem>> -> memref<125xi32, #tpu.memory_space<vmem>>
      %dma_start3A_732 = arith.constant 0 : i32
      %dma_start3A_733 = arith.constant 0 : i32
      %dma_start3A_734 = tpu.memref_slice %arg2[%dma_start3A_732, %dma_start3A_733] : memref<10000x64xbf16, #tpu.memory_space<hbm>> -> memref<10000x64xbf16, #tpu.memory_space<hbm>>
      tpu.enqueue_indirect_dma source(%dma_start3A_734 : memref<10000x64xbf16, #tpu.memory_space<hbm>>) target(%dma_start3A_728 : memref<125x64xbf16, #tpu.memory_space<vmem>>) offsets(%dma_start3A_731 : memref<125xi32, #tpu.memory_space<vmem>>) semaphore(%arg17 : memref<!tpu.dma_semaphore, #tpu.memory_space<semaphore_mem>>)
      %mul3A_735 = arith.constant 8 : i32
      %mul3A_736 = arith.muli %scan3A_411, %mul3A_735 : i32
      %add3A_737 = arith.constant 4 : i32
      %add3A_738 = arith.addi %add3A_737, %mul3A_736 : i32
      %add3A_739 = arith.constant 6 : i32
      %add3A_740 = arith.addi %add3A_738, %add3A_739 : i32
      %dma_wait3A_741 = arith.constant 2 : i32
      %dma_wait3A_742 = arith.constant 0 : i32
      %dma_wait3A_743 = arith.constant 0 : i32
      %dma_wait3A_744 = tpu.memref_slice %arg9[%dma_wait3A_741, %dma_wait3A_742, %dma_wait3A_743] : memref<8x125x64xbf16, #tpu.memory_space<vmem>> -> memref<1x125x64xbf16, #tpu.memory_space<vmem>>
      %dma_wait3A_745 = tpu.memref_squeeze %dma_wait3A_744 : memref<1x125x64xbf16, #tpu.memory_space<vmem>> -> memref<125x64xbf16, #tpu.memory_space<vmem>>
      %dma_wait3A_746 = arith.constant 0 : i32
      %dma_wait3A_747 = tpu.memref_slice %arg7[%add3A_740, %dma_wait3A_746] : memref<80x125xi32, #tpu.memory_space<vmem>> -> memref<1x125xi32, #tpu.memory_space<vmem>>
      %dma_wait3A_748 = tpu.memref_squeeze %dma_wait3A_747 : memref<1x125xi32, #tpu.memory_space<vmem>> -> memref<125xi32, #tpu.memory_space<vmem>>
      %dma_wait3A_749 = arith.constant 0 : i32
      %dma_wait3A_750 = arith.constant 0 : i32
      %dma_wait3A_751 = tpu.memref_slice %arg2[%dma_wait3A_749, %dma_wait3A_750] : memref<10000x64xbf16, #tpu.memory_space<hbm>> -> memref<10000x64xbf16, #tpu.memory_space<hbm>>
      tpu.wait_indirect_dma semaphore(%arg14 : memref<!tpu.dma_semaphore, #tpu.memory_space<semaphore_mem>>) src(%dma_wait3A_751 : memref<10000x64xbf16, #tpu.memory_space<hbm>>) dst(%dma_wait3A_745 : memref<125x64xbf16, #tpu.memory_space<vmem>>)
      %dma_start3A_752 = arith.constant 2 : i32
      %dma_start3A_753 = arith.constant 0 : i32
      %dma_start3A_754 = arith.constant 0 : i32
      %dma_start3A_755 = tpu.memref_slice %arg9[%dma_start3A_752, %dma_start3A_753, %dma_start3A_754] : memref<8x125x64xbf16, #tpu.memory_space<vmem>> -> memref<1x125x64xbf16, #tpu.memory_space<vmem>>
      %dma_start3A_756 = tpu.memref_squeeze %dma_start3A_755 : memref<1x125x64xbf16, #tpu.memory_space<vmem>> -> memref<125x64xbf16, #tpu.memory_space<vmem>>
      %dma_start3A_757 = arith.constant 0 : i32
      %dma_start3A_758 = tpu.memref_slice %arg8[%add3A_740, %dma_start3A_757] : memref<80x125xi32, #tpu.memory_space<vmem>> -> memref<1x125xi32, #tpu.memory_space<vmem>>
      %dma_start3A_759 = tpu.memref_squeeze %dma_start3A_758 : memref<1x125xi32, #tpu.memory_space<vmem>> -> memref<125xi32, #tpu.memory_space<vmem>>
      %dma_start3A_760 = arith.constant 0 : i32
      %dma_start3A_761 = arith.constant 0 : i32
      %dma_start3A_762 = tpu.memref_slice %arg10[%dma_start3A_760, %dma_start3A_761] : memref<10240x64xbf16, #tpu.memory_space<vmem_shared>> -> memref<10240x64xbf16, #tpu.memory_space<vmem_shared>>
      tpu.enqueue_indirect_dma source(%dma_start3A_756 : memref<125x64xbf16, #tpu.memory_space<vmem>>) target(%dma_start3A_762 : memref<10240x64xbf16, #tpu.memory_space<vmem_shared>>) offsets(%dma_start3A_759 : memref<125xi32, #tpu.memory_space<vmem>>) semaphore(%arg22 : memref<!tpu.dma_semaphore, #tpu.memory_space<semaphore_mem>>) {add = true}
      %sub3A_763 = arith.constant 4 : i32
      %sub3A_764 = arith.subi %add3A_740, %sub3A_763 : i32
      %dma_wait3A_765 = arith.constant 6 : i32
      %dma_wait3A_766 = arith.constant 0 : i32
      %dma_wait3A_767 = arith.constant 0 : i32
      %dma_wait3A_768 = tpu.memref_slice %arg9[%dma_wait3A_765, %dma_wait3A_766, %dma_wait3A_767] : memref<8x125x64xbf16, #tpu.memory_space<vmem>> -> memref<1x125x64xbf16, #tpu.memory_space<vmem>>
      %dma_wait3A_769 = tpu.memref_squeeze %dma_wait3A_768 : memref<1x125x64xbf16, #tpu.memory_space<vmem>> -> memref<125x64xbf16, #tpu.memory_space<vmem>>
      %dma_wait3A_770 = arith.constant 0 : i32
      %dma_wait3A_771 = tpu.memref_slice %arg8[%sub3A_764, %dma_wait3A_770] : memref<80x125xi32, #tpu.memory_space<vmem>> -> memref<1x125xi32, #tpu.memory_space<vmem>>
      %dma_wait3A_772 = tpu.memref_squeeze %dma_wait3A_771 : memref<1x125xi32, #tpu.memory_space<vmem>> -> memref<125xi32, #tpu.memory_space<vmem>>
      %dma_wait3A_773 = arith.constant 0 : i32
      %dma_wait3A_774 = arith.constant 0 : i32
      %dma_wait3A_775 = tpu.memref_slice %arg10[%dma_wait3A_773, %dma_wait3A_774] : memref<10240x64xbf16, #tpu.memory_space<vmem_shared>> -> memref<10240x64xbf16, #tpu.memory_space<vmem_shared>>
      tpu.wait_indirect_dma semaphore(%arg26 : memref<!tpu.dma_semaphore, #tpu.memory_space<semaphore_mem>>) src(%dma_wait3A_769 : memref<125x64xbf16, #tpu.memory_space<vmem>>) dst(%dma_wait3A_775 : memref<10240x64xbf16, #tpu.memory_space<vmem_shared>>)
      %add3A_776 = arith.constant 4 : i32
      %add3A_777 = arith.addi %add3A_740, %add3A_776 : i32
      %dma_start3A_778 = arith.constant 6 : i32
      %dma_start3A_779 = arith.constant 0 : i32
      %dma_start3A_780 = arith.constant 0 : i32
      %dma_start3A_781 = tpu.memref_slice %arg9[%dma_start3A_778, %dma_start3A_779, %dma_start3A_780] : memref<8x125x64xbf16, #tpu.memory_space<vmem>> -> memref<1x125x64xbf16, #tpu.memory_space<vmem>>
      %dma_start3A_782 = tpu.memref_squeeze %dma_start3A_781 : memref<1x125x64xbf16, #tpu.memory_space<vmem>> -> memref<125x64xbf16, #tpu.memory_space<vmem>>
      %dma_start3A_783 = arith.constant 0 : i32
      %dma_start3A_784 = tpu.memref_slice %arg7[%add3A_777, %dma_start3A_783] : memref<80x125xi32, #tpu.memory_space<vmem>> -> memref<1x125xi32, #tpu.memory_space<vmem>>
      %dma_start3A_785 = tpu.memref_squeeze %dma_start3A_784 : memref<1x125xi32, #tpu.memory_space<vmem>> -> memref<125xi32, #tpu.memory_space<vmem>>
      %dma_start3A_786 = arith.constant 0 : i32
      %dma_start3A_787 = arith.constant 0 : i32
      %dma_start3A_788 = tpu.memref_slice %arg2[%dma_start3A_786, %dma_start3A_787] : memref<10000x64xbf16, #tpu.memory_space<hbm>> -> memref<10000x64xbf16, #tpu.memory_space<hbm>>
      tpu.enqueue_indirect_dma source(%dma_start3A_788 : memref<10000x64xbf16, #tpu.memory_space<hbm>>) target(%dma_start3A_782 : memref<125x64xbf16, #tpu.memory_space<vmem>>) offsets(%dma_start3A_785 : memref<125xi32, #tpu.memory_space<vmem>>) semaphore(%arg18 : memref<!tpu.dma_semaphore, #tpu.memory_space<semaphore_mem>>)
      %mul3A_789 = arith.constant 8 : i32
      %mul3A_790 = arith.muli %scan3A_411, %mul3A_789 : i32
      %add3A_791 = arith.constant 4 : i32
      %add3A_792 = arith.addi %add3A_791, %mul3A_790 : i32
      %add3A_793 = arith.constant 7 : i32
      %add3A_794 = arith.addi %add3A_792, %add3A_793 : i32
      %dma_wait3A_795 = arith.constant 3 : i32
      %dma_wait3A_796 = arith.constant 0 : i32
      %dma_wait3A_797 = arith.constant 0 : i32
      %dma_wait3A_798 = tpu.memref_slice %arg9[%dma_wait3A_795, %dma_wait3A_796, %dma_wait3A_797] : memref<8x125x64xbf16, #tpu.memory_space<vmem>> -> memref<1x125x64xbf16, #tpu.memory_space<vmem>>
      %dma_wait3A_799 = tpu.memref_squeeze %dma_wait3A_798 : memref<1x125x64xbf16, #tpu.memory_space<vmem>> -> memref<125x64xbf16, #tpu.memory_space<vmem>>
      %dma_wait3A_800 = arith.constant 0 : i32
      %dma_wait3A_801 = tpu.memref_slice %arg7[%add3A_794, %dma_wait3A_800] : memref<80x125xi32, #tpu.memory_space<vmem>> -> memref<1x125xi32, #tpu.memory_space<vmem>>
      %dma_wait3A_802 = tpu.memref_squeeze %dma_wait3A_801 : memref<1x125xi32, #tpu.memory_space<vmem>> -> memref<125xi32, #tpu.memory_space<vmem>>
      %dma_wait3A_803 = arith.constant 0 : i32
      %dma_wait3A_804 = arith.constant 0 : i32
      %dma_wait3A_805 = tpu.memref_slice %arg2[%dma_wait3A_803, %dma_wait3A_804] : memref<10000x64xbf16, #tpu.memory_space<hbm>> -> memref<10000x64xbf16, #tpu.memory_space<hbm>>
      tpu.wait_indirect_dma semaphore(%arg15 : memref<!tpu.dma_semaphore, #tpu.memory_space<semaphore_mem>>) src(%dma_wait3A_805 : memref<10000x64xbf16, #tpu.memory_space<hbm>>) dst(%dma_wait3A_799 : memref<125x64xbf16, #tpu.memory_space<vmem>>)
      %dma_start3A_806 = arith.constant 3 : i32
      %dma_start3A_807 = arith.constant 0 : i32
      %dma_start3A_808 = arith.constant 0 : i32
      %dma_start3A_809 = tpu.memref_slice %arg9[%dma_start3A_806, %dma_start3A_807, %dma_start3A_808] : memref<8x125x64xbf16, #tpu.memory_space<vmem>> -> memref<1x125x64xbf16, #tpu.memory_space<vmem>>
      %dma_start3A_810 = tpu.memref_squeeze %dma_start3A_809 : memref<1x125x64xbf16, #tpu.memory_space<vmem>> -> memref<125x64xbf16, #tpu.memory_space<vmem>>
      %dma_start3A_811 = arith.constant 0 : i32
      %dma_start3A_812 = tpu.memref_slice %arg8[%add3A_794, %dma_start3A_811] : memref<80x125xi32, #tpu.memory_space<vmem>> -> memref<1x125xi32, #tpu.memory_space<vmem>>
      %dma_start3A_813 = tpu.memref_squeeze %dma_start3A_812 : memref<1x125xi32, #tpu.memory_space<vmem>> -> memref<125xi32, #tpu.memory_space<vmem>>
      %dma_start3A_814 = arith.constant 0 : i32
      %dma_start3A_815 = arith.constant 0 : i32
      %dma_start3A_816 = tpu.memref_slice %arg11[%dma_start3A_814, %dma_start3A_815] : memref<10240x64xbf16, #tpu.memory_space<vmem_shared>> -> memref<10240x64xbf16, #tpu.memory_space<vmem_shared>>
      tpu.enqueue_indirect_dma source(%dma_start3A_810 : memref<125x64xbf16, #tpu.memory_space<vmem>>) target(%dma_start3A_816 : memref<10240x64xbf16, #tpu.memory_space<vmem_shared>>) offsets(%dma_start3A_813 : memref<125xi32, #tpu.memory_space<vmem>>) semaphore(%arg23 : memref<!tpu.dma_semaphore, #tpu.memory_space<semaphore_mem>>) {add = true}
      %sub3A_817 = arith.constant 4 : i32
      %sub3A_818 = arith.subi %add3A_794, %sub3A_817 : i32
      %dma_wait3A_819 = arith.constant 7 : i32
      %dma_wait3A_820 = arith.constant 0 : i32
      %dma_wait3A_821 = arith.constant 0 : i32
      %dma_wait3A_822 = tpu.memref_slice %arg9[%dma_wait3A_819, %dma_wait3A_820, %dma_wait3A_821] : memref<8x125x64xbf16, #tpu.memory_space<vmem>> -> memref<1x125x64xbf16, #tpu.memory_space<vmem>>
      %dma_wait3A_823 = tpu.memref_squeeze %dma_wait3A_822 : memref<1x125x64xbf16, #tpu.memory_space<vmem>> -> memref<125x64xbf16, #tpu.memory_space<vmem>>
      %dma_wait3A_824 = arith.constant 0 : i32
      %dma_wait3A_825 = tpu.memref_slice %arg8[%sub3A_818, %dma_wait3A_824] : memref<80x125xi32, #tpu.memory_space<vmem>> -> memref<1x125xi32, #tpu.memory_space<vmem>>
      %dma_wait3A_826 = tpu.memref_squeeze %dma_wait3A_825 : memref<1x125xi32, #tpu.memory_space<vmem>> -> memref<125xi32, #tpu.memory_space<vmem>>
      %dma_wait3A_827 = arith.constant 0 : i32
      %dma_wait3A_828 = arith.constant 0 : i32
      %dma_wait3A_829 = tpu.memref_slice %arg11[%dma_wait3A_827, %dma_wait3A_828] : memref<10240x64xbf16, #tpu.memory_space<vmem_shared>> -> memref<10240x64xbf16, #tpu.memory_space<vmem_shared>>
      tpu.wait_indirect_dma semaphore(%arg27 : memref<!tpu.dma_semaphore, #tpu.memory_space<semaphore_mem>>) src(%dma_wait3A_823 : memref<125x64xbf16, #tpu.memory_space<vmem>>) dst(%dma_wait3A_829 : memref<10240x64xbf16, #tpu.memory_space<vmem_shared>>)
      %add3A_830 = arith.constant 4 : i32
      %add3A_831 = arith.addi %add3A_794, %add3A_830 : i32
      %dma_start3A_832 = arith.constant 7 : i32
      %dma_start3A_833 = arith.constant 0 : i32
      %dma_start3A_834 = arith.constant 0 : i32
      %dma_start3A_835 = tpu.memref_slice %arg9[%dma_start3A_832, %dma_start3A_833, %dma_start3A_834] : memref<8x125x64xbf16, #tpu.memory_space<vmem>> -> memref<1x125x64xbf16, #tpu.memory_space<vmem>>
      %dma_start3A_836 = tpu.memref_squeeze %dma_start3A_835 : memref<1x125x64xbf16, #tpu.memory_space<vmem>> -> memref<125x64xbf16, #tpu.memory_space<vmem>>
      %dma_start3A_837 = arith.constant 0 : i32
      %dma_start3A_838 = tpu.memref_slice %arg7[%add3A_831, %dma_start3A_837] : memref<80x125xi32, #tpu.memory_space<vmem>> -> memref<1x125xi32, #tpu.memory_space<vmem>>
      %dma_start3A_839 = tpu.memref_squeeze %dma_start3A_838 : memref<1x125xi32, #tpu.memory_space<vmem>> -> memref<125xi32, #tpu.memory_space<vmem>>
      %dma_start3A_840 = arith.constant 0 : i32
      %dma_start3A_841 = arith.constant 0 : i32
      %dma_start3A_842 = tpu.memref_slice %arg2[%dma_start3A_840, %dma_start3A_841] : memref<10000x64xbf16, #tpu.memory_space<hbm>> -> memref<10000x64xbf16, #tpu.memory_space<hbm>>
      tpu.enqueue_indirect_dma source(%dma_start3A_842 : memref<10000x64xbf16, #tpu.memory_space<hbm>>) target(%dma_start3A_836 : memref<125x64xbf16, #tpu.memory_space<vmem>>) offsets(%dma_start3A_839 : memref<125xi32, #tpu.memory_space<vmem>>) semaphore(%arg19 : memref<!tpu.dma_semaphore, #tpu.memory_space<semaphore_mem>>)
    }
    %scan3A_203 = arith.constant 9 : i32
    %dma_wait3A_204 = arith.constant 76 : i32
    %dma_wait3A_205 = arith.constant 4 : i32
    %dma_wait3A_206 = arith.constant 0 : i32
    %dma_wait3A_207 = arith.constant 0 : i32
    %dma_wait3A_208 = tpu.memref_slice %arg9[%dma_wait3A_205, %dma_wait3A_206, %dma_wait3A_207] : memref<8x125x64xbf16, #tpu.memory_space<vmem>> -> memref<1x125x64xbf16, #tpu.memory_space<vmem>>
    %dma_wait3A_209 = tpu.memref_squeeze %dma_wait3A_208 : memref<1x125x64xbf16, #tpu.memory_space<vmem>> -> memref<125x64xbf16, #tpu.memory_space<vmem>>
    %dma_wait3A_210 = arith.constant 0 : i32
    %dma_wait3A_211 = tpu.memref_slice %arg7[%dma_wait3A_204, %dma_wait3A_210] : memref<80x125xi32, #tpu.memory_space<vmem>> -> memref<1x125xi32, #tpu.memory_space<vmem>>
    %dma_wait3A_212 = tpu.memref_squeeze %dma_wait3A_211 : memref<1x125xi32, #tpu.memory_space<vmem>> -> memref<125xi32, #tpu.memory_space<vmem>>
    %dma_wait3A_213 = arith.constant 0 : i32
    %dma_wait3A_214 = arith.constant 0 : i32
    %dma_wait3A_215 = tpu.memref_slice %arg2[%dma_wait3A_213, %dma_wait3A_214] : memref<10000x64xbf16, #tpu.memory_space<hbm>> -> memref<10000x64xbf16, #tpu.memory_space<hbm>>
    tpu.wait_indirect_dma semaphore(%arg16 : memref<!tpu.dma_semaphore, #tpu.memory_space<semaphore_mem>>) src(%dma_wait3A_215 : memref<10000x64xbf16, #tpu.memory_space<hbm>>) dst(%dma_wait3A_209 : memref<125x64xbf16, #tpu.memory_space<vmem>>)
    %dma_start3A_216 = arith.constant 4 : i32
    %dma_start3A_217 = arith.constant 76 : i32
    %dma_start3A_218 = arith.constant 0 : i32
    %dma_start3A_219 = arith.constant 0 : i32
    %dma_start3A_220 = tpu.memref_slice %arg9[%dma_start3A_216, %dma_start3A_218, %dma_start3A_219] : memref<8x125x64xbf16, #tpu.memory_space<vmem>> -> memref<1x125x64xbf16, #tpu.memory_space<vmem>>
    %dma_start3A_221 = tpu.memref_squeeze %dma_start3A_220 : memref<1x125x64xbf16, #tpu.memory_space<vmem>> -> memref<125x64xbf16, #tpu.memory_space<vmem>>
    %dma_start3A_222 = arith.constant 0 : i32
    %dma_start3A_223 = tpu.memref_slice %arg8[%dma_start3A_217, %dma_start3A_222] : memref<80x125xi32, #tpu.memory_space<vmem>> -> memref<1x125xi32, #tpu.memory_space<vmem>>
    %dma_start3A_224 = tpu.memref_squeeze %dma_start3A_223 : memref<1x125xi32, #tpu.memory_space<vmem>> -> memref<125xi32, #tpu.memory_space<vmem>>
    %dma_start3A_225 = arith.constant 0 : i32
    %dma_start3A_226 = arith.constant 0 : i32
    %dma_start3A_227 = tpu.memref_slice %arg10[%dma_start3A_225, %dma_start3A_226] : memref<10240x64xbf16, #tpu.memory_space<vmem_shared>> -> memref<10240x64xbf16, #tpu.memory_space<vmem_shared>>
    tpu.enqueue_indirect_dma source(%dma_start3A_221 : memref<125x64xbf16, #tpu.memory_space<vmem>>) target(%dma_start3A_227 : memref<10240x64xbf16, #tpu.memory_space<vmem_shared>>) offsets(%dma_start3A_224 : memref<125xi32, #tpu.memory_space<vmem>>) semaphore(%arg24 : memref<!tpu.dma_semaphore, #tpu.memory_space<semaphore_mem>>) {add = true}
    %dma_wait3A_228 = arith.constant 77 : i32
    %dma_wait3A_229 = arith.constant 5 : i32
    %dma_wait3A_230 = arith.constant 0 : i32
    %dma_wait3A_231 = arith.constant 0 : i32
    %dma_wait3A_232 = tpu.memref_slice %arg9[%dma_wait3A_229, %dma_wait3A_230, %dma_wait3A_231] : memref<8x125x64xbf16, #tpu.memory_space<vmem>> -> memref<1x125x64xbf16, #tpu.memory_space<vmem>>
    %dma_wait3A_233 = tpu.memref_squeeze %dma_wait3A_232 : memref<1x125x64xbf16, #tpu.memory_space<vmem>> -> memref<125x64xbf16, #tpu.memory_space<vmem>>
    %dma_wait3A_234 = arith.constant 0 : i32
    %dma_wait3A_235 = tpu.memref_slice %arg7[%dma_wait3A_228, %dma_wait3A_234] : memref<80x125xi32, #tpu.memory_space<vmem>> -> memref<1x125xi32, #tpu.memory_space<vmem>>
    %dma_wait3A_236 = tpu.memref_squeeze %dma_wait3A_235 : memref<1x125xi32, #tpu.memory_space<vmem>> -> memref<125xi32, #tpu.memory_space<vmem>>
    %dma_wait3A_237 = arith.constant 0 : i32
    %dma_wait3A_238 = arith.constant 0 : i32
    %dma_wait3A_239 = tpu.memref_slice %arg2[%dma_wait3A_237, %dma_wait3A_238] : memref<10000x64xbf16, #tpu.memory_space<hbm>> -> memref<10000x64xbf16, #tpu.memory_space<hbm>>
    tpu.wait_indirect_dma semaphore(%arg17 : memref<!tpu.dma_semaphore, #tpu.memory_space<semaphore_mem>>) src(%dma_wait3A_239 : memref<10000x64xbf16, #tpu.memory_space<hbm>>) dst(%dma_wait3A_233 : memref<125x64xbf16, #tpu.memory_space<vmem>>)
    %dma_start3A_240 = arith.constant 5 : i32
    %dma_start3A_241 = arith.constant 77 : i32
    %dma_start3A_242 = arith.constant 0 : i32
    %dma_start3A_243 = arith.constant 0 : i32
    %dma_start3A_244 = tpu.memref_slice %arg9[%dma_start3A_240, %dma_start3A_242, %dma_start3A_243] : memref<8x125x64xbf16, #tpu.memory_space<vmem>> -> memref<1x125x64xbf16, #tpu.memory_space<vmem>>
    %dma_start3A_245 = tpu.memref_squeeze %dma_start3A_244 : memref<1x125x64xbf16, #tpu.memory_space<vmem>> -> memref<125x64xbf16, #tpu.memory_space<vmem>>
    %dma_start3A_246 = arith.constant 0 : i32
    %dma_start3A_247 = tpu.memref_slice %arg8[%dma_start3A_241, %dma_start3A_246] : memref<80x125xi32, #tpu.memory_space<vmem>> -> memref<1x125xi32, #tpu.memory_space<vmem>>
    %dma_start3A_248 = tpu.memref_squeeze %dma_start3A_247 : memref<1x125xi32, #tpu.memory_space<vmem>> -> memref<125xi32, #tpu.memory_space<vmem>>
    %dma_start3A_249 = arith.constant 0 : i32
    %dma_start3A_250 = arith.constant 0 : i32
    %dma_start3A_251 = tpu.memref_slice %arg11[%dma_start3A_249, %dma_start3A_250] : memref<10240x64xbf16, #tpu.memory_space<vmem_shared>> -> memref<10240x64xbf16, #tpu.memory_space<vmem_shared>>
    tpu.enqueue_indirect_dma source(%dma_start3A_245 : memref<125x64xbf16, #tpu.memory_space<vmem>>) target(%dma_start3A_251 : memref<10240x64xbf16, #tpu.memory_space<vmem_shared>>) offsets(%dma_start3A_248 : memref<125xi32, #tpu.memory_space<vmem>>) semaphore(%arg25 : memref<!tpu.dma_semaphore, #tpu.memory_space<semaphore_mem>>) {add = true}
    %dma_wait3A_252 = arith.constant 78 : i32
    %dma_wait3A_253 = arith.constant 6 : i32
    %dma_wait3A_254 = arith.constant 0 : i32
    %dma_wait3A_255 = arith.constant 0 : i32
    %dma_wait3A_256 = tpu.memref_slice %arg9[%dma_wait3A_253, %dma_wait3A_254, %dma_wait3A_255] : memref<8x125x64xbf16, #tpu.memory_space<vmem>> -> memref<1x125x64xbf16, #tpu.memory_space<vmem>>
    %dma_wait3A_257 = tpu.memref_squeeze %dma_wait3A_256 : memref<1x125x64xbf16, #tpu.memory_space<vmem>> -> memref<125x64xbf16, #tpu.memory_space<vmem>>
    %dma_wait3A_258 = arith.constant 0 : i32
    %dma_wait3A_259 = tpu.memref_slice %arg7[%dma_wait3A_252, %dma_wait3A_258] : memref<80x125xi32, #tpu.memory_space<vmem>> -> memref<1x125xi32, #tpu.memory_space<vmem>>
    %dma_wait3A_260 = tpu.memref_squeeze %dma_wait3A_259 : memref<1x125xi32, #tpu.memory_space<vmem>> -> memref<125xi32, #tpu.memory_space<vmem>>
    %dma_wait3A_261 = arith.constant 0 : i32
    %dma_wait3A_262 = arith.constant 0 : i32
    %dma_wait3A_263 = tpu.memref_slice %arg2[%dma_wait3A_261, %dma_wait3A_262] : memref<10000x64xbf16, #tpu.memory_space<hbm>> -> memref<10000x64xbf16, #tpu.memory_space<hbm>>
    tpu.wait_indirect_dma semaphore(%arg18 : memref<!tpu.dma_semaphore, #tpu.memory_space<semaphore_mem>>) src(%dma_wait3A_263 : memref<10000x64xbf16, #tpu.memory_space<hbm>>) dst(%dma_wait3A_257 : memref<125x64xbf16, #tpu.memory_space<vmem>>)
    %dma_start3A_264 = arith.constant 6 : i32
    %dma_start3A_265 = arith.constant 78 : i32
    %dma_start3A_266 = arith.constant 0 : i32
    %dma_start3A_267 = arith.constant 0 : i32
    %dma_start3A_268 = tpu.memref_slice %arg9[%dma_start3A_264, %dma_start3A_266, %dma_start3A_267] : memref<8x125x64xbf16, #tpu.memory_space<vmem>> -> memref<1x125x64xbf16, #tpu.memory_space<vmem>>
    %dma_start3A_269 = tpu.memref_squeeze %dma_start3A_268 : memref<1x125x64xbf16, #tpu.memory_space<vmem>> -> memref<125x64xbf16, #tpu.memory_space<vmem>>
    %dma_start3A_270 = arith.constant 0 : i32
    %dma_start3A_271 = tpu.memref_slice %arg8[%dma_start3A_265, %dma_start3A_270] : memref<80x125xi32, #tpu.memory_space<vmem>> -> memref<1x125xi32, #tpu.memory_space<vmem>>
    %dma_start3A_272 = tpu.memref_squeeze %dma_start3A_271 : memref<1x125xi32, #tpu.memory_space<vmem>> -> memref<125xi32, #tpu.memory_space<vmem>>
    %dma_start3A_273 = arith.constant 0 : i32
    %dma_start3A_274 = arith.constant 0 : i32
    %dma_start3A_275 = tpu.memref_slice %arg10[%dma_start3A_273, %dma_start3A_274] : memref<10240x64xbf16, #tpu.memory_space<vmem_shared>> -> memref<10240x64xbf16, #tpu.memory_space<vmem_shared>>
    tpu.enqueue_indirect_dma source(%dma_start3A_269 : memref<125x64xbf16, #tpu.memory_space<vmem>>) target(%dma_start3A_275 : memref<10240x64xbf16, #tpu.memory_space<vmem_shared>>) offsets(%dma_start3A_272 : memref<125xi32, #tpu.memory_space<vmem>>) semaphore(%arg26 : memref<!tpu.dma_semaphore, #tpu.memory_space<semaphore_mem>>) {add = true}
    %dma_wait3A_276 = arith.constant 79 : i32
    %dma_wait3A_277 = arith.constant 7 : i32
    %dma_wait3A_278 = arith.constant 0 : i32
    %dma_wait3A_279 = arith.constant 0 : i32
    %dma_wait3A_280 = tpu.memref_slice %arg9[%dma_wait3A_277, %dma_wait3A_278, %dma_wait3A_279] : memref<8x125x64xbf16, #tpu.memory_space<vmem>> -> memref<1x125x64xbf16, #tpu.memory_space<vmem>>
    %dma_wait3A_281 = tpu.memref_squeeze %dma_wait3A_280 : memref<1x125x64xbf16, #tpu.memory_space<vmem>> -> memref<125x64xbf16, #tpu.memory_space<vmem>>
    %dma_wait3A_282 = arith.constant 0 : i32
    %dma_wait3A_283 = tpu.memref_slice %arg7[%dma_wait3A_276, %dma_wait3A_282] : memref<80x125xi32, #tpu.memory_space<vmem>> -> memref<1x125xi32, #tpu.memory_space<vmem>>
    %dma_wait3A_284 = tpu.memref_squeeze %dma_wait3A_283 : memref<1x125xi32, #tpu.memory_space<vmem>> -> memref<125xi32, #tpu.memory_space<vmem>>
    %dma_wait3A_285 = arith.constant 0 : i32
    %dma_wait3A_286 = arith.constant 0 : i32
    %dma_wait3A_287 = tpu.memref_slice %arg2[%dma_wait3A_285, %dma_wait3A_286] : memref<10000x64xbf16, #tpu.memory_space<hbm>> -> memref<10000x64xbf16, #tpu.memory_space<hbm>>
    tpu.wait_indirect_dma semaphore(%arg19 : memref<!tpu.dma_semaphore, #tpu.memory_space<semaphore_mem>>) src(%dma_wait3A_287 : memref<10000x64xbf16, #tpu.memory_space<hbm>>) dst(%dma_wait3A_281 : memref<125x64xbf16, #tpu.memory_space<vmem>>)
    %dma_start3A_288 = arith.constant 7 : i32
    %dma_start3A_289 = arith.constant 79 : i32
    %dma_start3A_290 = arith.constant 0 : i32
    %dma_start3A_291 = arith.constant 0 : i32
    %dma_start3A_292 = tpu.memref_slice %arg9[%dma_start3A_288, %dma_start3A_290, %dma_start3A_291] : memref<8x125x64xbf16, #tpu.memory_space<vmem>> -> memref<1x125x64xbf16, #tpu.memory_space<vmem>>
    %dma_start3A_293 = tpu.memref_squeeze %dma_start3A_292 : memref<1x125x64xbf16, #tpu.memory_space<vmem>> -> memref<125x64xbf16, #tpu.memory_space<vmem>>
    %dma_start3A_294 = arith.constant 0 : i32
    %dma_start3A_295 = tpu.memref_slice %arg8[%dma_start3A_289, %dma_start3A_294] : memref<80x125xi32, #tpu.memory_space<vmem>> -> memref<1x125xi32, #tpu.memory_space<vmem>>
    %dma_start3A_296 = tpu.memref_squeeze %dma_start3A_295 : memref<1x125xi32, #tpu.memory_space<vmem>> -> memref<125xi32, #tpu.memory_space<vmem>>
    %dma_start3A_297 = arith.constant 0 : i32
    %dma_start3A_298 = arith.constant 0 : i32
    %dma_start3A_299 = tpu.memref_slice %arg11[%dma_start3A_297, %dma_start3A_298] : memref<10240x64xbf16, #tpu.memory_space<vmem_shared>> -> memref<10240x64xbf16, #tpu.memory_space<vmem_shared>>
    tpu.enqueue_indirect_dma source(%dma_start3A_293 : memref<125x64xbf16, #tpu.memory_space<vmem>>) target(%dma_start3A_299 : memref<10240x64xbf16, #tpu.memory_space<vmem_shared>>) offsets(%dma_start3A_296 : memref<125xi32, #tpu.memory_space<vmem>>) semaphore(%arg27 : memref<!tpu.dma_semaphore, #tpu.memory_space<semaphore_mem>>) {add = true}
    %dma_wait3A_300 = arith.constant 0 : i32
    %dma_wait3A_301 = arith.constant 0 : i32
    %dma_wait3A_302 = arith.constant 0 : i32
    %dma_wait3A_303 = arith.constant 0 : i32
    %dma_wait3A_304 = tpu.memref_slice %arg9[%dma_wait3A_300, %dma_wait3A_302, %dma_wait3A_303] : memref<8x125x64xbf16, #tpu.memory_space<vmem>> -> memref<1x125x64xbf16, #tpu.memory_space<vmem>>
    %dma_wait3A_305 = tpu.memref_squeeze %dma_wait3A_304 : memref<1x125x64xbf16, #tpu.memory_space<vmem>> -> memref<125x64xbf16, #tpu.memory_space<vmem>>
    %dma_wait3A_306 = arith.constant 0 : i32
    %dma_wait3A_307 = tpu.memref_slice %arg8[%dma_wait3A_301, %dma_wait3A_306] : memref<80x125xi32, #tpu.memory_space<vmem>> -> memref<1x125xi32, #tpu.memory_space<vmem>>
    %dma_wait3A_308 = tpu.memref_squeeze %dma_wait3A_307 : memref<1x125xi32, #tpu.memory_space<vmem>> -> memref<125xi32, #tpu.memory_space<vmem>>
    %dma_wait3A_309 = arith.constant 0 : i32
    %dma_wait3A_310 = arith.constant 0 : i32
    %dma_wait3A_311 = tpu.memref_slice %arg10[%dma_wait3A_309, %dma_wait3A_310] : memref<10240x64xbf16, #tpu.memory_space<vmem_shared>> -> memref<10240x64xbf16, #tpu.memory_space<vmem_shared>>
    tpu.wait_indirect_dma semaphore(%arg20 : memref<!tpu.dma_semaphore, #tpu.memory_space<semaphore_mem>>) src(%dma_wait3A_305 : memref<125x64xbf16, #tpu.memory_space<vmem>>) dst(%dma_wait3A_311 : memref<10240x64xbf16, #tpu.memory_space<vmem_shared>>)
    %dma_wait3A_312 = arith.constant 1 : i32
    %dma_wait3A_313 = arith.constant 0 : i32
    %dma_wait3A_314 = arith.constant 0 : i32
    %dma_wait3A_315 = arith.constant 0 : i32
    %dma_wait3A_316 = tpu.memref_slice %arg9[%dma_wait3A_312, %dma_wait3A_314, %dma_wait3A_315] : memref<8x125x64xbf16, #tpu.memory_space<vmem>> -> memref<1x125x64xbf16, #tpu.memory_space<vmem>>
    %dma_wait3A_317 = tpu.memref_squeeze %dma_wait3A_316 : memref<1x125x64xbf16, #tpu.memory_space<vmem>> -> memref<125x64xbf16, #tpu.memory_space<vmem>>
    %dma_wait3A_318 = arith.constant 0 : i32
    %dma_wait3A_319 = tpu.memref_slice %arg8[%dma_wait3A_313, %dma_wait3A_318] : memref<80x125xi32, #tpu.memory_space<vmem>> -> memref<1x125xi32, #tpu.memory_space<vmem>>
    %dma_wait3A_320 = tpu.memref_squeeze %dma_wait3A_319 : memref<1x125xi32, #tpu.memory_space<vmem>> -> memref<125xi32, #tpu.memory_space<vmem>>
    %dma_wait3A_321 = arith.constant 0 : i32
    %dma_wait3A_322 = arith.constant 0 : i32
    %dma_wait3A_323 = tpu.memref_slice %arg11[%dma_wait3A_321, %dma_wait3A_322] : memref<10240x64xbf16, #tpu.memory_space<vmem_shared>> -> memref<10240x64xbf16, #tpu.memory_space<vmem_shared>>
    tpu.wait_indirect_dma semaphore(%arg21 : memref<!tpu.dma_semaphore, #tpu.memory_space<semaphore_mem>>) src(%dma_wait3A_317 : memref<125x64xbf16, #tpu.memory_space<vmem>>) dst(%dma_wait3A_323 : memref<10240x64xbf16, #tpu.memory_space<vmem_shared>>)
    %dma_wait3A_324 = arith.constant 2 : i32
    %dma_wait3A_325 = arith.constant 0 : i32
    %dma_wait3A_326 = arith.constant 0 : i32
    %dma_wait3A_327 = arith.constant 0 : i32
    %dma_wait3A_328 = tpu.memref_slice %arg9[%dma_wait3A_324, %dma_wait3A_326, %dma_wait3A_327] : memref<8x125x64xbf16, #tpu.memory_space<vmem>> -> memref<1x125x64xbf16, #tpu.memory_space<vmem>>
    %dma_wait3A_329 = tpu.memref_squeeze %dma_wait3A_328 : memref<1x125x64xbf16, #tpu.memory_space<vmem>> -> memref<125x64xbf16, #tpu.memory_space<vmem>>
    %dma_wait3A_330 = arith.constant 0 : i32
    %dma_wait3A_331 = tpu.memref_slice %arg8[%dma_wait3A_325, %dma_wait3A_330] : memref<80x125xi32, #tpu.memory_space<vmem>> -> memref<1x125xi32, #tpu.memory_space<vmem>>
    %dma_wait3A_332 = tpu.memref_squeeze %dma_wait3A_331 : memref<1x125xi32, #tpu.memory_space<vmem>> -> memref<125xi32, #tpu.memory_space<vmem>>
    %dma_wait3A_333 = arith.constant 0 : i32
    %dma_wait3A_334 = arith.constant 0 : i32
    %dma_wait3A_335 = tpu.memref_slice %arg10[%dma_wait3A_333, %dma_wait3A_334] : memref<10240x64xbf16, #tpu.memory_space<vmem_shared>> -> memref<10240x64xbf16, #tpu.memory_space<vmem_shared>>
    tpu.wait_indirect_dma semaphore(%arg22 : memref<!tpu.dma_semaphore, #tpu.memory_space<semaphore_mem>>) src(%dma_wait3A_329 : memref<125x64xbf16, #tpu.memory_space<vmem>>) dst(%dma_wait3A_335 : memref<10240x64xbf16, #tpu.memory_space<vmem_shared>>)
    %dma_wait3A_336 = arith.constant 3 : i32
    %dma_wait3A_337 = arith.constant 0 : i32
    %dma_wait3A_338 = arith.constant 0 : i32
    %dma_wait3A_339 = arith.constant 0 : i32
    %dma_wait3A_340 = tpu.memref_slice %arg9[%dma_wait3A_336, %dma_wait3A_338, %dma_wait3A_339] : memref<8x125x64xbf16, #tpu.memory_space<vmem>> -> memref<1x125x64xbf16, #tpu.memory_space<vmem>>
    %dma_wait3A_341 = tpu.memref_squeeze %dma_wait3A_340 : memref<1x125x64xbf16, #tpu.memory_space<vmem>> -> memref<125x64xbf16, #tpu.memory_space<vmem>>
    %dma_wait3A_342 = arith.constant 0 : i32
    %dma_wait3A_343 = tpu.memref_slice %arg8[%dma_wait3A_337, %dma_wait3A_342] : memref<80x125xi32, #tpu.memory_space<vmem>> -> memref<1x125xi32, #tpu.memory_space<vmem>>
    %dma_wait3A_344 = tpu.memref_squeeze %dma_wait3A_343 : memref<1x125xi32, #tpu.memory_space<vmem>> -> memref<125xi32, #tpu.memory_space<vmem>>
    %dma_wait3A_345 = arith.constant 0 : i32
    %dma_wait3A_346 = arith.constant 0 : i32
    %dma_wait3A_347 = tpu.memref_slice %arg11[%dma_wait3A_345, %dma_wait3A_346] : memref<10240x64xbf16, #tpu.memory_space<vmem_shared>> -> memref<10240x64xbf16, #tpu.memory_space<vmem_shared>>
    tpu.wait_indirect_dma semaphore(%arg23 : memref<!tpu.dma_semaphore, #tpu.memory_space<semaphore_mem>>) src(%dma_wait3A_341 : memref<125x64xbf16, #tpu.memory_space<vmem>>) dst(%dma_wait3A_347 : memref<10240x64xbf16, #tpu.memory_space<vmem_shared>>)
    %dma_wait3A_348 = arith.constant 4 : i32
    %dma_wait3A_349 = arith.constant 0 : i32
    %dma_wait3A_350 = arith.constant 0 : i32
    %dma_wait3A_351 = arith.constant 0 : i32
    %dma_wait3A_352 = tpu.memref_slice %arg9[%dma_wait3A_348, %dma_wait3A_350, %dma_wait3A_351] : memref<8x125x64xbf16, #tpu.memory_space<vmem>> -> memref<1x125x64xbf16, #tpu.memory_space<vmem>>
    %dma_wait3A_353 = tpu.memref_squeeze %dma_wait3A_352 : memref<1x125x64xbf16, #tpu.memory_space<vmem>> -> memref<125x64xbf16, #tpu.memory_space<vmem>>
    %dma_wait3A_354 = arith.constant 0 : i32
    %dma_wait3A_355 = tpu.memref_slice %arg8[%dma_wait3A_349, %dma_wait3A_354] : memref<80x125xi32, #tpu.memory_space<vmem>> -> memref<1x125xi32, #tpu.memory_space<vmem>>
    %dma_wait3A_356 = tpu.memref_squeeze %dma_wait3A_355 : memref<1x125xi32, #tpu.memory_space<vmem>> -> memref<125xi32, #tpu.memory_space<vmem>>
    %dma_wait3A_357 = arith.constant 0 : i32
    %dma_wait3A_358 = arith.constant 0 : i32
    %dma_wait3A_359 = tpu.memref_slice %arg10[%dma_wait3A_357, %dma_wait3A_358] : memref<10240x64xbf16, #tpu.memory_space<vmem_shared>> -> memref<10240x64xbf16, #tpu.memory_space<vmem_shared>>
    tpu.wait_indirect_dma semaphore(%arg24 : memref<!tpu.dma_semaphore, #tpu.memory_space<semaphore_mem>>) src(%dma_wait3A_353 : memref<125x64xbf16, #tpu.memory_space<vmem>>) dst(%dma_wait3A_359 : memref<10240x64xbf16, #tpu.memory_space<vmem_shared>>)
    %dma_wait3A_360 = arith.constant 5 : i32
    %dma_wait3A_361 = arith.constant 0 : i32
    %dma_wait3A_362 = arith.constant 0 : i32
    %dma_wait3A_363 = arith.constant 0 : i32
    %dma_wait3A_364 = tpu.memref_slice %arg9[%dma_wait3A_360, %dma_wait3A_362, %dma_wait3A_363] : memref<8x125x64xbf16, #tpu.memory_space<vmem>> -> memref<1x125x64xbf16, #tpu.memory_space<vmem>>
    %dma_wait3A_365 = tpu.memref_squeeze %dma_wait3A_364 : memref<1x125x64xbf16, #tpu.memory_space<vmem>> -> memref<125x64xbf16, #tpu.memory_space<vmem>>
    %dma_wait3A_366 = arith.constant 0 : i32
    %dma_wait3A_367 = tpu.memref_slice %arg8[%dma_wait3A_361, %dma_wait3A_366] : memref<80x125xi32, #tpu.memory_space<vmem>> -> memref<1x125xi32, #tpu.memory_space<vmem>>
    %dma_wait3A_368 = tpu.memref_squeeze %dma_wait3A_367 : memref<1x125xi32, #tpu.memory_space<vmem>> -> memref<125xi32, #tpu.memory_space<vmem>>
    %dma_wait3A_369 = arith.constant 0 : i32
    %dma_wait3A_370 = arith.constant 0 : i32
    %dma_wait3A_371 = tpu.memref_slice %arg11[%dma_wait3A_369, %dma_wait3A_370] : memref<10240x64xbf16, #tpu.memory_space<vmem_shared>> -> memref<10240x64xbf16, #tpu.memory_space<vmem_shared>>
    tpu.wait_indirect_dma semaphore(%arg25 : memref<!tpu.dma_semaphore, #tpu.memory_space<semaphore_mem>>) src(%dma_wait3A_365 : memref<125x64xbf16, #tpu.memory_space<vmem>>) dst(%dma_wait3A_371 : memref<10240x64xbf16, #tpu.memory_space<vmem_shared>>)
    %dma_wait3A_372 = arith.constant 6 : i32
    %dma_wait3A_373 = arith.constant 0 : i32
    %dma_wait3A_374 = arith.constant 0 : i32
    %dma_wait3A_375 = arith.constant 0 : i32
    %dma_wait3A_376 = tpu.memref_slice %arg9[%dma_wait3A_372, %dma_wait3A_374, %dma_wait3A_375] : memref<8x125x64xbf16, #tpu.memory_space<vmem>> -> memref<1x125x64xbf16, #tpu.memory_space<vmem>>
    %dma_wait3A_377 = tpu.memref_squeeze %dma_wait3A_376 : memref<1x125x64xbf16, #tpu.memory_space<vmem>> -> memref<125x64xbf16, #tpu.memory_space<vmem>>
    %dma_wait3A_378 = arith.constant 0 : i32
    %dma_wait3A_379 = tpu.memref_slice %arg8[%dma_wait3A_373, %dma_wait3A_378] : memref<80x125xi32, #tpu.memory_space<vmem>> -> memref<1x125xi32, #tpu.memory_space<vmem>>
    %dma_wait3A_380 = tpu.memref_squeeze %dma_wait3A_379 : memref<1x125xi32, #tpu.memory_space<vmem>> -> memref<125xi32, #tpu.memory_space<vmem>>
    %dma_wait3A_381 = arith.constant 0 : i32
    %dma_wait3A_382 = arith.constant 0 : i32
    %dma_wait3A_383 = tpu.memref_slice %arg10[%dma_wait3A_381, %dma_wait3A_382] : memref<10240x64xbf16, #tpu.memory_space<vmem_shared>> -> memref<10240x64xbf16, #tpu.memory_space<vmem_shared>>
    tpu.wait_indirect_dma semaphore(%arg26 : memref<!tpu.dma_semaphore, #tpu.memory_space<semaphore_mem>>) src(%dma_wait3A_377 : memref<125x64xbf16, #tpu.memory_space<vmem>>) dst(%dma_wait3A_383 : memref<10240x64xbf16, #tpu.memory_space<vmem_shared>>)
    %dma_wait3A_384 = arith.constant 7 : i32
    %dma_wait3A_385 = arith.constant 0 : i32
    %dma_wait3A_386 = arith.constant 0 : i32
    %dma_wait3A_387 = arith.constant 0 : i32
    %dma_wait3A_388 = tpu.memref_slice %arg9[%dma_wait3A_384, %dma_wait3A_386, %dma_wait3A_387] : memref<8x125x64xbf16, #tpu.memory_space<vmem>> -> memref<1x125x64xbf16, #tpu.memory_space<vmem>>
    %dma_wait3A_389 = tpu.memref_squeeze %dma_wait3A_388 : memref<1x125x64xbf16, #tpu.memory_space<vmem>> -> memref<125x64xbf16, #tpu.memory_space<vmem>>
    %dma_wait3A_390 = arith.constant 0 : i32
    %dma_wait3A_391 = tpu.memref_slice %arg8[%dma_wait3A_385, %dma_wait3A_390] : memref<80x125xi32, #tpu.memory_space<vmem>> -> memref<1x125xi32, #tpu.memory_space<vmem>>
    %dma_wait3A_392 = tpu.memref_squeeze %dma_wait3A_391 : memref<1x125xi32, #tpu.memory_space<vmem>> -> memref<125xi32, #tpu.memory_space<vmem>>
    %dma_wait3A_393 = arith.constant 0 : i32
    %dma_wait3A_394 = arith.constant 0 : i32
    %dma_wait3A_395 = tpu.memref_slice %arg11[%dma_wait3A_393, %dma_wait3A_394] : memref<10240x64xbf16, #tpu.memory_space<vmem_shared>> -> memref<10240x64xbf16, #tpu.memory_space<vmem_shared>>
    tpu.wait_indirect_dma semaphore(%arg27 : memref<!tpu.dma_semaphore, #tpu.memory_space<semaphore_mem>>) src(%dma_wait3A_389 : memref<125x64xbf16, #tpu.memory_space<vmem>>) dst(%dma_wait3A_395 : memref<10240x64xbf16, #tpu.memory_space<vmem_shared>>)
    %barrier3A_396 = arith.constant 0 : index
    tpu.barrier barrier_id(%barrier3A_396)
    %mul3A_397 = arith.constant 640 : i32
    %mul3A_398 = arith.muli %arg1, %mul3A_397 : i32
    %mul3A_399 = arith.constant 2 : i32
    %mul3A_400 = arith.muli %arg0, %mul3A_399 : i32
    %mul3A_401 = arith.constant 640 : i32
    %mul3A_402 = arith.muli %arg1, %mul3A_401 : i32
    "tpu.region"() ({
      %run_scoped3A = tpu.sem_alloc : memref<!tpu.dma_semaphore, #tpu.memory_space<semaphore_mem>>
      %dma_start3A_411 = arith.constant 0 : i32
      %dma_start3A_412 = tpu.memref_slice %arg6[%mul3A_400, %mul3A_402, %dma_start3A_411] : memref<4x10240x64xbf16, #tpu.memory_space<hbm>> -> memref<1x640x64xbf16, #tpu.memory_space<hbm>>
      %dma_start3A_413 = tpu.memref_squeeze %dma_start3A_412 : memref<1x640x64xbf16, #tpu.memory_space<hbm>> -> memref<640x64xbf16, #tpu.memory_space<hbm>>
      %dma_start3A_414 = arith.constant 0 : i32
      %dma_start3A_415 = tpu.memref_slice %arg10[%mul3A_398, %dma_start3A_414] : memref<10240x64xbf16, #tpu.memory_space<vmem_shared>> -> memref<640x64xbf16, #tpu.memory_space<vmem_shared>>
      tpu.enqueue_dma source(%dma_start3A_415 : memref<640x64xbf16, #tpu.memory_space<vmem_shared>>) target(%dma_start3A_413 : memref<640x64xbf16, #tpu.memory_space<hbm>>) target_semaphore(%run_scoped3A : memref<!tpu.dma_semaphore, #tpu.memory_space<semaphore_mem>>)
      %dma_wait3A_416 = arith.constant 0 : i32
      %dma_wait3A_417 = tpu.memref_slice %arg6[%mul3A_400, %mul3A_402, %dma_wait3A_416] : memref<4x10240x64xbf16, #tpu.memory_space<hbm>> -> memref<1x640x64xbf16, #tpu.memory_space<hbm>>
      %dma_wait3A_418 = tpu.memref_squeeze %dma_wait3A_417 : memref<1x640x64xbf16, #tpu.memory_space<hbm>> -> memref<640x64xbf16, #tpu.memory_space<hbm>>
      %dma_wait3A_419 = arith.constant 0 : i32
      %dma_wait3A_420 = tpu.memref_slice %arg10[%mul3A_398, %dma_wait3A_419] : memref<10240x64xbf16, #tpu.memory_space<vmem_shared>> -> memref<640x64xbf16, #tpu.memory_space<vmem_shared>>
      tpu.wait_dma2 semaphore(%run_scoped3A : memref<!tpu.dma_semaphore, #tpu.memory_space<semaphore_mem>>) src(%dma_wait3A_420 : memref<640x64xbf16, #tpu.memory_space<vmem_shared>>) dst(%dma_wait3A_418 : memref<640x64xbf16, #tpu.memory_space<hbm>>)
      tpu.yield
    }) : () -> ()
    %mul3A_403 = arith.constant 640 : i32
    %mul3A_404 = arith.muli %arg1, %mul3A_403 : i32
    %mul3A_405 = arith.constant 2 : i32
    %mul3A_406 = arith.muli %arg0, %mul3A_405 : i32
    %add3A_407 = arith.constant 1 : i32
    %add3A_408 = arith.addi %mul3A_406, %add3A_407 : i32
    %mul3A_409 = arith.constant 640 : i32
    %mul3A_410 = arith.muli %arg1, %mul3A_409 : i32
    "tpu.region"() ({
      %run_scoped3A = tpu.sem_alloc : memref<!tpu.dma_semaphore, #tpu.memory_space<semaphore_mem>>
      %dma_start3A_411 = arith.constant 0 : i32
      %dma_start3A_412 = tpu.memref_slice %arg6[%add3A_408, %mul3A_410, %dma_start3A_411] : memref<4x10240x64xbf16, #tpu.memory_space<hbm>> -> memref<1x640x64xbf16, #tpu.memory_space<hbm>>
      %dma_start3A_413 = tpu.memref_squeeze %dma_start3A_412 : memref<1x640x64xbf16, #tpu.memory_space<hbm>> -> memref<640x64xbf16, #tpu.memory_space<hbm>>
      %dma_start3A_414 = arith.constant 0 : i32
      %dma_start3A_415 = tpu.memref_slice %arg11[%mul3A_404, %dma_start3A_414] : memref<10240x64xbf16, #tpu.memory_space<vmem_shared>> -> memref<640x64xbf16, #tpu.memory_space<vmem_shared>>
      tpu.enqueue_dma source(%dma_start3A_415 : memref<640x64xbf16, #tpu.memory_space<vmem_shared>>) target(%dma_start3A_413 : memref<640x64xbf16, #tpu.memory_space<hbm>>) target_semaphore(%run_scoped3A : memref<!tpu.dma_semaphore, #tpu.memory_space<semaphore_mem>>)
      %dma_wait3A_416 = arith.constant 0 : i32
      %dma_wait3A_417 = tpu.memref_slice %arg6[%add3A_408, %mul3A_410, %dma_wait3A_416] : memref<4x10240x64xbf16, #tpu.memory_space<hbm>> -> memref<1x640x64xbf16, #tpu.memory_space<hbm>>
      %dma_wait3A_418 = tpu.memref_squeeze %dma_wait3A_417 : memref<1x640x64xbf16, #tpu.memory_space<hbm>> -> memref<640x64xbf16, #tpu.memory_space<hbm>>
      %dma_wait3A_419 = arith.constant 0 : i32
      %dma_wait3A_420 = tpu.memref_slice %arg11[%mul3A_404, %dma_wait3A_419] : memref<10240x64xbf16, #tpu.memory_space<vmem_shared>> -> memref<640x64xbf16, #tpu.memory_space<vmem_shared>>
      tpu.wait_dma2 semaphore(%run_scoped3A : memref<!tpu.dma_semaphore, #tpu.memory_space<semaphore_mem>>) src(%dma_wait3A_420 : memref<640x64xbf16, #tpu.memory_space<vmem_shared>>) dst(%dma_wait3A_418 : memref<640x64xbf16, #tpu.memory_space<hbm>>)
      tpu.yield
    }) : () -> ()
    return
  }
}

#map = affine_map<(d0, d1) -> (0, 0)>
#map1 = affine_map<(d0, d1) -> (0, 0, 0)>
module attributes {stable_mosaic.version = 14 : i64} {
  func.func @_sc_scatter(%arg0: i32, %arg1: i32, %arg2: memref<10000x64xbf16, #tpu.memory_space<hbm>>, %arg3: memref<32x80x125xi32, #tpu.memory_space<hbm>>, %arg4: memref<32x80x125xi32, #tpu.memory_space<hbm>>, %arg5: memref<10240x64xbf16, #tpu.memory_space<hbm>>, %arg6: memref<4x10240x64xbf16, #tpu.memory_space<hbm>>, %arg7: memref<80x125xi32, #tpu.memory_space<vmem>>, %arg8: memref<80x125xi32, #tpu.memory_space<vmem>>, %arg9: memref<8x125x64xbf16, #tpu.memory_space<vmem>>, %arg10: memref<10240x64xbf16, #tpu.memory_space<vmem_shared>>, %arg11: memref<10240x64xbf16, #tpu.memory_space<vmem_shared>>, %arg12: memref<!tpu.dma_semaphore, #tpu.memory_space<semaphore_mem>>, %arg13: memref<!tpu.dma_semaphore, #tpu.memory_space<semaphore_mem>>, %arg14: memref<!tpu.dma_semaphore, #tpu.memory_space<semaphore_mem>>, %arg15: memref<!tpu.dma_semaphore, #tpu.memory_space<semaphore_mem>>, %arg16: memref<!tpu.dma_semaphore, #tpu.memory_space<semaphore_mem>>, %arg17: memref<!tpu.dma_semaphore, #tpu.memory_space<semaphore_mem>>, %arg18: memref<!tpu.dma_semaphore, #tpu.memory_space<semaphore_mem>>, %arg19: memref<!tpu.dma_semaphore, #tpu.memory_space<semaphore_mem>>, %arg20: memref<!tpu.dma_semaphore, #tpu.memory_space<semaphore_mem>>, %arg21: memref<!tpu.dma_semaphore, #tpu.memory_space<semaphore_mem>>, %arg22: memref<!tpu.dma_semaphore, #tpu.memory_space<semaphore_mem>>, %arg23: memref<!tpu.dma_semaphore, #tpu.memory_space<semaphore_mem>>, %arg24: memref<!tpu.dma_semaphore, #tpu.memory_space<semaphore_mem>>, %arg25: memref<!tpu.dma_semaphore, #tpu.memory_space<semaphore_mem>>, %arg26: memref<!tpu.dma_semaphore, #tpu.memory_space<semaphore_mem>>, %arg27: memref<!tpu.dma_semaphore, #tpu.memory_space<semaphore_mem>>) attributes {dimension_semantics = [#tpu.dimension_semantics<core_parallel>, #tpu.dimension_semantics<subcore_parallel>], iteration_bounds = array<i64: 2, 16>, scalar_prefetch = 0 : i64, scratch_operands = 21 : i64, tpu.core_type = #tpu.core_type<sc_vector_subcore>, window_params = [{transform_indices = #map}, {transform_indices = #map1}, {transform_indices = #map1}, {transform_indices = #map}, {transform_indices = #map1}]} {
    %mul3A = arith.constant 2 : i32
    %mul3A_0 = arith.muli %arg1, %mul3A : i32
    %add3A = arith.addi %mul3A_0, %arg0 : i32
    %mul3A_1 = arith.constant 640 : i32
    %mul3A_2 = arith.muli %arg1, %mul3A_1 : i32
    %mul3A_3 = arith.constant 640 : i32
    %mul3A_4 = arith.muli %arg1, %mul3A_3 : i32
    "tpu.region"() ({
      %run_scoped3A = tpu.sem_alloc : memref<!tpu.dma_semaphore, #tpu.memory_space<semaphore_mem>>
      %dma_start3A_411 = arith.constant 0 : i32
      %dma_start3A_412 = tpu.memref_slice %arg10[%mul3A_4, %dma_start3A_411] : memref<10240x64xbf16, #tpu.memory_space<vmem_shared>> -> memref<640x64xbf16, #tpu.memory_space<vmem_shared>>
      %dma_start3A_413 = arith.constant 0 : i32
      %dma_start3A_414 = tpu.memref_slice %arg5[%mul3A_2, %dma_start3A_413] : memref<10240x64xbf16, #tpu.memory_space<hbm>> -> memref<640x64xbf16, #tpu.memory_space<hbm>>
      tpu.enqueue_dma source(%dma_start3A_414 : memref<640x64xbf16, #tpu.memory_space<hbm>>) target(%dma_start3A_412 : memref<640x64xbf16, #tpu.memory_space<vmem_shared>>) target_semaphore(%run_scoped3A : memref<!tpu.dma_semaphore, #tpu.memory_space<semaphore_mem>>)
      %dma_wait3A_415 = arith.constant 0 : i32
      %dma_wait3A_416 = tpu.memref_slice %arg10[%mul3A_4, %dma_wait3A_415] : memref<10240x64xbf16, #tpu.memory_space<vmem_shared>> -> memref<640x64xbf16, #tpu.memory_space<vmem_shared>>
      %dma_wait3A_417 = arith.constant 0 : i32
      %dma_wait3A_418 = tpu.memref_slice %arg5[%mul3A_2, %dma_wait3A_417] : memref<10240x64xbf16, #tpu.memory_space<hbm>> -> memref<640x64xbf16, #tpu.memory_space<hbm>>
      tpu.wait_dma2 semaphore(%run_scoped3A : memref<!tpu.dma_semaphore, #tpu.memory_space<semaphore_mem>>) src(%dma_wait3A_418 : memref<640x64xbf16, #tpu.memory_space<hbm>>) dst(%dma_wait3A_416 : memref<640x64xbf16, #tpu.memory_space<vmem_shared>>)
      tpu.yield
    }) : () -> ()
    %mul3A_5 = arith.constant 640 : i32
    %mul3A_6 = arith.muli %arg1, %mul3A_5 : i32
    %mul3A_7 = arith.constant 640 : i32
    %mul3A_8 = arith.muli %arg1, %mul3A_7 : i32
    "tpu.region"() ({
      %run_scoped3A = tpu.sem_alloc : memref<!tpu.dma_semaphore, #tpu.memory_space<semaphore_mem>>
      %dma_start3A_411 = arith.constant 0 : i32
      %dma_start3A_412 = tpu.memref_slice %arg11[%mul3A_8, %dma_start3A_411] : memref<10240x64xbf16, #tpu.memory_space<vmem_shared>> -> memref<640x64xbf16, #tpu.memory_space<vmem_shared>>
      %dma_start3A_413 = arith.constant 0 : i32
      %dma_start3A_414 = tpu.memref_slice %arg5[%mul3A_6, %dma_start3A_413] : memref<10240x64xbf16, #tpu.memory_space<hbm>> -> memref<640x64xbf16, #tpu.memory_space<hbm>>
      tpu.enqueue_dma source(%dma_start3A_414 : memref<640x64xbf16, #tpu.memory_space<hbm>>) target(%dma_start3A_412 : memref<640x64xbf16, #tpu.memory_space<vmem_shared>>) target_semaphore(%run_scoped3A : memref<!tpu.dma_semaphore, #tpu.memory_space<semaphore_mem>>)
      %dma_wait3A_415 = arith.constant 0 : i32
      %dma_wait3A_416 = tpu.memref_slice %arg11[%mul3A_8, %dma_wait3A_415] : memref<10240x64xbf16, #tpu.memory_space<vmem_shared>> -> memref<640x64xbf16, #tpu.memory_space<vmem_shared>>
      %dma_wait3A_417 = arith.constant 0 : i32
      %dma_wait3A_418 = tpu.memref_slice %arg5[%mul3A_6, %dma_wait3A_417] : memref<10240x64xbf16, #tpu.memory_space<hbm>> -> memref<640x64xbf16, #tpu.memory_space<hbm>>
      tpu.wait_dma2 semaphore(%run_scoped3A : memref<!tpu.dma_semaphore, #tpu.memory_space<semaphore_mem>>) src(%dma_wait3A_418 : memref<640x64xbf16, #tpu.memory_space<hbm>>) dst(%dma_wait3A_416 : memref<640x64xbf16, #tpu.memory_space<vmem_shared>>)
      tpu.yield
    }) : () -> ()
    "tpu.region"() ({
      %run_scoped3A = tpu.sem_alloc : memref<!tpu.dma_semaphore, #tpu.memory_space<semaphore_mem>>
      %dma_start3A_411 = arith.constant 0 : i32
      %dma_start3A_412 = arith.constant 0 : i32
      %dma_start3A_413 = tpu.memref_slice %arg3[%add3A, %dma_start3A_411, %dma_start3A_412] : memref<32x80x125xi32, #tpu.memory_space<hbm>> -> memref<1x80x125xi32, #tpu.memory_space<hbm>>
      %dma_start3A_414 = tpu.memref_squeeze %dma_start3A_413 : memref<1x80x125xi32, #tpu.memory_space<hbm>> -> memref<80x125xi32, #tpu.memory_space<hbm>>
      %dma_start3A_415 = arith.constant 0 : i32
      %dma_start3A_416 = arith.constant 0 : i32
      %dma_start3A_417 = tpu.memref_slice %arg3[%add3A, %dma_start3A_415, %dma_start3A_416] : memref<32x80x125xi32, #tpu.memory_space<hbm>> -> memref<1x80x125xi32, #tpu.memory_space<hbm>>
      %dma_start3A_418 = tpu.memref_squeeze %dma_start3A_417 : memref<1x80x125xi32, #tpu.memory_space<hbm>> -> memref<80x125xi32, #tpu.memory_space<hbm>>
      tpu.enqueue_dma source(%dma_start3A_418 : memref<80x125xi32, #tpu.memory_space<hbm>>) target(%arg7 : memref<80x125xi32, #tpu.memory_space<vmem>>) target_semaphore(%run_scoped3A : memref<!tpu.dma_semaphore, #tpu.memory_space<semaphore_mem>>)
      %dma_wait3A_419 = arith.constant 0 : i32
      %dma_wait3A_420 = arith.constant 0 : i32
      %dma_wait3A_421 = tpu.memref_slice %arg3[%add3A, %dma_wait3A_419, %dma_wait3A_420] : memref<32x80x125xi32, #tpu.memory_space<hbm>> -> memref<1x80x125xi32, #tpu.memory_space<hbm>>
      %dma_wait3A_422 = tpu.memref_squeeze %dma_wait3A_421 : memref<1x80x125xi32, #tpu.memory_space<hbm>> -> memref<80x125xi32, #tpu.memory_space<hbm>>
      %dma_wait3A_423 = arith.constant 0 : i32
      %dma_wait3A_424 = arith.constant 0 : i32
      %dma_wait3A_425 = tpu.memref_slice %arg3[%add3A, %dma_wait3A_423, %dma_wait3A_424] : memref<32x80x125xi32, #tpu.memory_space<hbm>> -> memref<1x80x125xi32, #tpu.memory_space<hbm>>
      %dma_wait3A_426 = tpu.memref_squeeze %dma_wait3A_425 : memref<1x80x125xi32, #tpu.memory_space<hbm>> -> memref<80x125xi32, #tpu.memory_space<hbm>>
      tpu.wait_dma2 semaphore(%run_scoped3A : memref<!tpu.dma_semaphore, #tpu.memory_space<semaphore_mem>>) src(%dma_wait3A_426 : memref<80x125xi32, #tpu.memory_space<hbm>>) dst(%arg7 : memref<80x125xi32, #tpu.memory_space<vmem>>)
      tpu.yield
    }) : () -> ()
    "tpu.region"() ({
      %run_scoped3A = tpu.sem_alloc : memref<!tpu.dma_semaphore, #tpu.memory_space<semaphore_mem>>
      %dma_start3A_411 = arith.constant 0 : i32
      %dma_start3A_412 = arith.constant 0 : i32
      %dma_start3A_413 = tpu.memref_slice %arg4[%add3A, %dma_start3A_411, %dma_start3A_412] : memref<32x80x125xi32, #tpu.memory_space<hbm>> -> memref<1x80x125xi32, #tpu.memory_space<hbm>>
      %dma_start3A_414 = tpu.memref_squeeze %dma_start3A_413 : memref<1x80x125xi32, #tpu.memory_space<hbm>> -> memref<80x125xi32, #tpu.memory_space<hbm>>
      %dma_start3A_415 = arith.constant 0 : i32
      %dma_start3A_416 = arith.constant 0 : i32
      %dma_start3A_417 = tpu.memref_slice %arg4[%add3A, %dma_start3A_415, %dma_start3A_416] : memref<32x80x125xi32, #tpu.memory_space<hbm>> -> memref<1x80x125xi32, #tpu.memory_space<hbm>>
      %dma_start3A_418 = tpu.memref_squeeze %dma_start3A_417 : memref<1x80x125xi32, #tpu.memory_space<hbm>> -> memref<80x125xi32, #tpu.memory_space<hbm>>
      tpu.enqueue_dma source(%dma_start3A_418 : memref<80x125xi32, #tpu.memory_space<hbm>>) target(%arg8 : memref<80x125xi32, #tpu.memory_space<vmem>>) target_semaphore(%run_scoped3A : memref<!tpu.dma_semaphore, #tpu.memory_space<semaphore_mem>>)
      %dma_wait3A_419 = arith.constant 0 : i32
      %dma_wait3A_420 = arith.constant 0 : i32
      %dma_wait3A_421 = tpu.memref_slice %arg4[%add3A, %dma_wait3A_419, %dma_wait3A_420] : memref<32x80x125xi32, #tpu.memory_space<hbm>> -> memref<1x80x125xi32, #tpu.memory_space<hbm>>
      %dma_wait3A_422 = tpu.memref_squeeze %dma_wait3A_421 : memref<1x80x125xi32, #tpu.memory_space<hbm>> -> memref<80x125xi32, #tpu.memory_space<hbm>>
      %dma_wait3A_423 = arith.constant 0 : i32
      %dma_wait3A_424 = arith.constant 0 : i32
      %dma_wait3A_425 = tpu.memref_slice %arg4[%add3A, %dma_wait3A_423, %dma_wait3A_424] : memref<32x80x125xi32, #tpu.memory_space<hbm>> -> memref<1x80x125xi32, #tpu.memory_space<hbm>>
      %dma_wait3A_426 = tpu.memref_squeeze %dma_wait3A_425 : memref<1x80x125xi32, #tpu.memory_space<hbm>> -> memref<80x125xi32, #tpu.memory_space<hbm>>
      tpu.wait_dma2 semaphore(%run_scoped3A : memref<!tpu.dma_semaphore, #tpu.memory_space<semaphore_mem>>) src(%dma_wait3A_426 : memref<80x125xi32, #tpu.memory_space<hbm>>) dst(%arg8 : memref<80x125xi32, #tpu.memory_space<vmem>>)
      tpu.yield
    }) : () -> ()
    %barrier3A = arith.constant 0 : index
    tpu.barrier barrier_id(%barrier3A)
    %dma_start3A = arith.constant 0 : i32
    %dma_start3A_9 = arith.constant 0 : i32
    %dma_start3A_10 = arith.constant 0 : i32
    %dma_start3A_11 = arith.constant 0 : i32
    %dma_start3A_12 = tpu.memref_slice %arg9[%dma_start3A_9, %dma_start3A_10, %dma_start3A_11] : memref<8x125x64xbf16, #tpu.memory_space<vmem>> -> memref<1x125x64xbf16, #tpu.memory_space<vmem>>
    %dma_start3A_13 = tpu.memref_squeeze %dma_start3A_12 : memref<1x125x64xbf16, #tpu.memory_space<vmem>> -> memref<125x64xbf16, #tpu.memory_space<vmem>>
    %dma_start3A_14 = arith.constant 0 : i32
    %dma_start3A_15 = tpu.memref_slice %arg7[%dma_start3A, %dma_start3A_14] : memref<80x125xi32, #tpu.memory_space<vmem>> -> memref<1x125xi32, #tpu.memory_space<vmem>>
    %dma_start3A_16 = tpu.memref_squeeze %dma_start3A_15 : memref<1x125xi32, #tpu.memory_space<vmem>> -> memref<125xi32, #tpu.memory_space<vmem>>
    %dma_start3A_17 = arith.constant 0 : i32
    %dma_start3A_18 = arith.constant 0 : i32
    %dma_start3A_19 = tpu.memref_slice %arg2[%dma_start3A_17, %dma_start3A_18] : memref<10000x64xbf16, #tpu.memory_space<hbm>> -> memref<10000x64xbf16, #tpu.memory_space<hbm>>
    tpu.enqueue_indirect_dma source(%dma_start3A_19 : memref<10000x64xbf16, #tpu.memory_space<hbm>>) target(%dma_start3A_13 : memref<125x64xbf16, #tpu.memory_space<vmem>>) offsets(%dma_start3A_16 : memref<125xi32, #tpu.memory_space<vmem>>) semaphore(%arg12 : memref<!tpu.dma_semaphore, #tpu.memory_space<semaphore_mem>>)
    %dma_start3A_20 = arith.constant 1 : i32
    %dma_start3A_21 = arith.constant 1 : i32
    %dma_start3A_22 = arith.constant 0 : i32
    %dma_start3A_23 = arith.constant 0 : i32
    %dma_start3A_24 = tpu.memref_slice %arg9[%dma_start3A_21, %dma_start3A_22, %dma_start3A_23] : memref<8x125x64xbf16, #tpu.memory_space<vmem>> -> memref<1x125x64xbf16, #tpu.memory_space<vmem>>
    %dma_start3A_25 = tpu.memref_squeeze %dma_start3A_24 : memref<1x125x64xbf16, #tpu.memory_space<vmem>> -> memref<125x64xbf16, #tpu.memory_space<vmem>>
    %dma_start3A_26 = arith.constant 0 : i32
    %dma_start3A_27 = tpu.memref_slice %arg7[%dma_start3A_20, %dma_start3A_26] : memref<80x125xi32, #tpu.memory_space<vmem>> -> memref<1x125xi32, #tpu.memory_space<vmem>>
    %dma_start3A_28 = tpu.memref_squeeze %dma_start3A_27 : memref<1x125xi32, #tpu.memory_space<vmem>> -> memref<125xi32, #tpu.memory_space<vmem>>
    %dma_start3A_29 = arith.constant 0 : i32
    %dma_start3A_30 = arith.constant 0 : i32
    %dma_start3A_31 = tpu.memref_slice %arg2[%dma_start3A_29, %dma_start3A_30] : memref<10000x64xbf16, #tpu.memory_space<hbm>> -> memref<10000x64xbf16, #tpu.memory_space<hbm>>
    tpu.enqueue_indirect_dma source(%dma_start3A_31 : memref<10000x64xbf16, #tpu.memory_space<hbm>>) target(%dma_start3A_25 : memref<125x64xbf16, #tpu.memory_space<vmem>>) offsets(%dma_start3A_28 : memref<125xi32, #tpu.memory_space<vmem>>) semaphore(%arg13 : memref<!tpu.dma_semaphore, #tpu.memory_space<semaphore_mem>>)
    %dma_start3A_32 = arith.constant 2 : i32
    %dma_start3A_33 = arith.constant 2 : i32
    %dma_start3A_34 = arith.constant 0 : i32
    %dma_start3A_35 = arith.constant 0 : i32
    %dma_start3A_36 = tpu.memref_slice %arg9[%dma_start3A_33, %dma_start3A_34, %dma_start3A_35] : memref<8x125x64xbf16, #tpu.memory_space<vmem>> -> memref<1x125x64xbf16, #tpu.memory_space<vmem>>
    %dma_start3A_37 = tpu.memref_squeeze %dma_start3A_36 : memref<1x125x64xbf16, #tpu.memory_space<vmem>> -> memref<125x64xbf16, #tpu.memory_space<vmem>>
    %dma_start3A_38 = arith.constant 0 : i32
    %dma_start3A_39 = tpu.memref_slice %arg7[%dma_start3A_32, %dma_start3A_38] : memref<80x125xi32, #tpu.memory_space<vmem>> -> memref<1x125xi32, #tpu.memory_space<vmem>>
    %dma_start3A_40 = tpu.memref_squeeze %dma_start3A_39 : memref<1x125xi32, #tpu.memory_space<vmem>> -> memref<125xi32, #tpu.memory_space<vmem>>
    %dma_start3A_41 = arith.constant 0 : i32
    %dma_start3A_42 = arith.constant 0 : i32
    %dma_start3A_43 = tpu.memref_slice %arg2[%dma_start3A_41, %dma_start3A_42] : memref<10000x64xbf16, #tpu.memory_space<hbm>> -> memref<10000x64xbf16, #tpu.memory_space<hbm>>
    tpu.enqueue_indirect_dma source(%dma_start3A_43 : memref<10000x64xbf16, #tpu.memory_space<hbm>>) target(%dma_start3A_37 : memref<125x64xbf16, #tpu.memory_space<vmem>>) offsets(%dma_start3A_40 : memref<125xi32, #tpu.memory_space<vmem>>) semaphore(%arg14 : memref<!tpu.dma_semaphore, #tpu.memory_space<semaphore_mem>>)
    %dma_start3A_44 = arith.constant 3 : i32
    %dma_start3A_45 = arith.constant 3 : i32
    %dma_start3A_46 = arith.constant 0 : i32
    %dma_start3A_47 = arith.constant 0 : i32
    %dma_start3A_48 = tpu.memref_slice %arg9[%dma_start3A_45, %dma_start3A_46, %dma_start3A_47] : memref<8x125x64xbf16, #tpu.memory_space<vmem>> -> memref<1x125x64xbf16, #tpu.memory_space<vmem>>
    %dma_start3A_49 = tpu.memref_squeeze %dma_start3A_48 : memref<1x125x64xbf16, #tpu.memory_space<vmem>> -> memref<125x64xbf16, #tpu.memory_space<vmem>>
    %dma_start3A_50 = arith.constant 0 : i32
    %dma_start3A_51 = tpu.memref_slice %arg7[%dma_start3A_44, %dma_start3A_50] : memref<80x125xi32, #tpu.memory_space<vmem>> -> memref<1x125xi32, #tpu.memory_space<vmem>>
    %dma_start3A_52 = tpu.memref_squeeze %dma_start3A_51 : memref<1x125xi32, #tpu.memory_space<vmem>> -> memref<125xi32, #tpu.memory_space<vmem>>
    %dma_start3A_53 = arith.constant 0 : i32
    %dma_start3A_54 = arith.constant 0 : i32
    %dma_start3A_55 = tpu.memref_slice %arg2[%dma_start3A_53, %dma_start3A_54] : memref<10000x64xbf16, #tpu.memory_space<hbm>> -> memref<10000x64xbf16, #tpu.memory_space<hbm>>
    tpu.enqueue_indirect_dma source(%dma_start3A_55 : memref<10000x64xbf16, #tpu.memory_space<hbm>>) target(%dma_start3A_49 : memref<125x64xbf16, #tpu.memory_space<vmem>>) offsets(%dma_start3A_52 : memref<125xi32, #tpu.memory_space<vmem>>) semaphore(%arg15 : memref<!tpu.dma_semaphore, #tpu.memory_space<semaphore_mem>>)
    %dma_wait3A = arith.constant 0 : i32
    %dma_wait3A_56 = arith.constant 0 : i32
    %dma_wait3A_57 = arith.constant 0 : i32
    %dma_wait3A_58 = arith.constant 0 : i32
    %dma_wait3A_59 = tpu.memref_slice %arg9[%dma_wait3A_56, %dma_wait3A_57, %dma_wait3A_58] : memref<8x125x64xbf16, #tpu.memory_space<vmem>> -> memref<1x125x64xbf16, #tpu.memory_space<vmem>>
    %dma_wait3A_60 = tpu.memref_squeeze %dma_wait3A_59 : memref<1x125x64xbf16, #tpu.memory_space<vmem>> -> memref<125x64xbf16, #tpu.memory_space<vmem>>
    %dma_wait3A_61 = arith.constant 0 : i32
    %dma_wait3A_62 = tpu.memref_slice %arg7[%dma_wait3A, %dma_wait3A_61] : memref<80x125xi32, #tpu.memory_space<vmem>> -> memref<1x125xi32, #tpu.memory_space<vmem>>
    %dma_wait3A_63 = tpu.memref_squeeze %dma_wait3A_62 : memref<1x125xi32, #tpu.memory_space<vmem>> -> memref<125xi32, #tpu.memory_space<vmem>>
    %dma_wait3A_64 = arith.constant 0 : i32
    %dma_wait3A_65 = arith.constant 0 : i32
    %dma_wait3A_66 = tpu.memref_slice %arg2[%dma_wait3A_64, %dma_wait3A_65] : memref<10000x64xbf16, #tpu.memory_space<hbm>> -> memref<10000x64xbf16, #tpu.memory_space<hbm>>
    tpu.wait_indirect_dma semaphore(%arg12 : memref<!tpu.dma_semaphore, #tpu.memory_space<semaphore_mem>>) src(%dma_wait3A_66 : memref<10000x64xbf16, #tpu.memory_space<hbm>>) dst(%dma_wait3A_60 : memref<125x64xbf16, #tpu.memory_space<vmem>>)
    %dma_start3A_67 = arith.constant 0 : i32
    %dma_start3A_68 = arith.constant 0 : i32
    %dma_start3A_69 = arith.constant 0 : i32
    %dma_start3A_70 = arith.constant 0 : i32
    %dma_start3A_71 = tpu.memref_slice %arg9[%dma_start3A_67, %dma_start3A_69, %dma_start3A_70] : memref<8x125x64xbf16, #tpu.memory_space<vmem>> -> memref<1x125x64xbf16, #tpu.memory_space<vmem>>
    %dma_start3A_72 = tpu.memref_squeeze %dma_start3A_71 : memref<1x125x64xbf16, #tpu.memory_space<vmem>> -> memref<125x64xbf16, #tpu.memory_space<vmem>>
    %dma_start3A_73 = arith.constant 0 : i32
    %dma_start3A_74 = tpu.memref_slice %arg8[%dma_start3A_68, %dma_start3A_73] : memref<80x125xi32, #tpu.memory_space<vmem>> -> memref<1x125xi32, #tpu.memory_space<vmem>>
    %dma_start3A_75 = tpu.memref_squeeze %dma_start3A_74 : memref<1x125xi32, #tpu.memory_space<vmem>> -> memref<125xi32, #tpu.memory_space<vmem>>
    %dma_start3A_76 = arith.constant 0 : i32
    %dma_start3A_77 = arith.constant 0 : i32
    %dma_start3A_78 = tpu.memref_slice %arg10[%dma_start3A_76, %dma_start3A_77] : memref<10240x64xbf16, #tpu.memory_space<vmem_shared>> -> memref<10240x64xbf16, #tpu.memory_space<vmem_shared>>
    tpu.enqueue_indirect_dma source(%dma_start3A_72 : memref<125x64xbf16, #tpu.memory_space<vmem>>) target(%dma_start3A_78 : memref<10240x64xbf16, #tpu.memory_space<vmem_shared>>) offsets(%dma_start3A_75 : memref<125xi32, #tpu.memory_space<vmem>>) semaphore(%arg20 : memref<!tpu.dma_semaphore, #tpu.memory_space<semaphore_mem>>) {add = true}
    %dma_start3A_79 = arith.constant 4 : i32
    %dma_start3A_80 = arith.constant 4 : i32
    %dma_start3A_81 = arith.constant 0 : i32
    %dma_start3A_82 = arith.constant 0 : i32
    %dma_start3A_83 = tpu.memref_slice %arg9[%dma_start3A_80, %dma_start3A_81, %dma_start3A_82] : memref<8x125x64xbf16, #tpu.memory_space<vmem>> -> memref<1x125x64xbf16, #tpu.memory_space<vmem>>
    %dma_start3A_84 = tpu.memref_squeeze %dma_start3A_83 : memref<1x125x64xbf16, #tpu.memory_space<vmem>> -> memref<125x64xbf16, #tpu.memory_space<vmem>>
    %dma_start3A_85 = arith.constant 0 : i32
    %dma_start3A_86 = tpu.memref_slice %arg7[%dma_start3A_79, %dma_start3A_85] : memref<80x125xi32, #tpu.memory_space<vmem>> -> memref<1x125xi32, #tpu.memory_space<vmem>>
    %dma_start3A_87 = tpu.memref_squeeze %dma_start3A_86 : memref<1x125xi32, #tpu.memory_space<vmem>> -> memref<125xi32, #tpu.memory_space<vmem>>
    %dma_start3A_88 = arith.constant 0 : i32
    %dma_start3A_89 = arith.constant 0 : i32
    %dma_start3A_90 = tpu.memref_slice %arg2[%dma_start3A_88, %dma_start3A_89] : memref<10000x64xbf16, #tpu.memory_space<hbm>> -> memref<10000x64xbf16, #tpu.memory_space<hbm>>
    tpu.enqueue_indirect_dma source(%dma_start3A_90 : memref<10000x64xbf16, #tpu.memory_space<hbm>>) target(%dma_start3A_84 : memref<125x64xbf16, #tpu.memory_space<vmem>>) offsets(%dma_start3A_87 : memref<125xi32, #tpu.memory_space<vmem>>) semaphore(%arg16 : memref<!tpu.dma_semaphore, #tpu.memory_space<semaphore_mem>>)
    %dma_wait3A_91 = arith.constant 1 : i32
    %dma_wait3A_92 = arith.constant 1 : i32
    %dma_wait3A_93 = arith.constant 0 : i32
    %dma_wait3A_94 = arith.constant 0 : i32
    %dma_wait3A_95 = tpu.memref_slice %arg9[%dma_wait3A_92, %dma_wait3A_93, %dma_wait3A_94] : memref<8x125x64xbf16, #tpu.memory_space<vmem>> -> memref<1x125x64xbf16, #tpu.memory_space<vmem>>
    %dma_wait3A_96 = tpu.memref_squeeze %dma_wait3A_95 : memref<1x125x64xbf16, #tpu.memory_space<vmem>> -> memref<125x64xbf16, #tpu.memory_space<vmem>>
    %dma_wait3A_97 = arith.constant 0 : i32
    %dma_wait3A_98 = tpu.memref_slice %arg7[%dma_wait3A_91, %dma_wait3A_97] : memref<80x125xi32, #tpu.memory_space<vmem>> -> memref<1x125xi32, #tpu.memory_space<vmem>>
    %dma_wait3A_99 = tpu.memref_squeeze %dma_wait3A_98 : memref<1x125xi32, #tpu.memory_space<vmem>> -> memref<125xi32, #tpu.memory_space<vmem>>
    %dma_wait3A_100 = arith.constant 0 : i32
    %dma_wait3A_101 = arith.constant 0 : i32
    %dma_wait3A_102 = tpu.memref_slice %arg2[%dma_wait3A_100, %dma_wait3A_101] : memref<10000x64xbf16, #tpu.memory_space<hbm>> -> memref<10000x64xbf16, #tpu.memory_space<hbm>>
    tpu.wait_indirect_dma semaphore(%arg13 : memref<!tpu.dma_semaphore, #tpu.memory_space<semaphore_mem>>) src(%dma_wait3A_102 : memref<10000x64xbf16, #tpu.memory_space<hbm>>) dst(%dma_wait3A_96 : memref<125x64xbf16, #tpu.memory_space<vmem>>)
    %dma_start3A_103 = arith.constant 1 : i32
    %dma_start3A_104 = arith.constant 1 : i32
    %dma_start3A_105 = arith.constant 0 : i32
    %dma_start3A_106 = arith.constant 0 : i32
    %dma_start3A_107 = tpu.memref_slice %arg9[%dma_start3A_103, %dma_start3A_105, %dma_start3A_106] : memref<8x125x64xbf16, #tpu.memory_space<vmem>> -> memref<1x125x64xbf16, #tpu.memory_space<vmem>>
    %dma_start3A_108 = tpu.memref_squeeze %dma_start3A_107 : memref<1x125x64xbf16, #tpu.memory_space<vmem>> -> memref<125x64xbf16, #tpu.memory_space<vmem>>
    %dma_start3A_109 = arith.constant 0 : i32
    %dma_start3A_110 = tpu.memref_slice %arg8[%dma_start3A_104, %dma_start3A_109] : memref<80x125xi32, #tpu.memory_space<vmem>> -> memref<1x125xi32, #tpu.memory_space<vmem>>
    %dma_start3A_111 = tpu.memref_squeeze %dma_start3A_110 : memref<1x125xi32, #tpu.memory_space<vmem>> -> memref<125xi32, #tpu.memory_space<vmem>>
    %dma_start3A_112 = arith.constant 0 : i32
    %dma_start3A_113 = arith.constant 0 : i32
    %dma_start3A_114 = tpu.memref_slice %arg11[%dma_start3A_112, %dma_start3A_113] : memref<10240x64xbf16, #tpu.memory_space<vmem_shared>> -> memref<10240x64xbf16, #tpu.memory_space<vmem_shared>>
    tpu.enqueue_indirect_dma source(%dma_start3A_108 : memref<125x64xbf16, #tpu.memory_space<vmem>>) target(%dma_start3A_114 : memref<10240x64xbf16, #tpu.memory_space<vmem_shared>>) offsets(%dma_start3A_111 : memref<125xi32, #tpu.memory_space<vmem>>) semaphore(%arg21 : memref<!tpu.dma_semaphore, #tpu.memory_space<semaphore_mem>>) {add = true}
    %dma_start3A_115 = arith.constant 5 : i32
    %dma_start3A_116 = arith.constant 5 : i32
    %dma_start3A_117 = arith.constant 0 : i32
    %dma_start3A_118 = arith.constant 0 : i32
    %dma_start3A_119 = tpu.memref_slice %arg9[%dma_start3A_116, %dma_start3A_117, %dma_start3A_118] : memref<8x125x64xbf16, #tpu.memory_space<vmem>> -> memref<1x125x64xbf16, #tpu.memory_space<vmem>>
    %dma_start3A_120 = tpu.memref_squeeze %dma_start3A_119 : memref<1x125x64xbf16, #tpu.memory_space<vmem>> -> memref<125x64xbf16, #tpu.memory_space<vmem>>
    %dma_start3A_121 = arith.constant 0 : i32
    %dma_start3A_122 = tpu.memref_slice %arg7[%dma_start3A_115, %dma_start3A_121] : memref<80x125xi32, #tpu.memory_space<vmem>> -> memref<1x125xi32, #tpu.memory_space<vmem>>
    %dma_start3A_123 = tpu.memref_squeeze %dma_start3A_122 : memref<1x125xi32, #tpu.memory_space<vmem>> -> memref<125xi32, #tpu.memory_space<vmem>>
    %dma_start3A_124 = arith.constant 0 : i32
    %dma_start3A_125 = arith.constant 0 : i32
    %dma_start3A_126 = tpu.memref_slice %arg2[%dma_start3A_124, %dma_start3A_125] : memref<10000x64xbf16, #tpu.memory_space<hbm>> -> memref<10000x64xbf16, #tpu.memory_space<hbm>>
    tpu.enqueue_indirect_dma source(%dma_start3A_126 : memref<10000x64xbf16, #tpu.memory_space<hbm>>) target(%dma_start3A_120 : memref<125x64xbf16, #tpu.memory_space<vmem>>) offsets(%dma_start3A_123 : memref<125xi32, #tpu.memory_space<vmem>>) semaphore(%arg17 : memref<!tpu.dma_semaphore, #tpu.memory_space<semaphore_mem>>)
    %dma_wait3A_127 = arith.constant 2 : i32
    %dma_wait3A_128 = arith.constant 2 : i32
    %dma_wait3A_129 = arith.constant 0 : i32
    %dma_wait3A_130 = arith.constant 0 : i32
    %dma_wait3A_131 = tpu.memref_slice %arg9[%dma_wait3A_128, %dma_wait3A_129, %dma_wait3A_130] : memref<8x125x64xbf16, #tpu.memory_space<vmem>> -> memref<1x125x64xbf16, #tpu.memory_space<vmem>>
    %dma_wait3A_132 = tpu.memref_squeeze %dma_wait3A_131 : memref<1x125x64xbf16, #tpu.memory_space<vmem>> -> memref<125x64xbf16, #tpu.memory_space<vmem>>
    %dma_wait3A_133 = arith.constant 0 : i32
    %dma_wait3A_134 = tpu.memref_slice %arg7[%dma_wait3A_127, %dma_wait3A_133] : memref<80x125xi32, #tpu.memory_space<vmem>> -> memref<1x125xi32, #tpu.memory_space<vmem>>
    %dma_wait3A_135 = tpu.memref_squeeze %dma_wait3A_134 : memref<1x125xi32, #tpu.memory_space<vmem>> -> memref<125xi32, #tpu.memory_space<vmem>>
    %dma_wait3A_136 = arith.constant 0 : i32
    %dma_wait3A_137 = arith.constant 0 : i32
    %dma_wait3A_138 = tpu.memref_slice %arg2[%dma_wait3A_136, %dma_wait3A_137] : memref<10000x64xbf16, #tpu.memory_space<hbm>> -> memref<10000x64xbf16, #tpu.memory_space<hbm>>
    tpu.wait_indirect_dma semaphore(%arg14 : memref<!tpu.dma_semaphore, #tpu.memory_space<semaphore_mem>>) src(%dma_wait3A_138 : memref<10000x64xbf16, #tpu.memory_space<hbm>>) dst(%dma_wait3A_132 : memref<125x64xbf16, #tpu.memory_space<vmem>>)
    %dma_start3A_139 = arith.constant 2 : i32
    %dma_start3A_140 = arith.constant 2 : i32
    %dma_start3A_141 = arith.constant 0 : i32
    %dma_start3A_142 = arith.constant 0 : i32
    %dma_start3A_143 = tpu.memref_slice %arg9[%dma_start3A_139, %dma_start3A_141, %dma_start3A_142] : memref<8x125x64xbf16, #tpu.memory_space<vmem>> -> memref<1x125x64xbf16, #tpu.memory_space<vmem>>
    %dma_start3A_144 = tpu.memref_squeeze %dma_start3A_143 : memref<1x125x64xbf16, #tpu.memory_space<vmem>> -> memref<125x64xbf16, #tpu.memory_space<vmem>>
    %dma_start3A_145 = arith.constant 0 : i32
    %dma_start3A_146 = tpu.memref_slice %arg8[%dma_start3A_140, %dma_start3A_145] : memref<80x125xi32, #tpu.memory_space<vmem>> -> memref<1x125xi32, #tpu.memory_space<vmem>>
    %dma_start3A_147 = tpu.memref_squeeze %dma_start3A_146 : memref<1x125xi32, #tpu.memory_space<vmem>> -> memref<125xi32, #tpu.memory_space<vmem>>
    %dma_start3A_148 = arith.constant 0 : i32
    %dma_start3A_149 = arith.constant 0 : i32
    %dma_start3A_150 = tpu.memref_slice %arg10[%dma_start3A_148, %dma_start3A_149] : memref<10240x64xbf16, #tpu.memory_space<vmem_shared>> -> memref<10240x64xbf16, #tpu.memory_space<vmem_shared>>
    tpu.enqueue_indirect_dma source(%dma_start3A_144 : memref<125x64xbf16, #tpu.memory_space<vmem>>) target(%dma_start3A_150 : memref<10240x64xbf16, #tpu.memory_space<vmem_shared>>) offsets(%dma_start3A_147 : memref<125xi32, #tpu.memory_space<vmem>>) semaphore(%arg22 : memref<!tpu.dma_semaphore, #tpu.memory_space<semaphore_mem>>) {add = true}
    %dma_start3A_151 = arith.constant 6 : i32
    %dma_start3A_152 = arith.constant 6 : i32
    %dma_start3A_153 = arith.constant 0 : i32
    %dma_start3A_154 = arith.constant 0 : i32
    %dma_start3A_155 = tpu.memref_slice %arg9[%dma_start3A_152, %dma_start3A_153, %dma_start3A_154] : memref<8x125x64xbf16, #tpu.memory_space<vmem>> -> memref<1x125x64xbf16, #tpu.memory_space<vmem>>
    %dma_start3A_156 = tpu.memref_squeeze %dma_start3A_155 : memref<1x125x64xbf16, #tpu.memory_space<vmem>> -> memref<125x64xbf16, #tpu.memory_space<vmem>>
    %dma_start3A_157 = arith.constant 0 : i32
    %dma_start3A_158 = tpu.memref_slice %arg7[%dma_start3A_151, %dma_start3A_157] : memref<80x125xi32, #tpu.memory_space<vmem>> -> memref<1x125xi32, #tpu.memory_space<vmem>>
    %dma_start3A_159 = tpu.memref_squeeze %dma_start3A_158 : memref<1x125xi32, #tpu.memory_space<vmem>> -> memref<125xi32, #tpu.memory_space<vmem>>
    %dma_start3A_160 = arith.constant 0 : i32
    %dma_start3A_161 = arith.constant 0 : i32
    %dma_start3A_162 = tpu.memref_slice %arg2[%dma_start3A_160, %dma_start3A_161] : memref<10000x64xbf16, #tpu.memory_space<hbm>> -> memref<10000x64xbf16, #tpu.memory_space<hbm>>
    tpu.enqueue_indirect_dma source(%dma_start3A_162 : memref<10000x64xbf16, #tpu.memory_space<hbm>>) target(%dma_start3A_156 : memref<125x64xbf16, #tpu.memory_space<vmem>>) offsets(%dma_start3A_159 : memref<125xi32, #tpu.memory_space<vmem>>) semaphore(%arg18 : memref<!tpu.dma_semaphore, #tpu.memory_space<semaphore_mem>>)
    %dma_wait3A_163 = arith.constant 3 : i32
    %dma_wait3A_164 = arith.constant 3 : i32
    %dma_wait3A_165 = arith.constant 0 : i32
    %dma_wait3A_166 = arith.constant 0 : i32
    %dma_wait3A_167 = tpu.memref_slice %arg9[%dma_wait3A_164, %dma_wait3A_165, %dma_wait3A_166] : memref<8x125x64xbf16, #tpu.memory_space<vmem>> -> memref<1x125x64xbf16, #tpu.memory_space<vmem>>
    %dma_wait3A_168 = tpu.memref_squeeze %dma_wait3A_167 : memref<1x125x64xbf16, #tpu.memory_space<vmem>> -> memref<125x64xbf16, #tpu.memory_space<vmem>>
    %dma_wait3A_169 = arith.constant 0 : i32
    %dma_wait3A_170 = tpu.memref_slice %arg7[%dma_wait3A_163, %dma_wait3A_169] : memref<80x125xi32, #tpu.memory_space<vmem>> -> memref<1x125xi32, #tpu.memory_space<vmem>>
    %dma_wait3A_171 = tpu.memref_squeeze %dma_wait3A_170 : memref<1x125xi32, #tpu.memory_space<vmem>> -> memref<125xi32, #tpu.memory_space<vmem>>
    %dma_wait3A_172 = arith.constant 0 : i32
    %dma_wait3A_173 = arith.constant 0 : i32
    %dma_wait3A_174 = tpu.memref_slice %arg2[%dma_wait3A_172, %dma_wait3A_173] : memref<10000x64xbf16, #tpu.memory_space<hbm>> -> memref<10000x64xbf16, #tpu.memory_space<hbm>>
    tpu.wait_indirect_dma semaphore(%arg15 : memref<!tpu.dma_semaphore, #tpu.memory_space<semaphore_mem>>) src(%dma_wait3A_174 : memref<10000x64xbf16, #tpu.memory_space<hbm>>) dst(%dma_wait3A_168 : memref<125x64xbf16, #tpu.memory_space<vmem>>)
    %dma_start3A_175 = arith.constant 3 : i32
    %dma_start3A_176 = arith.constant 3 : i32
    %dma_start3A_177 = arith.constant 0 : i32
    %dma_start3A_178 = arith.constant 0 : i32
    %dma_start3A_179 = tpu.memref_slice %arg9[%dma_start3A_175, %dma_start3A_177, %dma_start3A_178] : memref<8x125x64xbf16, #tpu.memory_space<vmem>> -> memref<1x125x64xbf16, #tpu.memory_space<vmem>>
    %dma_start3A_180 = tpu.memref_squeeze %dma_start3A_179 : memref<1x125x64xbf16, #tpu.memory_space<vmem>> -> memref<125x64xbf16, #tpu.memory_space<vmem>>
    %dma_start3A_181 = arith.constant 0 : i32
    %dma_start3A_182 = tpu.memref_slice %arg8[%dma_start3A_176, %dma_start3A_181] : memref<80x125xi32, #tpu.memory_space<vmem>> -> memref<1x125xi32, #tpu.memory_space<vmem>>
    %dma_start3A_183 = tpu.memref_squeeze %dma_start3A_182 : memref<1x125xi32, #tpu.memory_space<vmem>> -> memref<125xi32, #tpu.memory_space<vmem>>
    %dma_start3A_184 = arith.constant 0 : i32
    %dma_start3A_185 = arith.constant 0 : i32
    %dma_start3A_186 = tpu.memref_slice %arg11[%dma_start3A_184, %dma_start3A_185] : memref<10240x64xbf16, #tpu.memory_space<vmem_shared>> -> memref<10240x64xbf16, #tpu.memory_space<vmem_shared>>
    tpu.enqueue_indirect_dma source(%dma_start3A_180 : memref<125x64xbf16, #tpu.memory_space<vmem>>) target(%dma_start3A_186 : memref<10240x64xbf16, #tpu.memory_space<vmem_shared>>) offsets(%dma_start3A_183 : memref<125xi32, #tpu.memory_space<vmem>>) semaphore(%arg23 : memref<!tpu.dma_semaphore, #tpu.memory_space<semaphore_mem>>) {add = true}
    %dma_start3A_187 = arith.constant 7 : i32
    %dma_start3A_188 = arith.constant 7 : i32
    %dma_start3A_189 = arith.constant 0 : i32
    %dma_start3A_190 = arith.constant 0 : i32
    %dma_start3A_191 = tpu.memref_slice %arg9[%dma_start3A_188, %dma_start3A_189, %dma_start3A_190] : memref<8x125x64xbf16, #tpu.memory_space<vmem>> -> memref<1x125x64xbf16, #tpu.memory_space<vmem>>
    %dma_start3A_192 = tpu.memref_squeeze %dma_start3A_191 : memref<1x125x64xbf16, #tpu.memory_space<vmem>> -> memref<125x64xbf16, #tpu.memory_space<vmem>>
    %dma_start3A_193 = arith.constant 0 : i32
    %dma_start3A_194 = tpu.memref_slice %arg7[%dma_start3A_187, %dma_start3A_193] : memref<80x125xi32, #tpu.memory_space<vmem>> -> memref<1x125xi32, #tpu.memory_space<vmem>>
    %dma_start3A_195 = tpu.memref_squeeze %dma_start3A_194 : memref<1x125xi32, #tpu.memory_space<vmem>> -> memref<125xi32, #tpu.memory_space<vmem>>
    %dma_start3A_196 = arith.constant 0 : i32
    %dma_start3A_197 = arith.constant 0 : i32
    %dma_start3A_198 = tpu.memref_slice %arg2[%dma_start3A_196, %dma_start3A_197] : memref<10000x64xbf16, #tpu.memory_space<hbm>> -> memref<10000x64xbf16, #tpu.memory_space<hbm>>
    tpu.enqueue_indirect_dma source(%dma_start3A_198 : memref<10000x64xbf16, #tpu.memory_space<hbm>>) target(%dma_start3A_192 : memref<125x64xbf16, #tpu.memory_space<vmem>>) offsets(%dma_start3A_195 : memref<125xi32, #tpu.memory_space<vmem>>) semaphore(%arg19 : memref<!tpu.dma_semaphore, #tpu.memory_space<semaphore_mem>>)
    %scan3A = arith.constant 0 : i32
    %scan3A_199 = arith.constant 0 : i32
    %scan3A_200 = arith.constant 9 : i32
    %scan3A_201 = arith.addi %scan3A_199, %scan3A_200 : i32
    %scan3A_202 = arith.constant 1 : i32
    scf.for %scan3A_411 = %scan3A_199 to %scan3A_201 step %scan3A_202  : i32 {
      %mul3A_412 = arith.constant 8 : i32
      %mul3A_413 = arith.muli %scan3A_411, %mul3A_412 : i32
      %add3A_414 = arith.constant 4 : i32
      %add3A_415 = arith.addi %add3A_414, %mul3A_413 : i32
      %add3A_416 = arith.constant 0 : i32
      %add3A_417 = arith.addi %add3A_415, %add3A_416 : i32
      %dma_wait3A_418 = arith.constant 4 : i32
      %dma_wait3A_419 = arith.constant 0 : i32
      %dma_wait3A_420 = arith.constant 0 : i32
      %dma_wait3A_421 = tpu.memref_slice %arg9[%dma_wait3A_418, %dma_wait3A_419, %dma_wait3A_420] : memref<8x125x64xbf16, #tpu.memory_space<vmem>> -> memref<1x125x64xbf16, #tpu.memory_space<vmem>>
      %dma_wait3A_422 = tpu.memref_squeeze %dma_wait3A_421 : memref<1x125x64xbf16, #tpu.memory_space<vmem>> -> memref<125x64xbf16, #tpu.memory_space<vmem>>
      %dma_wait3A_423 = arith.constant 0 : i32
      %dma_wait3A_424 = tpu.memref_slice %arg7[%add3A_417, %dma_wait3A_423] : memref<80x125xi32, #tpu.memory_space<vmem>> -> memref<1x125xi32, #tpu.memory_space<vmem>>
      %dma_wait3A_425 = tpu.memref_squeeze %dma_wait3A_424 : memref<1x125xi32, #tpu.memory_space<vmem>> -> memref<125xi32, #tpu.memory_space<vmem>>
      %dma_wait3A_426 = arith.constant 0 : i32
      %dma_wait3A_427 = arith.constant 0 : i32
      %dma_wait3A_428 = tpu.memref_slice %arg2[%dma_wait3A_426, %dma_wait3A_427] : memref<10000x64xbf16, #tpu.memory_space<hbm>> -> memref<10000x64xbf16, #tpu.memory_space<hbm>>
      tpu.wait_indirect_dma semaphore(%arg16 : memref<!tpu.dma_semaphore, #tpu.memory_space<semaphore_mem>>) src(%dma_wait3A_428 : memref<10000x64xbf16, #tpu.memory_space<hbm>>) dst(%dma_wait3A_422 : memref<125x64xbf16, #tpu.memory_space<vmem>>)
      %dma_start3A_429 = arith.constant 4 : i32
      %dma_start3A_430 = arith.constant 0 : i32
      %dma_start3A_431 = arith.constant 0 : i32
      %dma_start3A_432 = tpu.memref_slice %arg9[%dma_start3A_429, %dma_start3A_430, %dma_start3A_431] : memref<8x125x64xbf16, #tpu.memory_space<vmem>> -> memref<1x125x64xbf16, #tpu.memory_space<vmem>>
      %dma_start3A_433 = tpu.memref_squeeze %dma_start3A_432 : memref<1x125x64xbf16, #tpu.memory_space<vmem>> -> memref<125x64xbf16, #tpu.memory_space<vmem>>
      %dma_start3A_434 = arith.constant 0 : i32
      %dma_start3A_435 = tpu.memref_slice %arg8[%add3A_417, %dma_start3A_434] : memref<80x125xi32, #tpu.memory_space<vmem>> -> memref<1x125xi32, #tpu.memory_space<vmem>>
      %dma_start3A_436 = tpu.memref_squeeze %dma_start3A_435 : memref<1x125xi32, #tpu.memory_space<vmem>> -> memref<125xi32, #tpu.memory_space<vmem>>
      %dma_start3A_437 = arith.constant 0 : i32
      %dma_start3A_438 = arith.constant 0 : i32
      %dma_start3A_439 = tpu.memref_slice %arg10[%dma_start3A_437, %dma_start3A_438] : memref<10240x64xbf16, #tpu.memory_space<vmem_shared>> -> memref<10240x64xbf16, #tpu.memory_space<vmem_shared>>
      tpu.enqueue_indirect_dma source(%dma_start3A_433 : memref<125x64xbf16, #tpu.memory_space<vmem>>) target(%dma_start3A_439 : memref<10240x64xbf16, #tpu.memory_space<vmem_shared>>) offsets(%dma_start3A_436 : memref<125xi32, #tpu.memory_space<vmem>>) semaphore(%arg24 : memref<!tpu.dma_semaphore, #tpu.memory_space<semaphore_mem>>) {add = true}
      %sub3A = arith.constant 4 : i32
      %sub3A_440 = arith.subi %add3A_417, %sub3A : i32
      %dma_wait3A_441 = arith.constant 0 : i32
      %dma_wait3A_442 = arith.constant 0 : i32
      %dma_wait3A_443 = arith.constant 0 : i32
      %dma_wait3A_444 = tpu.memref_slice %arg9[%dma_wait3A_441, %dma_wait3A_442, %dma_wait3A_443] : memref<8x125x64xbf16, #tpu.memory_space<vmem>> -> memref<1x125x64xbf16, #tpu.memory_space<vmem>>
      %dma_wait3A_445 = tpu.memref_squeeze %dma_wait3A_444 : memref<1x125x64xbf16, #tpu.memory_space<vmem>> -> memref<125x64xbf16, #tpu.memory_space<vmem>>
      %dma_wait3A_446 = arith.constant 0 : i32
      %dma_wait3A_447 = tpu.memref_slice %arg8[%sub3A_440, %dma_wait3A_446] : memref<80x125xi32, #tpu.memory_space<vmem>> -> memref<1x125xi32, #tpu.memory_space<vmem>>
      %dma_wait3A_448 = tpu.memref_squeeze %dma_wait3A_447 : memref<1x125xi32, #tpu.memory_space<vmem>> -> memref<125xi32, #tpu.memory_space<vmem>>
      %dma_wait3A_449 = arith.constant 0 : i32
      %dma_wait3A_450 = arith.constant 0 : i32
      %dma_wait3A_451 = tpu.memref_slice %arg10[%dma_wait3A_449, %dma_wait3A_450] : memref<10240x64xbf16, #tpu.memory_space<vmem_shared>> -> memref<10240x64xbf16, #tpu.memory_space<vmem_shared>>
      tpu.wait_indirect_dma semaphore(%arg20 : memref<!tpu.dma_semaphore, #tpu.memory_space<semaphore_mem>>) src(%dma_wait3A_445 : memref<125x64xbf16, #tpu.memory_space<vmem>>) dst(%dma_wait3A_451 : memref<10240x64xbf16, #tpu.memory_space<vmem_shared>>)
      %add3A_452 = arith.constant 4 : i32
      %add3A_453 = arith.addi %add3A_417, %add3A_452 : i32
      %dma_start3A_454 = arith.constant 0 : i32
      %dma_start3A_455 = arith.constant 0 : i32
      %dma_start3A_456 = arith.constant 0 : i32
      %dma_start3A_457 = tpu.memref_slice %arg9[%dma_start3A_454, %dma_start3A_455, %dma_start3A_456] : memref<8x125x64xbf16, #tpu.memory_space<vmem>> -> memref<1x125x64xbf16, #tpu.memory_space<vmem>>
      %dma_start3A_458 = tpu.memref_squeeze %dma_start3A_457 : memref<1x125x64xbf16, #tpu.memory_space<vmem>> -> memref<125x64xbf16, #tpu.memory_space<vmem>>
      %dma_start3A_459 = arith.constant 0 : i32
      %dma_start3A_460 = tpu.memref_slice %arg7[%add3A_453, %dma_start3A_459] : memref<80x125xi32, #tpu.memory_space<vmem>> -> memref<1x125xi32, #tpu.memory_space<vmem>>
      %dma_start3A_461 = tpu.memref_squeeze %dma_start3A_460 : memref<1x125xi32, #tpu.memory_space<vmem>> -> memref<125xi32, #tpu.memory_space<vmem>>
      %dma_start3A_462 = arith.constant 0 : i32
      %dma_start3A_463 = arith.constant 0 : i32
      %dma_start3A_464 = tpu.memref_slice %arg2[%dma_start3A_462, %dma_start3A_463] : memref<10000x64xbf16, #tpu.memory_space<hbm>> -> memref<10000x64xbf16, #tpu.memory_space<hbm>>
      tpu.enqueue_indirect_dma source(%dma_start3A_464 : memref<10000x64xbf16, #tpu.memory_space<hbm>>) target(%dma_start3A_458 : memref<125x64xbf16, #tpu.memory_space<vmem>>) offsets(%dma_start3A_461 : memref<125xi32, #tpu.memory_space<vmem>>) semaphore(%arg12 : memref<!tpu.dma_semaphore, #tpu.memory_space<semaphore_mem>>)
      %mul3A_465 = arith.constant 8 : i32
      %mul3A_466 = arith.muli %scan3A_411, %mul3A_465 : i32
      %add3A_467 = arith.constant 4 : i32
      %add3A_468 = arith.addi %add3A_467, %mul3A_466 : i32
      %add3A_469 = arith.constant 1 : i32
      %add3A_470 = arith.addi %add3A_468, %add3A_469 : i32
      %dma_wait3A_471 = arith.constant 5 : i32
      %dma_wait3A_472 = arith.constant 0 : i32
      %dma_wait3A_473 = arith.constant 0 : i32
      %dma_wait3A_474 = tpu.memref_slice %arg9[%dma_wait3A_471, %dma_wait3A_472, %dma_wait3A_473] : memref<8x125x64xbf16, #tpu.memory_space<vmem>> -> memref<1x125x64xbf16, #tpu.memory_space<vmem>>
      %dma_wait3A_475 = tpu.memref_squeeze %dma_wait3A_474 : memref<1x125x64xbf16, #tpu.memory_space<vmem>> -> memref<125x64xbf16, #tpu.memory_space<vmem>>
      %dma_wait3A_476 = arith.constant 0 : i32
      %dma_wait3A_477 = tpu.memref_slice %arg7[%add3A_470, %dma_wait3A_476] : memref<80x125xi32, #tpu.memory_space<vmem>> -> memref<1x125xi32, #tpu.memory_space<vmem>>
      %dma_wait3A_478 = tpu.memref_squeeze %dma_wait3A_477 : memref<1x125xi32, #tpu.memory_space<vmem>> -> memref<125xi32, #tpu.memory_space<vmem>>
      %dma_wait3A_479 = arith.constant 0 : i32
      %dma_wait3A_480 = arith.constant 0 : i32
      %dma_wait3A_481 = tpu.memref_slice %arg2[%dma_wait3A_479, %dma_wait3A_480] : memref<10000x64xbf16, #tpu.memory_space<hbm>> -> memref<10000x64xbf16, #tpu.memory_space<hbm>>
      tpu.wait_indirect_dma semaphore(%arg17 : memref<!tpu.dma_semaphore, #tpu.memory_space<semaphore_mem>>) src(%dma_wait3A_481 : memref<10000x64xbf16, #tpu.memory_space<hbm>>) dst(%dma_wait3A_475 : memref<125x64xbf16, #tpu.memory_space<vmem>>)
      %dma_start3A_482 = arith.constant 5 : i32
      %dma_start3A_483 = arith.constant 0 : i32
      %dma_start3A_484 = arith.constant 0 : i32
      %dma_start3A_485 = tpu.memref_slice %arg9[%dma_start3A_482, %dma_start3A_483, %dma_start3A_484] : memref<8x125x64xbf16, #tpu.memory_space<vmem>> -> memref<1x125x64xbf16, #tpu.memory_space<vmem>>
      %dma_start3A_486 = tpu.memref_squeeze %dma_start3A_485 : memref<1x125x64xbf16, #tpu.memory_space<vmem>> -> memref<125x64xbf16, #tpu.memory_space<vmem>>
      %dma_start3A_487 = arith.constant 0 : i32
      %dma_start3A_488 = tpu.memref_slice %arg8[%add3A_470, %dma_start3A_487] : memref<80x125xi32, #tpu.memory_space<vmem>> -> memref<1x125xi32, #tpu.memory_space<vmem>>
      %dma_start3A_489 = tpu.memref_squeeze %dma_start3A_488 : memref<1x125xi32, #tpu.memory_space<vmem>> -> memref<125xi32, #tpu.memory_space<vmem>>
      %dma_start3A_490 = arith.constant 0 : i32
      %dma_start3A_491 = arith.constant 0 : i32
      %dma_start3A_492 = tpu.memref_slice %arg11[%dma_start3A_490, %dma_start3A_491] : memref<10240x64xbf16, #tpu.memory_space<vmem_shared>> -> memref<10240x64xbf16, #tpu.memory_space<vmem_shared>>
      tpu.enqueue_indirect_dma source(%dma_start3A_486 : memref<125x64xbf16, #tpu.memory_space<vmem>>) target(%dma_start3A_492 : memref<10240x64xbf16, #tpu.memory_space<vmem_shared>>) offsets(%dma_start3A_489 : memref<125xi32, #tpu.memory_space<vmem>>) semaphore(%arg25 : memref<!tpu.dma_semaphore, #tpu.memory_space<semaphore_mem>>) {add = true}
      %sub3A_493 = arith.constant 4 : i32
      %sub3A_494 = arith.subi %add3A_470, %sub3A_493 : i32
      %dma_wait3A_495 = arith.constant 1 : i32
      %dma_wait3A_496 = arith.constant 0 : i32
      %dma_wait3A_497 = arith.constant 0 : i32
      %dma_wait3A_498 = tpu.memref_slice %arg9[%dma_wait3A_495, %dma_wait3A_496, %dma_wait3A_497] : memref<8x125x64xbf16, #tpu.memory_space<vmem>> -> memref<1x125x64xbf16, #tpu.memory_space<vmem>>
      %dma_wait3A_499 = tpu.memref_squeeze %dma_wait3A_498 : memref<1x125x64xbf16, #tpu.memory_space<vmem>> -> memref<125x64xbf16, #tpu.memory_space<vmem>>
      %dma_wait3A_500 = arith.constant 0 : i32
      %dma_wait3A_501 = tpu.memref_slice %arg8[%sub3A_494, %dma_wait3A_500] : memref<80x125xi32, #tpu.memory_space<vmem>> -> memref<1x125xi32, #tpu.memory_space<vmem>>
      %dma_wait3A_502 = tpu.memref_squeeze %dma_wait3A_501 : memref<1x125xi32, #tpu.memory_space<vmem>> -> memref<125xi32, #tpu.memory_space<vmem>>
      %dma_wait3A_503 = arith.constant 0 : i32
      %dma_wait3A_504 = arith.constant 0 : i32
      %dma_wait3A_505 = tpu.memref_slice %arg11[%dma_wait3A_503, %dma_wait3A_504] : memref<10240x64xbf16, #tpu.memory_space<vmem_shared>> -> memref<10240x64xbf16, #tpu.memory_space<vmem_shared>>
      tpu.wait_indirect_dma semaphore(%arg21 : memref<!tpu.dma_semaphore, #tpu.memory_space<semaphore_mem>>) src(%dma_wait3A_499 : memref<125x64xbf16, #tpu.memory_space<vmem>>) dst(%dma_wait3A_505 : memref<10240x64xbf16, #tpu.memory_space<vmem_shared>>)
      %add3A_506 = arith.constant 4 : i32
      %add3A_507 = arith.addi %add3A_470, %add3A_506 : i32
      %dma_start3A_508 = arith.constant 1 : i32
      %dma_start3A_509 = arith.constant 0 : i32
      %dma_start3A_510 = arith.constant 0 : i32
      %dma_start3A_511 = tpu.memref_slice %arg9[%dma_start3A_508, %dma_start3A_509, %dma_start3A_510] : memref<8x125x64xbf16, #tpu.memory_space<vmem>> -> memref<1x125x64xbf16, #tpu.memory_space<vmem>>
      %dma_start3A_512 = tpu.memref_squeeze %dma_start3A_511 : memref<1x125x64xbf16, #tpu.memory_space<vmem>> -> memref<125x64xbf16, #tpu.memory_space<vmem>>
      %dma_start3A_513 = arith.constant 0 : i32
      %dma_start3A_514 = tpu.memref_slice %arg7[%add3A_507, %dma_start3A_513] : memref<80x125xi32, #tpu.memory_space<vmem>> -> memref<1x125xi32, #tpu.memory_space<vmem>>
      %dma_start3A_515 = tpu.memref_squeeze %dma_start3A_514 : memref<1x125xi32, #tpu.memory_space<vmem>> -> memref<125xi32, #tpu.memory_space<vmem>>
      %dma_start3A_516 = arith.constant 0 : i32
      %dma_start3A_517 = arith.constant 0 : i32
      %dma_start3A_518 = tpu.memref_slice %arg2[%dma_start3A_516, %dma_start3A_517] : memref<10000x64xbf16, #tpu.memory_space<hbm>> -> memref<10000x64xbf16, #tpu.memory_space<hbm>>
      tpu.enqueue_indirect_dma source(%dma_start3A_518 : memref<10000x64xbf16, #tpu.memory_space<hbm>>) target(%dma_start3A_512 : memref<125x64xbf16, #tpu.memory_space<vmem>>) offsets(%dma_start3A_515 : memref<125xi32, #tpu.memory_space<vmem>>) semaphore(%arg13 : memref<!tpu.dma_semaphore, #tpu.memory_space<semaphore_mem>>)
      %mul3A_519 = arith.constant 8 : i32
      %mul3A_520 = arith.muli %scan3A_411, %mul3A_519 : i32
      %add3A_521 = arith.constant 4 : i32
      %add3A_522 = arith.addi %add3A_521, %mul3A_520 : i32
      %add3A_523 = arith.constant 2 : i32
      %add3A_524 = arith.addi %add3A_522, %add3A_523 : i32
      %dma_wait3A_525 = arith.constant 6 : i32
      %dma_wait3A_526 = arith.constant 0 : i32
      %dma_wait3A_527 = arith.constant 0 : i32
      %dma_wait3A_528 = tpu.memref_slice %arg9[%dma_wait3A_525, %dma_wait3A_526, %dma_wait3A_527] : memref<8x125x64xbf16, #tpu.memory_space<vmem>> -> memref<1x125x64xbf16, #tpu.memory_space<vmem>>
      %dma_wait3A_529 = tpu.memref_squeeze %dma_wait3A_528 : memref<1x125x64xbf16, #tpu.memory_space<vmem>> -> memref<125x64xbf16, #tpu.memory_space<vmem>>
      %dma_wait3A_530 = arith.constant 0 : i32
      %dma_wait3A_531 = tpu.memref_slice %arg7[%add3A_524, %dma_wait3A_530] : memref<80x125xi32, #tpu.memory_space<vmem>> -> memref<1x125xi32, #tpu.memory_space<vmem>>
      %dma_wait3A_532 = tpu.memref_squeeze %dma_wait3A_531 : memref<1x125xi32, #tpu.memory_space<vmem>> -> memref<125xi32, #tpu.memory_space<vmem>>
      %dma_wait3A_533 = arith.constant 0 : i32
      %dma_wait3A_534 = arith.constant 0 : i32
      %dma_wait3A_535 = tpu.memref_slice %arg2[%dma_wait3A_533, %dma_wait3A_534] : memref<10000x64xbf16, #tpu.memory_space<hbm>> -> memref<10000x64xbf16, #tpu.memory_space<hbm>>
      tpu.wait_indirect_dma semaphore(%arg18 : memref<!tpu.dma_semaphore, #tpu.memory_space<semaphore_mem>>) src(%dma_wait3A_535 : memref<10000x64xbf16, #tpu.memory_space<hbm>>) dst(%dma_wait3A_529 : memref<125x64xbf16, #tpu.memory_space<vmem>>)
      %dma_start3A_536 = arith.constant 6 : i32
      %dma_start3A_537 = arith.constant 0 : i32
      %dma_start3A_538 = arith.constant 0 : i32
      %dma_start3A_539 = tpu.memref_slice %arg9[%dma_start3A_536, %dma_start3A_537, %dma_start3A_538] : memref<8x125x64xbf16, #tpu.memory_space<vmem>> -> memref<1x125x64xbf16, #tpu.memory_space<vmem>>
      %dma_start3A_540 = tpu.memref_squeeze %dma_start3A_539 : memref<1x125x64xbf16, #tpu.memory_space<vmem>> -> memref<125x64xbf16, #tpu.memory_space<vmem>>
      %dma_start3A_541 = arith.constant 0 : i32
      %dma_start3A_542 = tpu.memref_slice %arg8[%add3A_524, %dma_start3A_541] : memref<80x125xi32, #tpu.memory_space<vmem>> -> memref<1x125xi32, #tpu.memory_space<vmem>>
      %dma_start3A_543 = tpu.memref_squeeze %dma_start3A_542 : memref<1x125xi32, #tpu.memory_space<vmem>> -> memref<125xi32, #tpu.memory_space<vmem>>
      %dma_start3A_544 = arith.constant 0 : i32
      %dma_start3A_545 = arith.constant 0 : i32
      %dma_start3A_546 = tpu.memref_slice %arg10[%dma_start3A_544, %dma_start3A_545] : memref<10240x64xbf16, #tpu.memory_space<vmem_shared>> -> memref<10240x64xbf16, #tpu.memory_space<vmem_shared>>
      tpu.enqueue_indirect_dma source(%dma_start3A_540 : memref<125x64xbf16, #tpu.memory_space<vmem>>) target(%dma_start3A_546 : memref<10240x64xbf16, #tpu.memory_space<vmem_shared>>) offsets(%dma_start3A_543 : memref<125xi32, #tpu.memory_space<vmem>>) semaphore(%arg26 : memref<!tpu.dma_semaphore, #tpu.memory_space<semaphore_mem>>) {add = true}
      %sub3A_547 = arith.constant 4 : i32
      %sub3A_548 = arith.subi %add3A_524, %sub3A_547 : i32
      %dma_wait3A_549 = arith.constant 2 : i32
      %dma_wait3A_550 = arith.constant 0 : i32
      %dma_wait3A_551 = arith.constant 0 : i32
      %dma_wait3A_552 = tpu.memref_slice %arg9[%dma_wait3A_549, %dma_wait3A_550, %dma_wait3A_551] : memref<8x125x64xbf16, #tpu.memory_space<vmem>> -> memref<1x125x64xbf16, #tpu.memory_space<vmem>>
      %dma_wait3A_553 = tpu.memref_squeeze %dma_wait3A_552 : memref<1x125x64xbf16, #tpu.memory_space<vmem>> -> memref<125x64xbf16, #tpu.memory_space<vmem>>
      %dma_wait3A_554 = arith.constant 0 : i32
      %dma_wait3A_555 = tpu.memref_slice %arg8[%sub3A_548, %dma_wait3A_554] : memref<80x125xi32, #tpu.memory_space<vmem>> -> memref<1x125xi32, #tpu.memory_space<vmem>>
      %dma_wait3A_556 = tpu.memref_squeeze %dma_wait3A_555 : memref<1x125xi32, #tpu.memory_space<vmem>> -> memref<125xi32, #tpu.memory_space<vmem>>
      %dma_wait3A_557 = arith.constant 0 : i32
      %dma_wait3A_558 = arith.constant 0 : i32
      %dma_wait3A_559 = tpu.memref_slice %arg10[%dma_wait3A_557, %dma_wait3A_558] : memref<10240x64xbf16, #tpu.memory_space<vmem_shared>> -> memref<10240x64xbf16, #tpu.memory_space<vmem_shared>>
      tpu.wait_indirect_dma semaphore(%arg22 : memref<!tpu.dma_semaphore, #tpu.memory_space<semaphore_mem>>) src(%dma_wait3A_553 : memref<125x64xbf16, #tpu.memory_space<vmem>>) dst(%dma_wait3A_559 : memref<10240x64xbf16, #tpu.memory_space<vmem_shared>>)
      %add3A_560 = arith.constant 4 : i32
      %add3A_561 = arith.addi %add3A_524, %add3A_560 : i32
      %dma_start3A_562 = arith.constant 2 : i32
      %dma_start3A_563 = arith.constant 0 : i32
      %dma_start3A_564 = arith.constant 0 : i32
      %dma_start3A_565 = tpu.memref_slice %arg9[%dma_start3A_562, %dma_start3A_563, %dma_start3A_564] : memref<8x125x64xbf16, #tpu.memory_space<vmem>> -> memref<1x125x64xbf16, #tpu.memory_space<vmem>>
      %dma_start3A_566 = tpu.memref_squeeze %dma_start3A_565 : memref<1x125x64xbf16, #tpu.memory_space<vmem>> -> memref<125x64xbf16, #tpu.memory_space<vmem>>
      %dma_start3A_567 = arith.constant 0 : i32
      %dma_start3A_568 = tpu.memref_slice %arg7[%add3A_561, %dma_start3A_567] : memref<80x125xi32, #tpu.memory_space<vmem>> -> memref<1x125xi32, #tpu.memory_space<vmem>>
      %dma_start3A_569 = tpu.memref_squeeze %dma_start3A_568 : memref<1x125xi32, #tpu.memory_space<vmem>> -> memref<125xi32, #tpu.memory_space<vmem>>
      %dma_start3A_570 = arith.constant 0 : i32
      %dma_start3A_571 = arith.constant 0 : i32
      %dma_start3A_572 = tpu.memref_slice %arg2[%dma_start3A_570, %dma_start3A_571] : memref<10000x64xbf16, #tpu.memory_space<hbm>> -> memref<10000x64xbf16, #tpu.memory_space<hbm>>
      tpu.enqueue_indirect_dma source(%dma_start3A_572 : memref<10000x64xbf16, #tpu.memory_space<hbm>>) target(%dma_start3A_566 : memref<125x64xbf16, #tpu.memory_space<vmem>>) offsets(%dma_start3A_569 : memref<125xi32, #tpu.memory_space<vmem>>) semaphore(%arg14 : memref<!tpu.dma_semaphore, #tpu.memory_space<semaphore_mem>>)
      %mul3A_573 = arith.constant 8 : i32
      %mul3A_574 = arith.muli %scan3A_411, %mul3A_573 : i32
      %add3A_575 = arith.constant 4 : i32
      %add3A_576 = arith.addi %add3A_575, %mul3A_574 : i32
      %add3A_577 = arith.constant 3 : i32
      %add3A_578 = arith.addi %add3A_576, %add3A_577 : i32
      %dma_wait3A_579 = arith.constant 7 : i32
      %dma_wait3A_580 = arith.constant 0 : i32
      %dma_wait3A_581 = arith.constant 0 : i32
      %dma_wait3A_582 = tpu.memref_slice %arg9[%dma_wait3A_579, %dma_wait3A_580, %dma_wait3A_581] : memref<8x125x64xbf16, #tpu.memory_space<vmem>> -> memref<1x125x64xbf16, #tpu.memory_space<vmem>>
      %dma_wait3A_583 = tpu.memref_squeeze %dma_wait3A_582 : memref<1x125x64xbf16, #tpu.memory_space<vmem>> -> memref<125x64xbf16, #tpu.memory_space<vmem>>
      %dma_wait3A_584 = arith.constant 0 : i32
      %dma_wait3A_585 = tpu.memref_slice %arg7[%add3A_578, %dma_wait3A_584] : memref<80x125xi32, #tpu.memory_space<vmem>> -> memref<1x125xi32, #tpu.memory_space<vmem>>
      %dma_wait3A_586 = tpu.memref_squeeze %dma_wait3A_585 : memref<1x125xi32, #tpu.memory_space<vmem>> -> memref<125xi32, #tpu.memory_space<vmem>>
      %dma_wait3A_587 = arith.constant 0 : i32
      %dma_wait3A_588 = arith.constant 0 : i32
      %dma_wait3A_589 = tpu.memref_slice %arg2[%dma_wait3A_587, %dma_wait3A_588] : memref<10000x64xbf16, #tpu.memory_space<hbm>> -> memref<10000x64xbf16, #tpu.memory_space<hbm>>
      tpu.wait_indirect_dma semaphore(%arg19 : memref<!tpu.dma_semaphore, #tpu.memory_space<semaphore_mem>>) src(%dma_wait3A_589 : memref<10000x64xbf16, #tpu.memory_space<hbm>>) dst(%dma_wait3A_583 : memref<125x64xbf16, #tpu.memory_space<vmem>>)
      %dma_start3A_590 = arith.constant 7 : i32
      %dma_start3A_591 = arith.constant 0 : i32
      %dma_start3A_592 = arith.constant 0 : i32
      %dma_start3A_593 = tpu.memref_slice %arg9[%dma_start3A_590, %dma_start3A_591, %dma_start3A_592] : memref<8x125x64xbf16, #tpu.memory_space<vmem>> -> memref<1x125x64xbf16, #tpu.memory_space<vmem>>
      %dma_start3A_594 = tpu.memref_squeeze %dma_start3A_593 : memref<1x125x64xbf16, #tpu.memory_space<vmem>> -> memref<125x64xbf16, #tpu.memory_space<vmem>>
      %dma_start3A_595 = arith.constant 0 : i32
      %dma_start3A_596 = tpu.memref_slice %arg8[%add3A_578, %dma_start3A_595] : memref<80x125xi32, #tpu.memory_space<vmem>> -> memref<1x125xi32, #tpu.memory_space<vmem>>
      %dma_start3A_597 = tpu.memref_squeeze %dma_start3A_596 : memref<1x125xi32, #tpu.memory_space<vmem>> -> memref<125xi32, #tpu.memory_space<vmem>>
      %dma_start3A_598 = arith.constant 0 : i32
      %dma_start3A_599 = arith.constant 0 : i32
      %dma_start3A_600 = tpu.memref_slice %arg11[%dma_start3A_598, %dma_start3A_599] : memref<10240x64xbf16, #tpu.memory_space<vmem_shared>> -> memref<10240x64xbf16, #tpu.memory_space<vmem_shared>>
      tpu.enqueue_indirect_dma source(%dma_start3A_594 : memref<125x64xbf16, #tpu.memory_space<vmem>>) target(%dma_start3A_600 : memref<10240x64xbf16, #tpu.memory_space<vmem_shared>>) offsets(%dma_start3A_597 : memref<125xi32, #tpu.memory_space<vmem>>) semaphore(%arg27 : memref<!tpu.dma_semaphore, #tpu.memory_space<semaphore_mem>>) {add = true}
      %sub3A_601 = arith.constant 4 : i32
      %sub3A_602 = arith.subi %add3A_578, %sub3A_601 : i32
      %dma_wait3A_603 = arith.constant 3 : i32
      %dma_wait3A_604 = arith.constant 0 : i32
      %dma_wait3A_605 = arith.constant 0 : i32
      %dma_wait3A_606 = tpu.memref_slice %arg9[%dma_wait3A_603, %dma_wait3A_604, %dma_wait3A_605] : memref<8x125x64xbf16, #tpu.memory_space<vmem>> -> memref<1x125x64xbf16, #tpu.memory_space<vmem>>
      %dma_wait3A_607 = tpu.memref_squeeze %dma_wait3A_606 : memref<1x125x64xbf16, #tpu.memory_space<vmem>> -> memref<125x64xbf16, #tpu.memory_space<vmem>>
      %dma_wait3A_608 = arith.constant 0 : i32
      %dma_wait3A_609 = tpu.memref_slice %arg8[%sub3A_602, %dma_wait3A_608] : memref<80x125xi32, #tpu.memory_space<vmem>> -> memref<1x125xi32, #tpu.memory_space<vmem>>
      %dma_wait3A_610 = tpu.memref_squeeze %dma_wait3A_609 : memref<1x125xi32, #tpu.memory_space<vmem>> -> memref<125xi32, #tpu.memory_space<vmem>>
      %dma_wait3A_611 = arith.constant 0 : i32
      %dma_wait3A_612 = arith.constant 0 : i32
      %dma_wait3A_613 = tpu.memref_slice %arg11[%dma_wait3A_611, %dma_wait3A_612] : memref<10240x64xbf16, #tpu.memory_space<vmem_shared>> -> memref<10240x64xbf16, #tpu.memory_space<vmem_shared>>
      tpu.wait_indirect_dma semaphore(%arg23 : memref<!tpu.dma_semaphore, #tpu.memory_space<semaphore_mem>>) src(%dma_wait3A_607 : memref<125x64xbf16, #tpu.memory_space<vmem>>) dst(%dma_wait3A_613 : memref<10240x64xbf16, #tpu.memory_space<vmem_shared>>)
      %add3A_614 = arith.constant 4 : i32
      %add3A_615 = arith.addi %add3A_578, %add3A_614 : i32
      %dma_start3A_616 = arith.constant 3 : i32
      %dma_start3A_617 = arith.constant 0 : i32
      %dma_start3A_618 = arith.constant 0 : i32
      %dma_start3A_619 = tpu.memref_slice %arg9[%dma_start3A_616, %dma_start3A_617, %dma_start3A_618] : memref<8x125x64xbf16, #tpu.memory_space<vmem>> -> memref<1x125x64xbf16, #tpu.memory_space<vmem>>
      %dma_start3A_620 = tpu.memref_squeeze %dma_start3A_619 : memref<1x125x64xbf16, #tpu.memory_space<vmem>> -> memref<125x64xbf16, #tpu.memory_space<vmem>>
      %dma_start3A_621 = arith.constant 0 : i32
      %dma_start3A_622 = tpu.memref_slice %arg7[%add3A_615, %dma_start3A_621] : memref<80x125xi32, #tpu.memory_space<vmem>> -> memref<1x125xi32, #tpu.memory_space<vmem>>
      %dma_start3A_623 = tpu.memref_squeeze %dma_start3A_622 : memref<1x125xi32, #tpu.memory_space<vmem>> -> memref<125xi32, #tpu.memory_space<vmem>>
      %dma_start3A_624 = arith.constant 0 : i32
      %dma_start3A_625 = arith.constant 0 : i32
      %dma_start3A_626 = tpu.memref_slice %arg2[%dma_start3A_624, %dma_start3A_625] : memref<10000x64xbf16, #tpu.memory_space<hbm>> -> memref<10000x64xbf16, #tpu.memory_space<hbm>>
      tpu.enqueue_indirect_dma source(%dma_start3A_626 : memref<10000x64xbf16, #tpu.memory_space<hbm>>) target(%dma_start3A_620 : memref<125x64xbf16, #tpu.memory_space<vmem>>) offsets(%dma_start3A_623 : memref<125xi32, #tpu.memory_space<vmem>>) semaphore(%arg15 : memref<!tpu.dma_semaphore, #tpu.memory_space<semaphore_mem>>)
      %mul3A_627 = arith.constant 8 : i32
      %mul3A_628 = arith.muli %scan3A_411, %mul3A_627 : i32
      %add3A_629 = arith.constant 4 : i32
      %add3A_630 = arith.addi %add3A_629, %mul3A_628 : i32
      %add3A_631 = arith.constant 4 : i32
      %add3A_632 = arith.addi %add3A_630, %add3A_631 : i32
      %dma_wait3A_633 = arith.constant 0 : i32
      %dma_wait3A_634 = arith.constant 0 : i32
      %dma_wait3A_635 = arith.constant 0 : i32
      %dma_wait3A_636 = tpu.memref_slice %arg9[%dma_wait3A_633, %dma_wait3A_634, %dma_wait3A_635] : memref<8x125x64xbf16, #tpu.memory_space<vmem>> -> memref<1x125x64xbf16, #tpu.memory_space<vmem>>
      %dma_wait3A_637 = tpu.memref_squeeze %dma_wait3A_636 : memref<1x125x64xbf16, #tpu.memory_space<vmem>> -> memref<125x64xbf16, #tpu.memory_space<vmem>>
      %dma_wait3A_638 = arith.constant 0 : i32
      %dma_wait3A_639 = tpu.memref_slice %arg7[%add3A_632, %dma_wait3A_638] : memref<80x125xi32, #tpu.memory_space<vmem>> -> memref<1x125xi32, #tpu.memory_space<vmem>>
      %dma_wait3A_640 = tpu.memref_squeeze %dma_wait3A_639 : memref<1x125xi32, #tpu.memory_space<vmem>> -> memref<125xi32, #tpu.memory_space<vmem>>
      %dma_wait3A_641 = arith.constant 0 : i32
      %dma_wait3A_642 = arith.constant 0 : i32
      %dma_wait3A_643 = tpu.memref_slice %arg2[%dma_wait3A_641, %dma_wait3A_642] : memref<10000x64xbf16, #tpu.memory_space<hbm>> -> memref<10000x64xbf16, #tpu.memory_space<hbm>>
      tpu.wait_indirect_dma semaphore(%arg12 : memref<!tpu.dma_semaphore, #tpu.memory_space<semaphore_mem>>) src(%dma_wait3A_643 : memref<10000x64xbf16, #tpu.memory_space<hbm>>) dst(%dma_wait3A_637 : memref<125x64xbf16, #tpu.memory_space<vmem>>)
      %dma_start3A_644 = arith.constant 0 : i32
      %dma_start3A_645 = arith.constant 0 : i32
      %dma_start3A_646 = arith.constant 0 : i32
      %dma_start3A_647 = tpu.memref_slice %arg9[%dma_start3A_644, %dma_start3A_645, %dma_start3A_646] : memref<8x125x64xbf16, #tpu.memory_space<vmem>> -> memref<1x125x64xbf16, #tpu.memory_space<vmem>>
      %dma_start3A_648 = tpu.memref_squeeze %dma_start3A_647 : memref<1x125x64xbf16, #tpu.memory_space<vmem>> -> memref<125x64xbf16, #tpu.memory_space<vmem>>
      %dma_start3A_649 = arith.constant 0 : i32
      %dma_start3A_650 = tpu.memref_slice %arg8[%add3A_632, %dma_start3A_649] : memref<80x125xi32, #tpu.memory_space<vmem>> -> memref<1x125xi32, #tpu.memory_space<vmem>>
      %dma_start3A_651 = tpu.memref_squeeze %dma_start3A_650 : memref<1x125xi32, #tpu.memory_space<vmem>> -> memref<125xi32, #tpu.memory_space<vmem>>
      %dma_start3A_652 = arith.constant 0 : i32
      %dma_start3A_653 = arith.constant 0 : i32
      %dma_start3A_654 = tpu.memref_slice %arg10[%dma_start3A_652, %dma_start3A_653] : memref<10240x64xbf16, #tpu.memory_space<vmem_shared>> -> memref<10240x64xbf16, #tpu.memory_space<vmem_shared>>
      tpu.enqueue_indirect_dma source(%dma_start3A_648 : memref<125x64xbf16, #tpu.memory_space<vmem>>) target(%dma_start3A_654 : memref<10240x64xbf16, #tpu.memory_space<vmem_shared>>) offsets(%dma_start3A_651 : memref<125xi32, #tpu.memory_space<vmem>>) semaphore(%arg20 : memref<!tpu.dma_semaphore, #tpu.memory_space<semaphore_mem>>) {add = true}
      %sub3A_655 = arith.constant 4 : i32
      %sub3A_656 = arith.subi %add3A_632, %sub3A_655 : i32
      %dma_wait3A_657 = arith.constant 4 : i32
      %dma_wait3A_658 = arith.constant 0 : i32
      %dma_wait3A_659 = arith.constant 0 : i32
      %dma_wait3A_660 = tpu.memref_slice %arg9[%dma_wait3A_657, %dma_wait3A_658, %dma_wait3A_659] : memref<8x125x64xbf16, #tpu.memory_space<vmem>> -> memref<1x125x64xbf16, #tpu.memory_space<vmem>>
      %dma_wait3A_661 = tpu.memref_squeeze %dma_wait3A_660 : memref<1x125x64xbf16, #tpu.memory_space<vmem>> -> memref<125x64xbf16, #tpu.memory_space<vmem>>
      %dma_wait3A_662 = arith.constant 0 : i32
      %dma_wait3A_663 = tpu.memref_slice %arg8[%sub3A_656, %dma_wait3A_662] : memref<80x125xi32, #tpu.memory_space<vmem>> -> memref<1x125xi32, #tpu.memory_space<vmem>>
      %dma_wait3A_664 = tpu.memref_squeeze %dma_wait3A_663 : memref<1x125xi32, #tpu.memory_space<vmem>> -> memref<125xi32, #tpu.memory_space<vmem>>
      %dma_wait3A_665 = arith.constant 0 : i32
      %dma_wait3A_666 = arith.constant 0 : i32
      %dma_wait3A_667 = tpu.memref_slice %arg10[%dma_wait3A_665, %dma_wait3A_666] : memref<10240x64xbf16, #tpu.memory_space<vmem_shared>> -> memref<10240x64xbf16, #tpu.memory_space<vmem_shared>>
      tpu.wait_indirect_dma semaphore(%arg24 : memref<!tpu.dma_semaphore, #tpu.memory_space<semaphore_mem>>) src(%dma_wait3A_661 : memref<125x64xbf16, #tpu.memory_space<vmem>>) dst(%dma_wait3A_667 : memref<10240x64xbf16, #tpu.memory_space<vmem_shared>>)
      %add3A_668 = arith.constant 4 : i32
      %add3A_669 = arith.addi %add3A_632, %add3A_668 : i32
      %dma_start3A_670 = arith.constant 4 : i32
      %dma_start3A_671 = arith.constant 0 : i32
      %dma_start3A_672 = arith.constant 0 : i32
      %dma_start3A_673 = tpu.memref_slice %arg9[%dma_start3A_670, %dma_start3A_671, %dma_start3A_672] : memref<8x125x64xbf16, #tpu.memory_space<vmem>> -> memref<1x125x64xbf16, #tpu.memory_space<vmem>>
      %dma_start3A_674 = tpu.memref_squeeze %dma_start3A_673 : memref<1x125x64xbf16, #tpu.memory_space<vmem>> -> memref<125x64xbf16, #tpu.memory_space<vmem>>
      %dma_start3A_675 = arith.constant 0 : i32
      %dma_start3A_676 = tpu.memref_slice %arg7[%add3A_669, %dma_start3A_675] : memref<80x125xi32, #tpu.memory_space<vmem>> -> memref<1x125xi32, #tpu.memory_space<vmem>>
      %dma_start3A_677 = tpu.memref_squeeze %dma_start3A_676 : memref<1x125xi32, #tpu.memory_space<vmem>> -> memref<125xi32, #tpu.memory_space<vmem>>
      %dma_start3A_678 = arith.constant 0 : i32
      %dma_start3A_679 = arith.constant 0 : i32
      %dma_start3A_680 = tpu.memref_slice %arg2[%dma_start3A_678, %dma_start3A_679] : memref<10000x64xbf16, #tpu.memory_space<hbm>> -> memref<10000x64xbf16, #tpu.memory_space<hbm>>
      tpu.enqueue_indirect_dma source(%dma_start3A_680 : memref<10000x64xbf16, #tpu.memory_space<hbm>>) target(%dma_start3A_674 : memref<125x64xbf16, #tpu.memory_space<vmem>>) offsets(%dma_start3A_677 : memref<125xi32, #tpu.memory_space<vmem>>) semaphore(%arg16 : memref<!tpu.dma_semaphore, #tpu.memory_space<semaphore_mem>>)
      %mul3A_681 = arith.constant 8 : i32
      %mul3A_682 = arith.muli %scan3A_411, %mul3A_681 : i32
      %add3A_683 = arith.constant 4 : i32
      %add3A_684 = arith.addi %add3A_683, %mul3A_682 : i32
      %add3A_685 = arith.constant 5 : i32
      %add3A_686 = arith.addi %add3A_684, %add3A_685 : i32
      %dma_wait3A_687 = arith.constant 1 : i32
      %dma_wait3A_688 = arith.constant 0 : i32
      %dma_wait3A_689 = arith.constant 0 : i32
      %dma_wait3A_690 = tpu.memref_slice %arg9[%dma_wait3A_687, %dma_wait3A_688, %dma_wait3A_689] : memref<8x125x64xbf16, #tpu.memory_space<vmem>> -> memref<1x125x64xbf16, #tpu.memory_space<vmem>>
      %dma_wait3A_691 = tpu.memref_squeeze %dma_wait3A_690 : memref<1x125x64xbf16, #tpu.memory_space<vmem>> -> memref<125x64xbf16, #tpu.memory_space<vmem>>
      %dma_wait3A_692 = arith.constant 0 : i32
      %dma_wait3A_693 = tpu.memref_slice %arg7[%add3A_686, %dma_wait3A_692] : memref<80x125xi32, #tpu.memory_space<vmem>> -> memref<1x125xi32, #tpu.memory_space<vmem>>
      %dma_wait3A_694 = tpu.memref_squeeze %dma_wait3A_693 : memref<1x125xi32, #tpu.memory_space<vmem>> -> memref<125xi32, #tpu.memory_space<vmem>>
      %dma_wait3A_695 = arith.constant 0 : i32
      %dma_wait3A_696 = arith.constant 0 : i32
      %dma_wait3A_697 = tpu.memref_slice %arg2[%dma_wait3A_695, %dma_wait3A_696] : memref<10000x64xbf16, #tpu.memory_space<hbm>> -> memref<10000x64xbf16, #tpu.memory_space<hbm>>
      tpu.wait_indirect_dma semaphore(%arg13 : memref<!tpu.dma_semaphore, #tpu.memory_space<semaphore_mem>>) src(%dma_wait3A_697 : memref<10000x64xbf16, #tpu.memory_space<hbm>>) dst(%dma_wait3A_691 : memref<125x64xbf16, #tpu.memory_space<vmem>>)
      %dma_start3A_698 = arith.constant 1 : i32
      %dma_start3A_699 = arith.constant 0 : i32
      %dma_start3A_700 = arith.constant 0 : i32
      %dma_start3A_701 = tpu.memref_slice %arg9[%dma_start3A_698, %dma_start3A_699, %dma_start3A_700] : memref<8x125x64xbf16, #tpu.memory_space<vmem>> -> memref<1x125x64xbf16, #tpu.memory_space<vmem>>
      %dma_start3A_702 = tpu.memref_squeeze %dma_start3A_701 : memref<1x125x64xbf16, #tpu.memory_space<vmem>> -> memref<125x64xbf16, #tpu.memory_space<vmem>>
      %dma_start3A_703 = arith.constant 0 : i32
      %dma_start3A_704 = tpu.memref_slice %arg8[%add3A_686, %dma_start3A_703] : memref<80x125xi32, #tpu.memory_space<vmem>> -> memref<1x125xi32, #tpu.memory_space<vmem>>
      %dma_start3A_705 = tpu.memref_squeeze %dma_start3A_704 : memref<1x125xi32, #tpu.memory_space<vmem>> -> memref<125xi32, #tpu.memory_space<vmem>>
      %dma_start3A_706 = arith.constant 0 : i32
      %dma_start3A_707 = arith.constant 0 : i32
      %dma_start3A_708 = tpu.memref_slice %arg11[%dma_start3A_706, %dma_start3A_707] : memref<10240x64xbf16, #tpu.memory_space<vmem_shared>> -> memref<10240x64xbf16, #tpu.memory_space<vmem_shared>>
      tpu.enqueue_indirect_dma source(%dma_start3A_702 : memref<125x64xbf16, #tpu.memory_space<vmem>>) target(%dma_start3A_708 : memref<10240x64xbf16, #tpu.memory_space<vmem_shared>>) offsets(%dma_start3A_705 : memref<125xi32, #tpu.memory_space<vmem>>) semaphore(%arg21 : memref<!tpu.dma_semaphore, #tpu.memory_space<semaphore_mem>>) {add = true}
      %sub3A_709 = arith.constant 4 : i32
      %sub3A_710 = arith.subi %add3A_686, %sub3A_709 : i32
      %dma_wait3A_711 = arith.constant 5 : i32
      %dma_wait3A_712 = arith.constant 0 : i32
      %dma_wait3A_713 = arith.constant 0 : i32
      %dma_wait3A_714 = tpu.memref_slice %arg9[%dma_wait3A_711, %dma_wait3A_712, %dma_wait3A_713] : memref<8x125x64xbf16, #tpu.memory_space<vmem>> -> memref<1x125x64xbf16, #tpu.memory_space<vmem>>
      %dma_wait3A_715 = tpu.memref_squeeze %dma_wait3A_714 : memref<1x125x64xbf16, #tpu.memory_space<vmem>> -> memref<125x64xbf16, #tpu.memory_space<vmem>>
      %dma_wait3A_716 = arith.constant 0 : i32
      %dma_wait3A_717 = tpu.memref_slice %arg8[%sub3A_710, %dma_wait3A_716] : memref<80x125xi32, #tpu.memory_space<vmem>> -> memref<1x125xi32, #tpu.memory_space<vmem>>
      %dma_wait3A_718 = tpu.memref_squeeze %dma_wait3A_717 : memref<1x125xi32, #tpu.memory_space<vmem>> -> memref<125xi32, #tpu.memory_space<vmem>>
      %dma_wait3A_719 = arith.constant 0 : i32
      %dma_wait3A_720 = arith.constant 0 : i32
      %dma_wait3A_721 = tpu.memref_slice %arg11[%dma_wait3A_719, %dma_wait3A_720] : memref<10240x64xbf16, #tpu.memory_space<vmem_shared>> -> memref<10240x64xbf16, #tpu.memory_space<vmem_shared>>
      tpu.wait_indirect_dma semaphore(%arg25 : memref<!tpu.dma_semaphore, #tpu.memory_space<semaphore_mem>>) src(%dma_wait3A_715 : memref<125x64xbf16, #tpu.memory_space<vmem>>) dst(%dma_wait3A_721 : memref<10240x64xbf16, #tpu.memory_space<vmem_shared>>)
      %add3A_722 = arith.constant 4 : i32
      %add3A_723 = arith.addi %add3A_686, %add3A_722 : i32
      %dma_start3A_724 = arith.constant 5 : i32
      %dma_start3A_725 = arith.constant 0 : i32
      %dma_start3A_726 = arith.constant 0 : i32
      %dma_start3A_727 = tpu.memref_slice %arg9[%dma_start3A_724, %dma_start3A_725, %dma_start3A_726] : memref<8x125x64xbf16, #tpu.memory_space<vmem>> -> memref<1x125x64xbf16, #tpu.memory_space<vmem>>
      %dma_start3A_728 = tpu.memref_squeeze %dma_start3A_727 : memref<1x125x64xbf16, #tpu.memory_space<vmem>> -> memref<125x64xbf16, #tpu.memory_space<vmem>>
      %dma_start3A_729 = arith.constant 0 : i32
      %dma_start3A_730 = tpu.memref_slice %arg7[%add3A_723, %dma_start3A_729] : memref<80x125xi32, #tpu.memory_space<vmem>> -> memref<1x125xi32, #tpu.memory_space<vmem>>
      %dma_start3A_731 = tpu.memref_squeeze %dma_start3A_730 : memref<1x125xi32, #tpu.memory_space<vmem>> -> memref<125xi32, #tpu.memory_space<vmem>>
      %dma_start3A_732 = arith.constant 0 : i32
      %dma_start3A_733 = arith.constant 0 : i32
      %dma_start3A_734 = tpu.memref_slice %arg2[%dma_start3A_732, %dma_start3A_733] : memref<10000x64xbf16, #tpu.memory_space<hbm>> -> memref<10000x64xbf16, #tpu.memory_space<hbm>>
      tpu.enqueue_indirect_dma source(%dma_start3A_734 : memref<10000x64xbf16, #tpu.memory_space<hbm>>) target(%dma_start3A_728 : memref<125x64xbf16, #tpu.memory_space<vmem>>) offsets(%dma_start3A_731 : memref<125xi32, #tpu.memory_space<vmem>>) semaphore(%arg17 : memref<!tpu.dma_semaphore, #tpu.memory_space<semaphore_mem>>)
      %mul3A_735 = arith.constant 8 : i32
      %mul3A_736 = arith.muli %scan3A_411, %mul3A_735 : i32
      %add3A_737 = arith.constant 4 : i32
      %add3A_738 = arith.addi %add3A_737, %mul3A_736 : i32
      %add3A_739 = arith.constant 6 : i32
      %add3A_740 = arith.addi %add3A_738, %add3A_739 : i32
      %dma_wait3A_741 = arith.constant 2 : i32
      %dma_wait3A_742 = arith.constant 0 : i32
      %dma_wait3A_743 = arith.constant 0 : i32
      %dma_wait3A_744 = tpu.memref_slice %arg9[%dma_wait3A_741, %dma_wait3A_742, %dma_wait3A_743] : memref<8x125x64xbf16, #tpu.memory_space<vmem>> -> memref<1x125x64xbf16, #tpu.memory_space<vmem>>
      %dma_wait3A_745 = tpu.memref_squeeze %dma_wait3A_744 : memref<1x125x64xbf16, #tpu.memory_space<vmem>> -> memref<125x64xbf16, #tpu.memory_space<vmem>>
      %dma_wait3A_746 = arith.constant 0 : i32
      %dma_wait3A_747 = tpu.memref_slice %arg7[%add3A_740, %dma_wait3A_746] : memref<80x125xi32, #tpu.memory_space<vmem>> -> memref<1x125xi32, #tpu.memory_space<vmem>>
      %dma_wait3A_748 = tpu.memref_squeeze %dma_wait3A_747 : memref<1x125xi32, #tpu.memory_space<vmem>> -> memref<125xi32, #tpu.memory_space<vmem>>
      %dma_wait3A_749 = arith.constant 0 : i32
      %dma_wait3A_750 = arith.constant 0 : i32
      %dma_wait3A_751 = tpu.memref_slice %arg2[%dma_wait3A_749, %dma_wait3A_750] : memref<10000x64xbf16, #tpu.memory_space<hbm>> -> memref<10000x64xbf16, #tpu.memory_space<hbm>>
      tpu.wait_indirect_dma semaphore(%arg14 : memref<!tpu.dma_semaphore, #tpu.memory_space<semaphore_mem>>) src(%dma_wait3A_751 : memref<10000x64xbf16, #tpu.memory_space<hbm>>) dst(%dma_wait3A_745 : memref<125x64xbf16, #tpu.memory_space<vmem>>)
      %dma_start3A_752 = arith.constant 2 : i32
      %dma_start3A_753 = arith.constant 0 : i32
      %dma_start3A_754 = arith.constant 0 : i32
      %dma_start3A_755 = tpu.memref_slice %arg9[%dma_start3A_752, %dma_start3A_753, %dma_start3A_754] : memref<8x125x64xbf16, #tpu.memory_space<vmem>> -> memref<1x125x64xbf16, #tpu.memory_space<vmem>>
      %dma_start3A_756 = tpu.memref_squeeze %dma_start3A_755 : memref<1x125x64xbf16, #tpu.memory_space<vmem>> -> memref<125x64xbf16, #tpu.memory_space<vmem>>
      %dma_start3A_757 = arith.constant 0 : i32
      %dma_start3A_758 = tpu.memref_slice %arg8[%add3A_740, %dma_start3A_757] : memref<80x125xi32, #tpu.memory_space<vmem>> -> memref<1x125xi32, #tpu.memory_space<vmem>>
      %dma_start3A_759 = tpu.memref_squeeze %dma_start3A_758 : memref<1x125xi32, #tpu.memory_space<vmem>> -> memref<125xi32, #tpu.memory_space<vmem>>
      %dma_start3A_760 = arith.constant 0 : i32
      %dma_start3A_761 = arith.constant 0 : i32
      %dma_start3A_762 = tpu.memref_slice %arg10[%dma_start3A_760, %dma_start3A_761] : memref<10240x64xbf16, #tpu.memory_space<vmem_shared>> -> memref<10240x64xbf16, #tpu.memory_space<vmem_shared>>
      tpu.enqueue_indirect_dma source(%dma_start3A_756 : memref<125x64xbf16, #tpu.memory_space<vmem>>) target(%dma_start3A_762 : memref<10240x64xbf16, #tpu.memory_space<vmem_shared>>) offsets(%dma_start3A_759 : memref<125xi32, #tpu.memory_space<vmem>>) semaphore(%arg22 : memref<!tpu.dma_semaphore, #tpu.memory_space<semaphore_mem>>) {add = true}
      %sub3A_763 = arith.constant 4 : i32
      %sub3A_764 = arith.subi %add3A_740, %sub3A_763 : i32
      %dma_wait3A_765 = arith.constant 6 : i32
      %dma_wait3A_766 = arith.constant 0 : i32
      %dma_wait3A_767 = arith.constant 0 : i32
      %dma_wait3A_768 = tpu.memref_slice %arg9[%dma_wait3A_765, %dma_wait3A_766, %dma_wait3A_767] : memref<8x125x64xbf16, #tpu.memory_space<vmem>> -> memref<1x125x64xbf16, #tpu.memory_space<vmem>>
      %dma_wait3A_769 = tpu.memref_squeeze %dma_wait3A_768 : memref<1x125x64xbf16, #tpu.memory_space<vmem>> -> memref<125x64xbf16, #tpu.memory_space<vmem>>
      %dma_wait3A_770 = arith.constant 0 : i32
      %dma_wait3A_771 = tpu.memref_slice %arg8[%sub3A_764, %dma_wait3A_770] : memref<80x125xi32, #tpu.memory_space<vmem>> -> memref<1x125xi32, #tpu.memory_space<vmem>>
      %dma_wait3A_772 = tpu.memref_squeeze %dma_wait3A_771 : memref<1x125xi32, #tpu.memory_space<vmem>> -> memref<125xi32, #tpu.memory_space<vmem>>
      %dma_wait3A_773 = arith.constant 0 : i32
      %dma_wait3A_774 = arith.constant 0 : i32
      %dma_wait3A_775 = tpu.memref_slice %arg10[%dma_wait3A_773, %dma_wait3A_774] : memref<10240x64xbf16, #tpu.memory_space<vmem_shared>> -> memref<10240x64xbf16, #tpu.memory_space<vmem_shared>>
      tpu.wait_indirect_dma semaphore(%arg26 : memref<!tpu.dma_semaphore, #tpu.memory_space<semaphore_mem>>) src(%dma_wait3A_769 : memref<125x64xbf16, #tpu.memory_space<vmem>>) dst(%dma_wait3A_775 : memref<10240x64xbf16, #tpu.memory_space<vmem_shared>>)
      %add3A_776 = arith.constant 4 : i32
      %add3A_777 = arith.addi %add3A_740, %add3A_776 : i32
      %dma_start3A_778 = arith.constant 6 : i32
      %dma_start3A_779 = arith.constant 0 : i32
      %dma_start3A_780 = arith.constant 0 : i32
      %dma_start3A_781 = tpu.memref_slice %arg9[%dma_start3A_778, %dma_start3A_779, %dma_start3A_780] : memref<8x125x64xbf16, #tpu.memory_space<vmem>> -> memref<1x125x64xbf16, #tpu.memory_space<vmem>>
      %dma_start3A_782 = tpu.memref_squeeze %dma_start3A_781 : memref<1x125x64xbf16, #tpu.memory_space<vmem>> -> memref<125x64xbf16, #tpu.memory_space<vmem>>
      %dma_start3A_783 = arith.constant 0 : i32
      %dma_start3A_784 = tpu.memref_slice %arg7[%add3A_777, %dma_start3A_783] : memref<80x125xi32, #tpu.memory_space<vmem>> -> memref<1x125xi32, #tpu.memory_space<vmem>>
      %dma_start3A_785 = tpu.memref_squeeze %dma_start3A_784 : memref<1x125xi32, #tpu.memory_space<vmem>> -> memref<125xi32, #tpu.memory_space<vmem>>
      %dma_start3A_786 = arith.constant 0 : i32
      %dma_start3A_787 = arith.constant 0 : i32
      %dma_start3A_788 = tpu.memref_slice %arg2[%dma_start3A_786, %dma_start3A_787] : memref<10000x64xbf16, #tpu.memory_space<hbm>> -> memref<10000x64xbf16, #tpu.memory_space<hbm>>
      tpu.enqueue_indirect_dma source(%dma_start3A_788 : memref<10000x64xbf16, #tpu.memory_space<hbm>>) target(%dma_start3A_782 : memref<125x64xbf16, #tpu.memory_space<vmem>>) offsets(%dma_start3A_785 : memref<125xi32, #tpu.memory_space<vmem>>) semaphore(%arg18 : memref<!tpu.dma_semaphore, #tpu.memory_space<semaphore_mem>>)
      %mul3A_789 = arith.constant 8 : i32
      %mul3A_790 = arith.muli %scan3A_411, %mul3A_789 : i32
      %add3A_791 = arith.constant 4 : i32
      %add3A_792 = arith.addi %add3A_791, %mul3A_790 : i32
      %add3A_793 = arith.constant 7 : i32
      %add3A_794 = arith.addi %add3A_792, %add3A_793 : i32
      %dma_wait3A_795 = arith.constant 3 : i32
      %dma_wait3A_796 = arith.constant 0 : i32
      %dma_wait3A_797 = arith.constant 0 : i32
      %dma_wait3A_798 = tpu.memref_slice %arg9[%dma_wait3A_795, %dma_wait3A_796, %dma_wait3A_797] : memref<8x125x64xbf16, #tpu.memory_space<vmem>> -> memref<1x125x64xbf16, #tpu.memory_space<vmem>>
      %dma_wait3A_799 = tpu.memref_squeeze %dma_wait3A_798 : memref<1x125x64xbf16, #tpu.memory_space<vmem>> -> memref<125x64xbf16, #tpu.memory_space<vmem>>
      %dma_wait3A_800 = arith.constant 0 : i32
      %dma_wait3A_801 = tpu.memref_slice %arg7[%add3A_794, %dma_wait3A_800] : memref<80x125xi32, #tpu.memory_space<vmem>> -> memref<1x125xi32, #tpu.memory_space<vmem>>
      %dma_wait3A_802 = tpu.memref_squeeze %dma_wait3A_801 : memref<1x125xi32, #tpu.memory_space<vmem>> -> memref<125xi32, #tpu.memory_space<vmem>>
      %dma_wait3A_803 = arith.constant 0 : i32
      %dma_wait3A_804 = arith.constant 0 : i32
      %dma_wait3A_805 = tpu.memref_slice %arg2[%dma_wait3A_803, %dma_wait3A_804] : memref<10000x64xbf16, #tpu.memory_space<hbm>> -> memref<10000x64xbf16, #tpu.memory_space<hbm>>
      tpu.wait_indirect_dma semaphore(%arg15 : memref<!tpu.dma_semaphore, #tpu.memory_space<semaphore_mem>>) src(%dma_wait3A_805 : memref<10000x64xbf16, #tpu.memory_space<hbm>>) dst(%dma_wait3A_799 : memref<125x64xbf16, #tpu.memory_space<vmem>>)
      %dma_start3A_806 = arith.constant 3 : i32
      %dma_start3A_807 = arith.constant 0 : i32
      %dma_start3A_808 = arith.constant 0 : i32
      %dma_start3A_809 = tpu.memref_slice %arg9[%dma_start3A_806, %dma_start3A_807, %dma_start3A_808] : memref<8x125x64xbf16, #tpu.memory_space<vmem>> -> memref<1x125x64xbf16, #tpu.memory_space<vmem>>
      %dma_start3A_810 = tpu.memref_squeeze %dma_start3A_809 : memref<1x125x64xbf16, #tpu.memory_space<vmem>> -> memref<125x64xbf16, #tpu.memory_space<vmem>>
      %dma_start3A_811 = arith.constant 0 : i32
      %dma_start3A_812 = tpu.memref_slice %arg8[%add3A_794, %dma_start3A_811] : memref<80x125xi32, #tpu.memory_space<vmem>> -> memref<1x125xi32, #tpu.memory_space<vmem>>
      %dma_start3A_813 = tpu.memref_squeeze %dma_start3A_812 : memref<1x125xi32, #tpu.memory_space<vmem>> -> memref<125xi32, #tpu.memory_space<vmem>>
      %dma_start3A_814 = arith.constant 0 : i32
      %dma_start3A_815 = arith.constant 0 : i32
      %dma_start3A_816 = tpu.memref_slice %arg11[%dma_start3A_814, %dma_start3A_815] : memref<10240x64xbf16, #tpu.memory_space<vmem_shared>> -> memref<10240x64xbf16, #tpu.memory_space<vmem_shared>>
      tpu.enqueue_indirect_dma source(%dma_start3A_810 : memref<125x64xbf16, #tpu.memory_space<vmem>>) target(%dma_start3A_816 : memref<10240x64xbf16, #tpu.memory_space<vmem_shared>>) offsets(%dma_start3A_813 : memref<125xi32, #tpu.memory_space<vmem>>) semaphore(%arg23 : memref<!tpu.dma_semaphore, #tpu.memory_space<semaphore_mem>>) {add = true}
      %sub3A_817 = arith.constant 4 : i32
      %sub3A_818 = arith.subi %add3A_794, %sub3A_817 : i32
      %dma_wait3A_819 = arith.constant 7 : i32
      %dma_wait3A_820 = arith.constant 0 : i32
      %dma_wait3A_821 = arith.constant 0 : i32
      %dma_wait3A_822 = tpu.memref_slice %arg9[%dma_wait3A_819, %dma_wait3A_820, %dma_wait3A_821] : memref<8x125x64xbf16, #tpu.memory_space<vmem>> -> memref<1x125x64xbf16, #tpu.memory_space<vmem>>
      %dma_wait3A_823 = tpu.memref_squeeze %dma_wait3A_822 : memref<1x125x64xbf16, #tpu.memory_space<vmem>> -> memref<125x64xbf16, #tpu.memory_space<vmem>>
      %dma_wait3A_824 = arith.constant 0 : i32
      %dma_wait3A_825 = tpu.memref_slice %arg8[%sub3A_818, %dma_wait3A_824] : memref<80x125xi32, #tpu.memory_space<vmem>> -> memref<1x125xi32, #tpu.memory_space<vmem>>
      %dma_wait3A_826 = tpu.memref_squeeze %dma_wait3A_825 : memref<1x125xi32, #tpu.memory_space<vmem>> -> memref<125xi32, #tpu.memory_space<vmem>>
      %dma_wait3A_827 = arith.constant 0 : i32
      %dma_wait3A_828 = arith.constant 0 : i32
      %dma_wait3A_829 = tpu.memref_slice %arg11[%dma_wait3A_827, %dma_wait3A_828] : memref<10240x64xbf16, #tpu.memory_space<vmem_shared>> -> memref<10240x64xbf16, #tpu.memory_space<vmem_shared>>
      tpu.wait_indirect_dma semaphore(%arg27 : memref<!tpu.dma_semaphore, #tpu.memory_space<semaphore_mem>>) src(%dma_wait3A_823 : memref<125x64xbf16, #tpu.memory_space<vmem>>) dst(%dma_wait3A_829 : memref<10240x64xbf16, #tpu.memory_space<vmem_shared>>)
      %add3A_830 = arith.constant 4 : i32
      %add3A_831 = arith.addi %add3A_794, %add3A_830 : i32
      %dma_start3A_832 = arith.constant 7 : i32
      %dma_start3A_833 = arith.constant 0 : i32
      %dma_start3A_834 = arith.constant 0 : i32
      %dma_start3A_835 = tpu.memref_slice %arg9[%dma_start3A_832, %dma_start3A_833, %dma_start3A_834] : memref<8x125x64xbf16, #tpu.memory_space<vmem>> -> memref<1x125x64xbf16, #tpu.memory_space<vmem>>
      %dma_start3A_836 = tpu.memref_squeeze %dma_start3A_835 : memref<1x125x64xbf16, #tpu.memory_space<vmem>> -> memref<125x64xbf16, #tpu.memory_space<vmem>>
      %dma_start3A_837 = arith.constant 0 : i32
      %dma_start3A_838 = tpu.memref_slice %arg7[%add3A_831, %dma_start3A_837] : memref<80x125xi32, #tpu.memory_space<vmem>> -> memref<1x125xi32, #tpu.memory_space<vmem>>
      %dma_start3A_839 = tpu.memref_squeeze %dma_start3A_838 : memref<1x125xi32, #tpu.memory_space<vmem>> -> memref<125xi32, #tpu.memory_space<vmem>>
      %dma_start3A_840 = arith.constant 0 : i32
      %dma_start3A_841 = arith.constant 0 : i32
      %dma_start3A_842 = tpu.memref_slice %arg2[%dma_start3A_840, %dma_start3A_841] : memref<10000x64xbf16, #tpu.memory_space<hbm>> -> memref<10000x64xbf16, #tpu.memory_space<hbm>>
      tpu.enqueue_indirect_dma source(%dma_start3A_842 : memref<10000x64xbf16, #tpu.memory_space<hbm>>) target(%dma_start3A_836 : memref<125x64xbf16, #tpu.memory_space<vmem>>) offsets(%dma_start3A_839 : memref<125xi32, #tpu.memory_space<vmem>>) semaphore(%arg19 : memref<!tpu.dma_semaphore, #tpu.memory_space<semaphore_mem>>)
    }
    %scan3A_203 = arith.constant 9 : i32
    %dma_wait3A_204 = arith.constant 76 : i32
    %dma_wait3A_205 = arith.constant 4 : i32
    %dma_wait3A_206 = arith.constant 0 : i32
    %dma_wait3A_207 = arith.constant 0 : i32
    %dma_wait3A_208 = tpu.memref_slice %arg9[%dma_wait3A_205, %dma_wait3A_206, %dma_wait3A_207] : memref<8x125x64xbf16, #tpu.memory_space<vmem>> -> memref<1x125x64xbf16, #tpu.memory_space<vmem>>
    %dma_wait3A_209 = tpu.memref_squeeze %dma_wait3A_208 : memref<1x125x64xbf16, #tpu.memory_space<vmem>> -> memref<125x64xbf16, #tpu.memory_space<vmem>>
    %dma_wait3A_210 = arith.constant 0 : i32
    %dma_wait3A_211 = tpu.memref_slice %arg7[%dma_wait3A_204, %dma_wait3A_210] : memref<80x125xi32, #tpu.memory_space<vmem>> -> memref<1x125xi32, #tpu.memory_space<vmem>>
    %dma_wait3A_212 = tpu.memref_squeeze %dma_wait3A_211 : memref<1x125xi32, #tpu.memory_space<vmem>> -> memref<125xi32, #tpu.memory_space<vmem>>
    %dma_wait3A_213 = arith.constant 0 : i32
    %dma_wait3A_214 = arith.constant 0 : i32
    %dma_wait3A_215 = tpu.memref_slice %arg2[%dma_wait3A_213, %dma_wait3A_214] : memref<10000x64xbf16, #tpu.memory_space<hbm>> -> memref<10000x64xbf16, #tpu.memory_space<hbm>>
    tpu.wait_indirect_dma semaphore(%arg16 : memref<!tpu.dma_semaphore, #tpu.memory_space<semaphore_mem>>) src(%dma_wait3A_215 : memref<10000x64xbf16, #tpu.memory_space<hbm>>) dst(%dma_wait3A_209 : memref<125x64xbf16, #tpu.memory_space<vmem>>)
    %dma_start3A_216 = arith.constant 4 : i32
    %dma_start3A_217 = arith.constant 76 : i32
    %dma_start3A_218 = arith.constant 0 : i32
    %dma_start3A_219 = arith.constant 0 : i32
    %dma_start3A_220 = tpu.memref_slice %arg9[%dma_start3A_216, %dma_start3A_218, %dma_start3A_219] : memref<8x125x64xbf16, #tpu.memory_space<vmem>> -> memref<1x125x64xbf16, #tpu.memory_space<vmem>>
    %dma_start3A_221 = tpu.memref_squeeze %dma_start3A_220 : memref<1x125x64xbf16, #tpu.memory_space<vmem>> -> memref<125x64xbf16, #tpu.memory_space<vmem>>
    %dma_start3A_222 = arith.constant 0 : i32
    %dma_start3A_223 = tpu.memref_slice %arg8[%dma_start3A_217, %dma_start3A_222] : memref<80x125xi32, #tpu.memory_space<vmem>> -> memref<1x125xi32, #tpu.memory_space<vmem>>
    %dma_start3A_224 = tpu.memref_squeeze %dma_start3A_223 : memref<1x125xi32, #tpu.memory_space<vmem>> -> memref<125xi32, #tpu.memory_space<vmem>>
    %dma_start3A_225 = arith.constant 0 : i32
    %dma_start3A_226 = arith.constant 0 : i32
    %dma_start3A_227 = tpu.memref_slice %arg10[%dma_start3A_225, %dma_start3A_226] : memref<10240x64xbf16, #tpu.memory_space<vmem_shared>> -> memref<10240x64xbf16, #tpu.memory_space<vmem_shared>>
    tpu.enqueue_indirect_dma source(%dma_start3A_221 : memref<125x64xbf16, #tpu.memory_space<vmem>>) target(%dma_start3A_227 : memref<10240x64xbf16, #tpu.memory_space<vmem_shared>>) offsets(%dma_start3A_224 : memref<125xi32, #tpu.memory_space<vmem>>) semaphore(%arg24 : memref<!tpu.dma_semaphore, #tpu.memory_space<semaphore_mem>>) {add = true}
    %dma_wait3A_228 = arith.constant 77 : i32
    %dma_wait3A_229 = arith.constant 5 : i32
    %dma_wait3A_230 = arith.constant 0 : i32
    %dma_wait3A_231 = arith.constant 0 : i32
    %dma_wait3A_232 = tpu.memref_slice %arg9[%dma_wait3A_229, %dma_wait3A_230, %dma_wait3A_231] : memref<8x125x64xbf16, #tpu.memory_space<vmem>> -> memref<1x125x64xbf16, #tpu.memory_space<vmem>>
    %dma_wait3A_233 = tpu.memref_squeeze %dma_wait3A_232 : memref<1x125x64xbf16, #tpu.memory_space<vmem>> -> memref<125x64xbf16, #tpu.memory_space<vmem>>
    %dma_wait3A_234 = arith.constant 0 : i32
    %dma_wait3A_235 = tpu.memref_slice %arg7[%dma_wait3A_228, %dma_wait3A_234] : memref<80x125xi32, #tpu.memory_space<vmem>> -> memref<1x125xi32, #tpu.memory_space<vmem>>
    %dma_wait3A_236 = tpu.memref_squeeze %dma_wait3A_235 : memref<1x125xi32, #tpu.memory_space<vmem>> -> memref<125xi32, #tpu.memory_space<vmem>>
    %dma_wait3A_237 = arith.constant 0 : i32
    %dma_wait3A_238 = arith.constant 0 : i32
    %dma_wait3A_239 = tpu.memref_slice %arg2[%dma_wait3A_237, %dma_wait3A_238] : memref<10000x64xbf16, #tpu.memory_space<hbm>> -> memref<10000x64xbf16, #tpu.memory_space<hbm>>
    tpu.wait_indirect_dma semaphore(%arg17 : memref<!tpu.dma_semaphore, #tpu.memory_space<semaphore_mem>>) src(%dma_wait3A_239 : memref<10000x64xbf16, #tpu.memory_space<hbm>>) dst(%dma_wait3A_233 : memref<125x64xbf16, #tpu.memory_space<vmem>>)
    %dma_start3A_240 = arith.constant 5 : i32
    %dma_start3A_241 = arith.constant 77 : i32
    %dma_start3A_242 = arith.constant 0 : i32
    %dma_start3A_243 = arith.constant 0 : i32
    %dma_start3A_244 = tpu.memref_slice %arg9[%dma_start3A_240, %dma_start3A_242, %dma_start3A_243] : memref<8x125x64xbf16, #tpu.memory_space<vmem>> -> memref<1x125x64xbf16, #tpu.memory_space<vmem>>
    %dma_start3A_245 = tpu.memref_squeeze %dma_start3A_244 : memref<1x125x64xbf16, #tpu.memory_space<vmem>> -> memref<125x64xbf16, #tpu.memory_space<vmem>>
    %dma_start3A_246 = arith.constant 0 : i32
    %dma_start3A_247 = tpu.memref_slice %arg8[%dma_start3A_241, %dma_start3A_246] : memref<80x125xi32, #tpu.memory_space<vmem>> -> memref<1x125xi32, #tpu.memory_space<vmem>>
    %dma_start3A_248 = tpu.memref_squeeze %dma_start3A_247 : memref<1x125xi32, #tpu.memory_space<vmem>> -> memref<125xi32, #tpu.memory_space<vmem>>
    %dma_start3A_249 = arith.constant 0 : i32
    %dma_start3A_250 = arith.constant 0 : i32
    %dma_start3A_251 = tpu.memref_slice %arg11[%dma_start3A_249, %dma_start3A_250] : memref<10240x64xbf16, #tpu.memory_space<vmem_shared>> -> memref<10240x64xbf16, #tpu.memory_space<vmem_shared>>
    tpu.enqueue_indirect_dma source(%dma_start3A_245 : memref<125x64xbf16, #tpu.memory_space<vmem>>) target(%dma_start3A_251 : memref<10240x64xbf16, #tpu.memory_space<vmem_shared>>) offsets(%dma_start3A_248 : memref<125xi32, #tpu.memory_space<vmem>>) semaphore(%arg25 : memref<!tpu.dma_semaphore, #tpu.memory_space<semaphore_mem>>) {add = true}
    %dma_wait3A_252 = arith.constant 78 : i32
    %dma_wait3A_253 = arith.constant 6 : i32
    %dma_wait3A_254 = arith.constant 0 : i32
    %dma_wait3A_255 = arith.constant 0 : i32
    %dma_wait3A_256 = tpu.memref_slice %arg9[%dma_wait3A_253, %dma_wait3A_254, %dma_wait3A_255] : memref<8x125x64xbf16, #tpu.memory_space<vmem>> -> memref<1x125x64xbf16, #tpu.memory_space<vmem>>
    %dma_wait3A_257 = tpu.memref_squeeze %dma_wait3A_256 : memref<1x125x64xbf16, #tpu.memory_space<vmem>> -> memref<125x64xbf16, #tpu.memory_space<vmem>>
    %dma_wait3A_258 = arith.constant 0 : i32
    %dma_wait3A_259 = tpu.memref_slice %arg7[%dma_wait3A_252, %dma_wait3A_258] : memref<80x125xi32, #tpu.memory_space<vmem>> -> memref<1x125xi32, #tpu.memory_space<vmem>>
    %dma_wait3A_260 = tpu.memref_squeeze %dma_wait3A_259 : memref<1x125xi32, #tpu.memory_space<vmem>> -> memref<125xi32, #tpu.memory_space<vmem>>
    %dma_wait3A_261 = arith.constant 0 : i32
    %dma_wait3A_262 = arith.constant 0 : i32
    %dma_wait3A_263 = tpu.memref_slice %arg2[%dma_wait3A_261, %dma_wait3A_262] : memref<10000x64xbf16, #tpu.memory_space<hbm>> -> memref<10000x64xbf16, #tpu.memory_space<hbm>>
    tpu.wait_indirect_dma semaphore(%arg18 : memref<!tpu.dma_semaphore, #tpu.memory_space<semaphore_mem>>) src(%dma_wait3A_263 : memref<10000x64xbf16, #tpu.memory_space<hbm>>) dst(%dma_wait3A_257 : memref<125x64xbf16, #tpu.memory_space<vmem>>)
    %dma_start3A_264 = arith.constant 6 : i32
    %dma_start3A_265 = arith.constant 78 : i32
    %dma_start3A_266 = arith.constant 0 : i32
    %dma_start3A_267 = arith.constant 0 : i32
    %dma_start3A_268 = tpu.memref_slice %arg9[%dma_start3A_264, %dma_start3A_266, %dma_start3A_267] : memref<8x125x64xbf16, #tpu.memory_space<vmem>> -> memref<1x125x64xbf16, #tpu.memory_space<vmem>>
    %dma_start3A_269 = tpu.memref_squeeze %dma_start3A_268 : memref<1x125x64xbf16, #tpu.memory_space<vmem>> -> memref<125x64xbf16, #tpu.memory_space<vmem>>
    %dma_start3A_270 = arith.constant 0 : i32
    %dma_start3A_271 = tpu.memref_slice %arg8[%dma_start3A_265, %dma_start3A_270] : memref<80x125xi32, #tpu.memory_space<vmem>> -> memref<1x125xi32, #tpu.memory_space<vmem>>
    %dma_start3A_272 = tpu.memref_squeeze %dma_start3A_271 : memref<1x125xi32, #tpu.memory_space<vmem>> -> memref<125xi32, #tpu.memory_space<vmem>>
    %dma_start3A_273 = arith.constant 0 : i32
    %dma_start3A_274 = arith.constant 0 : i32
    %dma_start3A_275 = tpu.memref_slice %arg10[%dma_start3A_273, %dma_start3A_274] : memref<10240x64xbf16, #tpu.memory_space<vmem_shared>> -> memref<10240x64xbf16, #tpu.memory_space<vmem_shared>>
    tpu.enqueue_indirect_dma source(%dma_start3A_269 : memref<125x64xbf16, #tpu.memory_space<vmem>>) target(%dma_start3A_275 : memref<10240x64xbf16, #tpu.memory_space<vmem_shared>>) offsets(%dma_start3A_272 : memref<125xi32, #tpu.memory_space<vmem>>) semaphore(%arg26 : memref<!tpu.dma_semaphore, #tpu.memory_space<semaphore_mem>>) {add = true}
    %dma_wait3A_276 = arith.constant 79 : i32
    %dma_wait3A_277 = arith.constant 7 : i32
    %dma_wait3A_278 = arith.constant 0 : i32
    %dma_wait3A_279 = arith.constant 0 : i32
    %dma_wait3A_280 = tpu.memref_slice %arg9[%dma_wait3A_277, %dma_wait3A_278, %dma_wait3A_279] : memref<8x125x64xbf16, #tpu.memory_space<vmem>> -> memref<1x125x64xbf16, #tpu.memory_space<vmem>>
    %dma_wait3A_281 = tpu.memref_squeeze %dma_wait3A_280 : memref<1x125x64xbf16, #tpu.memory_space<vmem>> -> memref<125x64xbf16, #tpu.memory_space<vmem>>
    %dma_wait3A_282 = arith.constant 0 : i32
    %dma_wait3A_283 = tpu.memref_slice %arg7[%dma_wait3A_276, %dma_wait3A_282] : memref<80x125xi32, #tpu.memory_space<vmem>> -> memref<1x125xi32, #tpu.memory_space<vmem>>
    %dma_wait3A_284 = tpu.memref_squeeze %dma_wait3A_283 : memref<1x125xi32, #tpu.memory_space<vmem>> -> memref<125xi32, #tpu.memory_space<vmem>>
    %dma_wait3A_285 = arith.constant 0 : i32
    %dma_wait3A_286 = arith.constant 0 : i32
    %dma_wait3A_287 = tpu.memref_slice %arg2[%dma_wait3A_285, %dma_wait3A_286] : memref<10000x64xbf16, #tpu.memory_space<hbm>> -> memref<10000x64xbf16, #tpu.memory_space<hbm>>
    tpu.wait_indirect_dma semaphore(%arg19 : memref<!tpu.dma_semaphore, #tpu.memory_space<semaphore_mem>>) src(%dma_wait3A_287 : memref<10000x64xbf16, #tpu.memory_space<hbm>>) dst(%dma_wait3A_281 : memref<125x64xbf16, #tpu.memory_space<vmem>>)
    %dma_start3A_288 = arith.constant 7 : i32
    %dma_start3A_289 = arith.constant 79 : i32
    %dma_start3A_290 = arith.constant 0 : i32
    %dma_start3A_291 = arith.constant 0 : i32
    %dma_start3A_292 = tpu.memref_slice %arg9[%dma_start3A_288, %dma_start3A_290, %dma_start3A_291] : memref<8x125x64xbf16, #tpu.memory_space<vmem>> -> memref<1x125x64xbf16, #tpu.memory_space<vmem>>
    %dma_start3A_293 = tpu.memref_squeeze %dma_start3A_292 : memref<1x125x64xbf16, #tpu.memory_space<vmem>> -> memref<125x64xbf16, #tpu.memory_space<vmem>>
    %dma_start3A_294 = arith.constant 0 : i32
    %dma_start3A_295 = tpu.memref_slice %arg8[%dma_start3A_289, %dma_start3A_294] : memref<80x125xi32, #tpu.memory_space<vmem>> -> memref<1x125xi32, #tpu.memory_space<vmem>>
    %dma_start3A_296 = tpu.memref_squeeze %dma_start3A_295 : memref<1x125xi32, #tpu.memory_space<vmem>> -> memref<125xi32, #tpu.memory_space<vmem>>
    %dma_start3A_297 = arith.constant 0 : i32
    %dma_start3A_298 = arith.constant 0 : i32
    %dma_start3A_299 = tpu.memref_slice %arg11[%dma_start3A_297, %dma_start3A_298] : memref<10240x64xbf16, #tpu.memory_space<vmem_shared>> -> memref<10240x64xbf16, #tpu.memory_space<vmem_shared>>
    tpu.enqueue_indirect_dma source(%dma_start3A_293 : memref<125x64xbf16, #tpu.memory_space<vmem>>) target(%dma_start3A_299 : memref<10240x64xbf16, #tpu.memory_space<vmem_shared>>) offsets(%dma_start3A_296 : memref<125xi32, #tpu.memory_space<vmem>>) semaphore(%arg27 : memref<!tpu.dma_semaphore, #tpu.memory_space<semaphore_mem>>) {add = true}
    %dma_wait3A_300 = arith.constant 0 : i32
    %dma_wait3A_301 = arith.constant 0 : i32
    %dma_wait3A_302 = arith.constant 0 : i32
    %dma_wait3A_303 = arith.constant 0 : i32
    %dma_wait3A_304 = tpu.memref_slice %arg9[%dma_wait3A_300, %dma_wait3A_302, %dma_wait3A_303] : memref<8x125x64xbf16, #tpu.memory_space<vmem>> -> memref<1x125x64xbf16, #tpu.memory_space<vmem>>
    %dma_wait3A_305 = tpu.memref_squeeze %dma_wait3A_304 : memref<1x125x64xbf16, #tpu.memory_space<vmem>> -> memref<125x64xbf16, #tpu.memory_space<vmem>>
    %dma_wait3A_306 = arith.constant 0 : i32
    %dma_wait3A_307 = tpu.memref_slice %arg8[%dma_wait3A_301, %dma_wait3A_306] : memref<80x125xi32, #tpu.memory_space<vmem>> -> memref<1x125xi32, #tpu.memory_space<vmem>>
    %dma_wait3A_308 = tpu.memref_squeeze %dma_wait3A_307 : memref<1x125xi32, #tpu.memory_space<vmem>> -> memref<125xi32, #tpu.memory_space<vmem>>
    %dma_wait3A_309 = arith.constant 0 : i32
    %dma_wait3A_310 = arith.constant 0 : i32
    %dma_wait3A_311 = tpu.memref_slice %arg10[%dma_wait3A_309, %dma_wait3A_310] : memref<10240x64xbf16, #tpu.memory_space<vmem_shared>> -> memref<10240x64xbf16, #tpu.memory_space<vmem_shared>>
    tpu.wait_indirect_dma semaphore(%arg20 : memref<!tpu.dma_semaphore, #tpu.memory_space<semaphore_mem>>) src(%dma_wait3A_305 : memref<125x64xbf16, #tpu.memory_space<vmem>>) dst(%dma_wait3A_311 : memref<10240x64xbf16, #tpu.memory_space<vmem_shared>>)
    %dma_wait3A_312 = arith.constant 1 : i32
    %dma_wait3A_313 = arith.constant 0 : i32
    %dma_wait3A_314 = arith.constant 0 : i32
    %dma_wait3A_315 = arith.constant 0 : i32
    %dma_wait3A_316 = tpu.memref_slice %arg9[%dma_wait3A_312, %dma_wait3A_314, %dma_wait3A_315] : memref<8x125x64xbf16, #tpu.memory_space<vmem>> -> memref<1x125x64xbf16, #tpu.memory_space<vmem>>
    %dma_wait3A_317 = tpu.memref_squeeze %dma_wait3A_316 : memref<1x125x64xbf16, #tpu.memory_space<vmem>> -> memref<125x64xbf16, #tpu.memory_space<vmem>>
    %dma_wait3A_318 = arith.constant 0 : i32
    %dma_wait3A_319 = tpu.memref_slice %arg8[%dma_wait3A_313, %dma_wait3A_318] : memref<80x125xi32, #tpu.memory_space<vmem>> -> memref<1x125xi32, #tpu.memory_space<vmem>>
    %dma_wait3A_320 = tpu.memref_squeeze %dma_wait3A_319 : memref<1x125xi32, #tpu.memory_space<vmem>> -> memref<125xi32, #tpu.memory_space<vmem>>
    %dma_wait3A_321 = arith.constant 0 : i32
    %dma_wait3A_322 = arith.constant 0 : i32
    %dma_wait3A_323 = tpu.memref_slice %arg11[%dma_wait3A_321, %dma_wait3A_322] : memref<10240x64xbf16, #tpu.memory_space<vmem_shared>> -> memref<10240x64xbf16, #tpu.memory_space<vmem_shared>>
    tpu.wait_indirect_dma semaphore(%arg21 : memref<!tpu.dma_semaphore, #tpu.memory_space<semaphore_mem>>) src(%dma_wait3A_317 : memref<125x64xbf16, #tpu.memory_space<vmem>>) dst(%dma_wait3A_323 : memref<10240x64xbf16, #tpu.memory_space<vmem_shared>>)
    %dma_wait3A_324 = arith.constant 2 : i32
    %dma_wait3A_325 = arith.constant 0 : i32
    %dma_wait3A_326 = arith.constant 0 : i32
    %dma_wait3A_327 = arith.constant 0 : i32
    %dma_wait3A_328 = tpu.memref_slice %arg9[%dma_wait3A_324, %dma_wait3A_326, %dma_wait3A_327] : memref<8x125x64xbf16, #tpu.memory_space<vmem>> -> memref<1x125x64xbf16, #tpu.memory_space<vmem>>
    %dma_wait3A_329 = tpu.memref_squeeze %dma_wait3A_328 : memref<1x125x64xbf16, #tpu.memory_space<vmem>> -> memref<125x64xbf16, #tpu.memory_space<vmem>>
    %dma_wait3A_330 = arith.constant 0 : i32
    %dma_wait3A_331 = tpu.memref_slice %arg8[%dma_wait3A_325, %dma_wait3A_330] : memref<80x125xi32, #tpu.memory_space<vmem>> -> memref<1x125xi32, #tpu.memory_space<vmem>>
    %dma_wait3A_332 = tpu.memref_squeeze %dma_wait3A_331 : memref<1x125xi32, #tpu.memory_space<vmem>> -> memref<125xi32, #tpu.memory_space<vmem>>
    %dma_wait3A_333 = arith.constant 0 : i32
    %dma_wait3A_334 = arith.constant 0 : i32
    %dma_wait3A_335 = tpu.memref_slice %arg10[%dma_wait3A_333, %dma_wait3A_334] : memref<10240x64xbf16, #tpu.memory_space<vmem_shared>> -> memref<10240x64xbf16, #tpu.memory_space<vmem_shared>>
    tpu.wait_indirect_dma semaphore(%arg22 : memref<!tpu.dma_semaphore, #tpu.memory_space<semaphore_mem>>) src(%dma_wait3A_329 : memref<125x64xbf16, #tpu.memory_space<vmem>>) dst(%dma_wait3A_335 : memref<10240x64xbf16, #tpu.memory_space<vmem_shared>>)
    %dma_wait3A_336 = arith.constant 3 : i32
    %dma_wait3A_337 = arith.constant 0 : i32
    %dma_wait3A_338 = arith.constant 0 : i32
    %dma_wait3A_339 = arith.constant 0 : i32
    %dma_wait3A_340 = tpu.memref_slice %arg9[%dma_wait3A_336, %dma_wait3A_338, %dma_wait3A_339] : memref<8x125x64xbf16, #tpu.memory_space<vmem>> -> memref<1x125x64xbf16, #tpu.memory_space<vmem>>
    %dma_wait3A_341 = tpu.memref_squeeze %dma_wait3A_340 : memref<1x125x64xbf16, #tpu.memory_space<vmem>> -> memref<125x64xbf16, #tpu.memory_space<vmem>>
    %dma_wait3A_342 = arith.constant 0 : i32
    %dma_wait3A_343 = tpu.memref_slice %arg8[%dma_wait3A_337, %dma_wait3A_342] : memref<80x125xi32, #tpu.memory_space<vmem>> -> memref<1x125xi32, #tpu.memory_space<vmem>>
    %dma_wait3A_344 = tpu.memref_squeeze %dma_wait3A_343 : memref<1x125xi32, #tpu.memory_space<vmem>> -> memref<125xi32, #tpu.memory_space<vmem>>
    %dma_wait3A_345 = arith.constant 0 : i32
    %dma_wait3A_346 = arith.constant 0 : i32
    %dma_wait3A_347 = tpu.memref_slice %arg11[%dma_wait3A_345, %dma_wait3A_346] : memref<10240x64xbf16, #tpu.memory_space<vmem_shared>> -> memref<10240x64xbf16, #tpu.memory_space<vmem_shared>>
    tpu.wait_indirect_dma semaphore(%arg23 : memref<!tpu.dma_semaphore, #tpu.memory_space<semaphore_mem>>) src(%dma_wait3A_341 : memref<125x64xbf16, #tpu.memory_space<vmem>>) dst(%dma_wait3A_347 : memref<10240x64xbf16, #tpu.memory_space<vmem_shared>>)
    %dma_wait3A_348 = arith.constant 4 : i32
    %dma_wait3A_349 = arith.constant 0 : i32
    %dma_wait3A_350 = arith.constant 0 : i32
    %dma_wait3A_351 = arith.constant 0 : i32
    %dma_wait3A_352 = tpu.memref_slice %arg9[%dma_wait3A_348, %dma_wait3A_350, %dma_wait3A_351] : memref<8x125x64xbf16, #tpu.memory_space<vmem>> -> memref<1x125x64xbf16, #tpu.memory_space<vmem>>
    %dma_wait3A_353 = tpu.memref_squeeze %dma_wait3A_352 : memref<1x125x64xbf16, #tpu.memory_space<vmem>> -> memref<125x64xbf16, #tpu.memory_space<vmem>>
    %dma_wait3A_354 = arith.constant 0 : i32
    %dma_wait3A_355 = tpu.memref_slice %arg8[%dma_wait3A_349, %dma_wait3A_354] : memref<80x125xi32, #tpu.memory_space<vmem>> -> memref<1x125xi32, #tpu.memory_space<vmem>>
    %dma_wait3A_356 = tpu.memref_squeeze %dma_wait3A_355 : memref<1x125xi32, #tpu.memory_space<vmem>> -> memref<125xi32, #tpu.memory_space<vmem>>
    %dma_wait3A_357 = arith.constant 0 : i32
    %dma_wait3A_358 = arith.constant 0 : i32
    %dma_wait3A_359 = tpu.memref_slice %arg10[%dma_wait3A_357, %dma_wait3A_358] : memref<10240x64xbf16, #tpu.memory_space<vmem_shared>> -> memref<10240x64xbf16, #tpu.memory_space<vmem_shared>>
    tpu.wait_indirect_dma semaphore(%arg24 : memref<!tpu.dma_semaphore, #tpu.memory_space<semaphore_mem>>) src(%dma_wait3A_353 : memref<125x64xbf16, #tpu.memory_space<vmem>>) dst(%dma_wait3A_359 : memref<10240x64xbf16, #tpu.memory_space<vmem_shared>>)
    %dma_wait3A_360 = arith.constant 5 : i32
    %dma_wait3A_361 = arith.constant 0 : i32
    %dma_wait3A_362 = arith.constant 0 : i32
    %dma_wait3A_363 = arith.constant 0 : i32
    %dma_wait3A_364 = tpu.memref_slice %arg9[%dma_wait3A_360, %dma_wait3A_362, %dma_wait3A_363] : memref<8x125x64xbf16, #tpu.memory_space<vmem>> -> memref<1x125x64xbf16, #tpu.memory_space<vmem>>
    %dma_wait3A_365 = tpu.memref_squeeze %dma_wait3A_364 : memref<1x125x64xbf16, #tpu.memory_space<vmem>> -> memref<125x64xbf16, #tpu.memory_space<vmem>>
    %dma_wait3A_366 = arith.constant 0 : i32
    %dma_wait3A_367 = tpu.memref_slice %arg8[%dma_wait3A_361, %dma_wait3A_366] : memref<80x125xi32, #tpu.memory_space<vmem>> -> memref<1x125xi32, #tpu.memory_space<vmem>>
    %dma_wait3A_368 = tpu.memref_squeeze %dma_wait3A_367 : memref<1x125xi32, #tpu.memory_space<vmem>> -> memref<125xi32, #tpu.memory_space<vmem>>
    %dma_wait3A_369 = arith.constant 0 : i32
    %dma_wait3A_370 = arith.constant 0 : i32
    %dma_wait3A_371 = tpu.memref_slice %arg11[%dma_wait3A_369, %dma_wait3A_370] : memref<10240x64xbf16, #tpu.memory_space<vmem_shared>> -> memref<10240x64xbf16, #tpu.memory_space<vmem_shared>>
    tpu.wait_indirect_dma semaphore(%arg25 : memref<!tpu.dma_semaphore, #tpu.memory_space<semaphore_mem>>) src(%dma_wait3A_365 : memref<125x64xbf16, #tpu.memory_space<vmem>>) dst(%dma_wait3A_371 : memref<10240x64xbf16, #tpu.memory_space<vmem_shared>>)
    %dma_wait3A_372 = arith.constant 6 : i32
    %dma_wait3A_373 = arith.constant 0 : i32
    %dma_wait3A_374 = arith.constant 0 : i32
    %dma_wait3A_375 = arith.constant 0 : i32
    %dma_wait3A_376 = tpu.memref_slice %arg9[%dma_wait3A_372, %dma_wait3A_374, %dma_wait3A_375] : memref<8x125x64xbf16, #tpu.memory_space<vmem>> -> memref<1x125x64xbf16, #tpu.memory_space<vmem>>
    %dma_wait3A_377 = tpu.memref_squeeze %dma_wait3A_376 : memref<1x125x64xbf16, #tpu.memory_space<vmem>> -> memref<125x64xbf16, #tpu.memory_space<vmem>>
    %dma_wait3A_378 = arith.constant 0 : i32
    %dma_wait3A_379 = tpu.memref_slice %arg8[%dma_wait3A_373, %dma_wait3A_378] : memref<80x125xi32, #tpu.memory_space<vmem>> -> memref<1x125xi32, #tpu.memory_space<vmem>>
    %dma_wait3A_380 = tpu.memref_squeeze %dma_wait3A_379 : memref<1x125xi32, #tpu.memory_space<vmem>> -> memref<125xi32, #tpu.memory_space<vmem>>
    %dma_wait3A_381 = arith.constant 0 : i32
    %dma_wait3A_382 = arith.constant 0 : i32
    %dma_wait3A_383 = tpu.memref_slice %arg10[%dma_wait3A_381, %dma_wait3A_382] : memref<10240x64xbf16, #tpu.memory_space<vmem_shared>> -> memref<10240x64xbf16, #tpu.memory_space<vmem_shared>>
    tpu.wait_indirect_dma semaphore(%arg26 : memref<!tpu.dma_semaphore, #tpu.memory_space<semaphore_mem>>) src(%dma_wait3A_377 : memref<125x64xbf16, #tpu.memory_space<vmem>>) dst(%dma_wait3A_383 : memref<10240x64xbf16, #tpu.memory_space<vmem_shared>>)
    %dma_wait3A_384 = arith.constant 7 : i32
    %dma_wait3A_385 = arith.constant 0 : i32
    %dma_wait3A_386 = arith.constant 0 : i32
    %dma_wait3A_387 = arith.constant 0 : i32
    %dma_wait3A_388 = tpu.memref_slice %arg9[%dma_wait3A_384, %dma_wait3A_386, %dma_wait3A_387] : memref<8x125x64xbf16, #tpu.memory_space<vmem>> -> memref<1x125x64xbf16, #tpu.memory_space<vmem>>
    %dma_wait3A_389 = tpu.memref_squeeze %dma_wait3A_388 : memref<1x125x64xbf16, #tpu.memory_space<vmem>> -> memref<125x64xbf16, #tpu.memory_space<vmem>>
    %dma_wait3A_390 = arith.constant 0 : i32
    %dma_wait3A_391 = tpu.memref_slice %arg8[%dma_wait3A_385, %dma_wait3A_390] : memref<80x125xi32, #tpu.memory_space<vmem>> -> memref<1x125xi32, #tpu.memory_space<vmem>>
    %dma_wait3A_392 = tpu.memref_squeeze %dma_wait3A_391 : memref<1x125xi32, #tpu.memory_space<vmem>> -> memref<125xi32, #tpu.memory_space<vmem>>
    %dma_wait3A_393 = arith.constant 0 : i32
    %dma_wait3A_394 = arith.constant 0 : i32
    %dma_wait3A_395 = tpu.memref_slice %arg11[%dma_wait3A_393, %dma_wait3A_394] : memref<10240x64xbf16, #tpu.memory_space<vmem_shared>> -> memref<10240x64xbf16, #tpu.memory_space<vmem_shared>>
    tpu.wait_indirect_dma semaphore(%arg27 : memref<!tpu.dma_semaphore, #tpu.memory_space<semaphore_mem>>) src(%dma_wait3A_389 : memref<125x64xbf16, #tpu.memory_space<vmem>>) dst(%dma_wait3A_395 : memref<10240x64xbf16, #tpu.memory_space<vmem_shared>>)
    %barrier3A_396 = arith.constant 0 : index
    tpu.barrier barrier_id(%barrier3A_396)
    %mul3A_397 = arith.constant 640 : i32
    %mul3A_398 = arith.muli %arg1, %mul3A_397 : i32
    %mul3A_399 = arith.constant 2 : i32
    %mul3A_400 = arith.muli %arg0, %mul3A_399 : i32
    %mul3A_401 = arith.constant 640 : i32
    %mul3A_402 = arith.muli %arg1, %mul3A_401 : i32
    "tpu.region"() ({
      %run_scoped3A = tpu.sem_alloc : memref<!tpu.dma_semaphore, #tpu.memory_space<semaphore_mem>>
      %dma_start3A_411 = arith.constant 0 : i32
      %dma_start3A_412 = tpu.memref_slice %arg6[%mul3A_400, %mul3A_402, %dma_start3A_411] : memref<4x10240x64xbf16, #tpu.memory_space<hbm>> -> memref<1x640x64xbf16, #tpu.memory_space<hbm>>
      %dma_start3A_413 = tpu.memref_squeeze %dma_start3A_412 : memref<1x640x64xbf16, #tpu.memory_space<hbm>> -> memref<640x64xbf16, #tpu.memory_space<hbm>>
      %dma_start3A_414 = arith.constant 0 : i32
      %dma_start3A_415 = tpu.memref_slice %arg10[%mul3A_398, %dma_start3A_414] : memref<10240x64xbf16, #tpu.memory_space<vmem_shared>> -> memref<640x64xbf16, #tpu.memory_space<vmem_shared>>
      tpu.enqueue_dma source(%dma_start3A_415 : memref<640x64xbf16, #tpu.memory_space<vmem_shared>>) target(%dma_start3A_413 : memref<640x64xbf16, #tpu.memory_space<hbm>>) target_semaphore(%run_scoped3A : memref<!tpu.dma_semaphore, #tpu.memory_space<semaphore_mem>>)
      %dma_wait3A_416 = arith.constant 0 : i32
      %dma_wait3A_417 = tpu.memref_slice %arg6[%mul3A_400, %mul3A_402, %dma_wait3A_416] : memref<4x10240x64xbf16, #tpu.memory_space<hbm>> -> memref<1x640x64xbf16, #tpu.memory_space<hbm>>
      %dma_wait3A_418 = tpu.memref_squeeze %dma_wait3A_417 : memref<1x640x64xbf16, #tpu.memory_space<hbm>> -> memref<640x64xbf16, #tpu.memory_space<hbm>>
      %dma_wait3A_419 = arith.constant 0 : i32
      %dma_wait3A_420 = tpu.memref_slice %arg10[%mul3A_398, %dma_wait3A_419] : memref<10240x64xbf16, #tpu.memory_space<vmem_shared>> -> memref<640x64xbf16, #tpu.memory_space<vmem_shared>>
      tpu.wait_dma2 semaphore(%run_scoped3A : memref<!tpu.dma_semaphore, #tpu.memory_space<semaphore_mem>>) src(%dma_wait3A_420 : memref<640x64xbf16, #tpu.memory_space<vmem_shared>>) dst(%dma_wait3A_418 : memref<640x64xbf16, #tpu.memory_space<hbm>>)
      tpu.yield
    }) : () -> ()
    %mul3A_403 = arith.constant 640 : i32
    %mul3A_404 = arith.muli %arg1, %mul3A_403 : i32
    %mul3A_405 = arith.constant 2 : i32
    %mul3A_406 = arith.muli %arg0, %mul3A_405 : i32
    %add3A_407 = arith.constant 1 : i32
    %add3A_408 = arith.addi %mul3A_406, %add3A_407 : i32
    %mul3A_409 = arith.constant 640 : i32
    %mul3A_410 = arith.muli %arg1, %mul3A_409 : i32
    "tpu.region"() ({
      %run_scoped3A = tpu.sem_alloc : memref<!tpu.dma_semaphore, #tpu.memory_space<semaphore_mem>>
      %dma_start3A_411 = arith.constant 0 : i32
      %dma_start3A_412 = tpu.memref_slice %arg6[%add3A_408, %mul3A_410, %dma_start3A_411] : memref<4x10240x64xbf16, #tpu.memory_space<hbm>> -> memref<1x640x64xbf16, #tpu.memory_space<hbm>>
      %dma_start3A_413 = tpu.memref_squeeze %dma_start3A_412 : memref<1x640x64xbf16, #tpu.memory_space<hbm>> -> memref<640x64xbf16, #tpu.memory_space<hbm>>
      %dma_start3A_414 = arith.constant 0 : i32
      %dma_start3A_415 = tpu.memref_slice %arg11[%mul3A_404, %dma_start3A_414] : memref<10240x64xbf16, #tpu.memory_space<vmem_shared>> -> memref<640x64xbf16, #tpu.memory_space<vmem_shared>>
      tpu.enqueue_dma source(%dma_start3A_415 : memref<640x64xbf16, #tpu.memory_space<vmem_shared>>) target(%dma_start3A_413 : memref<640x64xbf16, #tpu.memory_space<hbm>>) target_semaphore(%run_scoped3A : memref<!tpu.dma_semaphore, #tpu.memory_space<semaphore_mem>>)
      %dma_wait3A_416 = arith.constant 0 : i32
      %dma_wait3A_417 = tpu.memref_slice %arg6[%add3A_408, %mul3A_410, %dma_wait3A_416] : memref<4x10240x64xbf16, #tpu.memory_space<hbm>> -> memref<1x640x64xbf16, #tpu.memory_space<hbm>>
      %dma_wait3A_418 = tpu.memref_squeeze %dma_wait3A_417 : memref<1x640x64xbf16, #tpu.memory_space<hbm>> -> memref<640x64xbf16, #tpu.memory_space<hbm>>
      %dma_wait3A_419 = arith.constant 0 : i32
      %dma_wait3A_420 = tpu.memref_slice %arg11[%mul3A_404, %dma_wait3A_419] : memref<10240x64xbf16, #tpu.memory_space<vmem_shared>> -> memref<640x64xbf16, #tpu.memory_space<vmem_shared>>
      tpu.wait_dma2 semaphore(%run_scoped3A : memref<!tpu.dma_semaphore, #tpu.memory_space<semaphore_mem>>) src(%dma_wait3A_420 : memref<640x64xbf16, #tpu.memory_space<vmem_shared>>) dst(%dma_wait3A_418 : memref<640x64xbf16, #tpu.memory_space<hbm>>)
      tpu.yield
    }) : () -> ()
    return
  }
}

module attributes {stable_mosaic.version = 14 : i64} {
  func.func @_tc_a_body(%arg0: i32, %arg1: memref<1000x128xf32, #tpu.memory_space<vmem>>, %arg2: memref<128x64xf32, #tpu.memory_space<vmem>>, %arg3: memref<2x1000x16xf32, #tpu.memory_space<vmem>>, %arg4: memref<1000x64xbf16, #tpu.memory_space<vmem>>, %arg5: memref<1000x16xf32, #tpu.memory_space<vmem>>) attributes {dimension_semantics = [#tpu.dimension_semantics<arbitrary>], iteration_bounds = array<i64: 10>, scalar_prefetch = 0 : i64, scratch_operands = 0 : i64, tpu.core_type = #tpu.core_type<tc>, window_params = [{transform_indices = @transform_0, window_bounds = array<i64: 1000, 128>}, {pipeline_mode = #tpu.pipeline_mode<synchronous>, transform_indices = @transform_1, window_bounds = array<i64: 128, 64>}, {transform_indices = @transform_2, window_bounds = array<i64: 2, 1000, 16>}, {transform_indices = @transform_3, window_bounds = array<i64: 1000, 64>}, {transform_indices = @transform_4, window_bounds = array<i64: 1000, 16>}]} {
    %get3A = arith.constant 0 : index
    %get3A_0 = arith.constant 0 : index
    %get3A_1 = arith.constant 0 : index
    %get3A_2 = vector.load %arg3[%get3A, %get3A_0, %get3A_1] : memref<2x1000x16xf32, #tpu.memory_space<vmem>>, vector<1x1000x16xf32>
    %get3A_3 = vector.shape_cast %get3A_2 : vector<1x1000x16xf32> to vector<1000x16xf32>
    %get3A_4 = arith.constant 1 : index
    %get3A_5 = arith.constant 0 : index
    %get3A_6 = arith.constant 0 : index
    %get3A_7 = vector.load %arg3[%get3A_4, %get3A_5, %get3A_6] : memref<2x1000x16xf32, #tpu.memory_space<vmem>>, vector<1x1000x16xf32>
    %get3A_8 = vector.shape_cast %get3A_7 : vector<1x1000x16xf32> to vector<1000x16xf32>
    %add3A = arith.addf %get3A_3, %get3A_8 : vector<1000x16xf32>
    %add3A_9 = arith.constant 1.000000e+00 : f32
    %add3A_10 = vector.broadcast %add3A_9 : f32 to vector<1000x16xf32>
    %add3A_11 = arith.addf %add3A, %add3A_10 : vector<1000x16xf32>
    %rsqrt3A = math.rsqrt %add3A_11 : vector<1000x16xf32>
    %swap3A = arith.constant 0 : index
    %swap3A_12 = arith.constant 0 : index
    %swap3A_13 = vector.load %arg5[%swap3A, %swap3A_12] : memref<1000x16xf32, #tpu.memory_space<vmem>>, vector<1000x16xf32>
    tpu.vector_store %arg5[%swap3A, %swap3A_12], %rsqrt3A {strides = array<i32>} : memref<1000x16xf32, #tpu.memory_space<vmem>>, vector<1000x16xf32>,
    %get3A_14 = arith.constant 0 : index
    %get3A_15 = arith.constant 0 : index
    %get3A_16 = vector.load %arg1[%get3A_14, %get3A_15] : memref<1000x128xf32, #tpu.memory_space<vmem>>, vector<1000x128xf32>
    %get3A_17 = arith.constant 0 : index
    %get3A_18 = arith.constant 0 : index
    %get3A_19 = vector.load %arg2[%get3A_17, %get3A_18] : memref<128x64xf32, #tpu.memory_space<vmem>>, vector<128x64xf32>
    %dot_general3A = arith.constant dense<0.000000e+00> : vector<1000x64xf32>
    %dot_general3A_20 = tpu.matmul %get3A_16, %get3A_19, %dot_general3A {dimension_numbers = #tpu.dot_dimension_numbers<[1], [0], [0], [1], [0, 0, 1, 1], [], []>, transpose_lhs_hint = false} : vector<1000x128xf32>, vector<128x64xf32>, vector<1000x64xf32> -> vector<1000x64xf32>
    %slice3A = vector.extract_strided_slice %rsqrt3A {offsets = [0, 0], sizes = [1000, 1], strides = [1, 1]} : vector<1000x16xf32> to vector<1000x1xf32>
    %mul3A = vector.broadcast %slice3A : vector<1000x1xf32> to vector<1000x64xf32>
    %mul3A_21 = arith.mulf %dot_general3A_20, %mul3A : vector<1000x64xf32>
    %convert_element_type3A = arith.truncf %mul3A_21 : vector<1000x64xf32> to vector<1000x64xbf16>
    %swap3A_22 = arith.constant 0 : index
    %swap3A_23 = arith.constant 0 : index
    %swap3A_24 = vector.load %arg4[%swap3A_22, %swap3A_23] : memref<1000x64xbf16, #tpu.memory_space<vmem>>, vector<1000x64xbf16>
    tpu.vector_store %arg4[%swap3A_22, %swap3A_23], %convert_element_type3A {strides = array<i32>} : memref<1000x64xbf16, #tpu.memory_space<vmem>>, vector<1000x64xbf16>,
    return
  }
  func.func @transform_0(%arg0: i32) -> (i32, i32) {
    %c0_i32 = arith.constant 0 : i32
    %c0_i32_0 = arith.constant 0 : i32
    return %arg0, %c0_i32 : i32, i32
  }
  func.func @transform_1(%arg0: i32) -> (i32, i32) {
    %c0_i32 = arith.constant 0 : i32
    %c0_i32_0 = arith.constant 0 : i32
    %c0_i32_1 = arith.constant 0 : i32
    return %c0_i32, %c0_i32_0 : i32, i32
  }
  func.func @transform_2(%arg0: i32) -> (i32, i32, i32) {
    %c0_i32 = arith.constant 0 : i32
    %c0_i32_0 = arith.constant 0 : i32
    %c0_i32_1 = arith.constant 0 : i32
    return %c0_i32, %arg0, %c0_i32_0 : i32, i32, i32
  }
  func.func @transform_3(%arg0: i32) -> (i32, i32) {
    %c0_i32 = arith.constant 0 : i32
    %c0_i32_0 = arith.constant 0 : i32
    return %arg0, %c0_i32 : i32, i32
  }
  func.func @transform_4(%arg0: i32) -> (i32, i32) {
    %c0_i32 = arith.constant 0 : i32
    %c0_i32_0 = arith.constant 0 : i32
    return %arg0, %c0_i32 : i32, i32
  }
}

module attributes {stable_mosaic.version = 14 : i64} {
  func.func @_tc_b_body(%arg0: i32, %arg1: memref<4x1000x64xbf16, #tpu.memory_space<vmem>>, %arg2: memref<1000x64xbf16, #tpu.memory_space<vmem>>, %arg3: memref<1000x16xf32, #tpu.memory_space<vmem>>, %arg4: memref<1x64xf32, #tpu.memory_space<vmem>>, %arg5: memref<64x64xf32, #tpu.memory_space<vmem>>, %arg6: memref<1000x64xbf16, #tpu.memory_space<vmem>>) attributes {dimension_semantics = [#tpu.dimension_semantics<arbitrary>], iteration_bounds = array<i64: 10>, scalar_prefetch = 0 : i64, scratch_operands = 0 : i64, tpu.core_type = #tpu.core_type<tc>, window_params = [{transform_indices = @transform_0, window_bounds = array<i64: 4, 1000, 64>}, {transform_indices = @transform_1, window_bounds = array<i64: 1000, 64>}, {transform_indices = @transform_2, window_bounds = array<i64: 1000, 16>}, {pipeline_mode = #tpu.pipeline_mode<synchronous>, transform_indices = @transform_3, window_bounds = array<i64: 1, 64>}, {pipeline_mode = #tpu.pipeline_mode<synchronous>, transform_indices = @transform_4, window_bounds = array<i64: 64, 64>}, {transform_indices = @transform_5, window_bounds = array<i64: 1000, 64>}]} {
    %get3A = arith.constant 0 : index
    %get3A_0 = arith.constant 0 : index
    %get3A_1 = vector.load %arg3[%get3A, %get3A_0] : memref<1000x16xf32, #tpu.memory_space<vmem>>, vector<1000x1xf32>
    %get3A_2 = arith.constant 0 : index
    %get3A_3 = arith.constant 0 : index
    %get3A_4 = arith.constant 0 : index
    %get3A_5 = vector.load %arg1[%get3A_2, %get3A_3, %get3A_4] : memref<4x1000x64xbf16, #tpu.memory_space<vmem>>, vector<1x1000x64xbf16>
    %get3A_6 = vector.shape_cast %get3A_5 : vector<1x1000x64xbf16> to vector<1000x64xbf16>
    %convert_element_type3A = arith.extf %get3A_6 : vector<1000x64xbf16> to vector<1000x64xf32>
    %get3A_7 = arith.constant 1 : index
    %get3A_8 = arith.constant 0 : index
    %get3A_9 = arith.constant 0 : index
    %get3A_10 = vector.load %arg1[%get3A_7, %get3A_8, %get3A_9] : memref<4x1000x64xbf16, #tpu.memory_space<vmem>>, vector<1x1000x64xbf16>
    %get3A_11 = vector.shape_cast %get3A_10 : vector<1x1000x64xbf16> to vector<1000x64xbf16>
    %convert_element_type3A_12 = arith.extf %get3A_11 : vector<1000x64xbf16> to vector<1000x64xf32>
    %add3A = arith.addf %convert_element_type3A, %convert_element_type3A_12 : vector<1000x64xf32>
    %get3A_13 = arith.constant 2 : index
    %get3A_14 = arith.constant 0 : index
    %get3A_15 = arith.constant 0 : index
    %get3A_16 = vector.load %arg1[%get3A_13, %get3A_14, %get3A_15] : memref<4x1000x64xbf16, #tpu.memory_space<vmem>>, vector<1x1000x64xbf16>
    %get3A_17 = vector.shape_cast %get3A_16 : vector<1x1000x64xbf16> to vector<1000x64xbf16>
    %convert_element_type3A_18 = arith.extf %get3A_17 : vector<1000x64xbf16> to vector<1000x64xf32>
    %get3A_19 = arith.constant 3 : index
    %get3A_20 = arith.constant 0 : index
    %get3A_21 = arith.constant 0 : index
    %get3A_22 = vector.load %arg1[%get3A_19, %get3A_20, %get3A_21] : memref<4x1000x64xbf16, #tpu.memory_space<vmem>>, vector<1x1000x64xbf16>
    %get3A_23 = vector.shape_cast %get3A_22 : vector<1x1000x64xbf16> to vector<1000x64xbf16>
    %convert_element_type3A_24 = arith.extf %get3A_23 : vector<1000x64xbf16> to vector<1000x64xf32>
    %add3A_25 = arith.addf %convert_element_type3A_18, %convert_element_type3A_24 : vector<1000x64xf32>
    %add3A_26 = arith.addf %add3A, %add3A_25 : vector<1000x64xf32>
    %get3A_27 = arith.constant 0 : index
    %get3A_28 = arith.constant 0 : index
    %get3A_29 = vector.load %arg2[%get3A_27, %get3A_28] : memref<1000x64xbf16, #tpu.memory_space<vmem>>, vector<1000x64xbf16>
    %convert_element_type3A_30 = arith.extf %get3A_29 : vector<1000x64xbf16> to vector<1000x64xf32>
    %add3A_31 = arith.addf %add3A_26, %convert_element_type3A_30 : vector<1000x64xf32>
    %mul3A = vector.broadcast %get3A_1 : vector<1000x1xf32> to vector<1000x64xf32>
    %mul3A_32 = arith.mulf %add3A_31, %mul3A : vector<1000x64xf32>
    %get3A_33 = arith.constant 0 : index
    %get3A_34 = arith.constant 0 : index
    %get3A_35 = vector.load %arg4[%get3A_33, %get3A_34] : memref<1x64xf32, #tpu.memory_space<vmem>>, vector<1x64xf32>
    %add3A_36 = vector.broadcast %get3A_35 : vector<1x64xf32> to vector<1000x64xf32>
    %add3A_37 = arith.addf %mul3A_32, %add3A_36 : vector<1000x64xf32>
    %max3A = arith.constant 0.000000e+00 : f32
    %max3A_38 = vector.broadcast %max3A : f32 to vector<1000x64xf32>
    %max3A_39 = arith.maximumf %add3A_37, %max3A_38 : vector<1000x64xf32>
    %get3A_40 = arith.constant 0 : index
    %get3A_41 = arith.constant 0 : index
    %get3A_42 = vector.load %arg5[%get3A_40, %get3A_41] : memref<64x64xf32, #tpu.memory_space<vmem>>, vector<64x64xf32>
    %dot_general3A = arith.constant dense<0.000000e+00> : vector<1000x64xf32>
    %dot_general3A_43 = tpu.matmul %max3A_39, %get3A_42, %dot_general3A {dimension_numbers = #tpu.dot_dimension_numbers<[1], [0], [0], [1], [0, 0, 1, 1], [], []>, transpose_lhs_hint = false} : vector<1000x64xf32>, vector<64x64xf32>, vector<1000x64xf32> -> vector<1000x64xf32>
    %mul3A_44 = vector.broadcast %get3A_1 : vector<1000x1xf32> to vector<1000x64xf32>
    %mul3A_45 = arith.mulf %dot_general3A_43, %mul3A_44 : vector<1000x64xf32>
    %convert_element_type3A_46 = arith.truncf %mul3A_45 : vector<1000x64xf32> to vector<1000x64xbf16>
    %swap3A = arith.constant 0 : index
    %swap3A_47 = arith.constant 0 : index
    %swap3A_48 = vector.load %arg6[%swap3A, %swap3A_47] : memref<1000x64xbf16, #tpu.memory_space<vmem>>, vector<1000x64xbf16>
    tpu.vector_store %arg6[%swap3A, %swap3A_47], %convert_element_type3A_46 {strides = array<i32>} : memref<1000x64xbf16, #tpu.memory_space<vmem>>, vector<1000x64xbf16>,
    return
  }
  func.func @transform_0(%arg0: i32) -> (i32, i32, i32) {
    %c0_i32 = arith.constant 0 : i32
    %c0_i32_0 = arith.constant 0 : i32
    %c0_i32_1 = arith.constant 0 : i32
    return %c0_i32, %arg0, %c0_i32_0 : i32, i32, i32
  }
  func.func @transform_1(%arg0: i32) -> (i32, i32) {
    %c0_i32 = arith.constant 0 : i32
    %c0_i32_0 = arith.constant 0 : i32
    return %arg0, %c0_i32 : i32, i32
  }
  func.func @transform_2(%arg0: i32) -> (i32, i32) {
    %c0_i32 = arith.constant 0 : i32
    %c0_i32_0 = arith.constant 0 : i32
    return %arg0, %c0_i32 : i32, i32
  }
  func.func @transform_3(%arg0: i32) -> (i32, i32) {
    %c0_i32 = arith.constant 0 : i32
    %c0_i32_0 = arith.constant 0 : i32
    %c0_i32_1 = arith.constant 0 : i32
    return %c0_i32, %c0_i32_0 : i32, i32
  }
  func.func @transform_4(%arg0: i32) -> (i32, i32) {
    %c0_i32 = arith.constant 0 : i32
    %c0_i32_0 = arith.constant 0 : i32
    %c0_i32_1 = arith.constant 0 : i32
    return %c0_i32, %c0_i32_0 : i32, i32
  }
  func.func @transform_5(%arg0: i32) -> (i32, i32) {
    %c0_i32 = arith.constant 0 : i32
    %c0_i32_0 = arith.constant 0 : i32
    return %arg0, %c0_i32 : i32, i32
  }
}

module attributes {stable_mosaic.version = 14 : i64} {
  func.func @_tc_c_body(%arg0: i32, %arg1: memref<4x1000x64xbf16, #tpu.memory_space<vmem>>, %arg2: memref<1000x64xbf16, #tpu.memory_space<vmem>>, %arg3: memref<1000x16xf32, #tpu.memory_space<vmem>>, %arg4: memref<1x64xf32, #tpu.memory_space<vmem>>, %arg5: memref<1000x1xi32, #tpu.memory_space<vmem>>, %arg6: memref<64x32xf32, #tpu.memory_space<vmem>>, %arg7: memref<1x32xf32, #tpu.memory_space<vmem>>, %arg8: memref<32x2xf32, #tpu.memory_space<vmem>>, %arg9: memref<1x2xf32, #tpu.memory_space<vmem>>, %arg10: memref<64x2xf32, #tpu.memory_space<vmem>>, %arg11: memref<64x65xf32, #tpu.memory_space<vmem>>) attributes {dimension_semantics = [#tpu.dimension_semantics<arbitrary>], iteration_bounds = array<i64: 10>, scalar_prefetch = 0 : i64, scratch_operands = 1 : i64, tpu.core_type = #tpu.core_type<tc>, window_params = [{transform_indices = @transform_0, window_bounds = array<i64: 4, 1000, 64>}, {transform_indices = @transform_1, window_bounds = array<i64: 1000, 64>}, {transform_indices = @transform_2, window_bounds = array<i64: 1000, 16>}, {pipeline_mode = #tpu.pipeline_mode<synchronous>, transform_indices = @transform_3, window_bounds = array<i64: 1, 64>}, {transform_indices = @transform_4, window_bounds = array<i64: 1000, 1>}, {pipeline_mode = #tpu.pipeline_mode<synchronous>, transform_indices = @transform_5, window_bounds = array<i64: 64, 32>}, {pipeline_mode = #tpu.pipeline_mode<synchronous>, transform_indices = @transform_6, window_bounds = array<i64: 1, 32>}, {pipeline_mode = #tpu.pipeline_mode<synchronous>, transform_indices = @transform_7, window_bounds = array<i64: 32, 2>}, {pipeline_mode = #tpu.pipeline_mode<synchronous>, transform_indices = @transform_8, window_bounds = array<i64: 1, 2>}, {pipeline_mode = #tpu.pipeline_mode<synchronous>, transform_indices = @transform_9, window_bounds = array<i64: 64, 2>}]} {
    %get3A = arith.constant 0 : index
    %get3A_0 = arith.constant 0 : index
    %get3A_1 = vector.load %arg3[%get3A, %get3A_0] : memref<1000x16xf32, #tpu.memory_space<vmem>>, vector<1000x1xf32>
    %get3A_2 = arith.constant 0 : index
    %get3A_3 = arith.constant 0 : index
    %get3A_4 = arith.constant 0 : index
    %get3A_5 = vector.load %arg1[%get3A_2, %get3A_3, %get3A_4] : memref<4x1000x64xbf16, #tpu.memory_space<vmem>>, vector<1x1000x64xbf16>
    %get3A_6 = vector.shape_cast %get3A_5 : vector<1x1000x64xbf16> to vector<1000x64xbf16>
    %convert_element_type3A = arith.extf %get3A_6 : vector<1000x64xbf16> to vector<1000x64xf32>
    %get3A_7 = arith.constant 1 : index
    %get3A_8 = arith.constant 0 : index
    %get3A_9 = arith.constant 0 : index
    %get3A_10 = vector.load %arg1[%get3A_7, %get3A_8, %get3A_9] : memref<4x1000x64xbf16, #tpu.memory_space<vmem>>, vector<1x1000x64xbf16>
    %get3A_11 = vector.shape_cast %get3A_10 : vector<1x1000x64xbf16> to vector<1000x64xbf16>
    %convert_element_type3A_12 = arith.extf %get3A_11 : vector<1000x64xbf16> to vector<1000x64xf32>
    %add3A = arith.addf %convert_element_type3A, %convert_element_type3A_12 : vector<1000x64xf32>
    %get3A_13 = arith.constant 2 : index
    %get3A_14 = arith.constant 0 : index
    %get3A_15 = arith.constant 0 : index
    %get3A_16 = vector.load %arg1[%get3A_13, %get3A_14, %get3A_15] : memref<4x1000x64xbf16, #tpu.memory_space<vmem>>, vector<1x1000x64xbf16>
    %get3A_17 = vector.shape_cast %get3A_16 : vector<1x1000x64xbf16> to vector<1000x64xbf16>
    %convert_element_type3A_18 = arith.extf %get3A_17 : vector<1000x64xbf16> to vector<1000x64xf32>
    %get3A_19 = arith.constant 3 : index
    %get3A_20 = arith.constant 0 : index
    %get3A_21 = arith.constant 0 : index
    %get3A_22 = vector.load %arg1[%get3A_19, %get3A_20, %get3A_21] : memref<4x1000x64xbf16, #tpu.memory_space<vmem>>, vector<1x1000x64xbf16>
    %get3A_23 = vector.shape_cast %get3A_22 : vector<1x1000x64xbf16> to vector<1000x64xbf16>
    %convert_element_type3A_24 = arith.extf %get3A_23 : vector<1000x64xbf16> to vector<1000x64xf32>
    %add3A_25 = arith.addf %convert_element_type3A_18, %convert_element_type3A_24 : vector<1000x64xf32>
    %add3A_26 = arith.addf %add3A, %add3A_25 : vector<1000x64xf32>
    %get3A_27 = arith.constant 0 : index
    %get3A_28 = arith.constant 0 : index
    %get3A_29 = vector.load %arg2[%get3A_27, %get3A_28] : memref<1000x64xbf16, #tpu.memory_space<vmem>>, vector<1000x64xbf16>
    %convert_element_type3A_30 = arith.extf %get3A_29 : vector<1000x64xbf16> to vector<1000x64xf32>
    %add3A_31 = arith.addf %add3A_26, %convert_element_type3A_30 : vector<1000x64xf32>
    %mul3A = vector.broadcast %get3A_1 : vector<1000x1xf32> to vector<1000x64xf32>
    %mul3A_32 = arith.mulf %add3A_31, %mul3A : vector<1000x64xf32>
    %get3A_33 = arith.constant 0 : index
    %get3A_34 = arith.constant 0 : index
    %get3A_35 = vector.load %arg4[%get3A_33, %get3A_34] : memref<1x64xf32, #tpu.memory_space<vmem>>, vector<1x64xf32>
    %add3A_36 = vector.broadcast %get3A_35 : vector<1x64xf32> to vector<1000x64xf32>
    %add3A_37 = arith.addf %mul3A_32, %add3A_36 : vector<1000x64xf32>
    %max3A = arith.constant 0.000000e+00 : f32
    %max3A_38 = vector.broadcast %max3A : f32 to vector<1000x64xf32>
    %max3A_39 = arith.maximumf %add3A_37, %max3A_38 : vector<1000x64xf32>
    %iota3A = tpu.iota {dimensions = array<i32: 1>} : vector<1000x64xi32>
    %get3A_40 = arith.constant 0 : index
    %get3A_41 = arith.constant 0 : index
    %get3A_42 = vector.load %arg5[%get3A_40, %get3A_41] : memref<1000x1xi32, #tpu.memory_space<vmem>>, vector<1000x1xi32>
    %eq3A = vector.broadcast %get3A_42 : vector<1000x1xi32> to vector<1000x64xi32>
    %eq3A_43 = arith.cmpi eq, %iota3A, %eq3A : vector<1000x64xi32>
    %convert_element_type3A_44 = arith.extui %eq3A_43 : vector<1000x64xi1> to vector<1000x64xi32>
    %convert_element_type3A_45 = arith.sitofp %convert_element_type3A_44 : vector<1000x64xi32> to vector<1000x64xf32>
    %broadcast_in_dim3A = arith.constant 1.000000e+00 : f32
    %broadcast_in_dim3A_46 = vector.broadcast %broadcast_in_dim3A : f32 to vector<1000x1xf32>
    %concatenate3A = tpu.concatenate %max3A_39, %broadcast_in_dim3A_46 in 1 : vector<1000x64xf32>, vector<1000x1xf32> -> vector<1000x65xf32>
    %dot_general3A = arith.constant dense<0.000000e+00> : vector<64x65xf32>
    %dot_general3A_47 = tpu.matmul %convert_element_type3A_45, %concatenate3A, %dot_general3A {dimension_numbers = #tpu.dot_dimension_numbers<[0], [0], [1], [1], [0, 1, 1, 1], [], []>, transpose_lhs_hint = false} : vector<1000x64xf32>, vector<1000x65xf32>, vector<64x65xf32> -> vector<64x65xf32>
    %eq3A_48 = arith.constant 0 : i32
    %eq3A_49 = arith.cmpi eq, %arg0, %eq3A_48 : i32
    %convert_element_type3A_50 = arith.extui %eq3A_49 : i1 to i32
    %cond3A = arith.constant 0 : i32
    %cond3A_51 = arith.cmpi ne, %convert_element_type3A_50, %cond3A : i32
    scf.if %cond3A_51 {
      %broadcast_in_dim3A_63 = arith.constant 0.000000e+00 : f32
      %broadcast_in_dim3A_64 = vector.broadcast %broadcast_in_dim3A_63 : f32 to vector<64x65xf32>
      %swap3A_65 = arith.constant 0 : index
      %swap3A_66 = arith.constant 0 : index
      %swap3A_67 = vector.load %arg11[%swap3A_65, %swap3A_66] : memref<64x65xf32, #tpu.memory_space<vmem>>, vector<64x65xf32>
      tpu.vector_store %arg11[%swap3A_65, %swap3A_66], %broadcast_in_dim3A_64 {strides = array<i32>} : memref<64x65xf32, #tpu.memory_space<vmem>>, vector<64x65xf32>,
    } else {
    }
    %get3A_52 = arith.constant 0 : index
    %get3A_53 = arith.constant 0 : index
    %get3A_54 = vector.load %arg11[%get3A_52, %get3A_53] : memref<64x65xf32, #tpu.memory_space<vmem>>, vector<64x65xf32>
    %add3A_55 = arith.addf %get3A_54, %dot_general3A_47 : vector<64x65xf32>
    %swap3A = arith.constant 0 : index
    %swap3A_56 = arith.constant 0 : index
    %swap3A_57 = vector.load %arg11[%swap3A, %swap3A_56] : memref<64x65xf32, #tpu.memory_space<vmem>>, vector<64x65xf32>
    tpu.vector_store %arg11[%swap3A, %swap3A_56], %add3A_55 {strides = array<i32>} : memref<64x65xf32, #tpu.memory_space<vmem>>, vector<64x65xf32>,
    %eq3A_58 = arith.constant 9 : i32
    %eq3A_59 = arith.cmpi eq, %arg0, %eq3A_58 : i32
    %convert_element_type3A_60 = arith.extui %eq3A_59 : i1 to i32
    %cond3A_61 = arith.constant 0 : i32
    %cond3A_62 = arith.cmpi ne, %convert_element_type3A_60, %cond3A_61 : i32
    scf.if %cond3A_62 {
      %get3A_63 = arith.constant 0 : index
      %get3A_64 = arith.constant 0 : index
      %get3A_65 = vector.load %arg11[%get3A_63, %get3A_64] : memref<64x65xf32, #tpu.memory_space<vmem>>, vector<64x65xf32>
      %slice3A = vector.extract_strided_slice %get3A_65 {offsets = [0, 0], sizes = [64, 64], strides = [1, 1]} : vector<64x65xf32> to vector<64x64xf32>
      %slice3A_66 = vector.extract_strided_slice %get3A_65 {offsets = [0, 64], sizes = [64, 1], strides = [1, 1]} : vector<64x65xf32> to vector<64x1xf32>
      %max3A_67 = arith.constant 1.000000e+00 : f32
      %max3A_68 = vector.broadcast %max3A_67 : f32 to vector<64x1xf32>
      %max3A_69 = arith.maximumf %slice3A_66, %max3A_68 : vector<64x1xf32>
      %div3A = vector.broadcast %max3A_69 : vector<64x1xf32> to vector<64x64xf32>
      %div3A_70 = arith.divf %slice3A, %div3A : vector<64x64xf32>
      %get3A_71 = arith.constant 0 : index
      %get3A_72 = arith.constant 0 : index
      %get3A_73 = vector.load %arg6[%get3A_71, %get3A_72] : memref<64x32xf32, #tpu.memory_space<vmem>>, vector<64x32xf32>
      %dot_general3A_74 = arith.constant dense<0.000000e+00> : vector<64x32xf32>
      %dot_general3A_75 = tpu.matmul %div3A_70, %get3A_73, %dot_general3A_74 {dimension_numbers = #tpu.dot_dimension_numbers<[1], [0], [0], [1], [0, 0, 1, 1], [], []>, transpose_lhs_hint = false} : vector<64x64xf32>, vector<64x32xf32>, vector<64x32xf32> -> vector<64x32xf32>
      %get3A_76 = arith.constant 0 : index
      %get3A_77 = arith.constant 0 : index
      %get3A_78 = vector.load %arg7[%get3A_76, %get3A_77] : memref<1x32xf32, #tpu.memory_space<vmem>>, vector<1x32xf32>
      %add3A_79 = vector.broadcast %get3A_78 : vector<1x32xf32> to vector<64x32xf32>
      %add3A_80 = arith.addf %dot_general3A_75, %add3A_79 : vector<64x32xf32>
      %max3A_81 = arith.constant 0.000000e+00 : f32
      %max3A_82 = vector.broadcast %max3A_81 : f32 to vector<64x32xf32>
      %max3A_83 = arith.maximumf %add3A_80, %max3A_82 : vector<64x32xf32>
      %get3A_84 = arith.constant 0 : index
      %get3A_85 = arith.constant 0 : index
      %get3A_86 = vector.load %arg8[%get3A_84, %get3A_85] : memref<32x2xf32, #tpu.memory_space<vmem>>, vector<32x2xf32>
      %dot_general3A_87 = arith.constant dense<0.000000e+00> : vector<64x2xf32>
      %dot_general3A_88 = tpu.matmul %max3A_83, %get3A_86, %dot_general3A_87 {dimension_numbers = #tpu.dot_dimension_numbers<[1], [0], [0], [1], [0, 0, 1, 1], [], []>, transpose_lhs_hint = false} : vector<64x32xf32>, vector<32x2xf32>, vector<64x2xf32> -> vector<64x2xf32>
      %get3A_89 = arith.constant 0 : index
      %get3A_90 = arith.constant 0 : index
      %get3A_91 = vector.load %arg9[%get3A_89, %get3A_90] : memref<1x2xf32, #tpu.memory_space<vmem>>, vector<1x2xf32>
      %add3A_92 = vector.broadcast %get3A_91 : vector<1x2xf32> to vector<64x2xf32>
      %add3A_93 = arith.addf %dot_general3A_88, %add3A_92 : vector<64x2xf32>
      %swap3A_94 = arith.constant 0 : index
      %swap3A_95 = arith.constant 0 : index
      %swap3A_96 = vector.load %arg10[%swap3A_94, %swap3A_95] : memref<64x2xf32, #tpu.memory_space<vmem>>, vector<64x2xf32>
      tpu.vector_store %arg10[%swap3A_94, %swap3A_95], %add3A_93 {strides = array<i32>} : memref<64x2xf32, #tpu.memory_space<vmem>>, vector<64x2xf32>,
    } else {
    }
    return
  }
  func.func @transform_0(%arg0: i32) -> (i32, i32, i32) {
    %c0_i32 = arith.constant 0 : i32
    %c0_i32_0 = arith.constant 0 : i32
    %c0_i32_1 = arith.constant 0 : i32
    return %c0_i32, %arg0, %c0_i32_0 : i32, i32, i32
  }
  func.func @transform_1(%arg0: i32) -> (i32, i32) {
    %c0_i32 = arith.constant 0 : i32
    %c0_i32_0 = arith.constant 0 : i32
    return %arg0, %c0_i32 : i32, i32
  }
  func.func @transform_2(%arg0: i32) -> (i32, i32) {
    %c0_i32 = arith.constant 0 : i32
    %c0_i32_0 = arith.constant 0 : i32
    return %arg0, %c0_i32 : i32, i32
  }
  func.func @transform_3(%arg0: i32) -> (i32, i32) {
    %c0_i32 = arith.constant 0 : i32
    %c0_i32_0 = arith.constant 0 : i32
    %c0_i32_1 = arith.constant 0 : i32
    return %c0_i32, %c0_i32_0 : i32, i32
  }
  func.func @transform_4(%arg0: i32) -> (i32, i32) {
    %c0_i32 = arith.constant 0 : i32
    %c0_i32_0 = arith.constant 0 : i32
    return %arg0, %c0_i32 : i32, i32
  }
  func.func @transform_5(%arg0: i32) -> (i32, i32) {
    %c0_i32 = arith.constant 0 : i32
    %c0_i32_0 = arith.constant 0 : i32
    %c0_i32_1 = arith.constant 0 : i32
    return %c0_i32, %c0_i32_0 : i32, i32
  }
  func.func @transform_6(%arg0: i32) -> (i32, i32) {
    %c0_i32 = arith.constant 0 : i32
    %c0_i32_0 = arith.constant 0 : i32
    %c0_i32_1 = arith.constant 0 : i32
    return %c0_i32, %c0_i32_0 : i32, i32
  }
  func.func @transform_7(%arg0: i32) -> (i32, i32) {
    %c0_i32 = arith.constant 0 : i32
    %c0_i32_0 = arith.constant 0 : i32
    %c0_i32_1 = arith.constant 0 : i32
    return %c0_i32, %c0_i32_0 : i32, i32
  }
  func.func @transform_8(%arg0: i32) -> (i32, i32) {
    %c0_i32 = arith.constant 0 : i32
    %c0_i32_0 = arith.constant 0 : i32
    %c0_i32_1 = arith.constant 0 : i32
    return %c0_i32, %c0_i32_0 : i32, i32
  }
  func.func @transform_9(%arg0: i32) -> (i32, i32) {
    %c0_i32 = arith.constant 0 : i32
    %c0_i32_0 = arith.constant 0 : i32
    %c0_i32_1 = arith.constant 0 : i32
    return %c0_i32, %c0_i32_0 : i32, i32
  }
}

</mosaic_0001>

<sc_bundles>
// kernel: kernel.11.cloned.1.call-start
scs
__scs_entry_jumppad:
0x0: {  	(pc) =	sbr.rel $0x88, $3  }
0x1: {  	(tag) =	ssettag $0x0;
	lr =	simm.s32 $0x1  }
0x2: {  	[smem:$0x3F96] =	sst lr;
	_ =	strace $0xD0000000  }
0x3: {  	_ = 	snop  }
0x4: {  	_ = 	snop  }
0x5: {  	_ = 	snop  }
0x6: {  	_ = 	snop  }
0x7: {  	_ = 	snop  }
__scs_overlays_trampoline_lowered:
0x8: {  	[smem:$0x3FA5] =	sst s0  }
0x9: {  	[smem:$0x3FA6] =	sst s1  }
0xa: {  	[smem:$0x3FA7] =	sst s2  }
0xb: {  	[smem:$0x3FA8] =	sst s3  }
0xc: {  	[smem:$0x3FA9] =	sst s4  }
0xd: {  	[smem:$0x3FAA] =	sst s5  }
0xe: {  	[smem:$0x3FAB] =	sst s6  }
0xf: {  	[smem:$0x3FAC] =	sst s7  }
0x10: {  	[smem:$0x3FAD] =	sst s8  }
0x11: {  	[smem:$0x3FAE] =	sst s9;
	s0 =	simm.s32 @!p0 $0x0  }
0x12: {  	s1 =	sld [smem:$0x3F94];
	s0 =	simm.s32 @p0 $0x1  }
0x13: {  	[smem:$0x3FAF] =	sst s0;
	s0 =	simm.s32 @!p1 $0x0  }
0x14: {  	s2 =	sld [smem:$0x3F93];
	s0 =	simm.s32 @p1 $0x1  }
0x15: {  	[smem:$0x3FB0] =	sst s0;
	s0 =	simm.s32 @!p2 $0x0  }
0x16: {  	s3 =	sld [smem:$0x3FDB];
	s0 =	simm.s32 @p2 $0x1  }
0x17: {  	s4 =	simm.s32 $0x1BF5;
	[smem:$0x3FB2] =	sst s0  }
0x18: {  	s0 =	sld [smem:$0x3F95];
	_ =	swait.ge [sflag:s4], $0x0  }
0x19: {  	s7 =	sld [smem:$0x3F96]  }
0x1a: {  	s8 =	sadd.s32 $0xFFFFE003, lr  }
0x1b: {  	s9 =	sadd.s32 $0xFFFFFEF7, lr;
	s5 =	simm.s32 $0xFFFFFFFF;
	p2 =	slt.u32 s8, $0xFFFFF086  }
0x1c: {  	p1 =	slt.u32 s9, $0xF7A;
	s5 =	simm.s32 @!p2 $0x0  }
0x1d: {  	s5 =	simm.s32 @p1 $0x1;
	p0 =	seq.s32 s7, s2  }
0x1e: {  	s7 =	smul.u32 @!p0 $0xF7A, s2;
	p2 =	seq.s32 @!p0 s5, $0x0  }
0x1f: {  	s9 =	smul.u32 $0xF7A, s1;
	s8 =	simm.s32 @!p0 $0x1BF5;
	p2 =	por !p2, p0  }
0x20: {  	[sflag:s8] =	ssyncset.s32 @!p0 $0xFFFFF086;
	s6 =	sadd.s32 @!p0 s3, s7;
	s7 =	simm.s32 @!p0 $0x108  }
0x21: {  	s3 =	sadd.s32 s3, s9;
	s6 =	sadd.s32 @!p0 $0x88, s6;
	s7 =	simm.s32 @p2 $0x1082  }
0x22: {  	[simem:s7], [sflag:s8] =	dma.local @!p0 [hbm:s6], $0xF7A  }
0x23: {  	s9 =	sor.u32 $0xD0000000, s2;
	s6 =	simm.s32 $0x108;
	_ =	swait.ge @!p0 [sflag:s8], $0x0  }
0x24: {  	s3 =	sadd.s32 $0x88, s3;
	s6 =	simm.s32 @!p1 $0x1082;
	[sflag:s4] =	ssyncset.s32 $0xFFFFF086  }
0x25: {  	[simem:s6], [sflag:s4] =	dma.local [hbm:s3], $0xF7A  }
0x26: {  	[smem:$0x3F96] =	sst s1;
	(tag) =	ssettag s2;
	_ =	strace s9  }
0x27: {  	s1 =	sld [smem:$0x3FA6]  }
0x28: {  	s2 =	sld [smem:$0x3FA7]  }
0x29: {  	s4 =	sld [smem:$0x3FA9]  }
0x2a: {  	p0 =	seq.s32 s5, $0x0;
	s5 =	sld [smem:$0x3FAA]  }
0x2b: {  	s6 =	sld [smem:$0x3FAB]  }
0x2c: {  	s7 =	sld [smem:$0x3FAC]  }
0x2d: {  	s3 =	simm.s32 $0x108;
	s8 =	sld [smem:$0x3FAD]  }
0x2e: {  	s3 =	simm.s32 @!p0 $0x1082;
	s9 =	sld [smem:$0x3FAE]  }
0x2f: {  	lr =	sadd.s32 s0, s3;
	s0 =	sld [smem:$0x3FA5]  }
0x30: {  	s3 =	sld [smem:$0x3FA8]  }
0x31: {  	[smem:$0x3FB1] =	sst s10  }
0x32: {  	s10 =	sld [smem:$0x3FAF];
	_ =	sdelay $0x3  }
0x33: {  	p0 =	seq.s32 s10, $0x1;
	s10 =	sld [smem:$0x3FB1];
	_ =	sdelay $0x3  }
0x34: {  	[smem:$0x3FB1] =	sst s10  }
0x35: {  	s10 =	sld [smem:$0x3FB0];
	_ =	sdelay $0x3  }
0x36: {  	p1 =	seq.s32 s10, $0x1;
	s10 =	sld [smem:$0x3FB1];
	_ =	sdelay $0x3  }
0x37: {  	[smem:$0x3FB1] =	sst s10  }
0x38: {  	s10 =	sld [smem:$0x3FB2]  }
0x39: {  	_ = 	snop;
	(pc) =	sbr.ind lr, $3  }
0x3a: {  	_ = 	snop  }
0x3b: {  	_ = 	snop  }
0x3c: {  	p2 =	seq.s32 s10, $0x1;
	s10 =	sld [smem:$0x3FB1]  }
0x3d: {  	_ =	shalt  }
0x3e: {  	_ =	shalt  }
0x3f: {  	_ =	shalt  }
0x40: {  	_ =	shalt  }
0x41: {  	_ =	shalt  }
0x42: {  	_ =	shalt  }
0x43: {  	_ =	shalt  }
0x44: {  	_ =	shalt  }
0x45: {  	_ =	shalt  }
0x46: {  	_ =	shalt  }
0x47: {  	_ =	shalt  }
0x48: {  	_ =	shalt  }
0x49: {  	_ =	shalt  }
0x4a: {  	_ =	shalt  }
0x4b: {  	_ =	shalt  }
0x4c: {  	_ =	shalt  }
0x4d: {  	_ =	shalt  }
0x4e: {  	_ =	shalt  }
0x4f: {  	_ =	shalt  }
0x50: {  	_ =	shalt  }
0x51: {  	_ =	shalt  }
0x52: {  	_ =	shalt  }
0x53: {  	_ =	shalt  }
0x54: {  	_ =	shalt  }
0x55: {  	_ =	shalt  }
0x56: {  	_ =	shalt  }
0x57: {  	_ =	shalt  }
0x58: {  	_ =	shalt  }
0x59: {  	_ =	shalt  }
0x5a: {  	_ =	shalt  }
0x5b: {  	_ =	shalt  }
0x5c: {  	_ =	shalt  }
0x5d: {  	_ =	shalt  }
0x5e: {  	_ =	shalt  }
0x5f: {  	_ =	shalt  }
0x60: {  	_ =	shalt  }
0x61: {  	_ =	shalt  }
0x62: {  	_ =	shalt  }
0x63: {  	_ =	shalt  }
0x64: {  	_ =	shalt  }
0x65: {  	_ =	shalt  }
0x66: {  	_ =	shalt  }
0x67: {  	_ =	shalt  }
0x68: {  	_ =	shalt  }
0x69: {  	_ =	shalt  }
0x6a: {  	_ =	shalt  }
0x6b: {  	_ =	shalt  }
0x6c: {  	_ =	shalt  }
0x6d: {  	_ =	shalt  }
0x6e: {  	_ =	shalt  }
0x6f: {  	_ =	shalt  }
0x70: {  	_ =	shalt  }
0x71: {  	_ =	shalt  }
0x72: {  	_ =	shalt  }
0x73: {  	_ =	shalt  }
0x74: {  	_ =	shalt  }
0x75: {  	_ =	shalt  }
0x76: {  	_ =	shalt  }
0x77: {  	_ =	shalt  }
0x78: {  	_ =	shalt  }
0x79: {  	_ =	shalt  }
0x7a: {  	_ =	shalt  }
0x7b: {  	_ =	shalt  }
0x7c: {  	_ =	shalt  }
0x7d: {  	_ =	shalt  }
0x7e: {  	_ =	shalt  }
0x7f: {  	_ =	shalt  }
0x80: {  	_ =	shalt  }
0x81: {  	_ =	shalt  }
0x82: {  	_ =	shalt  }
0x83: {  	_ =	shalt  }
0x84: {  	_ =	shalt  }
0x85: {  	_ =	shalt  }
0x86: {  	_ =	shalt  }
0x87: {  	_ =	shalt  }
.Lfunc_end0:
.L_simem_size_0:
called_computation.1_lowered:
.L_overlay_start_0:
0x88: {  	s2 =	sld [smem:$0x3FD9]  }
0x89: {  	s3 =	sld [smem:$0x3FFE];
	_ =	sdelay $0x1  }
0x8a: {  	s1 =	srdreg.scid  }
0x8b: {  	s0 =	sand.u32 $0x1, s1  }
0x8c: {  	s16 =	sshll.u32 s0, $0xA;
	s2 =	sadd.s32 s3, s2  }
0x8d: {  	s2 =	sadd.s32 s2, s16  }
0x8e: {  	[smem:$0x3FBD] =	sst s2  }
0x8f: {  	_ = 	snop  }
0x90: {  	(tm) =	ssettm $0x1  }
0x91: {  	s17 =	sld [smem:$0x3FFB];
	_ =	sdelay $0x3  }
0x92: {  	_ =	strace s17  }
0x93: {  	s2 =	sld [smem:$0x3FFC];
	_ =	sdelay $0x3  }
0x94: {  	_ =	strace s2  }
0x95: {  	s2 =	sld [smem:$0x3FFD];
	_ =	sdelay $0x3  }
0x96: {  	_ =	strace s2  }
0x97: {  	_ =	strace $0x8FFFFFFF  }
0x98: {  	s18 =	sld [smem:$0x3FDB];
	_ =	sdelay $0x1  }
0x99: {  	s19 =	simm.s32 $_scs_section_size  }
0x9a: {  	s4 =	simm.s32 $_size__tile_overlayer_lowered;
	s5 =	simm.s32 $_tile_overlayer_lowered  }
0x9b: {  	s22 =	simm.s32 $0x1BFF;
	s21 =	sshll.u32 s5, $0x1;
	s2 =	sadd.s32 s19, s18  }
0x9c: {  	s6 =	simm.s32 $0x0;
	s20 =	sshll.u32 s4, $0x1;
	s4 =	sadd.s32 s21, s2  }
0x9d: {  	[timem:s6], [sflag:s22] =	dma.local [hbm:s4], s20  }
0x9e: {  	_ =	swait.ge [sflag:s22], s20  }
0x9f: {  	s3 =	ssub.s32 $0x0, s20;
	[sflag:s22] =	ssyncset.done $0x0  }
0xa0: {  	[sflag:s22] =	ssyncadd.s32 s3;
	_ =	sdelay $0x1  }
0xa1: {  	s23 =	simm.s32 $0x1B8B  }
0xa2: {  	_ =	swait.ge [sflag:s23], $0x1  }
0xa3: {  	[sflag:s23] =	ssyncset.done $0x0  }
0xa4: {  	s25 =	simm.s32 $0x1B8E;
	s24 =	sld [smem:$0x3FFE];
	[sflag:s23] =	ssyncadd.s32 $0xFFFFFFFF  }
0xa5: {  	s26 =	simm.s32 $execute0_lowered;
	[smem:$0x3FD2] =	sst s25  }
0xa6: {  	s4 =	sshll.u32 s26, $0x1;
	_ =	strace $0x80000049;
	[dreg:$0x1] =	wrdreg $0xFFFFFFFF  }
0xa7: {  	s28 =	simm.s32 $_size_execute0_lowered;
	s2 =	sadd.s32 s2, s4;
	[dreg:$0x0] =	wrdreg $0x0  }
0xa8: {  	s4 =	sshll.u32 s28, $0x1;
	[dreg:$0x2] =	wrdreg s2  }
0xa9: {  	[dreg:$0x3] =	wrdreg s4  }
0xaa: {  	[dreg:$0x4] =	wrdreg $0xC0  }
0xab: {  	_ =	task [dreg:s6], $0x5FFFF  }
0xac: {  	[dreg:$0x1] =	wrdreg $0xFFFFFFFF  }
0xad: {  	[dreg:$0x0] =	wrdreg $0x60  }
0xae: {  	[dreg:$0x2] =	wrdreg s24  }
0xaf: {  	[dreg:$0x3] =	wrdreg $0xCD000  }
0xb0: {  	[dreg:$0x4] =	wrdreg $0x11D000  }
0xb1: {  	[dreg:$0x5] =	wrdreg $0x9  }
0xb2: {  	_ =	task.clear_ibuf [dreg:s6], $0x6FFFF;
	_ =	strace $0x90000049  }
0xb3: {  	s29 =	simm.s32 $0x9;
	_ =	strace $0x8000004B  }
0xb4: {  	_ =	swait.ge [sflag:s29], $0x1  }
0xb5: {  	[sflag:s29] =	ssyncadd.s32 $0xFFFFFFFF  }
0xb6: {  	_ =	strace $0x9000004B  }
0xb7: {  	_ =	sfence  }
0xb8: {  	s30 =	sld [smem:$0x0];
	_ =	sdelay $0x2  }
0xb9: {  	s31 =	sshll.u32 s1, $0xD;
	s1 =	sshrl.u32 s1, $0x2  }
0xba: {  	s3 =	sand.u32 $0x4000, s31;
	s1 =	sadd.s32 s1, s30  }
0xbb: {  	s0 =	sor.u32 s3, s0;
	s1 =	sshll.u32 s1, $0x11  }
0xbc: {  	s0 =	sor.u32 s1, s0  }
0xbd: {  	s0 =	sadd.s32 $0x8F2B, s0  }
0xbe: {  	[sflag:s0] =	ssyncadd.remote.s32 $0x1  }
0xbf: {  	_ =	sfence.sel $0xFFFF  }
0xc0: {  	[dreg:$0x0] =	wrdreg $0xFFFFFFFF;
	(pc) =	sbr.abs _section_cstart, $3  }
0xc1: {  	[dreg:$0x1] =	wrdreg $0xFFFFFFFF  }
0xc2: {  	_ =	task.clear_ibuf [dreg:s6], $0x2FFFF;
	_ =	strace $0x9FFFFFFF  }
0xc3: {  	(tm) =	ssettm $0x7FFFFFFF  }
tec
execute0_lowered:
.L_overlay_start_1:
0x0: {  	(tag) =	ssettag $0x1  }
0x1: {  	s0 =	srdreg.scid;
	s1 =	rddreg [dreg:$0x0]  }
0x2: {  	s10 =	stileid.u32;
	s2 =	rddreg [dreg:$0x1]  }
0x3: {  	s5 =	simm.s32 $0x0;
	s17 =	simm.s32 $0x7D;
	s18 =	simm.s32 $0x5000  }
0x4: {  	s20 =	simm.s32 $0x5FA0;
	s22 =	simm.s32 $0x6F40;
	s24 =	simm.s32 $0x7EE0  }
0x5: {  	s25 =	simm.s32 $0x1;
	s28 =	simm.s32 $0x8E80;
	s29 =	simm.s32 $0x2  }
0x6: {  	s23 =	simm.s32 $0xADC0;
	s26 =	simm.s32 $0x4;
	s19 =	simm.s32 $0xBD60  }
0x7: {  	s21 =	simm.s32 $0x5;
	s30 =	simm.s32 $0x9;
	s31 =	simm.s32 $0x6  }
0x8: {  	s16 =	simm.s32 $0xB;
	s14 =	simm.s32 $0x0;
	s0 =	sand.u32 $0x1, s0  }
0x9: {  	s3 =	sshll.u32 s10, $0x1;
	s6 =	smul.u32 $0xA000, s10;
	[smem:$0x7FF] =	sst s5  }
0xa: {  	s5 =	sadd.s32 $0xC000, s1;
	s10 =	sshll.u32 s10, $0x6;
	s4 =	sor.u32 s0, s3  }
0xb: {  	s3 =	rddreg [dreg:$0x2];
	s7 =	smul.u32 $0x140000, s0;
	_ =	strace $0x8000004A  }
0xc: {  	s0 =	ssub.s32 $0x2, s0;
	[dreg:$0xd] =	wrdreg s14;
	s4 =	smul.u32 $0x500, s4  }
0xd: {  	s8 =	sshrl.u32 s6, $0x4;
	s9 =	sshrl.u32 s0, $0x1;
	s7 =	sadd.s32 s6, s7  }
0xe: {  	s8 =	sadd.s32 s8, s1;
	s0 =	ssub.s32 s0, s9;
	s6 =	sshrl.u32 s6, $0x1  }
0xf: {  	s4 =	sadd.s32 s4, s1;
	s7 =	sshrl.u32 s7, $0x4;
	s9 =	sadd.s32 s6, s2  }
0x10: {  	s8 =	sadd.s32 $0x25200, s8;
	s6 =	sadd.s32 s6, s3;
	s0 =	smax.u32 s0, $0x1  }
0x11: {  	s1 =	sadd.s32 s7, s1;
	[dreg:$0x4] =	wrdreg s8;
	s8 =	sor.u32 $0x1C11, s10  }
0x12: {  	s11 =	sadd.s32 $0x1B200, s4;
	s4 =	sadd.s32 $0x2000, s4;
	[dreg:$0xa] =	wrdreg s0  }
0x13: {  	s13 =	sshrl.u32 s9, $0x3;
	s15 =	sshrl.u32 s6, $0x3;
	[dreg:$0x5] =	wrdreg s8  }
0x14: {  	s0 =	simm.s32 $0x3;
	s9 =	simm.s32 $0x7;
	[dreg:$0x6] =	wrdreg s11  }
0x15: {  	s10 =	simm.s32 $0x8;
	s6 =	simm.s32 $0xF;
	[dreg:$0x7] =	wrdreg s4  }
0x16: {  	s12 =	sadd.s32 $0x2F200, s1;
	s1 =	sadd.s32 $0x39200, s1;
	[dreg:$0xb] =	wrdreg s13  }
0x17: {  	s8 =	simm.s32 $0xA;
	s11 =	simm.s32 $0xC;
	[dreg:$0xc] =	wrdreg s15  }
0x18: {  	s4 =	simm.s32 $0xE;
	s13 =	simm.s32 $0x10;
	[dreg:$0x8] =	wrdreg s12  }
0x19: {  	[dreg:$0x9] =	wrdreg s1;
	s1 =	simm.s32 $0x9E20;
	s12 =	simm.s32 $0xD  }
.LBB2_1:
0x1a: {  	s14 =	rddreg [dreg:$0xb]  }
0x1b: {  	s7 =	rddreg [dreg:$0x5]  }
0x1c: {  	s15 =	rddreg [dreg:$0x4]  }
0x1d: {  	[spmem:s14], [sflag:s7] =	dma.local [hbm:s15], $0xA00  }
0x1e: {  	s15 =	simm.s32 $0x11  }
0x1f: {  	_ =	swait.ge [sflag:s15], $0xA00  }
0x20: {  	[sflag:s15] =	ssyncset.done $0x0;
	s14 =	rddreg [dreg:$0x4]  }
0x21: {  	[sflag:s15] =	ssyncadd.s32 $0xFFFFF600;
	s15 =	rddreg [dreg:$0xc]  }
0x22: {  	[spmem:s15], [sflag:s7] =	dma.local [hbm:s14], $0xA00  }
0x23: {  	s15 =	simm.s32 $0x11  }
0x24: {  	_ =	swait.ge [sflag:s15], $0xA00  }
0x25: {  	[sflag:s15] =	ssyncset.done $0x0  }
0x26: {  	s7 =	simm.s32 $0x0;
	s14 =	rddreg [dreg:$0x6];
	[sflag:s15] =	ssyncadd.s32 $0xFFFFF600  }
0x27: {  	[tilespmem:s7], [sflag:$0x11] =	stream.linear.gather [hbm4b:s14+s7], $0x2800, $0x38;
	[tilespmem:$0x16D00] =	vst v63  }
0x28: {  	_ =	swait.ge [sflag:s15], $0x2800  }
0x29: {  	s7 =	simm.s32 $0x2800;
	[sflag:s15] =	ssyncset.done $0x0  }
0x2a: {  	s14 =	rddreg [dreg:$0x7];
	[sflag:s15] =	ssyncadd.s32 $0xFFFFD800;
	s15 =	simm.s32 $0x0  }
0x2b: {  	[tilespmem:s7], [sflag:$0x11] =	stream.linear.gather [hbm4b:s14+s15], $0x2800, $0x38;
	[tilespmem:$0x16D00] =	vst v63  }
0x2c: {  	s15 =	simm.s32 $0x11  }
0x2d: {  	_ =	swait.ge [sflag:s15], $0x2800  }
0x2e: {  	[sflag:s15] =	ssyncset.done $0x0  }
0x2f: {  	[sflag:s15] =	ssyncadd.s32 $0xFFFFD800  }
0x30: {  	s15 =	simm.s32 $0x0;
	[bflag:$0x0] =	sbarrier.arrive $0xFFFF  }
0x31: {  	[tilespmem:s18], [sflag:$0x1] =	stream.indirect.gather [hbm4b:s5+s17], $0x20, s15, s17, $0xb8;
	[tilespmem:$0x16D00] =	vst v63  }
0x32: {  	s15 =	simm.s32 $0x80  }
0x33: {  	[tilespmem:s20], [sflag:$0x2] =	stream.indirect.gather [hbm4b:s5+s17], $0x20, s15, s17, $0xb8;
	[tilespmem:$0x16D00] =	vst v63  }
0x34: {  	s15 =	simm.s32 $0x100  }
0x35: {  	[tilespmem:s22], [sflag:$0x3] =	stream.indirect.gather [hbm4b:s5+s17], $0x20, s15, s17, $0xb8;
	[tilespmem:$0x16D00] =	vst v63  }
0x36: {  	s15 =	simm.s32 $0x180  }
0x37: {  	[tilespmem:s24], [sflag:$0x4] =	stream.indirect.gather [hbm4b:s5+s17], $0x20, s15, s17, $0xb8;
	[tilespmem:$0x16D00] =	vst v63  }
0x38: {  	_ =	swait.ge [sflag:s25], $0xFA0  }
0x39: {  	[sflag:s25] =	ssyncset.done $0x0  }
0x3a: {  	s14 =	simm.s32 $0x2800;
	[sflag:s25] =	ssyncadd.s32 $0xFFFFF060  }
0x3b: {  	[spmem:s2] =	stream.indirect.scatter.add.bf16 [tilespmem:s18], [sflag:$0x9], $0x20, s14, s17, $0xb8;
	[tilespmem:$0x16D00] =	vst v63  }
0x3c: {  	s14 =	simm.s32 $0x200  }
0x3d: {  	[tilespmem:s28], [sflag:$0x5] =	stream.indirect.gather [hbm4b:s5+s17], $0x20, s14, s17, $0xb8;
	[tilespmem:$0x16D00] =	vst v63  }
0x3e: {  	_ =	swait.ge [sflag:s29], $0xFA0  }
0x3f: {  	[sflag:s29] =	ssyncset.done $0x0  }
0x40: {  	s15 =	simm.s32 $0x2880;
	[sflag:s29] =	ssyncadd.s32 $0xFFFFF060  }
0x41: {  	[spmem:s3] =	stream.indirect.scatter.add.bf16 [tilespmem:s20], [sflag:$0xA], $0x20, s15, s17, $0xb8;
	[tilespmem:$0x16D00] =	vst v63  }
0x42: {  	s14 =	simm.s32 $0x280  }
0x43: {  	[tilespmem:s1], [sflag:$0x6] =	stream.indirect.gather [hbm4b:s5+s17], $0x20, s14, s17, $0xb8;
	[tilespmem:$0x16D00] =	vst v63  }
0x44: {  	_ =	swait.ge [sflag:s0], $0xFA0  }
0x45: {  	[sflag:s0] =	ssyncset.done $0x0  }
0x46: {  	s15 =	simm.s32 $0x2900;
	[sflag:s0] =	ssyncadd.s32 $0xFFFFF060  }
0x47: {  	[spmem:s2] =	stream.indirect.scatter.add.bf16 [tilespmem:s22], [sflag:$0xB], $0x20, s15, s17, $0xb8;
	[tilespmem:$0x16D00] =	vst v63  }
0x48: {  	s14 =	simm.s32 $0x300  }
0x49: {  	[tilespmem:s23], [sflag:$0x7] =	stream.indirect.gather [hbm4b:s5+s17], $0x20, s14, s17, $0xb8;
	[tilespmem:$0x16D00] =	vst v63  }
0x4a: {  	_ =	swait.ge [sflag:s26], $0xFA0  }
0x4b: {  	[sflag:s26] =	ssyncset.done $0x0  }
0x4c: {  	s15 =	simm.s32 $0x2980;
	[sflag:s26] =	ssyncadd.s32 $0xFFFFF060  }
0x4d: {  	[spmem:s3] =	stream.indirect.scatter.add.bf16 [tilespmem:s24], [sflag:$0xC], $0x20, s15, s17, $0xb8;
	[tilespmem:$0x16D00] =	vst v63  }
0x4e: {  	s14 =	simm.s32 $0x380  }
0x4f: {  	[tilespmem:s19], [sflag:$0x8] =	stream.indirect.gather [hbm4b:s5+s17], $0x20, s14, s17, $0xb8;
	[tilespmem:$0x16D00] =	vst v63  }
0x50: {  	_ =	swait.ge [sflag:s21], $0xFA0  }
0x51: {  	[sflag:s21] =	ssyncset.done $0x0  }
0x52: {  	s15 =	simm.s32 $0x2A00;
	[sflag:s21] =	ssyncadd.s32 $0xFFFFF060  }
0x53: {  	[spmem:s2] =	stream.indirect.scatter.add.bf16 [tilespmem:s28], [sflag:$0xD], $0x20, s15, s17, $0xb8;
	[tilespmem:$0x16D00] =	vst v63  }
0x54: {  	_ =	swait.ge [sflag:s30], $0xFA0  }
0x55: {  	[sflag:s30] =	ssyncset.done $0x0  }
0x56: {  	s14 =	simm.s32 $0x400;
	[sflag:s30] =	ssyncadd.s32 $0xFFFFF060  }
0x57: {  	[tilespmem:s18], [sflag:$0x1] =	stream.indirect.gather [hbm4b:s5+s17], $0x20, s14, s17, $0xb8;
	[tilespmem:$0x16D00] =	vst v63  }
0x58: {  	_ =	swait.ge [sflag:s31], $0xFA0  }
0x59: {  	[sflag:s31] =	ssyncset.done $0x0  }
0x5a: {  	s15 =	simm.s32 $0x2A80;
	[sflag:s31] =	ssyncadd.s32 $0xFFFFF060  }
0x5b: {  	[spmem:s3] =	stream.indirect.scatter.add.bf16 [tilespmem:s1], [sflag:$0xE], $0x20, s15, s17, $0xb8;
	[tilespmem:$0x16D00] =	vst v63  }
0x5c: {  	_ =	swait.ge [sflag:s8], $0xFA0  }
0x5d: {  	[sflag:s8] =	ssyncset.done $0x0  }
0x5e: {  	s14 =	simm.s32 $0x480;
	[sflag:s8] =	ssyncadd.s32 $0xFFFFF060  }
0x5f: {  	[tilespmem:s20], [sflag:$0x2] =	stream.indirect.gather [hbm4b:s5+s17], $0x20, s14, s17, $0xb8;
	[tilespmem:$0x16D00] =	vst v63  }
0x60: {  	_ =	swait.ge [sflag:s9], $0xFA0  }
0x61: {  	[sflag:s9] =	ssyncset.done $0x0  }
0x62: {  	s15 =	simm.s32 $0x2B00;
	[sflag:s9] =	ssyncadd.s32 $0xFFFFF060  }
0x63: {  	[spmem:s2] =	stream.indirect.scatter.add.bf16 [tilespmem:s23], [sflag:$0xF], $0x20, s15, s17, $0xb8;
	[tilespmem:$0x16D00] =	vst v63  }
0x64: {  	_ =	swait.ge [sflag:s16], $0xFA0  }
0x65: {  	[sflag:s16] =	ssyncset.done $0x0  }
0x66: {  	s14 =	simm.s32 $0x500;
	[sflag:s16] =	ssyncadd.s32 $0xFFFFF060  }
0x67: {  	[tilespmem:s22], [sflag:$0x3] =	stream.indirect.gather [hbm4b:s5+s17], $0x20, s14, s17, $0xb8;
	[tilespmem:$0x16D00] =	vst v63  }
0x68: {  	_ =	swait.ge [sflag:s10], $0xFA0  }
0x69: {  	[sflag:s10] =	ssyncset.done $0x0  }
0x6a: {  	s15 =	simm.s32 $0x2B80;
	[sflag:s10] =	ssyncadd.s32 $0xFFFFF060  }
0x6b: {  	[spmem:s3] =	stream.indirect.scatter.add.bf16 [tilespmem:s19], [sflag:$0x10], $0x20, s15, s17, $0xb8;
	[tilespmem:$0x16D00] =	vst v63  }
0x6c: {  	_ =	swait.ge [sflag:s11], $0xFA0  }
0x6d: {  	[sflag:s11] =	ssyncset.done $0x0  }
0x6e: {  	s14 =	simm.s32 $0x580;
	[sflag:s11] =	ssyncadd.s32 $0xFFFFF060  }
0x6f: {  	[tilespmem:s24], [sflag:$0x4] =	stream.indirect.gather [hbm4b:s5+s17], $0x20, s14, s17, $0xb8;
	[tilespmem:$0x16D00] =	vst v63  }
0x70: {  	_ =	swait.ge [sflag:s25], $0xFA0  }
0x71: {  	[sflag:s25] =	ssyncset.done $0x0  }
0x72: {  	s15 =	simm.s32 $0x2C00;
	[sflag:s25] =	ssyncadd.s32 $0xFFFFF060  }
0x73: {  	[spmem:s2] =	stream.indirect.scatter.add.bf16 [tilespmem:s18], [sflag:$0x9], $0x20, s15, s17, $0xb8;
	[tilespmem:$0x16D00] =	vst v63  }
0x74: {  	_ =	swait.ge [sflag:s12], $0xFA0  }
0x75: {  	[sflag:s12] =	ssyncset.done $0x0  }
0x76: {  	s14 =	simm.s32 $0x600;
	[sflag:s12] =	ssyncadd.s32 $0xFFFFF060  }
0x77: {  	[tilespmem:s28], [sflag:$0x5] =	stream.indirect.gather [hbm4b:s5+s17], $0x20, s14, s17, $0xb8;
	[tilespmem:$0x16D00] =	vst v63  }
0x78: {  	_ =	swait.ge [sflag:s29], $0xFA0  }
0x79: {  	[sflag:s29] =	ssyncset.done $0x0  }
0x7a: {  	s15 =	simm.s32 $0x2C80;
	[sflag:s29] =	ssyncadd.s32 $0xFFFFF060  }
0x7b: {  	[spmem:s3] =	stream.indirect.scatter.add.bf16 [tilespmem:s20], [sflag:$0xA], $0x20, s15, s17, $0xb8;
	[tilespmem:$0x16D00] =	vst v63  }
0x7c: {  	_ =	swait.ge [sflag:s4], $0xFA0  }
0x7d: {  	[sflag:s4] =	ssyncset.done $0x0  }
0x7e: {  	s14 =	simm.s32 $0x680;
	[sflag:s4] =	ssyncadd.s32 $0xFFFFF060  }
0x7f: {  	[tilespmem:s1], [sflag:$0x6] =	stream.indirect.gather [hbm4b:s5+s17], $0x20, s14, s17, $0xb8;
	[tilespmem:$0x16D00] =	vst v63  }
0x80: {  	_ =	swait.ge [sflag:s0], $0xFA0  }
0x81: {  	[sflag:s0] =	ssyncset.done $0x0  }
0x82: {  	s15 =	simm.s32 $0x2D00;
	[sflag:s0] =	ssyncadd.s32 $0xFFFFF060  }
0x83: {  	[spmem:s2] =	stream.indirect.scatter.add.bf16 [tilespmem:s22], [sflag:$0xB], $0x20, s15, s17, $0xb8;
	[tilespmem:$0x16D00] =	vst v63  }
0x84: {  	_ =	swait.ge [sflag:s6], $0xFA0  }
0x85: {  	[sflag:s6] =	ssyncset.done $0x0  }
0x86: {  	s14 =	simm.s32 $0x700;
	[sflag:s6] =	ssyncadd.s32 $0xFFFFF060  }
0x87: {  	[tilespmem:s23], [sflag:$0x7] =	stream.indirect.gather [hbm4b:s5+s17], $0x20, s14, s17, $0xb8;
	[tilespmem:$0x16D00] =	vst v63  }
0x88: {  	_ =	swait.ge [sflag:s26], $0xFA0  }
0x89: {  	[sflag:s26] =	ssyncset.done $0x0  }
0x8a: {  	s15 =	simm.s32 $0x2D80;
	[sflag:s26] =	ssyncadd.s32 $0xFFFFF060  }
0x8b: {  	[spmem:s3] =	stream.indirect.scatter.add.bf16 [tilespmem:s24], [sflag:$0xC], $0x20, s15, s17, $0xb8;
	[tilespmem:$0x16D00] =	vst v63  }
0x8c: {  	_ =	swait.ge [sflag:s13], $0xFA0  }
0x8d: {  	[sflag:s13] =	ssyncset.done $0x0  }
0x8e: {  	s7 =	simm.s32 $0x1000;
	s15 =	simm.s32 $0x780;
	[sflag:s13] =	ssyncadd.s32 $0xFFFFF060  }
.LBB2_2:
0x8f: {  	[tilespmem:s19], [sflag:$0x8] =	stream.indirect.gather [hbm4b:s5+s17], $0x20, s15, s17, $0xb8;
	[tilespmem:$0x16D00] =	vst v63  }
0x90: {  	s15 =	smov.u32 s7  }
0x91: {  	p0 =	sne.s32 s7, $0x8000;
	s7 =	sadd.s32 $0x1000, s7;
	_ =	swait.ge [sflag:s21], $0xFA0  }
0x92: {  	s15 =	sshra.s32 s15, $0x2;
	[sflag:s21] =	ssyncset.done $0x0  }
0x93: {  	s14 =	sadd.s32 $0x2A00, s15;
	[sflag:s21] =	ssyncadd.s32 $0xFFFFF060  }
0x94: {  	[spmem:s2] =	stream.indirect.scatter.add.bf16 [tilespmem:s28], [sflag:$0xD], $0x20, s14, s17, $0xb8;
	[tilespmem:$0x16D00] =	vst v63  }
0x95: {  	_ =	swait.ge [sflag:s30], $0xFA0  }
0x96: {  	[sflag:s30] =	ssyncset.done $0x0  }
0x97: {  	s14 =	sadd.s32 $0x400, s15;
	[sflag:s30] =	ssyncadd.s32 $0xFFFFF060  }
0x98: {  	[tilespmem:s18], [sflag:$0x1] =	stream.indirect.gather [hbm4b:s5+s17], $0x20, s14, s17, $0xb8;
	[tilespmem:$0x16D00] =	vst v63  }
0x99: {  	_ =	swait.ge [sflag:s31], $0xFA0  }
0x9a: {  	[sflag:s31] =	ssyncset.done $0x0  }
0x9b: {  	s14 =	sadd.s32 $0x2A80, s15;
	[sflag:s31] =	ssyncadd.s32 $0xFFFFF060  }
0x9c: {  	[spmem:s3] =	stream.indirect.scatter.add.bf16 [tilespmem:s1], [sflag:$0xE], $0x20, s14, s17, $0xb8;
	[tilespmem:$0x16D00] =	vst v63  }
0x9d: {  	_ =	swait.ge [sflag:s8], $0xFA0  }
0x9e: {  	[sflag:s8] =	ssyncset.done $0x0  }
0x9f: {  	s14 =	sadd.s32 $0x480, s15;
	[sflag:s8] =	ssyncadd.s32 $0xFFFFF060  }
0xa0: {  	[tilespmem:s20], [sflag:$0x2] =	stream.indirect.gather [hbm4b:s5+s17], $0x20, s14, s17, $0xb8;
	[tilespmem:$0x16D00] =	vst v63  }
0xa1: {  	_ =	swait.ge [sflag:s9], $0xFA0  }
0xa2: {  	[sflag:s9] =	ssyncset.done $0x0  }
0xa3: {  	s14 =	sadd.s32 $0x2B00, s15;
	[sflag:s9] =	ssyncadd.s32 $0xFFFFF060  }
0xa4: {  	[spmem:s2] =	stream.indirect.scatter.add.bf16 [tilespmem:s23], [sflag:$0xF], $0x20, s14, s17, $0xb8;
	[tilespmem:$0x16D00] =	vst v63  }
0xa5: {  	_ =	swait.ge [sflag:s16], $0xFA0  }
0xa6: {  	[sflag:s16] =	ssyncset.done $0x0  }
0xa7: {  	s14 =	sadd.s32 $0x500, s15;
	[sflag:s16] =	ssyncadd.s32 $0xFFFFF060  }
0xa8: {  	[tilespmem:s22], [sflag:$0x3] =	stream.indirect.gather [hbm4b:s5+s17], $0x20, s14, s17, $0xb8;
	[tilespmem:$0x16D00] =	vst v63  }
0xa9: {  	_ =	swait.ge [sflag:s10], $0xFA0  }
0xaa: {  	[sflag:s10] =	ssyncset.done $0x0  }
0xab: {  	s14 =	sadd.s32 $0x2B80, s15;
	[sflag:s10] =	ssyncadd.s32 $0xFFFFF060  }
0xac: {  	[spmem:s3] =	stream.indirect.scatter.add.bf16 [tilespmem:s19], [sflag:$0x10], $0x20, s14, s17, $0xb8;
	[tilespmem:$0x16D00] =	vst v63  }
0xad: {  	_ =	swait.ge [sflag:s11], $0xFA0  }
0xae: {  	[sflag:s11] =	ssyncset.done $0x0  }
0xaf: {  	s14 =	sadd.s32 $0x580, s15;
	[sflag:s11] =	ssyncadd.s32 $0xFFFFF060  }
0xb0: {  	[tilespmem:s24], [sflag:$0x4] =	stream.indirect.gather [hbm4b:s5+s17], $0x20, s14, s17, $0xb8;
	[tilespmem:$0x16D00] =	vst v63  }
0xb1: {  	_ =	swait.ge [sflag:s25], $0xFA0  }
0xb2: {  	[sflag:s25] =	ssyncset.done $0x0  }
0xb3: {  	s14 =	sadd.s32 $0x2C00, s15;
	[sflag:s25] =	ssyncadd.s32 $0xFFFFF060  }
0xb4: {  	[spmem:s2] =	stream.indirect.scatter.add.bf16 [tilespmem:s18], [sflag:$0x9], $0x20, s14, s17, $0xb8;
	[tilespmem:$0x16D00] =	vst v63  }
0xb5: {  	_ =	swait.ge [sflag:s12], $0xFA0  }
0xb6: {  	[sflag:s12] =	ssyncset.done $0x0  }
0xb7: {  	s14 =	sadd.s32 $0x600, s15;
	[sflag:s12] =	ssyncadd.s32 $0xFFFFF060  }
0xb8: {  	[tilespmem:s28], [sflag:$0x5] =	stream.indirect.gather [hbm4b:s5+s17], $0x20, s14, s17, $0xb8;
	[tilespmem:$0x16D00] =	vst v63  }
0xb9: {  	_ =	swait.ge [sflag:s29], $0xFA0  }
0xba: {  	[sflag:s29] =	ssyncset.done $0x0  }
0xbb: {  	s14 =	sadd.s32 $0x2C80, s15;
	[sflag:s29] =	ssyncadd.s32 $0xFFFFF060  }
0xbc: {  	[spmem:s3] =	stream.indirect.scatter.add.bf16 [tilespmem:s20], [sflag:$0xA], $0x20, s14, s17, $0xb8;
	[tilespmem:$0x16D00] =	vst v63  }
0xbd: {  	_ =	swait.ge [sflag:s4], $0xFA0  }
0xbe: {  	[sflag:s4] =	ssyncset.done $0x0  }
0xbf: {  	s14 =	sadd.s32 $0x680, s15;
	[sflag:s4] =	ssyncadd.s32 $0xFFFFF060  }
0xc0: {  	[tilespmem:s1], [sflag:$0x6] =	stream.indirect.gather [hbm4b:s5+s17], $0x20, s14, s17, $0xb8;
	[tilespmem:$0x16D00] =	vst v63  }
0xc1: {  	_ =	swait.ge [sflag:s0], $0xFA0  }
0xc2: {  	[sflag:s0] =	ssyncset.done $0x0  }
0xc3: {  	s14 =	sadd.s32 $0x2D00, s15;
	[sflag:s0] =	ssyncadd.s32 $0xFFFFF060  }
0xc4: {  	[spmem:s2] =	stream.indirect.scatter.add.bf16 [tilespmem:s22], [sflag:$0xB], $0x20, s14, s17, $0xb8;
	[tilespmem:$0x16D00] =	vst v63  }
0xc5: {  	_ =	swait.ge [sflag:s6], $0xFA0  }
0xc6: {  	[sflag:s6] =	ssyncset.done $0x0  }
0xc7: {  	s14 =	sadd.s32 $0x700, s15;
	[sflag:s6] =	ssyncadd.s32 $0xFFFFF060  }
0xc8: {  	[tilespmem:s23], [sflag:$0x7] =	stream.indirect.gather [hbm4b:s5+s17], $0x20, s14, s17, $0xb8;
	[tilespmem:$0x16D00] =	vst v63  }
0xc9: {  	_ =	swait.ge [sflag:s26], $0xFA0  }
0xca: {  	[sflag:s26] =	ssyncset.done $0x0  }
.Ltmp0:
0xcb: {  	s14 =	sadd.s32 $0x2D80, s15;
	[sflag:s26] =	ssyncadd.s32 $0xFFFFF060;
	(pc) =	sbr.rel @p0 .LBB2_2-.Ltmp0, $4  }
0xcc: {  	[spmem:s3] =	stream.indirect.scatter.add.bf16 [tilespmem:s24], [sflag:$0xC], $0x20, s14, s17, $0xb8;
	[tilespmem:$0x16D00] =	vst v63  }
0xcd: {  	_ =	swait.ge [sflag:s13], $0xFA0  }
0xce: {  	[sflag:s13] =	ssyncset.done $0x0  }
0xcf: {  	s15 =	sadd.s32 $0x780, s15;
	[sflag:s13] =	ssyncadd.s32 $0xFFFFF060  }
0xd0: {  	[tilespmem:s19], [sflag:$0x8] =	stream.indirect.gather [hbm4b:s5+s17], $0x20, s15, s17, $0xb8;
	[tilespmem:$0x16D00] =	vst v63  }
0xd1: {  	_ =	swait.ge [sflag:s21], $0xFA0  }
0xd2: {  	[sflag:s21] =	ssyncset.done $0x0  }
0xd3: {  	s7 =	simm.s32 $0x4E00;
	[sflag:s21] =	ssyncadd.s32 $0xFFFFF060  }
0xd4: {  	[spmem:s2] =	stream.indirect.scatter.add.bf16 [tilespmem:s28], [sflag:$0xD], $0x20, s7, s17, $0xb8;
	[tilespmem:$0x16D00] =	vst v63  }
0xd5: {  	_ =	swait.ge [sflag:s31], $0xFA0  }
0xd6: {  	[sflag:s31] =	ssyncset.done $0x0  }
0xd7: {  	s14 =	simm.s32 $0x4E80;
	[sflag:s31] =	ssyncadd.s32 $0xFFFFF060  }
0xd8: {  	[spmem:s3] =	stream.indirect.scatter.add.bf16 [tilespmem:s1], [sflag:$0xE], $0x20, s14, s17, $0xb8;
	[tilespmem:$0x16D00] =	vst v63  }
0xd9: {  	_ =	swait.ge [sflag:s9], $0xFA0  }
0xda: {  	[sflag:s9] =	ssyncset.done $0x0  }
0xdb: {  	s15 =	simm.s32 $0x4F00;
	[sflag:s9] =	ssyncadd.s32 $0xFFFFF060  }
0xdc: {  	[spmem:s2] =	stream.indirect.scatter.add.bf16 [tilespmem:s23], [sflag:$0xF], $0x20, s15, s17, $0xb8;
	[tilespmem:$0x16D00] =	vst v63  }
0xdd: {  	_ =	swait.ge [sflag:s10], $0xFA0  }
0xde: {  	[sflag:s10] =	ssyncset.done $0x0  }
0xdf: {  	s14 =	simm.s32 $0x4F80;
	[sflag:s10] =	ssyncadd.s32 $0xFFFFF060  }
0xe0: {  	[spmem:s3] =	stream.indirect.scatter.add.bf16 [tilespmem:s19], [sflag:$0x10], $0x20, s14, s17, $0xb8;
	[tilespmem:$0x16D00] =	vst v63  }
0xe1: {  	_ =	swait.ge [sflag:s30], $0xFA0  }
0xe2: {  	[sflag:s30] =	ssyncset.done $0x0  }
0xe3: {  	[sflag:s30] =	ssyncadd.s32 $0xFFFFF060  }
0xe4: {  	_ =	swait.ge [sflag:s8], $0xFA0  }
0xe5: {  	[sflag:s8] =	ssyncset.done $0x0  }
0xe6: {  	[sflag:s8] =	ssyncadd.s32 $0xFFFFF060  }
0xe7: {  	_ =	swait.ge [sflag:s16], $0xFA0  }
0xe8: {  	[sflag:s16] =	ssyncset.done $0x0  }
0xe9: {  	[sflag:s16] =	ssyncadd.s32 $0xFFFFF060  }
0xea: {  	_ =	swait.ge [sflag:s11], $0xFA0  }
0xeb: {  	[sflag:s11] =	ssyncset.done $0x0  }
0xec: {  	[sflag:s11] =	ssyncadd.s32 $0xFFFFF060  }
0xed: {  	_ =	swait.ge [sflag:s12], $0xFA0  }
0xee: {  	[sflag:s12] =	ssyncset.done $0x0  }
0xef: {  	[sflag:s12] =	ssyncadd.s32 $0xFFFFF060  }
0xf0: {  	_ =	swait.ge [sflag:s4], $0xFA0  }
0xf1: {  	[sflag:s4] =	ssyncset.done $0x0  }
0xf2: {  	[sflag:s4] =	ssyncadd.s32 $0xFFFFF060  }
0xf3: {  	_ =	swait.ge [sflag:s6], $0xFA0  }
0xf4: {  	[sflag:s6] =	ssyncset.done $0x0  }
0xf5: {  	[sflag:s6] =	ssyncadd.s32 $0xFFFFF060  }
0xf6: {  	_ =	swait.ge [sflag:s13], $0xFA0  }
0xf7: {  	[sflag:s13] =	ssyncset.done $0x0  }
0xf8: {  	[sflag:s13] =	ssyncadd.s32 $0xFFFFF060  }
0xf9: {  	[bflag:$0x0] =	sbarrier.arrive $0xFFFF  }
0xfa: {  	s14 =	rddreg [dreg:$0x5]  }
0xfb: {  	s7 =	rddreg [dreg:$0x8]  }
0xfc: {  	s15 =	rddreg [dreg:$0xb]  }
0xfd: {  	[hbm:s7], [sflag:s14] =	dma.local [spmem:s15], $0xA00  }
0xfe: {  	s15 =	simm.s32 $0x11  }
0xff: {  	_ =	swait.ge [sflag:s15], $0xA00  }
0x100: {  	[sflag:s15] =	ssyncset.done $0x0;
	s7 =	rddreg [dreg:$0x9]  }
0x101: {  	[sflag:s15] =	ssyncadd.s32 $0xFFFFF600;
	s15 =	rddreg [dreg:$0xc]  }
0x102: {  	[hbm:s7], [sflag:s14] =	dma.local [spmem:s15], $0xA00  }
0x103: {  	s7 =	simm.s32 $0x11  }
0x104: {  	_ =	swait.ge [sflag:s7], $0xA00  }
0x105: {  	s15 =	rddreg [dreg:$0xd]  }
0x106: {  	s14 =	sadd.s32 $0x1, s15;
	s15 =	rddreg [dreg:$0xa]  }
0x107: {  	p0 =	sne.s32 s14, s15  }
.Ltmp1:
0x108: {  	_ = 	snop;
	(pc) =	sbr.rel @p0 .LBB2_1-.Ltmp1, $3  }
0x109: {  	_ =	sdelay $0x1  }
0x10a: {  	[sflag:s7] =	ssyncset.done $0x0;
	s15 =	simm.s32 $0x11  }
0x10b: {  	[dreg:$0xd] =	wrdreg s14;
	[sflag:s15] =	ssyncadd.s32 $0xFFFFF600  }
0x10c: {  	_ =	sfence.sel $0x180000  }
0x10d: {  	[bflag:$0x0] =	sbarrier.arrive $0xFFFF  }
0x10e: {  	_ =	strace $0x9000004A  }
0x10f: {  	s0 =	stileid.u32;
	[bflag:$0x2] =	sbarrier.arrive $0xFFFF  }
0x110: {  	p0 =	sne.s32 s0, $0x0;
	s0 =	rddreg [dreg:$0x3]  }
0x111: {  	s0 =	sadd.s32 @!p0 $0x100000, s0  }
0x112: {  	[sflag:s0] =	ssyncadd.tile.s32 @!p0 $0x1;
	_ =	shalt  }
.Lfunc_end2:
_tile_overlayer_lowered:
.L_overlay_start_2:
0x113: {  	(tag) =	ssettag $0x2  }
0x114: {  	s0 =	rddreg [dreg:$0x0];
	s2 =	stileid.u32  }
0x115: {  	s1 =	rddreg [dreg:$0x1];
	p0 =	sne.s32 s2, $0x0  }
0x116: {  	s3 =	rddreg [dreg:$0x2];
	[bflag:$0x3] =	sbarrier.arrive $0xFFFF;
	s2 =	simm.s32 @!p0 $0x1C11  }
0x117: {  	[timem:s3], [sflag:s2] =	dma.local @!p0 [hbm:s0], s1  }
0x118: {  	s0 =	simm.s32 @!p0 $0x11  }
0x119: {  	_ =	swait.ge @!p0 [sflag:s0], s1  }
0x11a: {  	s1 =	ssub.s32 @!p0 $0x0, s1;
	[sflag:s0] =	ssyncset.done @!p0 $0x0  }
0x11b: {  	[sflag:s0] =	ssyncadd.s32 @!p0 s1  }
0x11c: {  	[bflag:$0x3] =	sbarrier.arrive $0xFFFF  }
0x11d: {  	_ =	shalt  }

// kernel: kernel.14.cloned.1.call-start
scs
__scs_entry_jumppad:
0x0: {  	(pc) =	sbr.rel $0x88, $3  }
0x1: {  	(tag) =	ssettag $0x0;
	lr =	simm.s32 $0x1  }
0x2: {  	[smem:$0x3F96] =	sst lr;
	_ =	strace $0xD0000000  }
0x3: {  	_ = 	snop  }
0x4: {  	_ = 	snop  }
0x5: {  	_ = 	snop  }
0x6: {  	_ = 	snop  }
0x7: {  	_ = 	snop  }
__scs_overlays_trampoline_lowered:
0x8: {  	[smem:$0x3FA5] =	sst s0  }
0x9: {  	[smem:$0x3FA6] =	sst s1  }
0xa: {  	[smem:$0x3FA7] =	sst s2  }
0xb: {  	[smem:$0x3FA8] =	sst s3  }
0xc: {  	[smem:$0x3FA9] =	sst s4  }
0xd: {  	[smem:$0x3FAA] =	sst s5  }
0xe: {  	[smem:$0x3FAB] =	sst s6  }
0xf: {  	[smem:$0x3FAC] =	sst s7  }
0x10: {  	[smem:$0x3FAD] =	sst s8  }
0x11: {  	[smem:$0x3FAE] =	sst s9;
	s0 =	simm.s32 @!p0 $0x0  }
0x12: {  	s1 =	sld [smem:$0x3F94];
	s0 =	simm.s32 @p0 $0x1  }
0x13: {  	[smem:$0x3FAF] =	sst s0;
	s0 =	simm.s32 @!p1 $0x0  }
0x14: {  	s2 =	sld [smem:$0x3F93];
	s0 =	simm.s32 @p1 $0x1  }
0x15: {  	[smem:$0x3FB0] =	sst s0;
	s0 =	simm.s32 @!p2 $0x0  }
0x16: {  	s3 =	sld [smem:$0x3FDB];
	s0 =	simm.s32 @p2 $0x1  }
0x17: {  	s4 =	simm.s32 $0x1BF5;
	[smem:$0x3FB2] =	sst s0  }
0x18: {  	s0 =	sld [smem:$0x3F95];
	_ =	swait.ge [sflag:s4], $0x0  }
0x19: {  	s7 =	sld [smem:$0x3F96]  }
0x1a: {  	s8 =	sadd.s32 $0xFFFFE003, lr  }
0x1b: {  	s9 =	sadd.s32 $0xFFFFFEF7, lr;
	s5 =	simm.s32 $0xFFFFFFFF;
	p2 =	slt.u32 s8, $0xFFFFF086  }
0x1c: {  	p1 =	slt.u32 s9, $0xF7A;
	s5 =	simm.s32 @!p2 $0x0  }
0x1d: {  	s5 =	simm.s32 @p1 $0x1;
	p0 =	seq.s32 s7, s2  }
0x1e: {  	s7 =	smul.u32 @!p0 $0xF7A, s2;
	p2 =	seq.s32 @!p0 s5, $0x0  }
0x1f: {  	s9 =	smul.u32 $0xF7A, s1;
	s8 =	simm.s32 @!p0 $0x1BF5;
	p2 =	por !p2, p0  }
0x20: {  	[sflag:s8] =	ssyncset.s32 @!p0 $0xFFFFF086;
	s6 =	sadd.s32 @!p0 s3, s7;
	s7 =	simm.s32 @!p0 $0x108  }
0x21: {  	s3 =	sadd.s32 s3, s9;
	s6 =	sadd.s32 @!p0 $0x88, s6;
	s7 =	simm.s32 @p2 $0x1082  }
0x22: {  	[simem:s7], [sflag:s8] =	dma.local @!p0 [hbm:s6], $0xF7A  }
0x23: {  	s9 =	sor.u32 $0xD0000000, s2;
	s6 =	simm.s32 $0x108;
	_ =	swait.ge @!p0 [sflag:s8], $0x0  }
0x24: {  	s3 =	sadd.s32 $0x88, s3;
	s6 =	simm.s32 @!p1 $0x1082;
	[sflag:s4] =	ssyncset.s32 $0xFFFFF086  }
0x25: {  	[simem:s6], [sflag:s4] =	dma.local [hbm:s3], $0xF7A  }
0x26: {  	[smem:$0x3F96] =	sst s1;
	(tag) =	ssettag s2;
	_ =	strace s9  }
0x27: {  	s1 =	sld [smem:$0x3FA6]  }
0x28: {  	s2 =	sld [smem:$0x3FA7]  }
0x29: {  	s4 =	sld [smem:$0x3FA9]  }
0x2a: {  	p0 =	seq.s32 s5, $0x0;
	s5 =	sld [smem:$0x3FAA]  }
0x2b: {  	s6 =	sld [smem:$0x3FAB]  }
0x2c: {  	s7 =	sld [smem:$0x3FAC]  }
0x2d: {  	s3 =	simm.s32 $0x108;
	s8 =	sld [smem:$0x3FAD]  }
0x2e: {  	s3 =	simm.s32 @!p0 $0x1082;
	s9 =	sld [smem:$0x3FAE]  }
0x2f: {  	lr =	sadd.s32 s0, s3;
	s0 =	sld [smem:$0x3FA5]  }
0x30: {  	s3 =	sld [smem:$0x3FA8]  }
0x31: {  	[smem:$0x3FB1] =	sst s10  }
0x32: {  	s10 =	sld [smem:$0x3FAF];
	_ =	sdelay $0x3  }
0x33: {  	p0 =	seq.s32 s10, $0x1;
	s10 =	sld [smem:$0x3FB1];
	_ =	sdelay $0x3  }
0x34: {  	[smem:$0x3FB1] =	sst s10  }
0x35: {  	s10 =	sld [smem:$0x3FB0];
	_ =	sdelay $0x3  }
0x36: {  	p1 =	seq.s32 s10, $0x1;
	s10 =	sld [smem:$0x3FB1];
	_ =	sdelay $0x3  }
0x37: {  	[smem:$0x3FB1] =	sst s10  }
0x38: {  	s10 =	sld [smem:$0x3FB2]  }
0x39: {  	_ = 	snop;
	(pc) =	sbr.ind lr, $3  }
0x3a: {  	_ = 	snop  }
0x3b: {  	_ = 	snop  }
0x3c: {  	p2 =	seq.s32 s10, $0x1;
	s10 =	sld [smem:$0x3FB1]  }
0x3d: {  	_ =	shalt  }
0x3e: {  	_ =	shalt  }
0x3f: {  	_ =	shalt  }
0x40: {  	_ =	shalt  }
0x41: {  	_ =	shalt  }
0x42: {  	_ =	shalt  }
0x43: {  	_ =	shalt  }
0x44: {  	_ =	shalt  }
0x45: {  	_ =	shalt  }
0x46: {  	_ =	shalt  }
0x47: {  	_ =	shalt  }
0x48: {  	_ =	shalt  }
0x49: {  	_ =	shalt  }
0x4a: {  	_ =	shalt  }
0x4b: {  	_ =	shalt  }
0x4c: {  	_ =	shalt  }
0x4d: {  	_ =	shalt  }
0x4e: {  	_ =	shalt  }
0x4f: {  	_ =	shalt  }
0x50: {  	_ =	shalt  }
0x51: {  	_ =	shalt  }
0x52: {  	_ =	shalt  }
0x53: {  	_ =	shalt  }
0x54: {  	_ =	shalt  }
0x55: {  	_ =	shalt  }
0x56: {  	_ =	shalt  }
0x57: {  	_ =	shalt  }
0x58: {  	_ =	shalt  }
0x59: {  	_ =	shalt  }
0x5a: {  	_ =	shalt  }
0x5b: {  	_ =	shalt  }
0x5c: {  	_ =	shalt  }
0x5d: {  	_ =	shalt  }
0x5e: {  	_ =	shalt  }
0x5f: {  	_ =	shalt  }
0x60: {  	_ =	shalt  }
0x61: {  	_ =	shalt  }
0x62: {  	_ =	shalt  }
0x63: {  	_ =	shalt  }
0x64: {  	_ =	shalt  }
0x65: {  	_ =	shalt  }
0x66: {  	_ =	shalt  }
0x67: {  	_ =	shalt  }
0x68: {  	_ =	shalt  }
0x69: {  	_ =	shalt  }
0x6a: {  	_ =	shalt  }
0x6b: {  	_ =	shalt  }
0x6c: {  	_ =	shalt  }
0x6d: {  	_ =	shalt  }
0x6e: {  	_ =	shalt  }
0x6f: {  	_ =	shalt  }
0x70: {  	_ =	shalt  }
0x71: {  	_ =	shalt  }
0x72: {  	_ =	shalt  }
0x73: {  	_ =	shalt  }
0x74: {  	_ =	shalt  }
0x75: {  	_ =	shalt  }
0x76: {  	_ =	shalt  }
0x77: {  	_ =	shalt  }
0x78: {  	_ =	shalt  }
0x79: {  	_ =	shalt  }
0x7a: {  	_ =	shalt  }
0x7b: {  	_ =	shalt  }
0x7c: {  	_ =	shalt  }
0x7d: {  	_ =	shalt  }
0x7e: {  	_ =	shalt  }
0x7f: {  	_ =	shalt  }
0x80: {  	_ =	shalt  }
0x81: {  	_ =	shalt  }
0x82: {  	_ =	shalt  }
0x83: {  	_ =	shalt  }
0x84: {  	_ =	shalt  }
0x85: {  	_ =	shalt  }
0x86: {  	_ =	shalt  }
0x87: {  	_ =	shalt  }
.Lfunc_end0:
.L_simem_size_0:
called_computation.2_lowered:
.L_overlay_start_0:
0x88: {  	s2 =	sld [smem:$0x3FD9]  }
0x89: {  	s3 =	sld [smem:$0x3FFE];
	_ =	sdelay $0x1  }
0x8a: {  	s1 =	srdreg.scid  }
0x8b: {  	s0 =	sand.u32 $0x1, s1  }
0x8c: {  	s16 =	sshll.u32 s0, $0xA;
	s2 =	sadd.s32 s3, s2  }
0x8d: {  	s2 =	sadd.s32 s2, s16  }
0x8e: {  	[smem:$0x3FBD] =	sst s2  }
0x8f: {  	_ = 	snop  }
0x90: {  	(tm) =	ssettm $0x1  }
0x91: {  	s17 =	sld [smem:$0x3FFB];
	_ =	sdelay $0x3  }
0x92: {  	_ =	strace s17  }
0x93: {  	s2 =	sld [smem:$0x3FFC];
	_ =	sdelay $0x3  }
0x94: {  	_ =	strace s2  }
0x95: {  	s2 =	sld [smem:$0x3FFD];
	_ =	sdelay $0x3  }
0x96: {  	_ =	strace s2  }
0x97: {  	_ =	strace $0x8FFFFFFF  }
0x98: {  	s18 =	sld [smem:$0x3FDB];
	_ =	sdelay $0x1  }
0x99: {  	s19 =	simm.s32 $_scs_section_size  }
0x9a: {  	s4 =	simm.s32 $_size__tile_overlayer_lowered;
	s5 =	simm.s32 $_tile_overlayer_lowered  }
0x9b: {  	s22 =	simm.s32 $0x1BFF;
	s21 =	sshll.u32 s5, $0x1;
	s2 =	sadd.s32 s19, s18  }
0x9c: {  	s6 =	simm.s32 $0x0;
	s20 =	sshll.u32 s4, $0x1;
	s4 =	sadd.s32 s21, s2  }
0x9d: {  	[timem:s6], [sflag:s22] =	dma.local [hbm:s4], s20  }
0x9e: {  	_ =	swait.ge [sflag:s22], s20  }
0x9f: {  	s3 =	ssub.s32 $0x0, s20;
	[sflag:s22] =	ssyncset.done $0x0  }
0xa0: {  	[sflag:s22] =	ssyncadd.s32 s3;
	_ =	sdelay $0x1  }
0xa1: {  	s23 =	simm.s32 $0x1B8B  }
0xa2: {  	_ =	swait.ge [sflag:s23], $0x1  }
0xa3: {  	[sflag:s23] =	ssyncset.done $0x0  }
0xa4: {  	s25 =	simm.s32 $0x1B8E;
	s24 =	sld [smem:$0x3FFE];
	[sflag:s23] =	ssyncadd.s32 $0xFFFFFFFF  }
0xa5: {  	s26 =	simm.s32 $execute0_lowered;
	[smem:$0x3FD2] =	sst s25  }
0xa6: {  	s4 =	sshll.u32 s26, $0x1;
	_ =	strace $0x8000004C;
	[dreg:$0x1] =	wrdreg $0xFFFFFFFF  }
0xa7: {  	s28 =	simm.s32 $_size_execute0_lowered;
	s2 =	sadd.s32 s2, s4;
	[dreg:$0x0] =	wrdreg $0x0  }
0xa8: {  	s4 =	sshll.u32 s28, $0x1;
	[dreg:$0x2] =	wrdreg s2  }
0xa9: {  	[dreg:$0x3] =	wrdreg s4  }
0xaa: {  	[dreg:$0x4] =	wrdreg $0xC0  }
0xab: {  	_ =	task [dreg:s6], $0x5FFFF  }
0xac: {  	[dreg:$0x1] =	wrdreg $0xFFFFFFFF  }
0xad: {  	[dreg:$0x0] =	wrdreg $0x60  }
0xae: {  	[dreg:$0x2] =	wrdreg s24  }
0xaf: {  	[dreg:$0x3] =	wrdreg $0xCD000  }
0xb0: {  	[dreg:$0x4] =	wrdreg $0x11D000  }
0xb1: {  	[dreg:$0x5] =	wrdreg $0x9  }
0xb2: {  	_ =	task.clear_ibuf [dreg:s6], $0x6FFFF;
	_ =	strace $0x9000004C  }
0xb3: {  	s29 =	simm.s32 $0x9;
	_ =	strace $0x8000004E  }
0xb4: {  	_ =	swait.ge [sflag:s29], $0x1  }
0xb5: {  	[sflag:s29] =	ssyncadd.s32 $0xFFFFFFFF  }
0xb6: {  	_ =	strace $0x9000004E  }
0xb7: {  	_ =	sfence  }
0xb8: {  	s30 =	sld [smem:$0x0];
	_ =	sdelay $0x2  }
0xb9: {  	s31 =	sshll.u32 s1, $0xD;
	s1 =	sshrl.u32 s1, $0x2  }
0xba: {  	s3 =	sand.u32 $0x4000, s31;
	s1 =	sadd.s32 s1, s30  }
0xbb: {  	s0 =	sor.u32 s3, s0;
	s1 =	sshll.u32 s1, $0x11  }
0xbc: {  	s0 =	sor.u32 s1, s0  }
0xbd: {  	s0 =	sadd.s32 $0x8F2B, s0  }
0xbe: {  	[sflag:s0] =	ssyncadd.remote.s32 $0x1  }
0xbf: {  	_ =	sfence.sel $0xFFFF  }
0xc0: {  	[dreg:$0x0] =	wrdreg $0xFFFFFFFF;
	(pc) =	sbr.abs _section_cstart, $3  }
0xc1: {  	[dreg:$0x1] =	wrdreg $0xFFFFFFFF  }
0xc2: {  	_ =	task.clear_ibuf [dreg:s6], $0x2FFFF;
	_ =	strace $0x9FFFFFFF  }
0xc3: {  	(tm) =	ssettm $0x7FFFFFFF  }
tec
execute0_lowered:
.L_overlay_start_1:
0x0: {  	(tag) =	ssettag $0x1  }
0x1: {  	s0 =	srdreg.scid;
	s1 =	rddreg [dreg:$0x0]  }
0x2: {  	s10 =	stileid.u32;
	s2 =	rddreg [dreg:$0x1]  }
0x3: {  	s5 =	simm.s32 $0x0;
	s17 =	simm.s32 $0x7D;
	s18 =	simm.s32 $0x5000  }
0x4: {  	s20 =	simm.s32 $0x5FA0;
	s22 =	simm.s32 $0x6F40;
	s24 =	simm.s32 $0x7EE0  }
0x5: {  	s25 =	simm.s32 $0x1;
	s28 =	simm.s32 $0x8E80;
	s29 =	simm.s32 $0x2  }
0x6: {  	s23 =	simm.s32 $0xADC0;
	s26 =	simm.s32 $0x4;
	s19 =	simm.s32 $0xBD60  }
0x7: {  	s21 =	simm.s32 $0x5;
	s30 =	simm.s32 $0x9;
	s31 =	simm.s32 $0x6  }
0x8: {  	s16 =	simm.s32 $0xB;
	s14 =	simm.s32 $0x0;
	s0 =	sand.u32 $0x1, s0  }
0x9: {  	s3 =	sshll.u32 s10, $0x1;
	s6 =	smul.u32 $0xA000, s10;
	[smem:$0x7FF] =	sst s5  }
0xa: {  	s5 =	sadd.s32 $0xC000, s1;
	s10 =	sshll.u32 s10, $0x6;
	s4 =	sor.u32 s0, s3  }
0xb: {  	s3 =	rddreg [dreg:$0x2];
	s7 =	smul.u32 $0x140000, s0;
	_ =	strace $0x8000004D  }
0xc: {  	s0 =	ssub.s32 $0x2, s0;
	[dreg:$0xd] =	wrdreg s14;
	s4 =	smul.u32 $0x500, s4  }
0xd: {  	s8 =	sshrl.u32 s6, $0x4;
	s9 =	sshrl.u32 s0, $0x1;
	s7 =	sadd.s32 s6, s7  }
0xe: {  	s8 =	sadd.s32 s8, s1;
	s0 =	ssub.s32 s0, s9;
	s6 =	sshrl.u32 s6, $0x1  }
0xf: {  	s4 =	sadd.s32 s4, s1;
	s7 =	sshrl.u32 s7, $0x4;
	s9 =	sadd.s32 s6, s2  }
0x10: {  	s8 =	sadd.s32 $0x25200, s8;
	s6 =	sadd.s32 s6, s3;
	s0 =	smax.u32 s0, $0x1  }
0x11: {  	s1 =	sadd.s32 s7, s1;
	[dreg:$0x4] =	wrdreg s8;
	s8 =	sor.u32 $0x1C11, s10  }
0x12: {  	s11 =	sadd.s32 $0x1B200, s4;
	s4 =	sadd.s32 $0x2000, s4;
	[dreg:$0xa] =	wrdreg s0  }
0x13: {  	s13 =	sshrl.u32 s9, $0x3;
	s15 =	sshrl.u32 s6, $0x3;
	[dreg:$0x5] =	wrdreg s8  }
0x14: {  	s0 =	simm.s32 $0x3;
	s9 =	simm.s32 $0x7;
	[dreg:$0x6] =	wrdreg s11  }
0x15: {  	s10 =	simm.s32 $0x8;
	s6 =	simm.s32 $0xF;
	[dreg:$0x7] =	wrdreg s4  }
0x16: {  	s12 =	sadd.s32 $0x2F200, s1;
	s1 =	sadd.s32 $0x39200, s1;
	[dreg:$0xb] =	wrdreg s13  }
0x17: {  	s8 =	simm.s32 $0xA;
	s11 =	simm.s32 $0xC;
	[dreg:$0xc] =	wrdreg s15  }
0x18: {  	s4 =	simm.s32 $0xE;
	s13 =	simm.s32 $0x10;
	[dreg:$0x8] =	wrdreg s12  }
0x19: {  	[dreg:$0x9] =	wrdreg s1;
	s1 =	simm.s32 $0x9E20;
	s12 =	simm.s32 $0xD  }
.LBB2_1:
0x1a: {  	s14 =	rddreg [dreg:$0xb]  }
0x1b: {  	s7 =	rddreg [dreg:$0x5]  }
0x1c: {  	s15 =	rddreg [dreg:$0x4]  }
0x1d: {  	[spmem:s14], [sflag:s7] =	dma.local [hbm:s15], $0xA00  }
0x1e: {  	s15 =	simm.s32 $0x11  }
0x1f: {  	_ =	swait.ge [sflag:s15], $0xA00  }
0x20: {  	[sflag:s15] =	ssyncset.done $0x0;
	s14 =	rddreg [dreg:$0x4]  }
0x21: {  	[sflag:s15] =	ssyncadd.s32 $0xFFFFF600;
	s15 =	rddreg [dreg:$0xc]  }
0x22: {  	[spmem:s15], [sflag:s7] =	dma.local [hbm:s14], $0xA00  }
0x23: {  	s15 =	simm.s32 $0x11  }
0x24: {  	_ =	swait.ge [sflag:s15], $0xA00  }
0x25: {  	[sflag:s15] =	ssyncset.done $0x0  }
0x26: {  	s7 =	simm.s32 $0x0;
	s14 =	rddreg [dreg:$0x6];
	[sflag:s15] =	ssyncadd.s32 $0xFFFFF600  }
0x27: {  	[tilespmem:s7], [sflag:$0x11] =	stream.linear.gather [hbm4b:s14+s7], $0x2800, $0x38;
	[tilespmem:$0x16D00] =	vst v63  }
0x28: {  	_ =	swait.ge [sflag:s15], $0x2800  }
0x29: {  	s7 =	simm.s32 $0x2800;
	[sflag:s15] =	ssyncset.done $0x0  }
0x2a: {  	s14 =	rddreg [dreg:$0x7];
	[sflag:s15] =	ssyncadd.s32 $0xFFFFD800;
	s15 =	simm.s32 $0x0  }
0x2b: {  	[tilespmem:s7], [sflag:$0x11] =	stream.linear.gather [hbm4b:s14+s15], $0x2800, $0x38;
	[tilespmem:$0x16D00] =	vst v63  }
0x2c: {  	s15 =	simm.s32 $0x11  }
0x2d: {  	_ =	swait.ge [sflag:s15], $0x2800  }
0x2e: {  	[sflag:s15] =	ssyncset.done $0x0  }
0x2f: {  	[sflag:s15] =	ssyncadd.s32 $0xFFFFD800  }
0x30: {  	s15 =	simm.s32 $0x0;
	[bflag:$0x0] =	sbarrier.arrive $0xFFFF  }
0x31: {  	[tilespmem:s18], [sflag:$0x1] =	stream.indirect.gather [hbm4b:s5+s17], $0x20, s15, s17, $0xb8;
	[tilespmem:$0x16D00] =	vst v63  }
0x32: {  	s15 =	simm.s32 $0x80  }
0x33: {  	[tilespmem:s20], [sflag:$0x2] =	stream.indirect.gather [hbm4b:s5+s17], $0x20, s15, s17, $0xb8;
	[tilespmem:$0x16D00] =	vst v63  }
0x34: {  	s15 =	simm.s32 $0x100  }
0x35: {  	[tilespmem:s22], [sflag:$0x3] =	stream.indirect.gather [hbm4b:s5+s17], $0x20, s15, s17, $0xb8;
	[tilespmem:$0x16D00] =	vst v63  }
0x36: {  	s15 =	simm.s32 $0x180  }
0x37: {  	[tilespmem:s24], [sflag:$0x4] =	stream.indirect.gather [hbm4b:s5+s17], $0x20, s15, s17, $0xb8;
	[tilespmem:$0x16D00] =	vst v63  }
0x38: {  	_ =	swait.ge [sflag:s25], $0xFA0  }
0x39: {  	[sflag:s25] =	ssyncset.done $0x0  }
0x3a: {  	s14 =	simm.s32 $0x2800;
	[sflag:s25] =	ssyncadd.s32 $0xFFFFF060  }
0x3b: {  	[spmem:s2] =	stream.indirect.scatter.add.bf16 [tilespmem:s18], [sflag:$0x9], $0x20, s14, s17, $0xb8;
	[tilespmem:$0x16D00] =	vst v63  }
0x3c: {  	s14 =	simm.s32 $0x200  }
0x3d: {  	[tilespmem:s28], [sflag:$0x5] =	stream.indirect.gather [hbm4b:s5+s17], $0x20, s14, s17, $0xb8;
	[tilespmem:$0x16D00] =	vst v63  }
0x3e: {  	_ =	swait.ge [sflag:s29], $0xFA0  }
0x3f: {  	[sflag:s29] =	ssyncset.done $0x0  }
0x40: {  	s15 =	simm.s32 $0x2880;
	[sflag:s29] =	ssyncadd.s32 $0xFFFFF060  }
0x41: {  	[spmem:s3] =	stream.indirect.scatter.add.bf16 [tilespmem:s20], [sflag:$0xA], $0x20, s15, s17, $0xb8;
	[tilespmem:$0x16D00] =	vst v63  }
0x42: {  	s14 =	simm.s32 $0x280  }
0x43: {  	[tilespmem:s1], [sflag:$0x6] =	stream.indirect.gather [hbm4b:s5+s17], $0x20, s14, s17, $0xb8;
	[tilespmem:$0x16D00] =	vst v63  }
0x44: {  	_ =	swait.ge [sflag:s0], $0xFA0  }
0x45: {  	[sflag:s0] =	ssyncset.done $0x0  }
0x46: {  	s15 =	simm.s32 $0x2900;
	[sflag:s0] =	ssyncadd.s32 $0xFFFFF060  }
0x47: {  	[spmem:s2] =	stream.indirect.scatter.add.bf16 [tilespmem:s22], [sflag:$0xB], $0x20, s15, s17, $0xb8;
	[tilespmem:$0x16D00] =	vst v63  }
0x48: {  	s14 =	simm.s32 $0x300  }
0x49: {  	[tilespmem:s23], [sflag:$0x7] =	stream.indirect.gather [hbm4b:s5+s17], $0x20, s14, s17, $0xb8;
	[tilespmem:$0x16D00] =	vst v63  }
0x4a: {  	_ =	swait.ge [sflag:s26], $0xFA0  }
0x4b: {  	[sflag:s26] =	ssyncset.done $0x0  }
0x4c: {  	s15 =	simm.s32 $0x2980;
	[sflag:s26] =	ssyncadd.s32 $0xFFFFF060  }
0x4d: {  	[spmem:s3] =	stream.indirect.scatter.add.bf16 [tilespmem:s24], [sflag:$0xC], $0x20, s15, s17, $0xb8;
	[tilespmem:$0x16D00] =	vst v63  }
0x4e: {  	s14 =	simm.s32 $0x380  }
0x4f: {  	[tilespmem:s19], [sflag:$0x8] =	stream.indirect.gather [hbm4b:s5+s17], $0x20, s14, s17, $0xb8;
	[tilespmem:$0x16D00] =	vst v63  }
0x50: {  	_ =	swait.ge [sflag:s21], $0xFA0  }
0x51: {  	[sflag:s21] =	ssyncset.done $0x0  }
0x52: {  	s15 =	simm.s32 $0x2A00;
	[sflag:s21] =	ssyncadd.s32 $0xFFFFF060  }
0x53: {  	[spmem:s2] =	stream.indirect.scatter.add.bf16 [tilespmem:s28], [sflag:$0xD], $0x20, s15, s17, $0xb8;
	[tilespmem:$0x16D00] =	vst v63  }
0x54: {  	_ =	swait.ge [sflag:s30], $0xFA0  }
0x55: {  	[sflag:s30] =	ssyncset.done $0x0  }
0x56: {  	s14 =	simm.s32 $0x400;
	[sflag:s30] =	ssyncadd.s32 $0xFFFFF060  }
0x57: {  	[tilespmem:s18], [sflag:$0x1] =	stream.indirect.gather [hbm4b:s5+s17], $0x20, s14, s17, $0xb8;
	[tilespmem:$0x16D00] =	vst v63  }
0x58: {  	_ =	swait.ge [sflag:s31], $0xFA0  }
0x59: {  	[sflag:s31] =	ssyncset.done $0x0  }
0x5a: {  	s15 =	simm.s32 $0x2A80;
	[sflag:s31] =	ssyncadd.s32 $0xFFFFF060  }
0x5b: {  	[spmem:s3] =	stream.indirect.scatter.add.bf16 [tilespmem:s1], [sflag:$0xE], $0x20, s15, s17, $0xb8;
	[tilespmem:$0x16D00] =	vst v63  }
0x5c: {  	_ =	swait.ge [sflag:s8], $0xFA0  }
0x5d: {  	[sflag:s8] =	ssyncset.done $0x0  }
0x5e: {  	s14 =	simm.s32 $0x480;
	[sflag:s8] =	ssyncadd.s32 $0xFFFFF060  }
0x5f: {  	[tilespmem:s20], [sflag:$0x2] =	stream.indirect.gather [hbm4b:s5+s17], $0x20, s14, s17, $0xb8;
	[tilespmem:$0x16D00] =	vst v63  }
0x60: {  	_ =	swait.ge [sflag:s9], $0xFA0  }
0x61: {  	[sflag:s9] =	ssyncset.done $0x0  }
0x62: {  	s15 =	simm.s32 $0x2B00;
	[sflag:s9] =	ssyncadd.s32 $0xFFFFF060  }
0x63: {  	[spmem:s2] =	stream.indirect.scatter.add.bf16 [tilespmem:s23], [sflag:$0xF], $0x20, s15, s17, $0xb8;
	[tilespmem:$0x16D00] =	vst v63  }
0x64: {  	_ =	swait.ge [sflag:s16], $0xFA0  }
0x65: {  	[sflag:s16] =	ssyncset.done $0x0  }
0x66: {  	s14 =	simm.s32 $0x500;
	[sflag:s16] =	ssyncadd.s32 $0xFFFFF060  }
0x67: {  	[tilespmem:s22], [sflag:$0x3] =	stream.indirect.gather [hbm4b:s5+s17], $0x20, s14, s17, $0xb8;
	[tilespmem:$0x16D00] =	vst v63  }
0x68: {  	_ =	swait.ge [sflag:s10], $0xFA0  }
0x69: {  	[sflag:s10] =	ssyncset.done $0x0  }
0x6a: {  	s15 =	simm.s32 $0x2B80;
	[sflag:s10] =	ssyncadd.s32 $0xFFFFF060  }
0x6b: {  	[spmem:s3] =	stream.indirect.scatter.add.bf16 [tilespmem:s19], [sflag:$0x10], $0x20, s15, s17, $0xb8;
	[tilespmem:$0x16D00] =	vst v63  }
0x6c: {  	_ =	swait.ge [sflag:s11], $0xFA0  }
0x6d: {  	[sflag:s11] =	ssyncset.done $0x0  }
0x6e: {  	s14 =	simm.s32 $0x580;
	[sflag:s11] =	ssyncadd.s32 $0xFFFFF060  }
0x6f: {  	[tilespmem:s24], [sflag:$0x4] =	stream.indirect.gather [hbm4b:s5+s17], $0x20, s14, s17, $0xb8;
	[tilespmem:$0x16D00] =	vst v63  }
0x70: {  	_ =	swait.ge [sflag:s25], $0xFA0  }
0x71: {  	[sflag:s25] =	ssyncset.done $0x0  }
0x72: {  	s15 =	simm.s32 $0x2C00;
	[sflag:s25] =	ssyncadd.s32 $0xFFFFF060  }
0x73: {  	[spmem:s2] =	stream.indirect.scatter.add.bf16 [tilespmem:s18], [sflag:$0x9], $0x20, s15, s17, $0xb8;
	[tilespmem:$0x16D00] =	vst v63  }
0x74: {  	_ =	swait.ge [sflag:s12], $0xFA0  }
0x75: {  	[sflag:s12] =	ssyncset.done $0x0  }
0x76: {  	s14 =	simm.s32 $0x600;
	[sflag:s12] =	ssyncadd.s32 $0xFFFFF060  }
0x77: {  	[tilespmem:s28], [sflag:$0x5] =	stream.indirect.gather [hbm4b:s5+s17], $0x20, s14, s17, $0xb8;
	[tilespmem:$0x16D00] =	vst v63  }
0x78: {  	_ =	swait.ge [sflag:s29], $0xFA0  }
0x79: {  	[sflag:s29] =	ssyncset.done $0x0  }
0x7a: {  	s15 =	simm.s32 $0x2C80;
	[sflag:s29] =	ssyncadd.s32 $0xFFFFF060  }
0x7b: {  	[spmem:s3] =	stream.indirect.scatter.add.bf16 [tilespmem:s20], [sflag:$0xA], $0x20, s15, s17, $0xb8;
	[tilespmem:$0x16D00] =	vst v63  }
0x7c: {  	_ =	swait.ge [sflag:s4], $0xFA0  }
0x7d: {  	[sflag:s4] =	ssyncset.done $0x0  }
0x7e: {  	s14 =	simm.s32 $0x680;
	[sflag:s4] =	ssyncadd.s32 $0xFFFFF060  }
0x7f: {  	[tilespmem:s1], [sflag:$0x6] =	stream.indirect.gather [hbm4b:s5+s17], $0x20, s14, s17, $0xb8;
	[tilespmem:$0x16D00] =	vst v63  }
0x80: {  	_ =	swait.ge [sflag:s0], $0xFA0  }
0x81: {  	[sflag:s0] =	ssyncset.done $0x0  }
0x82: {  	s15 =	simm.s32 $0x2D00;
	[sflag:s0] =	ssyncadd.s32 $0xFFFFF060  }
0x83: {  	[spmem:s2] =	stream.indirect.scatter.add.bf16 [tilespmem:s22], [sflag:$0xB], $0x20, s15, s17, $0xb8;
	[tilespmem:$0x16D00] =	vst v63  }
0x84: {  	_ =	swait.ge [sflag:s6], $0xFA0  }
0x85: {  	[sflag:s6] =	ssyncset.done $0x0  }
0x86: {  	s14 =	simm.s32 $0x700;
	[sflag:s6] =	ssyncadd.s32 $0xFFFFF060  }
0x87: {  	[tilespmem:s23], [sflag:$0x7] =	stream.indirect.gather [hbm4b:s5+s17], $0x20, s14, s17, $0xb8;
	[tilespmem:$0x16D00] =	vst v63  }
0x88: {  	_ =	swait.ge [sflag:s26], $0xFA0  }
0x89: {  	[sflag:s26] =	ssyncset.done $0x0  }
0x8a: {  	s15 =	simm.s32 $0x2D80;
	[sflag:s26] =	ssyncadd.s32 $0xFFFFF060  }
0x8b: {  	[spmem:s3] =	stream.indirect.scatter.add.bf16 [tilespmem:s24], [sflag:$0xC], $0x20, s15, s17, $0xb8;
	[tilespmem:$0x16D00] =	vst v63  }
0x8c: {  	_ =	swait.ge [sflag:s13], $0xFA0  }
0x8d: {  	[sflag:s13] =	ssyncset.done $0x0  }
0x8e: {  	s7 =	simm.s32 $0x1000;
	s15 =	simm.s32 $0x780;
	[sflag:s13] =	ssyncadd.s32 $0xFFFFF060  }
.LBB2_2:
0x8f: {  	[tilespmem:s19], [sflag:$0x8] =	stream.indirect.gather [hbm4b:s5+s17], $0x20, s15, s17, $0xb8;
	[tilespmem:$0x16D00] =	vst v63  }
0x90: {  	s15 =	smov.u32 s7  }
0x91: {  	p0 =	sne.s32 s7, $0x8000;
	s7 =	sadd.s32 $0x1000, s7;
	_ =	swait.ge [sflag:s21], $0xFA0  }
0x92: {  	s15 =	sshra.s32 s15, $0x2;
	[sflag:s21] =	ssyncset.done $0x0  }
0x93: {  	s14 =	sadd.s32 $0x2A00, s15;
	[sflag:s21] =	ssyncadd.s32 $0xFFFFF060  }
0x94: {  	[spmem:s2] =	stream.indirect.scatter.add.bf16 [tilespmem:s28], [sflag:$0xD], $0x20, s14, s17, $0xb8;
	[tilespmem:$0x16D00] =	vst v63  }
0x95: {  	_ =	swait.ge [sflag:s30], $0xFA0  }
0x96: {  	[sflag:s30] =	ssyncset.done $0x0  }
0x97: {  	s14 =	sadd.s32 $0x400, s15;
	[sflag:s30] =	ssyncadd.s32 $0xFFFFF060  }
0x98: {  	[tilespmem:s18], [sflag:$0x1] =	stream.indirect.gather [hbm4b:s5+s17], $0x20, s14, s17, $0xb8;
	[tilespmem:$0x16D00] =	vst v63  }
0x99: {  	_ =	swait.ge [sflag:s31], $0xFA0  }
0x9a: {  	[sflag:s31] =	ssyncset.done $0x0  }
0x9b: {  	s14 =	sadd.s32 $0x2A80, s15;
	[sflag:s31] =	ssyncadd.s32 $0xFFFFF060  }
0x9c: {  	[spmem:s3] =	stream.indirect.scatter.add.bf16 [tilespmem:s1], [sflag:$0xE], $0x20, s14, s17, $0xb8;
	[tilespmem:$0x16D00] =	vst v63  }
0x9d: {  	_ =	swait.ge [sflag:s8], $0xFA0  }
0x9e: {  	[sflag:s8] =	ssyncset.done $0x0  }
0x9f: {  	s14 =	sadd.s32 $0x480, s15;
	[sflag:s8] =	ssyncadd.s32 $0xFFFFF060  }
0xa0: {  	[tilespmem:s20], [sflag:$0x2] =	stream.indirect.gather [hbm4b:s5+s17], $0x20, s14, s17, $0xb8;
	[tilespmem:$0x16D00] =	vst v63  }
0xa1: {  	_ =	swait.ge [sflag:s9], $0xFA0  }
0xa2: {  	[sflag:s9] =	ssyncset.done $0x0  }
0xa3: {  	s14 =	sadd.s32 $0x2B00, s15;
	[sflag:s9] =	ssyncadd.s32 $0xFFFFF060  }
0xa4: {  	[spmem:s2] =	stream.indirect.scatter.add.bf16 [tilespmem:s23], [sflag:$0xF], $0x20, s14, s17, $0xb8;
	[tilespmem:$0x16D00] =	vst v63  }
0xa5: {  	_ =	swait.ge [sflag:s16], $0xFA0  }
0xa6: {  	[sflag:s16] =	ssyncset.done $0x0  }
0xa7: {  	s14 =	sadd.s32 $0x500, s15;
	[sflag:s16] =	ssyncadd.s32 $0xFFFFF060  }
0xa8: {  	[tilespmem:s22], [sflag:$0x3] =	stream.indirect.gather [hbm4b:s5+s17], $0x20, s14, s17, $0xb8;
	[tilespmem:$0x16D00] =	vst v63  }
0xa9: {  	_ =	swait.ge [sflag:s10], $0xFA0  }
0xaa: {  	[sflag:s10] =	ssyncset.done $0x0  }
0xab: {  	s14 =	sadd.s32 $0x2B80, s15;
	[sflag:s10] =	ssyncadd.s32 $0xFFFFF060  }
0xac: {  	[spmem:s3] =	stream.indirect.scatter.add.bf16 [tilespmem:s19], [sflag:$0x10], $0x20, s14, s17, $0xb8;
	[tilespmem:$0x16D00] =	vst v63  }
0xad: {  	_ =	swait.ge [sflag:s11], $0xFA0  }
0xae: {  	[sflag:s11] =	ssyncset.done $0x0  }
0xaf: {  	s14 =	sadd.s32 $0x580, s15;
	[sflag:s11] =	ssyncadd.s32 $0xFFFFF060  }
0xb0: {  	[tilespmem:s24], [sflag:$0x4] =	stream.indirect.gather [hbm4b:s5+s17], $0x20, s14, s17, $0xb8;
	[tilespmem:$0x16D00] =	vst v63  }
0xb1: {  	_ =	swait.ge [sflag:s25], $0xFA0  }
0xb2: {  	[sflag:s25] =	ssyncset.done $0x0  }
0xb3: {  	s14 =	sadd.s32 $0x2C00, s15;
	[sflag:s25] =	ssyncadd.s32 $0xFFFFF060  }
0xb4: {  	[spmem:s2] =	stream.indirect.scatter.add.bf16 [tilespmem:s18], [sflag:$0x9], $0x20, s14, s17, $0xb8;
	[tilespmem:$0x16D00] =	vst v63  }
0xb5: {  	_ =	swait.ge [sflag:s12], $0xFA0  }
0xb6: {  	[sflag:s12] =	ssyncset.done $0x0  }
0xb7: {  	s14 =	sadd.s32 $0x600, s15;
	[sflag:s12] =	ssyncadd.s32 $0xFFFFF060  }
0xb8: {  	[tilespmem:s28], [sflag:$0x5] =	stream.indirect.gather [hbm4b:s5+s17], $0x20, s14, s17, $0xb8;
	[tilespmem:$0x16D00] =	vst v63  }
0xb9: {  	_ =	swait.ge [sflag:s29], $0xFA0  }
0xba: {  	[sflag:s29] =	ssyncset.done $0x0  }
0xbb: {  	s14 =	sadd.s32 $0x2C80, s15;
	[sflag:s29] =	ssyncadd.s32 $0xFFFFF060  }
0xbc: {  	[spmem:s3] =	stream.indirect.scatter.add.bf16 [tilespmem:s20], [sflag:$0xA], $0x20, s14, s17, $0xb8;
	[tilespmem:$0x16D00] =	vst v63  }
0xbd: {  	_ =	swait.ge [sflag:s4], $0xFA0  }
0xbe: {  	[sflag:s4] =	ssyncset.done $0x0  }
0xbf: {  	s14 =	sadd.s32 $0x680, s15;
	[sflag:s4] =	ssyncadd.s32 $0xFFFFF060  }
0xc0: {  	[tilespmem:s1], [sflag:$0x6] =	stream.indirect.gather [hbm4b:s5+s17], $0x20, s14, s17, $0xb8;
	[tilespmem:$0x16D00] =	vst v63  }
0xc1: {  	_ =	swait.ge [sflag:s0], $0xFA0  }
0xc2: {  	[sflag:s0] =	ssyncset.done $0x0  }
0xc3: {  	s14 =	sadd.s32 $0x2D00, s15;
	[sflag:s0] =	ssyncadd.s32 $0xFFFFF060  }
0xc4: {  	[spmem:s2] =	stream.indirect.scatter.add.bf16 [tilespmem:s22], [sflag:$0xB], $0x20, s14, s17, $0xb8;
	[tilespmem:$0x16D00] =	vst v63  }
0xc5: {  	_ =	swait.ge [sflag:s6], $0xFA0  }
0xc6: {  	[sflag:s6] =	ssyncset.done $0x0  }
0xc7: {  	s14 =	sadd.s32 $0x700, s15;
	[sflag:s6] =	ssyncadd.s32 $0xFFFFF060  }
0xc8: {  	[tilespmem:s23], [sflag:$0x7] =	stream.indirect.gather [hbm4b:s5+s17], $0x20, s14, s17, $0xb8;
	[tilespmem:$0x16D00] =	vst v63  }
0xc9: {  	_ =	swait.ge [sflag:s26], $0xFA0  }
0xca: {  	[sflag:s26] =	ssyncset.done $0x0  }
.Ltmp0:
0xcb: {  	s14 =	sadd.s32 $0x2D80, s15;
	[sflag:s26] =	ssyncadd.s32 $0xFFFFF060;
	(pc) =	sbr.rel @p0 .LBB2_2-.Ltmp0, $4  }
0xcc: {  	[spmem:s3] =	stream.indirect.scatter.add.bf16 [tilespmem:s24], [sflag:$0xC], $0x20, s14, s17, $0xb8;
	[tilespmem:$0x16D00] =	vst v63  }
0xcd: {  	_ =	swait.ge [sflag:s13], $0xFA0  }
0xce: {  	[sflag:s13] =	ssyncset.done $0x0  }
0xcf: {  	s15 =	sadd.s32 $0x780, s15;
	[sflag:s13] =	ssyncadd.s32 $0xFFFFF060  }
0xd0: {  	[tilespmem:s19], [sflag:$0x8] =	stream.indirect.gather [hbm4b:s5+s17], $0x20, s15, s17, $0xb8;
	[tilespmem:$0x16D00] =	vst v63  }
0xd1: {  	_ =	swait.ge [sflag:s21], $0xFA0  }
0xd2: {  	[sflag:s21] =	ssyncset.done $0x0  }
0xd3: {  	s7 =	simm.s32 $0x4E00;
	[sflag:s21] =	ssyncadd.s32 $0xFFFFF060  }
0xd4: {  	[spmem:s2] =	stream.indirect.scatter.add.bf16 [tilespmem:s28], [sflag:$0xD], $0x20, s7, s17, $0xb8;
	[tilespmem:$0x16D00] =	vst v63  }
0xd5: {  	_ =	swait.ge [sflag:s31], $0xFA0  }
0xd6: {  	[sflag:s31] =	ssyncset.done $0x0  }
0xd7: {  	s14 =	simm.s32 $0x4E80;
	[sflag:s31] =	ssyncadd.s32 $0xFFFFF060  }
0xd8: {  	[spmem:s3] =	stream.indirect.scatter.add.bf16 [tilespmem:s1], [sflag:$0xE], $0x20, s14, s17, $0xb8;
	[tilespmem:$0x16D00] =	vst v63  }
0xd9: {  	_ =	swait.ge [sflag:s9], $0xFA0  }
0xda: {  	[sflag:s9] =	ssyncset.done $0x0  }
0xdb: {  	s15 =	simm.s32 $0x4F00;
	[sflag:s9] =	ssyncadd.s32 $0xFFFFF060  }
0xdc: {  	[spmem:s2] =	stream.indirect.scatter.add.bf16 [tilespmem:s23], [sflag:$0xF], $0x20, s15, s17, $0xb8;
	[tilespmem:$0x16D00] =	vst v63  }
0xdd: {  	_ =	swait.ge [sflag:s10], $0xFA0  }
0xde: {  	[sflag:s10] =	ssyncset.done $0x0  }
0xdf: {  	s14 =	simm.s32 $0x4F80;
	[sflag:s10] =	ssyncadd.s32 $0xFFFFF060  }
0xe0: {  	[spmem:s3] =	stream.indirect.scatter.add.bf16 [tilespmem:s19], [sflag:$0x10], $0x20, s14, s17, $0xb8;
	[tilespmem:$0x16D00] =	vst v63  }
0xe1: {  	_ =	swait.ge [sflag:s30], $0xFA0  }
0xe2: {  	[sflag:s30] =	ssyncset.done $0x0  }
0xe3: {  	[sflag:s30] =	ssyncadd.s32 $0xFFFFF060  }
0xe4: {  	_ =	swait.ge [sflag:s8], $0xFA0  }
0xe5: {  	[sflag:s8] =	ssyncset.done $0x0  }
0xe6: {  	[sflag:s8] =	ssyncadd.s32 $0xFFFFF060  }
0xe7: {  	_ =	swait.ge [sflag:s16], $0xFA0  }
0xe8: {  	[sflag:s16] =	ssyncset.done $0x0  }
0xe9: {  	[sflag:s16] =	ssyncadd.s32 $0xFFFFF060  }
0xea: {  	_ =	swait.ge [sflag:s11], $0xFA0  }
0xeb: {  	[sflag:s11] =	ssyncset.done $0x0  }
0xec: {  	[sflag:s11] =	ssyncadd.s32 $0xFFFFF060  }
0xed: {  	_ =	swait.ge [sflag:s12], $0xFA0  }
0xee: {  	[sflag:s12] =	ssyncset.done $0x0  }
0xef: {  	[sflag:s12] =	ssyncadd.s32 $0xFFFFF060  }
0xf0: {  	_ =	swait.ge [sflag:s4], $0xFA0  }
0xf1: {  	[sflag:s4] =	ssyncset.done $0x0  }
0xf2: {  	[sflag:s4] =	ssyncadd.s32 $0xFFFFF060  }
0xf3: {  	_ =	swait.ge [sflag:s6], $0xFA0  }
0xf4: {  	[sflag:s6] =	ssyncset.done $0x0  }
0xf5: {  	[sflag:s6] =	ssyncadd.s32 $0xFFFFF060  }
0xf6: {  	_ =	swait.ge [sflag:s13], $0xFA0  }
0xf7: {  	[sflag:s13] =	ssyncset.done $0x0  }
0xf8: {  	[sflag:s13] =	ssyncadd.s32 $0xFFFFF060  }
0xf9: {  	[bflag:$0x0] =	sbarrier.arrive $0xFFFF  }
0xfa: {  	s14 =	rddreg [dreg:$0x5]  }
0xfb: {  	s7 =	rddreg [dreg:$0x8]  }
0xfc: {  	s15 =	rddreg [dreg:$0xb]  }
0xfd: {  	[hbm:s7], [sflag:s14] =	dma.local [spmem:s15], $0xA00  }
0xfe: {  	s15 =	simm.s32 $0x11  }
0xff: {  	_ =	swait.ge [sflag:s15], $0xA00  }
0x100: {  	[sflag:s15] =	ssyncset.done $0x0;
	s7 =	rddreg [dreg:$0x9]  }
0x101: {  	[sflag:s15] =	ssyncadd.s32 $0xFFFFF600;
	s15 =	rddreg [dreg:$0xc]  }
0x102: {  	[hbm:s7], [sflag:s14] =	dma.local [spmem:s15], $0xA00  }
0x103: {  	s7 =	simm.s32 $0x11  }
0x104: {  	_ =	swait.ge [sflag:s7], $0xA00  }
0x105: {  	s15 =	rddreg [dreg:$0xd]  }
0x106: {  	s14 =	sadd.s32 $0x1, s15;
	s15 =	rddreg [dreg:$0xa]  }
0x107: {  	p0 =	sne.s32 s14, s15  }
.Ltmp1:
0x108: {  	_ = 	snop;
	(pc) =	sbr.rel @p0 .LBB2_1-.Ltmp1, $3  }
0x109: {  	_ =	sdelay $0x1  }
0x10a: {  	[sflag:s7] =	ssyncset.done $0x0;
	s15 =	simm.s32 $0x11  }
0x10b: {  	[dreg:$0xd] =	wrdreg s14;
	[sflag:s15] =	ssyncadd.s32 $0xFFFFF600  }
0x10c: {  	_ =	sfence.sel $0x180000  }
0x10d: {  	[bflag:$0x0] =	sbarrier.arrive $0xFFFF  }
0x10e: {  	_ =	strace $0x9000004D  }
0x10f: {  	s0 =	stileid.u32;
	[bflag:$0x2] =	sbarrier.arrive $0xFFFF  }
0x110: {  	p0 =	sne.s32 s0, $0x0;
	s0 =	rddreg [dreg:$0x3]  }
0x111: {  	s0 =	sadd.s32 @!p0 $0x100000, s0  }
0x112: {  	[sflag:s0] =	ssyncadd.tile.s32 @!p0 $0x1;
	_ =	shalt  }
.Lfunc_end2:
_tile_overlayer_lowered:
.L_overlay_start_2:
0x113: {  	(tag) =	ssettag $0x2  }
0x114: {  	s0 =	rddreg [dreg:$0x0];
	s2 =	stileid.u32  }
0x115: {  	s1 =	rddreg [dreg:$0x1];
	p0 =	sne.s32 s2, $0x0  }
0x116: {  	s3 =	rddreg [dreg:$0x2];
	[bflag:$0x3] =	sbarrier.arrive $0xFFFF;
	s2 =	simm.s32 @!p0 $0x1C11  }
0x117: {  	[timem:s3], [sflag:s2] =	dma.local @!p0 [hbm:s0], s1  }
0x118: {  	s0 =	simm.s32 @!p0 $0x11  }
0x119: {  	_ =	swait.ge @!p0 [sflag:s0], s1  }
0x11a: {  	s1 =	ssub.s32 @!p0 $0x0, s1;
	[sflag:s0] =	ssyncset.done @!p0 $0x0  }
0x11b: {  	[sflag:s0] =	ssyncadd.s32 @!p0 s1  }
0x11c: {  	[bflag:$0x3] =	sbarrier.arrive $0xFFFF  }
0x11d: {  	_ =	shalt  }

// kernel: kernel.8.cloned.1.call-start
scs
__scs_entry_jumppad:
0x0: {  	(pc) =	sbr.rel $0x88, $3  }
0x1: {  	(tag) =	ssettag $0x0;
	lr =	simm.s32 $0x1  }
0x2: {  	[smem:$0x3F96] =	sst lr;
	_ =	strace $0xD0000000  }
0x3: {  	_ = 	snop  }
0x4: {  	_ = 	snop  }
0x5: {  	_ = 	snop  }
0x6: {  	_ = 	snop  }
0x7: {  	_ = 	snop  }
__scs_overlays_trampoline_lowered:
0x8: {  	[smem:$0x3FA5] =	sst s0  }
0x9: {  	[smem:$0x3FA6] =	sst s1  }
0xa: {  	[smem:$0x3FA7] =	sst s2  }
0xb: {  	[smem:$0x3FA8] =	sst s3  }
0xc: {  	[smem:$0x3FA9] =	sst s4  }
0xd: {  	[smem:$0x3FAA] =	sst s5  }
0xe: {  	[smem:$0x3FAB] =	sst s6  }
0xf: {  	[smem:$0x3FAC] =	sst s7  }
0x10: {  	[smem:$0x3FAD] =	sst s8  }
0x11: {  	[smem:$0x3FAE] =	sst s9;
	s0 =	simm.s32 @!p0 $0x0  }
0x12: {  	s1 =	sld [smem:$0x3F94];
	s0 =	simm.s32 @p0 $0x1  }
0x13: {  	[smem:$0x3FAF] =	sst s0;
	s0 =	simm.s32 @!p1 $0x0  }
0x14: {  	s2 =	sld [smem:$0x3F93];
	s0 =	simm.s32 @p1 $0x1  }
0x15: {  	[smem:$0x3FB0] =	sst s0;
	s0 =	simm.s32 @!p2 $0x0  }
0x16: {  	s3 =	sld [smem:$0x3FDB];
	s0 =	simm.s32 @p2 $0x1  }
0x17: {  	s4 =	simm.s32 $0x1BF5;
	[smem:$0x3FB2] =	sst s0  }
0x18: {  	s0 =	sld [smem:$0x3F95];
	_ =	swait.ge [sflag:s4], $0x0  }
0x19: {  	s7 =	sld [smem:$0x3F96]  }
0x1a: {  	s8 =	sadd.s32 $0xFFFFE003, lr  }
0x1b: {  	s9 =	sadd.s32 $0xFFFFFEF7, lr;
	s5 =	simm.s32 $0xFFFFFFFF;
	p2 =	slt.u32 s8, $0xFFFFF086  }
0x1c: {  	p1 =	slt.u32 s9, $0xF7A;
	s5 =	simm.s32 @!p2 $0x0  }
0x1d: {  	s5 =	simm.s32 @p1 $0x1;
	p0 =	seq.s32 s7, s2  }
0x1e: {  	s7 =	smul.u32 @!p0 $0xF7A, s2;
	p2 =	seq.s32 @!p0 s5, $0x0  }
0x1f: {  	s9 =	smul.u32 $0xF7A, s1;
	s8 =	simm.s32 @!p0 $0x1BF5;
	p2 =	por !p2, p0  }
0x20: {  	[sflag:s8] =	ssyncset.s32 @!p0 $0xFFFFF086;
	s6 =	sadd.s32 @!p0 s3, s7;
	s7 =	simm.s32 @!p0 $0x108  }
0x21: {  	s3 =	sadd.s32 s3, s9;
	s6 =	sadd.s32 @!p0 $0x88, s6;
	s7 =	simm.s32 @p2 $0x1082  }
0x22: {  	[simem:s7], [sflag:s8] =	dma.local @!p0 [hbm:s6], $0xF7A  }
0x23: {  	s9 =	sor.u32 $0xD0000000, s2;
	s6 =	simm.s32 $0x108;
	_ =	swait.ge @!p0 [sflag:s8], $0x0  }
0x24: {  	s3 =	sadd.s32 $0x88, s3;
	s6 =	simm.s32 @!p1 $0x1082;
	[sflag:s4] =	ssyncset.s32 $0xFFFFF086  }
0x25: {  	[simem:s6], [sflag:s4] =	dma.local [hbm:s3], $0xF7A  }
0x26: {  	[smem:$0x3F96] =	sst s1;
	(tag) =	ssettag s2;
	_ =	strace s9  }
0x27: {  	s1 =	sld [smem:$0x3FA6]  }
0x28: {  	s2 =	sld [smem:$0x3FA7]  }
0x29: {  	s4 =	sld [smem:$0x3FA9]  }
0x2a: {  	p0 =	seq.s32 s5, $0x0;
	s5 =	sld [smem:$0x3FAA]  }
0x2b: {  	s6 =	sld [smem:$0x3FAB]  }
0x2c: {  	s7 =	sld [smem:$0x3FAC]  }
0x2d: {  	s3 =	simm.s32 $0x108;
	s8 =	sld [smem:$0x3FAD]  }
0x2e: {  	s3 =	simm.s32 @!p0 $0x1082;
	s9 =	sld [smem:$0x3FAE]  }
0x2f: {  	lr =	sadd.s32 s0, s3;
	s0 =	sld [smem:$0x3FA5]  }
0x30: {  	s3 =	sld [smem:$0x3FA8]  }
0x31: {  	[smem:$0x3FB1] =	sst s10  }
0x32: {  	s10 =	sld [smem:$0x3FAF];
	_ =	sdelay $0x3  }
0x33: {  	p0 =	seq.s32 s10, $0x1;
	s10 =	sld [smem:$0x3FB1];
	_ =	sdelay $0x3  }
0x34: {  	[smem:$0x3FB1] =	sst s10  }
0x35: {  	s10 =	sld [smem:$0x3FB0];
	_ =	sdelay $0x3  }
0x36: {  	p1 =	seq.s32 s10, $0x1;
	s10 =	sld [smem:$0x3FB1];
	_ =	sdelay $0x3  }
0x37: {  	[smem:$0x3FB1] =	sst s10  }
0x38: {  	s10 =	sld [smem:$0x3FB2]  }
0x39: {  	_ = 	snop;
	(pc) =	sbr.ind lr, $3  }
0x3a: {  	_ = 	snop  }
0x3b: {  	_ = 	snop  }
0x3c: {  	p2 =	seq.s32 s10, $0x1;
	s10 =	sld [smem:$0x3FB1]  }
0x3d: {  	_ =	shalt  }
0x3e: {  	_ =	shalt  }
0x3f: {  	_ =	shalt  }
0x40: {  	_ =	shalt  }
0x41: {  	_ =	shalt  }
0x42: {  	_ =	shalt  }
0x43: {  	_ =	shalt  }
0x44: {  	_ =	shalt  }
0x45: {  	_ =	shalt  }
0x46: {  	_ =	shalt  }
0x47: {  	_ =	shalt  }
0x48: {  	_ =	shalt  }
0x49: {  	_ =	shalt  }
0x4a: {  	_ =	shalt  }
0x4b: {  	_ =	shalt  }
0x4c: {  	_ =	shalt  }
0x4d: {  	_ =	shalt  }
0x4e: {  	_ =	shalt  }
0x4f: {  	_ =	shalt  }
0x50: {  	_ =	shalt  }
0x51: {  	_ =	shalt  }
0x52: {  	_ =	shalt  }
0x53: {  	_ =	shalt  }
0x54: {  	_ =	shalt  }
0x55: {  	_ =	shalt  }
0x56: {  	_ =	shalt  }
0x57: {  	_ =	shalt  }
0x58: {  	_ =	shalt  }
0x59: {  	_ =	shalt  }
0x5a: {  	_ =	shalt  }
0x5b: {  	_ =	shalt  }
0x5c: {  	_ =	shalt  }
0x5d: {  	_ =	shalt  }
0x5e: {  	_ =	shalt  }
0x5f: {  	_ =	shalt  }
0x60: {  	_ =	shalt  }
0x61: {  	_ =	shalt  }
0x62: {  	_ =	shalt  }
0x63: {  	_ =	shalt  }
0x64: {  	_ =	shalt  }
0x65: {  	_ =	shalt  }
0x66: {  	_ =	shalt  }
0x67: {  	_ =	shalt  }
0x68: {  	_ =	shalt  }
0x69: {  	_ =	shalt  }
0x6a: {  	_ =	shalt  }
0x6b: {  	_ =	shalt  }
0x6c: {  	_ =	shalt  }
0x6d: {  	_ =	shalt  }
0x6e: {  	_ =	shalt  }
0x6f: {  	_ =	shalt  }
0x70: {  	_ =	shalt  }
0x71: {  	_ =	shalt  }
0x72: {  	_ =	shalt  }
0x73: {  	_ =	shalt  }
0x74: {  	_ =	shalt  }
0x75: {  	_ =	shalt  }
0x76: {  	_ =	shalt  }
0x77: {  	_ =	shalt  }
0x78: {  	_ =	shalt  }
0x79: {  	_ =	shalt  }
0x7a: {  	_ =	shalt  }
0x7b: {  	_ =	shalt  }
0x7c: {  	_ =	shalt  }
0x7d: {  	_ =	shalt  }
0x7e: {  	_ =	shalt  }
0x7f: {  	_ =	shalt  }
0x80: {  	_ =	shalt  }
0x81: {  	_ =	shalt  }
0x82: {  	_ =	shalt  }
0x83: {  	_ =	shalt  }
0x84: {  	_ =	shalt  }
0x85: {  	_ =	shalt  }
0x86: {  	_ =	shalt  }
0x87: {  	_ =	shalt  }
.Lfunc_end0:
.L_simem_size_0:
called_computation_lowered:
.L_overlay_start_0:
0x88: {  	s2 =	sld [smem:$0x3FD9]  }
0x89: {  	s3 =	sld [smem:$0x3FFE];
	_ =	sdelay $0x1  }
0x8a: {  	s1 =	srdreg.scid  }
0x8b: {  	s0 =	sand.u32 $0x1, s1  }
0x8c: {  	s16 =	sshll.u32 s0, $0xA;
	s2 =	sadd.s32 s3, s2  }
0x8d: {  	s2 =	sadd.s32 s2, s16  }
0x8e: {  	[smem:$0x3FBD] =	sst s2  }
0x8f: {  	_ = 	snop  }
0x90: {  	(tm) =	ssettm $0x1  }
0x91: {  	s17 =	sld [smem:$0x3FFB];
	_ =	sdelay $0x3  }
0x92: {  	_ =	strace s17  }
0x93: {  	s2 =	sld [smem:$0x3FFC];
	_ =	sdelay $0x3  }
0x94: {  	_ =	strace s2  }
0x95: {  	s2 =	sld [smem:$0x3FFD];
	_ =	sdelay $0x3  }
0x96: {  	_ =	strace s2  }
0x97: {  	_ =	strace $0x8FFFFFFF  }
0x98: {  	s18 =	sld [smem:$0x3FDB];
	_ =	sdelay $0x1  }
0x99: {  	s19 =	simm.s32 $_scs_section_size  }
0x9a: {  	s4 =	simm.s32 $_size__tile_overlayer_lowered;
	s5 =	simm.s32 $_tile_overlayer_lowered  }
0x9b: {  	s22 =	simm.s32 $0x1BFF;
	s21 =	sshll.u32 s5, $0x1;
	s2 =	sadd.s32 s19, s18  }
0x9c: {  	s6 =	simm.s32 $0x0;
	s20 =	sshll.u32 s4, $0x1;
	s4 =	sadd.s32 s21, s2  }
0x9d: {  	[timem:s6], [sflag:s22] =	dma.local [hbm:s4], s20  }
0x9e: {  	_ =	swait.ge [sflag:s22], s20  }
0x9f: {  	s3 =	ssub.s32 $0x0, s20;
	[sflag:s22] =	ssyncset.done $0x0  }
0xa0: {  	[sflag:s22] =	ssyncadd.s32 s3;
	_ =	sdelay $0x1  }
0xa1: {  	s23 =	simm.s32 $0x1B8B  }
0xa2: {  	_ =	swait.ge [sflag:s23], $0x1  }
0xa3: {  	[sflag:s23] =	ssyncset.done $0x0  }
0xa4: {  	s25 =	simm.s32 $0x1B8E;
	s24 =	sld [smem:$0x3FFE];
	[sflag:s23] =	ssyncadd.s32 $0xFFFFFFFF  }
0xa5: {  	s26 =	simm.s32 $execute0_lowered;
	[smem:$0x3FD2] =	sst s25  }
0xa6: {  	s4 =	sshll.u32 s26, $0x1;
	_ =	strace $0x80000046;
	[dreg:$0x1] =	wrdreg $0xFFFFFFFF  }
0xa7: {  	s28 =	simm.s32 $_size_execute0_lowered;
	s2 =	sadd.s32 s2, s4;
	[dreg:$0x0] =	wrdreg $0x0  }
0xa8: {  	s4 =	sshll.u32 s28, $0x1;
	[dreg:$0x2] =	wrdreg s2  }
0xa9: {  	[dreg:$0x3] =	wrdreg s4  }
0xaa: {  	[dreg:$0x4] =	wrdreg $0xC0  }
0xab: {  	_ =	task [dreg:s6], $0x5FFFF  }
0xac: {  	[dreg:$0x1] =	wrdreg $0xFFFFFFFF  }
0xad: {  	[dreg:$0x0] =	wrdreg $0x60  }
0xae: {  	[dreg:$0x2] =	wrdreg s24  }
0xaf: {  	[dreg:$0x3] =	wrdreg $0x2FD00  }
0xb0: {  	[dreg:$0x4] =	wrdreg $0x9  }
0xb1: {  	_ =	task.clear_ibuf [dreg:s6], $0x5FFFF;
	_ =	strace $0x90000046  }
0xb2: {  	s29 =	simm.s32 $0x9;
	_ =	strace $0x80000048  }
0xb3: {  	_ =	swait.ge [sflag:s29], $0x1  }
0xb4: {  	[sflag:s29] =	ssyncadd.s32 $0xFFFFFFFF  }
0xb5: {  	_ =	strace $0x90000048  }
0xb6: {  	_ =	sfence  }
0xb7: {  	s30 =	sld [smem:$0x0];
	_ =	sdelay $0x2  }
0xb8: {  	s31 =	sshll.u32 s1, $0xD;
	s1 =	sshrl.u32 s1, $0x2  }
0xb9: {  	s3 =	sand.u32 $0x4000, s31;
	s1 =	sadd.s32 s1, s30  }
0xba: {  	s0 =	sor.u32 s3, s0;
	s1 =	sshll.u32 s1, $0x11  }
0xbb: {  	s0 =	sor.u32 s1, s0  }
0xbc: {  	s0 =	sadd.s32 $0x8F2B, s0  }
0xbd: {  	[sflag:s0] =	ssyncadd.remote.s32 $0x1  }
0xbe: {  	_ =	sfence.sel $0xFFFF  }
0xbf: {  	[dreg:$0x0] =	wrdreg $0xFFFFFFFF;
	(pc) =	sbr.abs _section_cstart, $3  }
0xc0: {  	[dreg:$0x1] =	wrdreg $0xFFFFFFFF  }
0xc1: {  	_ =	task.clear_ibuf [dreg:s6], $0x2FFFF;
	_ =	strace $0x9FFFFFFF  }
0xc2: {  	(tm) =	ssettm $0x7FFFFFFF  }
0xc3: {  	_ =	shalt  }
tec
execute0_lowered:
.L_overlay_start_1:
0x0: {  	(tag) =	ssettag $0x1  }
0x1: {  	s1 =	srdreg.scid;
	s6 =	rddreg [dreg:$0x0]  }
0x2: {  	s0 =	stileid.u32;
	s2 =	rddreg [dreg:$0x1]  }
0x3: {  	s3 =	simm.s32 $0x0;
	s13 =	simm.s32 $0x7D;
	s14 =	simm.s32 $0x80  }
0x4: {  	s15 =	simm.s32 $0x100;
	s16 =	simm.s32 $0x180;
	s17 =	simm.s32 $0x1  }
0x5: {  	s18 =	simm.s32 $0x2;
	s19 =	simm.s32 $0x3;
	s20 =	simm.s32 $0x4  }
0x6: {  	s21 =	simm.s32 $0x0;
	s5 =	sand.u32 $0x1, s1;
	s30 =	sshll.u32 s0, $0x1  }
0x7: {  	s7 =	smul.u32 $0x2800, s0;
	[smem:$0x7FF] =	sst s3;
	s31 =	sshll.u32 s0, $0x6  }
0x8: {  	s1 =	sor.u32 s5, s30;
	s8 =	smul.u32 $0x28000, s5;
	s5 =	ssub.s32 $0x2, s5  }
0x9: {  	s4 =	smul.u32 $0x500, s1;
	s1 =	rddreg [dreg:$0x2];
	_ =	strace $0x80000047  }
0xa: {  	s10 =	sshrl.u32 s7, $0x3;
	s11 =	sshrl.u32 s5, $0x1;
	s12 =	sadd.s32 s7, s2  }
0xb: {  	s8 =	sadd.s32 s7, s8;
	s10 =	sadd.s32 s10, s6;
	s11 =	ssub.s32 s5, s11  }
0xc: {  	s9 =	sadd.s32 s4, s6;
	s4 =	sadd.s32 $0x11000, s6;
	s8 =	sshrl.u32 s8, $0x3  }
0xd: {  	s5 =	sadd.s32 $0xC000, s10;
	s10 =	sshrl.u32 s12, $0x3;
	s12 =	simm.s32 $0x2800  }
0xe: {  	s8 =	sadd.s32 s8, s6;
	s6 =	sor.u32 $0x1C05, s31;
	s7 =	sadd.s32 $0x2000, s9  }
0xf: {  	s9 =	smax.u32 s11, $0x1;
	s11 =	simm.s32 $0x5;
	s8 =	sadd.s32 $0x11200, s8  }
.LBB2_1:
0x10: {  	[spmem:s10], [sflag:s6] =	dma.local [hbm:s5], $0x500  }
0x11: {  	_ =	swait.ge [sflag:s11], $0x500  }
0x12: {  	[sflag:s11] =	ssyncset.done $0x0  }
0x13: {  	[sflag:s11] =	ssyncadd.s32 $0xFFFFFB00  }
0x14: {  	[tilespmem:s3], [sflag:$0x5] =	stream.linear.gather [hbm4b:s7+s3], $0x2800, $0x38;
	[tilespmem:$0x57D0] =	vst v63  }
0x15: {  	_ =	swait.ge [sflag:s11], $0x2800  }
0x16: {  	[sflag:s11] =	ssyncset.done $0x0  }
0x17: {  	[sflag:s11] =	ssyncadd.s32 $0xFFFFD800  }
0x18: {  	[tilespmem:s12], [sflag:$0x5] =	stream.linear.gather [hbm4b:s4+s3], $0x7D0, $0x38;
	[tilespmem:$0x57D0] =	vst v63  }
0x19: {  	_ =	swait.ge [sflag:s11], $0x7D0  }
0x1a: {  	[sflag:s11] =	ssyncset.done $0x0  }
0x1b: {  	[sflag:s11] =	ssyncadd.s32 $0xFFFFF830  }
0x1c: {  	[bflag:$0x0] =	sbarrier.arrive $0xFFFF  }
0x1d: {  	[spmem:s2] =	stream.indirect.scatter.add.f32 [tilespmem:s12], [sflag:$0x1], $0x10, s3, s13, $0xb8;
	[tilespmem:$0x57D0] =	vst v63  }
0x1e: {  	_ = 	snop  }
0x1f: {  	[spmem:s2] =	stream.indirect.scatter.add.f32 [tilespmem:s12], [sflag:$0x2], $0x10, s14, s13, $0xb8;
	[tilespmem:$0x57D0] =	vst v63  }
0x20: {  	_ = 	snop  }
0x21: {  	[spmem:s2] =	stream.indirect.scatter.add.f32 [tilespmem:s12], [sflag:$0x3], $0x10, s15, s13, $0xb8;
	[tilespmem:$0x57D0] =	vst v63  }
0x22: {  	_ = 	snop  }
0x23: {  	[spmem:s2] =	stream.indirect.scatter.add.f32 [tilespmem:s12], [sflag:$0x4], $0x10, s16, s13, $0xb8;
	[tilespmem:$0x57D0] =	vst v63  }
0x24: {  	_ =	swait.ge [sflag:s17], $0x7D0  }
0x25: {  	[sflag:s17] =	ssyncset.done $0x0  }
0x26: {  	s22 =	simm.s32 $0x200;
	[sflag:s17] =	ssyncadd.s32 $0xFFFFF830  }
0x27: {  	[spmem:s2] =	stream.indirect.scatter.add.f32 [tilespmem:s12], [sflag:$0x1], $0x10, s22, s13, $0xb8;
	[tilespmem:$0x57D0] =	vst v63  }
0x28: {  	_ =	swait.ge [sflag:s18], $0x7D0  }
0x29: {  	[sflag:s18] =	ssyncset.done $0x0  }
0x2a: {  	s30 =	simm.s32 $0x280;
	[sflag:s18] =	ssyncadd.s32 $0xFFFFF830  }
0x2b: {  	[spmem:s2] =	stream.indirect.scatter.add.f32 [tilespmem:s12], [sflag:$0x2], $0x10, s30, s13, $0xb8;
	[tilespmem:$0x57D0] =	vst v63  }
0x2c: {  	_ =	swait.ge [sflag:s19], $0x7D0  }
0x2d: {  	[sflag:s19] =	ssyncset.done $0x0  }
0x2e: {  	s31 =	simm.s32 $0x300;
	[sflag:s19] =	ssyncadd.s32 $0xFFFFF830  }
0x2f: {  	[spmem:s2] =	stream.indirect.scatter.add.f32 [tilespmem:s12], [sflag:$0x3], $0x10, s31, s13, $0xb8;
	[tilespmem:$0x57D0] =	vst v63  }
0x30: {  	_ =	swait.ge [sflag:s20], $0x7D0  }
0x31: {  	[sflag:s20] =	ssyncset.done $0x0  }
0x32: {  	s23 =	simm.s32 $0x380;
	s22 =	simm.s32 $0xFFFF7000;
	[sflag:s20] =	ssyncadd.s32 $0xFFFFF830  }
.LBB2_2:
0x33: {  	[spmem:s2] =	stream.indirect.scatter.add.f32 [tilespmem:s12], [sflag:$0x4], $0x10, s23, s13, $0xb8;
	[tilespmem:$0x57D0] =	vst v63  }
0x34: {  	s23 =	smov.u32 s22  }
0x35: {  	p0 =	sne.s32 s22, $0xFFFFF800;
	s22 =	sadd.s32 $0x800, s22;
	_ =	swait.ge [sflag:s17], $0x7D0  }
0x36: {  	s23 =	sshra.s32 s23, $0x2;
	[sflag:s17] =	ssyncset.done $0x0  }
0x37: {  	s24 =	sadd.s32 $0x2800, s23;
	[sflag:s17] =	ssyncadd.s32 $0xFFFFF830  }
0x38: {  	[spmem:s2] =	stream.indirect.scatter.add.f32 [tilespmem:s12], [sflag:$0x1], $0x10, s24, s13, $0xb8;
	[tilespmem:$0x57D0] =	vst v63  }
0x39: {  	_ =	swait.ge [sflag:s18], $0x7D0  }
0x3a: {  	[sflag:s18] =	ssyncset.done $0x0  }
0x3b: {  	s24 =	sadd.s32 $0x2880, s23;
	[sflag:s18] =	ssyncadd.s32 $0xFFFFF830  }
0x3c: {  	[spmem:s2] =	stream.indirect.scatter.add.f32 [tilespmem:s12], [sflag:$0x2], $0x10, s24, s13, $0xb8;
	[tilespmem:$0x57D0] =	vst v63  }
0x3d: {  	_ =	swait.ge [sflag:s19], $0x7D0  }
0x3e: {  	[sflag:s19] =	ssyncset.done $0x0  }
.Ltmp0:
0x3f: {  	s24 =	sadd.s32 $0x2900, s23;
	[sflag:s19] =	ssyncadd.s32 $0xFFFFF830;
	(pc) =	sbr.rel @p0 .LBB2_2-.Ltmp0, $4  }
0x40: {  	[spmem:s2] =	stream.indirect.scatter.add.f32 [tilespmem:s12], [sflag:$0x3], $0x10, s24, s13, $0xb8;
	[tilespmem:$0x57D0] =	vst v63  }
0x41: {  	_ =	swait.ge [sflag:s20], $0x7D0  }
0x42: {  	[sflag:s20] =	ssyncset.done $0x0  }
0x43: {  	s23 =	sadd.s32 $0x2980, s23;
	[sflag:s20] =	ssyncadd.s32 $0xFFFFF830  }
0x44: {  	[spmem:s2] =	stream.indirect.scatter.add.f32 [tilespmem:s12], [sflag:$0x4], $0x10, s23, s13, $0xb8;
	[tilespmem:$0x57D0] =	vst v63  }
0x45: {  	_ =	swait.ge [sflag:s17], $0x7D0  }
0x46: {  	[sflag:s17] =	ssyncset.done $0x0  }
0x47: {  	[sflag:s17] =	ssyncadd.s32 $0xFFFFF830  }
0x48: {  	_ =	swait.ge [sflag:s18], $0x7D0  }
0x49: {  	[sflag:s18] =	ssyncset.done $0x0  }
0x4a: {  	[sflag:s18] =	ssyncadd.s32 $0xFFFFF830  }
0x4b: {  	_ =	swait.ge [sflag:s19], $0x7D0  }
0x4c: {  	[sflag:s19] =	ssyncset.done $0x0  }
0x4d: {  	[sflag:s19] =	ssyncadd.s32 $0xFFFFF830  }
0x4e: {  	_ =	swait.ge [sflag:s20], $0x7D0  }
0x4f: {  	s21 =	sadd.s32 $0x1, s21;
	[sflag:s20] =	ssyncset.done $0x0  }
0x50: {  	p0 =	sne.s32 s21, s9;
	[sflag:s20] =	ssyncadd.s32 $0xFFFFF830  }
.Ltmp1:
0x51: {  	[bflag:$0x0] =	sbarrier.arrive $0xFFFF;
	(pc) =	sbr.rel @p0 .LBB2_1-.Ltmp1, $4  }
0x52: {  	[hbm:s8], [sflag:s6] =	dma.local [spmem:s10], $0x500  }
0x53: {  	_ =	swait.ge [sflag:s11], $0x500  }
0x54: {  	[sflag:s11] =	ssyncset.done $0x0  }
0x55: {  	[sflag:s11] =	ssyncadd.s32 $0xFFFFFB00  }
0x56: {  	_ =	sfence.sel $0x180000  }
0x57: {  	[bflag:$0x0] =	sbarrier.arrive $0xFFFF  }
0x58: {  	p0 =	sne.s32 s0, $0x0;
	_ =	strace $0x90000047  }
0x59: {  	s0 =	sadd.s32 @!p0 $0x100000, s1;
	[bflag:$0x2] =	sbarrier.arrive $0xFFFF  }
0x5a: {  	[sflag:s0] =	ssyncadd.tile.s32 @!p0 $0x1;
	_ =	shalt  }
.Lfunc_end2:
_tile_overlayer_lowered:
.L_overlay_start_2:
0x5b: {  	(tag) =	ssettag $0x2  }
0x5c: {  	s0 =	rddreg [dreg:$0x0];
	s2 =	stileid.u32  }
0x5d: {  	s1 =	rddreg [dreg:$0x1];
	p0 =	sne.s32 s2, $0x0  }
0x5e: {  	s3 =	rddreg [dreg:$0x2];
	[bflag:$0x3] =	sbarrier.arrive $0xFFFF;
	s2 =	simm.s32 @!p0 $0x1C05  }
0x5f: {  	[timem:s3], [sflag:s2] =	dma.local @!p0 [hbm:s0], s1  }
0x60: {  	s0 =	simm.s32 @!p0 $0x5  }
0x61: {  	_ =	swait.ge @!p0 [sflag:s0], s1  }
0x62: {  	s1 =	ssub.s32 @!p0 $0x0, s1;
	[sflag:s0] =	ssyncset.done @!p0 $0x0  }
0x63: {  	[sflag:s0] =	ssyncadd.s32 @!p0 s1  }
0x64: {  	[bflag:$0x3] =	sbarrier.arrive $0xFFFF  }
0x65: {  	_ =	shalt  }

</sc_bundles>
